<compile_context>
chip_gen: v7x
topology: tpu7x:2x2x1
jax: 0.10.2.dev20260603
libtpu: 0.0.44.dev20260713+nightly
codegen_flags: <defaults>
</compile_context>

<pallas_src>
import functools

import jax
import jax.numpy as jnp
from jax import lax
from jax.experimental import pallas as pl
from jax.experimental.pallas import tpu as pltpu
from jax.experimental.pallas import tpu_sc as plsc

N_TOKENS = 131072
EMBED_DIM = 32
N_LATENTS = 1024
BLOCK = 4096

_NUM_WORKERS = 32
_ROWS_PER_WORKER = N_TOKENS // _NUM_WORKERS
_CHUNK = 1024


def _vq_block_kernel(xt_ref, cbm2_ref, csq_ref, zrows_ref, z_ref, loss_ref):
    i = pl.program_id(0)
    xt = xt_ref[...]
    cbm2 = cbm2_ref[...]

    scorest = jax.lax.dot_general(
        cbm2, xt, (((1,), (0,)), ((), ())),
        preferred_element_type=jnp.float32,
    )
    adjt = scorest + csq_ref[...]

    amin = jnp.min(adjt, axis=0, keepdims=True)
    ind = (adjt == amin).astype(jnp.bfloat16)

    zt = jax.lax.dot_general(
        zrows_ref[...], ind, (((1,), (0,)), ((), ())),
        preferred_element_type=jnp.float32,
    )
    z = jnp.minimum(zt[0, :] + zt[1, :], float(N_LATENTS - 1))
    z_ref[...] = z.astype(jnp.int32)

    x_sq = jnp.sum(xt * xt, axis=0)
    part = (jnp.sum(amin) + jnp.sum(x_sq))[None, None]

    @pl.when(i == 0)
    def _():
        loss_ref[...] = jnp.zeros_like(loss_ref)

    loss_ref[...] += part


@functools.lru_cache(maxsize=None)
def _make_sc_gather(n_rows):
    rows_per_worker = n_rows // _NUM_WORKERS

    @functools.partial(
        pl.kernel,
        mesh=plsc.VectorSubcoreMesh(core_axis_name="c", subcore_axis_name="s"),
        out_type=jax.ShapeDtypeStruct((n_rows * EMBED_DIM,), jnp.float32),
        compiler_params=pltpu.CompilerParams(needs_layout_passes=False),
        scratch_types=[
            pltpu.VMEM((N_LATENTS * EMBED_DIM,), jnp.float32),
            pltpu.VMEM((_CHUNK,), jnp.int32),
            pltpu.VMEM((_CHUNK * EMBED_DIM,), jnp.float32),
        ],
    )
    def _sc_gather(cb_hbm, z_hbm, out_hbm, cb_v, idx_v, rows_v):
        wid = lax.axis_index("s") * 2 + lax.axis_index("c")
        pltpu.sync_copy(cb_hbm, cb_v)

        for c in range(rows_per_worker // _CHUNK):
            base = wid * rows_per_worker + c * _CHUNK
            pltpu.sync_copy(z_hbm.at[pl.ds(base, _CHUNK)], idx_v)

            @plsc.parallel_loop(0, _CHUNK // 16, 1, unroll=2)
            def _(g):
                zv = idx_v[pl.ds(g * 16, 16)] * EMBED_DIM
                for j in range(16):
                    src = zv[j]
                    dst = (g * 16 + j) * EMBED_DIM
                    rows_v[pl.ds(dst, 16)] = cb_v[pl.ds(src, 16)]
                    rows_v[pl.ds(dst + 16, 16)] = cb_v[pl.ds(src + 16, 16)]

            pltpu.sync_copy(
                rows_v,
                out_hbm.at[pl.ds(base * EMBED_DIM, _CHUNK * EMBED_DIM)])

    return _sc_gather


def _make_zrows():
    k = jnp.arange(N_LATENTS, dtype=jnp.int32)
    hi = ((k // 8) * 8).astype(jnp.float32)
    lo = (k % 8).astype(jnp.float32)
    rows = jnp.stack([hi, lo] + [jnp.zeros(N_LATENTS)] * 6, axis=0)
    return rows.astype(jnp.bfloat16)


def _vq_argmin_half(xt_half, cbm2, csq, zrows, nh):
    grid = nh // BLOCK
    return pl.pallas_call(
        _vq_block_kernel,
        grid=(grid,),
        in_specs=[
            pl.BlockSpec((EMBED_DIM, BLOCK), lambda i: (0, i)),
            pl.BlockSpec((N_LATENTS, EMBED_DIM), lambda i: (0, 0)),
            pl.BlockSpec((N_LATENTS, 1), lambda i: (0, 0)),
            pl.BlockSpec((8, N_LATENTS), lambda i: (0, 0)),
        ],
        out_specs=[
            pl.BlockSpec((BLOCK,), lambda i: (i,)),
            pl.BlockSpec((1, 1), lambda i: (0, 0)),
        ],
        out_shape=[
            jax.ShapeDtypeStruct((nh,), jnp.int32),
            jax.ShapeDtypeStruct((1, 1), jnp.float32),
        ],
    )(xt_half, cbm2, csq, zrows)


@jax.jit
def kernel(x, codebook):
    n, d = x.shape
    xt = x.T
    cbm2 = -2.0 * codebook
    csq = jnp.sum(codebook * codebook, axis=1, keepdims=True)
    zrows = _make_zrows()

    z, loss_sum = _vq_argmin_half(xt, cbm2, csq, zrows, n)
    q = _make_sc_gather(n)(codebook.reshape(-1), z).reshape(n, d)

    loss = loss_sum[0, 0] / (n * d)
    return (z, q, (loss, loss))

# --- scband reference (transcript-rebuilt; emitter-appended) ---
"""Pipeline reference for scband-vqvae-80582176407790 (READ-ONLY COPY).

The authoritative reference and input builder live on the scoring server;
editing this copy changes nothing except your own understanding.
"""

import jax, jax.numpy as jnp
import numpy as np

N_LATENTS = 1024
EMBED_DIM = 32
N_TOKENS = 131072


def calc_squared_euc_dist(x, c):
    # ||x||^2 + ||c||^2 - 2 x c^T  (squared euclidean distance matrix)
    x_sq = jnp.sum(x * x, axis=-1, keepdims=True)          # [N, 1]
    c_sq = jnp.sum(c * c, axis=-1)                          # [K]
    return x_sq + c_sq[None, :] - 2.0 * (x @ c.T)           # [N, K]


def setup_inputs(seed: int = 0) -> dict:
    key = jax.random.key(seed)
    k1, k2 = jax.random.split(key)
    x = jax.random.normal(k1, (N_TOKENS, EMBED_DIM), dtype=jnp.float32)
    # codebook param: torch.rand(K, D) * 0.2 - 0.1
    codebook = jax.random.uniform(k2, (N_LATENTS, EMBED_DIM), dtype=jnp.float32) * 0.2 - 0.1
    return {"x": x, "codebook": codebook}


def reference(x, codebook):
    distances = calc_squared_euc_dist(x, codebook)
    Z = jnp.argmin(distances, axis=-1)                      # [N] int
    q = jnp.take(codebook, Z, axis=0)                       # gather codebook rows
    q_with_st = x + jax.lax.stop_gradient(q - x)            # straight-through estimator
    vq_loss = jnp.mean((jax.lax.stop_gradient(q) - x) ** 2)
    commitment_loss = jnp.mean((jax.lax.stop_gradient(x) - q) ** 2)
    return (Z, q_with_st, (vq_loss, commitment_loss))

if __name__ == "__main__":
    import jax
    _d = setup_inputs()
    print(jax.jit(kernel)(*tuple(_d.values())))

</pallas_src>

<mosaic_0001>
#map = affine_map<(d0, d1) -> (0)>
module attributes {stable_mosaic.version = 14 : i64} {
  func.func @_sc_gather(%arg0: i32, %arg1: i32, %arg2: memref<32768xf32, #tpu.memory_space<hbm>>, %arg3: memref<131072xi32, #tpu.memory_space<hbm>>, %arg4: memref<4194304xf32, #tpu.memory_space<hbm>>, %arg5: memref<32768xf32, #tpu.memory_space<vmem>>, %arg6: memref<1024xi32, #tpu.memory_space<vmem>>, %arg7: memref<32768xf32, #tpu.memory_space<vmem>>) attributes {dimension_semantics = [#tpu.dimension_semantics<core_parallel>, #tpu.dimension_semantics<subcore_parallel>], iteration_bounds = array<i64: 2, 16>, scalar_prefetch = 0 : i64, scratch_operands = 3 : i64, tpu.core_type = #tpu.core_type<sc_vector_subcore>, window_params = [{transform_indices = #map}, {transform_indices = #map}, {transform_indices = #map}]} {
    %mul3A = arith.constant 2 : i32
    %mul3A_0 = arith.muli %arg1, %mul3A : i32
    %add3A = arith.addi %mul3A_0, %arg0 : i32
    "tpu.region"() ({
      %run_scoped3A = tpu.sem_alloc : memref<!tpu.dma_semaphore, #tpu.memory_space<semaphore_mem>>
      tpu.enqueue_dma source(%arg2 : memref<32768xf32, #tpu.memory_space<hbm>>) target(%arg5 : memref<32768xf32, #tpu.memory_space<vmem>>) target_semaphore(%run_scoped3A : memref<!tpu.dma_semaphore, #tpu.memory_space<semaphore_mem>>)
      tpu.wait_dma2 semaphore(%run_scoped3A : memref<!tpu.dma_semaphore, #tpu.memory_space<semaphore_mem>>) src(%arg2 : memref<32768xf32, #tpu.memory_space<hbm>>) dst(%arg5 : memref<32768xf32, #tpu.memory_space<vmem>>)
      tpu.yield
    }) : () -> ()
    %mul3A_1 = arith.constant 4096 : i32
    %mul3A_2 = arith.muli %add3A, %mul3A_1 : i32
    %add3A_3 = arith.constant 0 : i32
    %add3A_4 = arith.addi %mul3A_2, %add3A_3 : i32
    "tpu.region"() ({
      %run_scoped3A = tpu.sem_alloc : memref<!tpu.dma_semaphore, #tpu.memory_space<semaphore_mem>>
      %dma_start3A = tpu.memref_slice %arg3[%add3A_4] : memref<131072xi32, #tpu.memory_space<hbm>> -> memref<1024xi32, #tpu.memory_space<hbm>>
      %dma_start3A_36 = tpu.memref_slice %arg3[%add3A_4] : memref<131072xi32, #tpu.memory_space<hbm>> -> memref<1024xi32, #tpu.memory_space<hbm>>
      tpu.enqueue_dma source(%dma_start3A_36 : memref<1024xi32, #tpu.memory_space<hbm>>) target(%arg6 : memref<1024xi32, #tpu.memory_space<vmem>>) target_semaphore(%run_scoped3A : memref<!tpu.dma_semaphore, #tpu.memory_space<semaphore_mem>>)
      %dma_wait3A = tpu.memref_slice %arg3[%add3A_4] : memref<131072xi32, #tpu.memory_space<hbm>> -> memref<1024xi32, #tpu.memory_space<hbm>>
      %dma_wait3A_37 = tpu.memref_slice %arg3[%add3A_4] : memref<131072xi32, #tpu.memory_space<hbm>> -> memref<1024xi32, #tpu.memory_space<hbm>>
      tpu.wait_dma2 semaphore(%run_scoped3A : memref<!tpu.dma_semaphore, #tpu.memory_space<semaphore_mem>>) src(%dma_wait3A_37 : memref<1024xi32, #tpu.memory_space<hbm>>) dst(%arg6 : memref<1024xi32, #tpu.memory_space<vmem>>)
      tpu.yield
    }) : () -> ()
    %parallel_loop3A = arith.constant 0 : i32
    %parallel_loop3A_5 = arith.constant 64 : i32
    %parallel_loop3A_6 = arith.constant 1 : i32
    scf.for %parallel_loop3A_36 = %parallel_loop3A to %parallel_loop3A_5 step %parallel_loop3A_6  : i32 {
      %parallel_loop3A_37 = arith.constant 16 : i32
      %parallel_loop3A_38 = arith.muli %parallel_loop3A_36, %parallel_loop3A_37 : i32
      %parallel_loop3A_39 = arith.index_cast %parallel_loop3A_38 : i32 to index
      %parallel_loop3A_40 = tpu.vector_load %arg6[%parallel_loop3A_39] {strides = array<i32>} : memref<1024xi32, #tpu.memory_space<vmem>>, vector<16xi32>,
      %parallel_loop3A_41 = arith.constant 32 : i32
      %parallel_loop3A_42 = vector.broadcast %parallel_loop3A_41 : i32 to vector<16xi32>
      %parallel_loop3A_43 = arith.muli %parallel_loop3A_40, %parallel_loop3A_42 : vector<16xi32>
      %parallel_loop3A_44 = vector.extract_strided_slice %parallel_loop3A_43 {offsets = [0], sizes = [1], strides = [1]} : vector<16xi32> to vector<1xi32>
      %parallel_loop3A_45 = vector.extract %parallel_loop3A_44[0] : i32 from vector<1xi32>
      %parallel_loop3A_46 = arith.constant 16 : i32
      %parallel_loop3A_47 = arith.muli %parallel_loop3A_36, %parallel_loop3A_46 : i32
      %parallel_loop3A_48 = arith.constant 0 : i32
      %parallel_loop3A_49 = arith.addi %parallel_loop3A_47, %parallel_loop3A_48 : i32
      %parallel_loop3A_50 = arith.constant 32 : i32
      %parallel_loop3A_51 = arith.muli %parallel_loop3A_49, %parallel_loop3A_50 : i32
      %parallel_loop3A_52 = arith.index_cast %parallel_loop3A_45 : i32 to index
      %parallel_loop3A_53 = tpu.vector_load %arg5[%parallel_loop3A_52] {strides = array<i32>} : memref<32768xf32, #tpu.memory_space<vmem>>, vector<16xf32>,
      %parallel_loop3A_54 = arith.index_cast %parallel_loop3A_51 : i32 to index
      %parallel_loop3A_55 = tpu.vector_load %arg7[%parallel_loop3A_54] {strides = array<i32>} : memref<32768xf32, #tpu.memory_space<vmem>>, vector<16xf32>,
      tpu.vector_store %arg7[%parallel_loop3A_54], %parallel_loop3A_53 {strides = array<i32>} : memref<32768xf32, #tpu.memory_space<vmem>>, vector<16xf32>,
      %parallel_loop3A_56 = arith.constant 16 : i32
      %parallel_loop3A_57 = arith.addi %parallel_loop3A_45, %parallel_loop3A_56 : i32
      %parallel_loop3A_58 = arith.index_cast %parallel_loop3A_57 : i32 to index
      %parallel_loop3A_59 = tpu.vector_load %arg5[%parallel_loop3A_58] {strides = array<i32>} : memref<32768xf32, #tpu.memory_space<vmem>>, vector<16xf32>,
      %parallel_loop3A_60 = arith.constant 16 : i32
      %parallel_loop3A_61 = arith.addi %parallel_loop3A_51, %parallel_loop3A_60 : i32
      %parallel_loop3A_62 = arith.index_cast %parallel_loop3A_61 : i32 to index
      %parallel_loop3A_63 = tpu.vector_load %arg7[%parallel_loop3A_62] {strides = array<i32>} : memref<32768xf32, #tpu.memory_space<vmem>>, vector<16xf32>,
      tpu.vector_store %arg7[%parallel_loop3A_62], %parallel_loop3A_59 {strides = array<i32>} : memref<32768xf32, #tpu.memory_space<vmem>>, vector<16xf32>,
      %parallel_loop3A_64 = vector.extract_strided_slice %parallel_loop3A_43 {offsets = [1], sizes = [1], strides = [1]} : vector<16xi32> to vector<1xi32>
      %parallel_loop3A_65 = vector.extract %parallel_loop3A_64[0] : i32 from vector<1xi32>
      %parallel_loop3A_66 = arith.constant 16 : i32
      %parallel_loop3A_67 = arith.muli %parallel_loop3A_36, %parallel_loop3A_66 : i32
      %parallel_loop3A_68 = arith.constant 1 : i32
      %parallel_loop3A_69 = arith.addi %parallel_loop3A_67, %parallel_loop3A_68 : i32
      %parallel_loop3A_70 = arith.constant 32 : i32
      %parallel_loop3A_71 = arith.muli %parallel_loop3A_69, %parallel_loop3A_70 : i32
      %parallel_loop3A_72 = arith.index_cast %parallel_loop3A_65 : i32 to index
      %parallel_loop3A_73 = tpu.vector_load %arg5[%parallel_loop3A_72] {strides = array<i32>} : memref<32768xf32, #tpu.memory_space<vmem>>, vector<16xf32>,
      %parallel_loop3A_74 = arith.index_cast %parallel_loop3A_71 : i32 to index
      %parallel_loop3A_75 = tpu.vector_load %arg7[%parallel_loop3A_74] {strides = array<i32>} : memref<32768xf32, #tpu.memory_space<vmem>>, vector<16xf32>,
      tpu.vector_store %arg7[%parallel_loop3A_74], %parallel_loop3A_73 {strides = array<i32>} : memref<32768xf32, #tpu.memory_space<vmem>>, vector<16xf32>,
      %parallel_loop3A_76 = arith.constant 16 : i32
      %parallel_loop3A_77 = arith.addi %parallel_loop3A_65, %parallel_loop3A_76 : i32
      %parallel_loop3A_78 = arith.index_cast %parallel_loop3A_77 : i32 to index
      %parallel_loop3A_79 = tpu.vector_load %arg5[%parallel_loop3A_78] {strides = array<i32>} : memref<32768xf32, #tpu.memory_space<vmem>>, vector<16xf32>,
      %parallel_loop3A_80 = arith.constant 16 : i32
      %parallel_loop3A_81 = arith.addi %parallel_loop3A_71, %parallel_loop3A_80 : i32
      %parallel_loop3A_82 = arith.index_cast %parallel_loop3A_81 : i32 to index
      %parallel_loop3A_83 = tpu.vector_load %arg7[%parallel_loop3A_82] {strides = array<i32>} : memref<32768xf32, #tpu.memory_space<vmem>>, vector<16xf32>,
      tpu.vector_store %arg7[%parallel_loop3A_82], %parallel_loop3A_79 {strides = array<i32>} : memref<32768xf32, #tpu.memory_space<vmem>>, vector<16xf32>,
      %parallel_loop3A_84 = vector.extract_strided_slice %parallel_loop3A_43 {offsets = [2], sizes = [1], strides = [1]} : vector<16xi32> to vector<1xi32>
      %parallel_loop3A_85 = vector.extract %parallel_loop3A_84[0] : i32 from vector<1xi32>
      %parallel_loop3A_86 = arith.constant 16 : i32
      %parallel_loop3A_87 = arith.muli %parallel_loop3A_36, %parallel_loop3A_86 : i32
      %parallel_loop3A_88 = arith.constant 2 : i32
      %parallel_loop3A_89 = arith.addi %parallel_loop3A_87, %parallel_loop3A_88 : i32
      %parallel_loop3A_90 = arith.constant 32 : i32
      %parallel_loop3A_91 = arith.muli %parallel_loop3A_89, %parallel_loop3A_90 : i32
      %parallel_loop3A_92 = arith.index_cast %parallel_loop3A_85 : i32 to index
      %parallel_loop3A_93 = tpu.vector_load %arg5[%parallel_loop3A_92] {strides = array<i32>} : memref<32768xf32, #tpu.memory_space<vmem>>, vector<16xf32>,
      %parallel_loop3A_94 = arith.index_cast %parallel_loop3A_91 : i32 to index
      %parallel_loop3A_95 = tpu.vector_load %arg7[%parallel_loop3A_94] {strides = array<i32>} : memref<32768xf32, #tpu.memory_space<vmem>>, vector<16xf32>,
      tpu.vector_store %arg7[%parallel_loop3A_94], %parallel_loop3A_93 {strides = array<i32>} : memref<32768xf32, #tpu.memory_space<vmem>>, vector<16xf32>,
      %parallel_loop3A_96 = arith.constant 16 : i32
      %parallel_loop3A_97 = arith.addi %parallel_loop3A_85, %parallel_loop3A_96 : i32
      %parallel_loop3A_98 = arith.index_cast %parallel_loop3A_97 : i32 to index
      %parallel_loop3A_99 = tpu.vector_load %arg5[%parallel_loop3A_98] {strides = array<i32>} : memref<32768xf32, #tpu.memory_space<vmem>>, vector<16xf32>,
      %parallel_loop3A_100 = arith.constant 16 : i32
      %parallel_loop3A_101 = arith.addi %parallel_loop3A_91, %parallel_loop3A_100 : i32
      %parallel_loop3A_102 = arith.index_cast %parallel_loop3A_101 : i32 to index
      %parallel_loop3A_103 = tpu.vector_load %arg7[%parallel_loop3A_102] {strides = array<i32>} : memref<32768xf32, #tpu.memory_space<vmem>>, vector<16xf32>,
      tpu.vector_store %arg7[%parallel_loop3A_102], %parallel_loop3A_99 {strides = array<i32>} : memref<32768xf32, #tpu.memory_space<vmem>>, vector<16xf32>,
      %parallel_loop3A_104 = vector.extract_strided_slice %parallel_loop3A_43 {offsets = [3], sizes = [1], strides = [1]} : vector<16xi32> to vector<1xi32>
      %parallel_loop3A_105 = vector.extract %parallel_loop3A_104[0] : i32 from vector<1xi32>
      %parallel_loop3A_106 = arith.constant 16 : i32
      %parallel_loop3A_107 = arith.muli %parallel_loop3A_36, %parallel_loop3A_106 : i32
      %parallel_loop3A_108 = arith.constant 3 : i32
      %parallel_loop3A_109 = arith.addi %parallel_loop3A_107, %parallel_loop3A_108 : i32
      %parallel_loop3A_110 = arith.constant 32 : i32
      %parallel_loop3A_111 = arith.muli %parallel_loop3A_109, %parallel_loop3A_110 : i32
      %parallel_loop3A_112 = arith.index_cast %parallel_loop3A_105 : i32 to index
      %parallel_loop3A_113 = tpu.vector_load %arg5[%parallel_loop3A_112] {strides = array<i32>} : memref<32768xf32, #tpu.memory_space<vmem>>, vector<16xf32>,
      %parallel_loop3A_114 = arith.index_cast %parallel_loop3A_111 : i32 to index
      %parallel_loop3A_115 = tpu.vector_load %arg7[%parallel_loop3A_114] {strides = array<i32>} : memref<32768xf32, #tpu.memory_space<vmem>>, vector<16xf32>,
      tpu.vector_store %arg7[%parallel_loop3A_114], %parallel_loop3A_113 {strides = array<i32>} : memref<32768xf32, #tpu.memory_space<vmem>>, vector<16xf32>,
      %parallel_loop3A_116 = arith.constant 16 : i32
      %parallel_loop3A_117 = arith.addi %parallel_loop3A_105, %parallel_loop3A_116 : i32
      %parallel_loop3A_118 = arith.index_cast %parallel_loop3A_117 : i32 to index
      %parallel_loop3A_119 = tpu.vector_load %arg5[%parallel_loop3A_118] {strides = array<i32>} : memref<32768xf32, #tpu.memory_space<vmem>>, vector<16xf32>,
      %parallel_loop3A_120 = arith.constant 16 : i32
      %parallel_loop3A_121 = arith.addi %parallel_loop3A_111, %parallel_loop3A_120 : i32
      %parallel_loop3A_122 = arith.index_cast %parallel_loop3A_121 : i32 to index
      %parallel_loop3A_123 = tpu.vector_load %arg7[%parallel_loop3A_122] {strides = array<i32>} : memref<32768xf32, #tpu.memory_space<vmem>>, vector<16xf32>,
      tpu.vector_store %arg7[%parallel_loop3A_122], %parallel_loop3A_119 {strides = array<i32>} : memref<32768xf32, #tpu.memory_space<vmem>>, vector<16xf32>,
      %parallel_loop3A_124 = vector.extract_strided_slice %parallel_loop3A_43 {offsets = [4], sizes = [1], strides = [1]} : vector<16xi32> to vector<1xi32>
      %parallel_loop3A_125 = vector.extract %parallel_loop3A_124[0] : i32 from vector<1xi32>
      %parallel_loop3A_126 = arith.constant 16 : i32
      %parallel_loop3A_127 = arith.muli %parallel_loop3A_36, %parallel_loop3A_126 : i32
      %parallel_loop3A_128 = arith.constant 4 : i32
      %parallel_loop3A_129 = arith.addi %parallel_loop3A_127, %parallel_loop3A_128 : i32
      %parallel_loop3A_130 = arith.constant 32 : i32
      %parallel_loop3A_131 = arith.muli %parallel_loop3A_129, %parallel_loop3A_130 : i32
      %parallel_loop3A_132 = arith.index_cast %parallel_loop3A_125 : i32 to index
      %parallel_loop3A_133 = tpu.vector_load %arg5[%parallel_loop3A_132] {strides = array<i32>} : memref<32768xf32, #tpu.memory_space<vmem>>, vector<16xf32>,
      %parallel_loop3A_134 = arith.index_cast %parallel_loop3A_131 : i32 to index
      %parallel_loop3A_135 = tpu.vector_load %arg7[%parallel_loop3A_134] {strides = array<i32>} : memref<32768xf32, #tpu.memory_space<vmem>>, vector<16xf32>,
      tpu.vector_store %arg7[%parallel_loop3A_134], %parallel_loop3A_133 {strides = array<i32>} : memref<32768xf32, #tpu.memory_space<vmem>>, vector<16xf32>,
      %parallel_loop3A_136 = arith.constant 16 : i32
      %parallel_loop3A_137 = arith.addi %parallel_loop3A_125, %parallel_loop3A_136 : i32
      %parallel_loop3A_138 = arith.index_cast %parallel_loop3A_137 : i32 to index
      %parallel_loop3A_139 = tpu.vector_load %arg5[%parallel_loop3A_138] {strides = array<i32>} : memref<32768xf32, #tpu.memory_space<vmem>>, vector<16xf32>,
      %parallel_loop3A_140 = arith.constant 16 : i32
      %parallel_loop3A_141 = arith.addi %parallel_loop3A_131, %parallel_loop3A_140 : i32
      %parallel_loop3A_142 = arith.index_cast %parallel_loop3A_141 : i32 to index
      %parallel_loop3A_143 = tpu.vector_load %arg7[%parallel_loop3A_142] {strides = array<i32>} : memref<32768xf32, #tpu.memory_space<vmem>>, vector<16xf32>,
      tpu.vector_store %arg7[%parallel_loop3A_142], %parallel_loop3A_139 {strides = array<i32>} : memref<32768xf32, #tpu.memory_space<vmem>>, vector<16xf32>,
      %parallel_loop3A_144 = vector.extract_strided_slice %parallel_loop3A_43 {offsets = [5], sizes = [1], strides = [1]} : vector<16xi32> to vector<1xi32>
      %parallel_loop3A_145 = vector.extract %parallel_loop3A_144[0] : i32 from vector<1xi32>
      %parallel_loop3A_146 = arith.constant 16 : i32
      %parallel_loop3A_147 = arith.muli %parallel_loop3A_36, %parallel_loop3A_146 : i32
      %parallel_loop3A_148 = arith.constant 5 : i32
      %parallel_loop3A_149 = arith.addi %parallel_loop3A_147, %parallel_loop3A_148 : i32
      %parallel_loop3A_150 = arith.constant 32 : i32
      %parallel_loop3A_151 = arith.muli %parallel_loop3A_149, %parallel_loop3A_150 : i32
      %parallel_loop3A_152 = arith.index_cast %parallel_loop3A_145 : i32 to index
      %parallel_loop3A_153 = tpu.vector_load %arg5[%parallel_loop3A_152] {strides = array<i32>} : memref<32768xf32, #tpu.memory_space<vmem>>, vector<16xf32>,
      %parallel_loop3A_154 = arith.index_cast %parallel_loop3A_151 : i32 to index
      %parallel_loop3A_155 = tpu.vector_load %arg7[%parallel_loop3A_154] {strides = array<i32>} : memref<32768xf32, #tpu.memory_space<vmem>>, vector<16xf32>,
      tpu.vector_store %arg7[%parallel_loop3A_154], %parallel_loop3A_153 {strides = array<i32>} : memref<32768xf32, #tpu.memory_space<vmem>>, vector<16xf32>,
      %parallel_loop3A_156 = arith.constant 16 : i32
      %parallel_loop3A_157 = arith.addi %parallel_loop3A_145, %parallel_loop3A_156 : i32
      %parallel_loop3A_158 = arith.index_cast %parallel_loop3A_157 : i32 to index
      %parallel_loop3A_159 = tpu.vector_load %arg5[%parallel_loop3A_158] {strides = array<i32>} : memref<32768xf32, #tpu.memory_space<vmem>>, vector<16xf32>,
      %parallel_loop3A_160 = arith.constant 16 : i32
      %parallel_loop3A_161 = arith.addi %parallel_loop3A_151, %parallel_loop3A_160 : i32
      %parallel_loop3A_162 = arith.index_cast %parallel_loop3A_161 : i32 to index
      %parallel_loop3A_163 = tpu.vector_load %arg7[%parallel_loop3A_162] {strides = array<i32>} : memref<32768xf32, #tpu.memory_space<vmem>>, vector<16xf32>,
      tpu.vector_store %arg7[%parallel_loop3A_162], %parallel_loop3A_159 {strides = array<i32>} : memref<32768xf32, #tpu.memory_space<vmem>>, vector<16xf32>,
      %parallel_loop3A_164 = vector.extract_strided_slice %parallel_loop3A_43 {offsets = [6], sizes = [1], strides = [1]} : vector<16xi32> to vector<1xi32>
      %parallel_loop3A_165 = vector.extract %parallel_loop3A_164[0] : i32 from vector<1xi32>
      %parallel_loop3A_166 = arith.constant 16 : i32
      %parallel_loop3A_167 = arith.muli %parallel_loop3A_36, %parallel_loop3A_166 : i32
      %parallel_loop3A_168 = arith.constant 6 : i32
      %parallel_loop3A_169 = arith.addi %parallel_loop3A_167, %parallel_loop3A_168 : i32
      %parallel_loop3A_170 = arith.constant 32 : i32
      %parallel_loop3A_171 = arith.muli %parallel_loop3A_169, %parallel_loop3A_170 : i32
      %parallel_loop3A_172 = arith.index_cast %parallel_loop3A_165 : i32 to index
      %parallel_loop3A_173 = tpu.vector_load %arg5[%parallel_loop3A_172] {strides = array<i32>} : memref<32768xf32, #tpu.memory_space<vmem>>, vector<16xf32>,
      %parallel_loop3A_174 = arith.index_cast %parallel_loop3A_171 : i32 to index
      %parallel_loop3A_175 = tpu.vector_load %arg7[%parallel_loop3A_174] {strides = array<i32>} : memref<32768xf32, #tpu.memory_space<vmem>>, vector<16xf32>,
      tpu.vector_store %arg7[%parallel_loop3A_174], %parallel_loop3A_173 {strides = array<i32>} : memref<32768xf32, #tpu.memory_space<vmem>>, vector<16xf32>,
      %parallel_loop3A_176 = arith.constant 16 : i32
      %parallel_loop3A_177 = arith.addi %parallel_loop3A_165, %parallel_loop3A_176 : i32
      %parallel_loop3A_178 = arith.index_cast %parallel_loop3A_177 : i32 to index
      %parallel_loop3A_179 = tpu.vector_load %arg5[%parallel_loop3A_178] {strides = array<i32>} : memref<32768xf32, #tpu.memory_space<vmem>>, vector<16xf32>,
      %parallel_loop3A_180 = arith.constant 16 : i32
      %parallel_loop3A_181 = arith.addi %parallel_loop3A_171, %parallel_loop3A_180 : i32
      %parallel_loop3A_182 = arith.index_cast %parallel_loop3A_181 : i32 to index
      %parallel_loop3A_183 = tpu.vector_load %arg7[%parallel_loop3A_182] {strides = array<i32>} : memref<32768xf32, #tpu.memory_space<vmem>>, vector<16xf32>,
      tpu.vector_store %arg7[%parallel_loop3A_182], %parallel_loop3A_179 {strides = array<i32>} : memref<32768xf32, #tpu.memory_space<vmem>>, vector<16xf32>,
      %parallel_loop3A_184 = vector.extract_strided_slice %parallel_loop3A_43 {offsets = [7], sizes = [1], strides = [1]} : vector<16xi32> to vector<1xi32>
      %parallel_loop3A_185 = vector.extract %parallel_loop3A_184[0] : i32 from vector<1xi32>
      %parallel_loop3A_186 = arith.constant 16 : i32
      %parallel_loop3A_187 = arith.muli %parallel_loop3A_36, %parallel_loop3A_186 : i32
      %parallel_loop3A_188 = arith.constant 7 : i32
      %parallel_loop3A_189 = arith.addi %parallel_loop3A_187, %parallel_loop3A_188 : i32
      %parallel_loop3A_190 = arith.constant 32 : i32
      %parallel_loop3A_191 = arith.muli %parallel_loop3A_189, %parallel_loop3A_190 : i32
      %parallel_loop3A_192 = arith.index_cast %parallel_loop3A_185 : i32 to index
      %parallel_loop3A_193 = tpu.vector_load %arg5[%parallel_loop3A_192] {strides = array<i32>} : memref<32768xf32, #tpu.memory_space<vmem>>, vector<16xf32>,
      %parallel_loop3A_194 = arith.index_cast %parallel_loop3A_191 : i32 to index
      %parallel_loop3A_195 = tpu.vector_load %arg7[%parallel_loop3A_194] {strides = array<i32>} : memref<32768xf32, #tpu.memory_space<vmem>>, vector<16xf32>,
      tpu.vector_store %arg7[%parallel_loop3A_194], %parallel_loop3A_193 {strides = array<i32>} : memref<32768xf32, #tpu.memory_space<vmem>>, vector<16xf32>,
      %parallel_loop3A_196 = arith.constant 16 : i32
      %parallel_loop3A_197 = arith.addi %parallel_loop3A_185, %parallel_loop3A_196 : i32
      %parallel_loop3A_198 = arith.index_cast %parallel_loop3A_197 : i32 to index
      %parallel_loop3A_199 = tpu.vector_load %arg5[%parallel_loop3A_198] {strides = array<i32>} : memref<32768xf32, #tpu.memory_space<vmem>>, vector<16xf32>,
      %parallel_loop3A_200 = arith.constant 16 : i32
      %parallel_loop3A_201 = arith.addi %parallel_loop3A_191, %parallel_loop3A_200 : i32
      %parallel_loop3A_202 = arith.index_cast %parallel_loop3A_201 : i32 to index
      %parallel_loop3A_203 = tpu.vector_load %arg7[%parallel_loop3A_202] {strides = array<i32>} : memref<32768xf32, #tpu.memory_space<vmem>>, vector<16xf32>,
      tpu.vector_store %arg7[%parallel_loop3A_202], %parallel_loop3A_199 {strides = array<i32>} : memref<32768xf32, #tpu.memory_space<vmem>>, vector<16xf32>,
      %parallel_loop3A_204 = vector.extract_strided_slice %parallel_loop3A_43 {offsets = [8], sizes = [1], strides = [1]} : vector<16xi32> to vector<1xi32>
      %parallel_loop3A_205 = vector.extract %parallel_loop3A_204[0] : i32 from vector<1xi32>
      %parallel_loop3A_206 = arith.constant 16 : i32
      %parallel_loop3A_207 = arith.muli %parallel_loop3A_36, %parallel_loop3A_206 : i32
      %parallel_loop3A_208 = arith.constant 8 : i32
      %parallel_loop3A_209 = arith.addi %parallel_loop3A_207, %parallel_loop3A_208 : i32
      %parallel_loop3A_210 = arith.constant 32 : i32
      %parallel_loop3A_211 = arith.muli %parallel_loop3A_209, %parallel_loop3A_210 : i32
      %parallel_loop3A_212 = arith.index_cast %parallel_loop3A_205 : i32 to index
      %parallel_loop3A_213 = tpu.vector_load %arg5[%parallel_loop3A_212] {strides = array<i32>} : memref<32768xf32, #tpu.memory_space<vmem>>, vector<16xf32>,
      %parallel_loop3A_214 = arith.index_cast %parallel_loop3A_211 : i32 to index
      %parallel_loop3A_215 = tpu.vector_load %arg7[%parallel_loop3A_214] {strides = array<i32>} : memref<32768xf32, #tpu.memory_space<vmem>>, vector<16xf32>,
      tpu.vector_store %arg7[%parallel_loop3A_214], %parallel_loop3A_213 {strides = array<i32>} : memref<32768xf32, #tpu.memory_space<vmem>>, vector<16xf32>,
      %parallel_loop3A_216 = arith.constant 16 : i32
      %parallel_loop3A_217 = arith.addi %parallel_loop3A_205, %parallel_loop3A_216 : i32
      %parallel_loop3A_218 = arith.index_cast %parallel_loop3A_217 : i32 to index
      %parallel_loop3A_219 = tpu.vector_load %arg5[%parallel_loop3A_218] {strides = array<i32>} : memref<32768xf32, #tpu.memory_space<vmem>>, vector<16xf32>,
      %parallel_loop3A_220 = arith.constant 16 : i32
      %parallel_loop3A_221 = arith.addi %parallel_loop3A_211, %parallel_loop3A_220 : i32
      %parallel_loop3A_222 = arith.index_cast %parallel_loop3A_221 : i32 to index
      %parallel_loop3A_223 = tpu.vector_load %arg7[%parallel_loop3A_222] {strides = array<i32>} : memref<32768xf32, #tpu.memory_space<vmem>>, vector<16xf32>,
      tpu.vector_store %arg7[%parallel_loop3A_222], %parallel_loop3A_219 {strides = array<i32>} : memref<32768xf32, #tpu.memory_space<vmem>>, vector<16xf32>,
      %parallel_loop3A_224 = vector.extract_strided_slice %parallel_loop3A_43 {offsets = [9], sizes = [1], strides = [1]} : vector<16xi32> to vector<1xi32>
      %parallel_loop3A_225 = vector.extract %parallel_loop3A_224[0] : i32 from vector<1xi32>
      %parallel_loop3A_226 = arith.constant 16 : i32
      %parallel_loop3A_227 = arith.muli %parallel_loop3A_36, %parallel_loop3A_226 : i32
      %parallel_loop3A_228 = arith.constant 9 : i32
      %parallel_loop3A_229 = arith.addi %parallel_loop3A_227, %parallel_loop3A_228 : i32
      %parallel_loop3A_230 = arith.constant 32 : i32
      %parallel_loop3A_231 = arith.muli %parallel_loop3A_229, %parallel_loop3A_230 : i32
      %parallel_loop3A_232 = arith.index_cast %parallel_loop3A_225 : i32 to index
      %parallel_loop3A_233 = tpu.vector_load %arg5[%parallel_loop3A_232] {strides = array<i32>} : memref<32768xf32, #tpu.memory_space<vmem>>, vector<16xf32>,
      %parallel_loop3A_234 = arith.index_cast %parallel_loop3A_231 : i32 to index
      %parallel_loop3A_235 = tpu.vector_load %arg7[%parallel_loop3A_234] {strides = array<i32>} : memref<32768xf32, #tpu.memory_space<vmem>>, vector<16xf32>,
      tpu.vector_store %arg7[%parallel_loop3A_234], %parallel_loop3A_233 {strides = array<i32>} : memref<32768xf32, #tpu.memory_space<vmem>>, vector<16xf32>,
      %parallel_loop3A_236 = arith.constant 16 : i32
      %parallel_loop3A_237 = arith.addi %parallel_loop3A_225, %parallel_loop3A_236 : i32
      %parallel_loop3A_238 = arith.index_cast %parallel_loop3A_237 : i32 to index
      %parallel_loop3A_239 = tpu.vector_load %arg5[%parallel_loop3A_238] {strides = array<i32>} : memref<32768xf32, #tpu.memory_space<vmem>>, vector<16xf32>,
      %parallel_loop3A_240 = arith.constant 16 : i32
      %parallel_loop3A_241 = arith.addi %parallel_loop3A_231, %parallel_loop3A_240 : i32
      %parallel_loop3A_242 = arith.index_cast %parallel_loop3A_241 : i32 to index
      %parallel_loop3A_243 = tpu.vector_load %arg7[%parallel_loop3A_242] {strides = array<i32>} : memref<32768xf32, #tpu.memory_space<vmem>>, vector<16xf32>,
      tpu.vector_store %arg7[%parallel_loop3A_242], %parallel_loop3A_239 {strides = array<i32>} : memref<32768xf32, #tpu.memory_space<vmem>>, vector<16xf32>,
      %parallel_loop3A_244 = vector.extract_strided_slice %parallel_loop3A_43 {offsets = [10], sizes = [1], strides = [1]} : vector<16xi32> to vector<1xi32>
      %parallel_loop3A_245 = vector.extract %parallel_loop3A_244[0] : i32 from vector<1xi32>
      %parallel_loop3A_246 = arith.constant 16 : i32
      %parallel_loop3A_247 = arith.muli %parallel_loop3A_36, %parallel_loop3A_246 : i32
      %parallel_loop3A_248 = arith.constant 10 : i32
      %parallel_loop3A_249 = arith.addi %parallel_loop3A_247, %parallel_loop3A_248 : i32
      %parallel_loop3A_250 = arith.constant 32 : i32
      %parallel_loop3A_251 = arith.muli %parallel_loop3A_249, %parallel_loop3A_250 : i32
      %parallel_loop3A_252 = arith.index_cast %parallel_loop3A_245 : i32 to index
      %parallel_loop3A_253 = tpu.vector_load %arg5[%parallel_loop3A_252] {strides = array<i32>} : memref<32768xf32, #tpu.memory_space<vmem>>, vector<16xf32>,
      %parallel_loop3A_254 = arith.index_cast %parallel_loop3A_251 : i32 to index
      %parallel_loop3A_255 = tpu.vector_load %arg7[%parallel_loop3A_254] {strides = array<i32>} : memref<32768xf32, #tpu.memory_space<vmem>>, vector<16xf32>,
      tpu.vector_store %arg7[%parallel_loop3A_254], %parallel_loop3A_253 {strides = array<i32>} : memref<32768xf32, #tpu.memory_space<vmem>>, vector<16xf32>,
      %parallel_loop3A_256 = arith.constant 16 : i32
      %parallel_loop3A_257 = arith.addi %parallel_loop3A_245, %parallel_loop3A_256 : i32
      %parallel_loop3A_258 = arith.index_cast %parallel_loop3A_257 : i32 to index
      %parallel_loop3A_259 = tpu.vector_load %arg5[%parallel_loop3A_258] {strides = array<i32>} : memref<32768xf32, #tpu.memory_space<vmem>>, vector<16xf32>,
      %parallel_loop3A_260 = arith.constant 16 : i32
      %parallel_loop3A_261 = arith.addi %parallel_loop3A_251, %parallel_loop3A_260 : i32
      %parallel_loop3A_262 = arith.index_cast %parallel_loop3A_261 : i32 to index
      %parallel_loop3A_263 = tpu.vector_load %arg7[%parallel_loop3A_262] {strides = array<i32>} : memref<32768xf32, #tpu.memory_space<vmem>>, vector<16xf32>,
      tpu.vector_store %arg7[%parallel_loop3A_262], %parallel_loop3A_259 {strides = array<i32>} : memref<32768xf32, #tpu.memory_space<vmem>>, vector<16xf32>,
      %parallel_loop3A_264 = vector.extract_strided_slice %parallel_loop3A_43 {offsets = [11], sizes = [1], strides = [1]} : vector<16xi32> to vector<1xi32>
      %parallel_loop3A_265 = vector.extract %parallel_loop3A_264[0] : i32 from vector<1xi32>
      %parallel_loop3A_266 = arith.constant 16 : i32
      %parallel_loop3A_267 = arith.muli %parallel_loop3A_36, %parallel_loop3A_266 : i32
      %parallel_loop3A_268 = arith.constant 11 : i32
      %parallel_loop3A_269 = arith.addi %parallel_loop3A_267, %parallel_loop3A_268 : i32
      %parallel_loop3A_270 = arith.constant 32 : i32
      %parallel_loop3A_271 = arith.muli %parallel_loop3A_269, %parallel_loop3A_270 : i32
      %parallel_loop3A_272 = arith.index_cast %parallel_loop3A_265 : i32 to index
      %parallel_loop3A_273 = tpu.vector_load %arg5[%parallel_loop3A_272] {strides = array<i32>} : memref<32768xf32, #tpu.memory_space<vmem>>, vector<16xf32>,
      %parallel_loop3A_274 = arith.index_cast %parallel_loop3A_271 : i32 to index
      %parallel_loop3A_275 = tpu.vector_load %arg7[%parallel_loop3A_274] {strides = array<i32>} : memref<32768xf32, #tpu.memory_space<vmem>>, vector<16xf32>,
      tpu.vector_store %arg7[%parallel_loop3A_274], %parallel_loop3A_273 {strides = array<i32>} : memref<32768xf32, #tpu.memory_space<vmem>>, vector<16xf32>,
      %parallel_loop3A_276 = arith.constant 16 : i32
      %parallel_loop3A_277 = arith.addi %parallel_loop3A_265, %parallel_loop3A_276 : i32
      %parallel_loop3A_278 = arith.index_cast %parallel_loop3A_277 : i32 to index
      %parallel_loop3A_279 = tpu.vector_load %arg5[%parallel_loop3A_278] {strides = array<i32>} : memref<32768xf32, #tpu.memory_space<vmem>>, vector<16xf32>,
      %parallel_loop3A_280 = arith.constant 16 : i32
      %parallel_loop3A_281 = arith.addi %parallel_loop3A_271, %parallel_loop3A_280 : i32
      %parallel_loop3A_282 = arith.index_cast %parallel_loop3A_281 : i32 to index
      %parallel_loop3A_283 = tpu.vector_load %arg7[%parallel_loop3A_282] {strides = array<i32>} : memref<32768xf32, #tpu.memory_space<vmem>>, vector<16xf32>,
      tpu.vector_store %arg7[%parallel_loop3A_282], %parallel_loop3A_279 {strides = array<i32>} : memref<32768xf32, #tpu.memory_space<vmem>>, vector<16xf32>,
      %parallel_loop3A_284 = vector.extract_strided_slice %parallel_loop3A_43 {offsets = [12], sizes = [1], strides = [1]} : vector<16xi32> to vector<1xi32>
      %parallel_loop3A_285 = vector.extract %parallel_loop3A_284[0] : i32 from vector<1xi32>
      %parallel_loop3A_286 = arith.constant 16 : i32
      %parallel_loop3A_287 = arith.muli %parallel_loop3A_36, %parallel_loop3A_286 : i32
      %parallel_loop3A_288 = arith.constant 12 : i32
      %parallel_loop3A_289 = arith.addi %parallel_loop3A_287, %parallel_loop3A_288 : i32
      %parallel_loop3A_290 = arith.constant 32 : i32
      %parallel_loop3A_291 = arith.muli %parallel_loop3A_289, %parallel_loop3A_290 : i32
      %parallel_loop3A_292 = arith.index_cast %parallel_loop3A_285 : i32 to index
      %parallel_loop3A_293 = tpu.vector_load %arg5[%parallel_loop3A_292] {strides = array<i32>} : memref<32768xf32, #tpu.memory_space<vmem>>, vector<16xf32>,
      %parallel_loop3A_294 = arith.index_cast %parallel_loop3A_291 : i32 to index
      %parallel_loop3A_295 = tpu.vector_load %arg7[%parallel_loop3A_294] {strides = array<i32>} : memref<32768xf32, #tpu.memory_space<vmem>>, vector<16xf32>,
      tpu.vector_store %arg7[%parallel_loop3A_294], %parallel_loop3A_293 {strides = array<i32>} : memref<32768xf32, #tpu.memory_space<vmem>>, vector<16xf32>,
      %parallel_loop3A_296 = arith.constant 16 : i32
      %parallel_loop3A_297 = arith.addi %parallel_loop3A_285, %parallel_loop3A_296 : i32
      %parallel_loop3A_298 = arith.index_cast %parallel_loop3A_297 : i32 to index
      %parallel_loop3A_299 = tpu.vector_load %arg5[%parallel_loop3A_298] {strides = array<i32>} : memref<32768xf32, #tpu.memory_space<vmem>>, vector<16xf32>,
      %parallel_loop3A_300 = arith.constant 16 : i32
      %parallel_loop3A_301 = arith.addi %parallel_loop3A_291, %parallel_loop3A_300 : i32
      %parallel_loop3A_302 = arith.index_cast %parallel_loop3A_301 : i32 to index
      %parallel_loop3A_303 = tpu.vector_load %arg7[%parallel_loop3A_302] {strides = array<i32>} : memref<32768xf32, #tpu.memory_space<vmem>>, vector<16xf32>,
      tpu.vector_store %arg7[%parallel_loop3A_302], %parallel_loop3A_299 {strides = array<i32>} : memref<32768xf32, #tpu.memory_space<vmem>>, vector<16xf32>,
      %parallel_loop3A_304 = vector.extract_strided_slice %parallel_loop3A_43 {offsets = [13], sizes = [1], strides = [1]} : vector<16xi32> to vector<1xi32>
      %parallel_loop3A_305 = vector.extract %parallel_loop3A_304[0] : i32 from vector<1xi32>
      %parallel_loop3A_306 = arith.constant 16 : i32
      %parallel_loop3A_307 = arith.muli %parallel_loop3A_36, %parallel_loop3A_306 : i32
      %parallel_loop3A_308 = arith.constant 13 : i32
      %parallel_loop3A_309 = arith.addi %parallel_loop3A_307, %parallel_loop3A_308 : i32
      %parallel_loop3A_310 = arith.constant 32 : i32
      %parallel_loop3A_311 = arith.muli %parallel_loop3A_309, %parallel_loop3A_310 : i32
      %parallel_loop3A_312 = arith.index_cast %parallel_loop3A_305 : i32 to index
      %parallel_loop3A_313 = tpu.vector_load %arg5[%parallel_loop3A_312] {strides = array<i32>} : memref<32768xf32, #tpu.memory_space<vmem>>, vector<16xf32>,
      %parallel_loop3A_314 = arith.index_cast %parallel_loop3A_311 : i32 to index
      %parallel_loop3A_315 = tpu.vector_load %arg7[%parallel_loop3A_314] {strides = array<i32>} : memref<32768xf32, #tpu.memory_space<vmem>>, vector<16xf32>,
      tpu.vector_store %arg7[%parallel_loop3A_314], %parallel_loop3A_313 {strides = array<i32>} : memref<32768xf32, #tpu.memory_space<vmem>>, vector<16xf32>,
      %parallel_loop3A_316 = arith.constant 16 : i32
      %parallel_loop3A_317 = arith.addi %parallel_loop3A_305, %parallel_loop3A_316 : i32
      %parallel_loop3A_318 = arith.index_cast %parallel_loop3A_317 : i32 to index
      %parallel_loop3A_319 = tpu.vector_load %arg5[%parallel_loop3A_318] {strides = array<i32>} : memref<32768xf32, #tpu.memory_space<vmem>>, vector<16xf32>,
      %parallel_loop3A_320 = arith.constant 16 : i32
      %parallel_loop3A_321 = arith.addi %parallel_loop3A_311, %parallel_loop3A_320 : i32
      %parallel_loop3A_322 = arith.index_cast %parallel_loop3A_321 : i32 to index
      %parallel_loop3A_323 = tpu.vector_load %arg7[%parallel_loop3A_322] {strides = array<i32>} : memref<32768xf32, #tpu.memory_space<vmem>>, vector<16xf32>,
      tpu.vector_store %arg7[%parallel_loop3A_322], %parallel_loop3A_319 {strides = array<i32>} : memref<32768xf32, #tpu.memory_space<vmem>>, vector<16xf32>,
      %parallel_loop3A_324 = vector.extract_strided_slice %parallel_loop3A_43 {offsets = [14], sizes = [1], strides = [1]} : vector<16xi32> to vector<1xi32>
      %parallel_loop3A_325 = vector.extract %parallel_loop3A_324[0] : i32 from vector<1xi32>
      %parallel_loop3A_326 = arith.constant 16 : i32
      %parallel_loop3A_327 = arith.muli %parallel_loop3A_36, %parallel_loop3A_326 : i32
      %parallel_loop3A_328 = arith.constant 14 : i32
      %parallel_loop3A_329 = arith.addi %parallel_loop3A_327, %parallel_loop3A_328 : i32
      %parallel_loop3A_330 = arith.constant 32 : i32
      %parallel_loop3A_331 = arith.muli %parallel_loop3A_329, %parallel_loop3A_330 : i32
      %parallel_loop3A_332 = arith.index_cast %parallel_loop3A_325 : i32 to index
      %parallel_loop3A_333 = tpu.vector_load %arg5[%parallel_loop3A_332] {strides = array<i32>} : memref<32768xf32, #tpu.memory_space<vmem>>, vector<16xf32>,
      %parallel_loop3A_334 = arith.index_cast %parallel_loop3A_331 : i32 to index
      %parallel_loop3A_335 = tpu.vector_load %arg7[%parallel_loop3A_334] {strides = array<i32>} : memref<32768xf32, #tpu.memory_space<vmem>>, vector<16xf32>,
      tpu.vector_store %arg7[%parallel_loop3A_334], %parallel_loop3A_333 {strides = array<i32>} : memref<32768xf32, #tpu.memory_space<vmem>>, vector<16xf32>,
      %parallel_loop3A_336 = arith.constant 16 : i32
      %parallel_loop3A_337 = arith.addi %parallel_loop3A_325, %parallel_loop3A_336 : i32
      %parallel_loop3A_338 = arith.index_cast %parallel_loop3A_337 : i32 to index
      %parallel_loop3A_339 = tpu.vector_load %arg5[%parallel_loop3A_338] {strides = array<i32>} : memref<32768xf32, #tpu.memory_space<vmem>>, vector<16xf32>,
      %parallel_loop3A_340 = arith.constant 16 : i32
      %parallel_loop3A_341 = arith.addi %parallel_loop3A_331, %parallel_loop3A_340 : i32
      %parallel_loop3A_342 = arith.index_cast %parallel_loop3A_341 : i32 to index
      %parallel_loop3A_343 = tpu.vector_load %arg7[%parallel_loop3A_342] {strides = array<i32>} : memref<32768xf32, #tpu.memory_space<vmem>>, vector<16xf32>,
      tpu.vector_store %arg7[%parallel_loop3A_342], %parallel_loop3A_339 {strides = array<i32>} : memref<32768xf32, #tpu.memory_space<vmem>>, vector<16xf32>,
      %parallel_loop3A_344 = vector.extract_strided_slice %parallel_loop3A_43 {offsets = [15], sizes = [1], strides = [1]} : vector<16xi32> to vector<1xi32>
      %parallel_loop3A_345 = vector.extract %parallel_loop3A_344[0] : i32 from vector<1xi32>
      %parallel_loop3A_346 = arith.constant 16 : i32
      %parallel_loop3A_347 = arith.muli %parallel_loop3A_36, %parallel_loop3A_346 : i32
      %parallel_loop3A_348 = arith.constant 15 : i32
      %parallel_loop3A_349 = arith.addi %parallel_loop3A_347, %parallel_loop3A_348 : i32
      %parallel_loop3A_350 = arith.constant 32 : i32
      %parallel_loop3A_351 = arith.muli %parallel_loop3A_349, %parallel_loop3A_350 : i32
      %parallel_loop3A_352 = arith.index_cast %parallel_loop3A_345 : i32 to index
      %parallel_loop3A_353 = tpu.vector_load %arg5[%parallel_loop3A_352] {strides = array<i32>} : memref<32768xf32, #tpu.memory_space<vmem>>, vector<16xf32>,
      %parallel_loop3A_354 = arith.index_cast %parallel_loop3A_351 : i32 to index
      %parallel_loop3A_355 = tpu.vector_load %arg7[%parallel_loop3A_354] {strides = array<i32>} : memref<32768xf32, #tpu.memory_space<vmem>>, vector<16xf32>,
      tpu.vector_store %arg7[%parallel_loop3A_354], %parallel_loop3A_353 {strides = array<i32>} : memref<32768xf32, #tpu.memory_space<vmem>>, vector<16xf32>,
      %parallel_loop3A_356 = arith.constant 16 : i32
      %parallel_loop3A_357 = arith.addi %parallel_loop3A_345, %parallel_loop3A_356 : i32
      %parallel_loop3A_358 = arith.index_cast %parallel_loop3A_357 : i32 to index
      %parallel_loop3A_359 = tpu.vector_load %arg5[%parallel_loop3A_358] {strides = array<i32>} : memref<32768xf32, #tpu.memory_space<vmem>>, vector<16xf32>,
      %parallel_loop3A_360 = arith.constant 16 : i32
      %parallel_loop3A_361 = arith.addi %parallel_loop3A_351, %parallel_loop3A_360 : i32
      %parallel_loop3A_362 = arith.index_cast %parallel_loop3A_361 : i32 to index
      %parallel_loop3A_363 = tpu.vector_load %arg7[%parallel_loop3A_362] {strides = array<i32>} : memref<32768xf32, #tpu.memory_space<vmem>>, vector<16xf32>,
      tpu.vector_store %arg7[%parallel_loop3A_362], %parallel_loop3A_359 {strides = array<i32>} : memref<32768xf32, #tpu.memory_space<vmem>>, vector<16xf32>,
    } {sc.loop_unroll_factor = 2 : i64, sc.parallel_access}
    %mul3A_7 = arith.constant 32 : i32
    %mul3A_8 = arith.muli %add3A_4, %mul3A_7 : i32
    "tpu.region"() ({
      %run_scoped3A = tpu.sem_alloc : memref<!tpu.dma_semaphore, #tpu.memory_space<semaphore_mem>>
      %dma_start3A = tpu.memref_slice %arg4[%mul3A_8] : memref<4194304xf32, #tpu.memory_space<hbm>> -> memref<32768xf32, #tpu.memory_space<hbm>>
      %dma_start3A_36 = tpu.memref_slice %arg4[%mul3A_8] : memref<4194304xf32, #tpu.memory_space<hbm>> -> memref<32768xf32, #tpu.memory_space<hbm>>
      tpu.enqueue_dma source(%arg7 : memref<32768xf32, #tpu.memory_space<vmem>>) target(%dma_start3A_36 : memref<32768xf32, #tpu.memory_space<hbm>>) target_semaphore(%run_scoped3A : memref<!tpu.dma_semaphore, #tpu.memory_space<semaphore_mem>>)
      %dma_wait3A = tpu.memref_slice %arg4[%mul3A_8] : memref<4194304xf32, #tpu.memory_space<hbm>> -> memref<32768xf32, #tpu.memory_space<hbm>>
      %dma_wait3A_37 = tpu.memref_slice %arg4[%mul3A_8] : memref<4194304xf32, #tpu.memory_space<hbm>> -> memref<32768xf32, #tpu.memory_space<hbm>>
      tpu.wait_dma2 semaphore(%run_scoped3A : memref<!tpu.dma_semaphore, #tpu.memory_space<semaphore_mem>>) src(%arg7 : memref<32768xf32, #tpu.memory_space<vmem>>) dst(%dma_wait3A_37 : memref<32768xf32, #tpu.memory_space<hbm>>)
      tpu.yield
    }) : () -> ()
    %mul3A_9 = arith.constant 4096 : i32
    %mul3A_10 = arith.muli %add3A, %mul3A_9 : i32
    %add3A_11 = arith.constant 1024 : i32
    %add3A_12 = arith.addi %mul3A_10, %add3A_11 : i32
    "tpu.region"() ({
      %run_scoped3A = tpu.sem_alloc : memref<!tpu.dma_semaphore, #tpu.memory_space<semaphore_mem>>
      %dma_start3A = tpu.memref_slice %arg3[%add3A_12] : memref<131072xi32, #tpu.memory_space<hbm>> -> memref<1024xi32, #tpu.memory_space<hbm>>
      %dma_start3A_36 = tpu.memref_slice %arg3[%add3A_12] : memref<131072xi32, #tpu.memory_space<hbm>> -> memref<1024xi32, #tpu.memory_space<hbm>>
      tpu.enqueue_dma source(%dma_start3A_36 : memref<1024xi32, #tpu.memory_space<hbm>>) target(%arg6 : memref<1024xi32, #tpu.memory_space<vmem>>) target_semaphore(%run_scoped3A : memref<!tpu.dma_semaphore, #tpu.memory_space<semaphore_mem>>)
      %dma_wait3A = tpu.memref_slice %arg3[%add3A_12] : memref<131072xi32, #tpu.memory_space<hbm>> -> memref<1024xi32, #tpu.memory_space<hbm>>
      %dma_wait3A_37 = tpu.memref_slice %arg3[%add3A_12] : memref<131072xi32, #tpu.memory_space<hbm>> -> memref<1024xi32, #tpu.memory_space<hbm>>
      tpu.wait_dma2 semaphore(%run_scoped3A : memref<!tpu.dma_semaphore, #tpu.memory_space<semaphore_mem>>) src(%dma_wait3A_37 : memref<1024xi32, #tpu.memory_space<hbm>>) dst(%arg6 : memref<1024xi32, #tpu.memory_space<vmem>>)
      tpu.yield
    }) : () -> ()
    %parallel_loop3A_13 = arith.constant 0 : i32
    %parallel_loop3A_14 = arith.constant 64 : i32
    %parallel_loop3A_15 = arith.constant 1 : i32
    scf.for %parallel_loop3A_36 = %parallel_loop3A_13 to %parallel_loop3A_14 step %parallel_loop3A_15  : i32 {
      %parallel_loop3A_37 = arith.constant 16 : i32
      %parallel_loop3A_38 = arith.muli %parallel_loop3A_36, %parallel_loop3A_37 : i32
      %parallel_loop3A_39 = arith.index_cast %parallel_loop3A_38 : i32 to index
      %parallel_loop3A_40 = tpu.vector_load %arg6[%parallel_loop3A_39] {strides = array<i32>} : memref<1024xi32, #tpu.memory_space<vmem>>, vector<16xi32>,
      %parallel_loop3A_41 = arith.constant 32 : i32
      %parallel_loop3A_42 = vector.broadcast %parallel_loop3A_41 : i32 to vector<16xi32>
      %parallel_loop3A_43 = arith.muli %parallel_loop3A_40, %parallel_loop3A_42 : vector<16xi32>
      %parallel_loop3A_44 = vector.extract_strided_slice %parallel_loop3A_43 {offsets = [0], sizes = [1], strides = [1]} : vector<16xi32> to vector<1xi32>
      %parallel_loop3A_45 = vector.extract %parallel_loop3A_44[0] : i32 from vector<1xi32>
      %parallel_loop3A_46 = arith.constant 16 : i32
      %parallel_loop3A_47 = arith.muli %parallel_loop3A_36, %parallel_loop3A_46 : i32
      %parallel_loop3A_48 = arith.constant 0 : i32
      %parallel_loop3A_49 = arith.addi %parallel_loop3A_47, %parallel_loop3A_48 : i32
      %parallel_loop3A_50 = arith.constant 32 : i32
      %parallel_loop3A_51 = arith.muli %parallel_loop3A_49, %parallel_loop3A_50 : i32
      %parallel_loop3A_52 = arith.index_cast %parallel_loop3A_45 : i32 to index
      %parallel_loop3A_53 = tpu.vector_load %arg5[%parallel_loop3A_52] {strides = array<i32>} : memref<32768xf32, #tpu.memory_space<vmem>>, vector<16xf32>,
      %parallel_loop3A_54 = arith.index_cast %parallel_loop3A_51 : i32 to index
      %parallel_loop3A_55 = tpu.vector_load %arg7[%parallel_loop3A_54] {strides = array<i32>} : memref<32768xf32, #tpu.memory_space<vmem>>, vector<16xf32>,
      tpu.vector_store %arg7[%parallel_loop3A_54], %parallel_loop3A_53 {strides = array<i32>} : memref<32768xf32, #tpu.memory_space<vmem>>, vector<16xf32>,
      %parallel_loop3A_56 = arith.constant 16 : i32
      %parallel_loop3A_57 = arith.addi %parallel_loop3A_45, %parallel_loop3A_56 : i32
      %parallel_loop3A_58 = arith.index_cast %parallel_loop3A_57 : i32 to index
      %parallel_loop3A_59 = tpu.vector_load %arg5[%parallel_loop3A_58] {strides = array<i32>} : memref<32768xf32, #tpu.memory_space<vmem>>, vector<16xf32>,
      %parallel_loop3A_60 = arith.constant 16 : i32
      %parallel_loop3A_61 = arith.addi %parallel_loop3A_51, %parallel_loop3A_60 : i32
      %parallel_loop3A_62 = arith.index_cast %parallel_loop3A_61 : i32 to index
      %parallel_loop3A_63 = tpu.vector_load %arg7[%parallel_loop3A_62] {strides = array<i32>} : memref<32768xf32, #tpu.memory_space<vmem>>, vector<16xf32>,
      tpu.vector_store %arg7[%parallel_loop3A_62], %parallel_loop3A_59 {strides = array<i32>} : memref<32768xf32, #tpu.memory_space<vmem>>, vector<16xf32>,
      %parallel_loop3A_64 = vector.extract_strided_slice %parallel_loop3A_43 {offsets = [1], sizes = [1], strides = [1]} : vector<16xi32> to vector<1xi32>
      %parallel_loop3A_65 = vector.extract %parallel_loop3A_64[0] : i32 from vector<1xi32>
      %parallel_loop3A_66 = arith.constant 16 : i32
      %parallel_loop3A_67 = arith.muli %parallel_loop3A_36, %parallel_loop3A_66 : i32
      %parallel_loop3A_68 = arith.constant 1 : i32
      %parallel_loop3A_69 = arith.addi %parallel_loop3A_67, %parallel_loop3A_68 : i32
      %parallel_loop3A_70 = arith.constant 32 : i32
      %parallel_loop3A_71 = arith.muli %parallel_loop3A_69, %parallel_loop3A_70 : i32
      %parallel_loop3A_72 = arith.index_cast %parallel_loop3A_65 : i32 to index
      %parallel_loop3A_73 = tpu.vector_load %arg5[%parallel_loop3A_72] {strides = array<i32>} : memref<32768xf32, #tpu.memory_space<vmem>>, vector<16xf32>,
      %parallel_loop3A_74 = arith.index_cast %parallel_loop3A_71 : i32 to index
      %parallel_loop3A_75 = tpu.vector_load %arg7[%parallel_loop3A_74] {strides = array<i32>} : memref<32768xf32, #tpu.memory_space<vmem>>, vector<16xf32>,
      tpu.vector_store %arg7[%parallel_loop3A_74], %parallel_loop3A_73 {strides = array<i32>} : memref<32768xf32, #tpu.memory_space<vmem>>, vector<16xf32>,
      %parallel_loop3A_76 = arith.constant 16 : i32
      %parallel_loop3A_77 = arith.addi %parallel_loop3A_65, %parallel_loop3A_76 : i32
      %parallel_loop3A_78 = arith.index_cast %parallel_loop3A_77 : i32 to index
      %parallel_loop3A_79 = tpu.vector_load %arg5[%parallel_loop3A_78] {strides = array<i32>} : memref<32768xf32, #tpu.memory_space<vmem>>, vector<16xf32>,
      %parallel_loop3A_80 = arith.constant 16 : i32
      %parallel_loop3A_81 = arith.addi %parallel_loop3A_71, %parallel_loop3A_80 : i32
      %parallel_loop3A_82 = arith.index_cast %parallel_loop3A_81 : i32 to index
      %parallel_loop3A_83 = tpu.vector_load %arg7[%parallel_loop3A_82] {strides = array<i32>} : memref<32768xf32, #tpu.memory_space<vmem>>, vector<16xf32>,
      tpu.vector_store %arg7[%parallel_loop3A_82], %parallel_loop3A_79 {strides = array<i32>} : memref<32768xf32, #tpu.memory_space<vmem>>, vector<16xf32>,
      %parallel_loop3A_84 = vector.extract_strided_slice %parallel_loop3A_43 {offsets = [2], sizes = [1], strides = [1]} : vector<16xi32> to vector<1xi32>
      %parallel_loop3A_85 = vector.extract %parallel_loop3A_84[0] : i32 from vector<1xi32>
      %parallel_loop3A_86 = arith.constant 16 : i32
      %parallel_loop3A_87 = arith.muli %parallel_loop3A_36, %parallel_loop3A_86 : i32
      %parallel_loop3A_88 = arith.constant 2 : i32
      %parallel_loop3A_89 = arith.addi %parallel_loop3A_87, %parallel_loop3A_88 : i32
      %parallel_loop3A_90 = arith.constant 32 : i32
      %parallel_loop3A_91 = arith.muli %parallel_loop3A_89, %parallel_loop3A_90 : i32
      %parallel_loop3A_92 = arith.index_cast %parallel_loop3A_85 : i32 to index
      %parallel_loop3A_93 = tpu.vector_load %arg5[%parallel_loop3A_92] {strides = array<i32>} : memref<32768xf32, #tpu.memory_space<vmem>>, vector<16xf32>,
      %parallel_loop3A_94 = arith.index_cast %parallel_loop3A_91 : i32 to index
      %parallel_loop3A_95 = tpu.vector_load %arg7[%parallel_loop3A_94] {strides = array<i32>} : memref<32768xf32, #tpu.memory_space<vmem>>, vector<16xf32>,
      tpu.vector_store %arg7[%parallel_loop3A_94], %parallel_loop3A_93 {strides = array<i32>} : memref<32768xf32, #tpu.memory_space<vmem>>, vector<16xf32>,
      %parallel_loop3A_96 = arith.constant 16 : i32
      %parallel_loop3A_97 = arith.addi %parallel_loop3A_85, %parallel_loop3A_96 : i32
      %parallel_loop3A_98 = arith.index_cast %parallel_loop3A_97 : i32 to index
      %parallel_loop3A_99 = tpu.vector_load %arg5[%parallel_loop3A_98] {strides = array<i32>} : memref<32768xf32, #tpu.memory_space<vmem>>, vector<16xf32>,
      %parallel_loop3A_100 = arith.constant 16 : i32
      %parallel_loop3A_101 = arith.addi %parallel_loop3A_91, %parallel_loop3A_100 : i32
      %parallel_loop3A_102 = arith.index_cast %parallel_loop3A_101 : i32 to index
      %parallel_loop3A_103 = tpu.vector_load %arg7[%parallel_loop3A_102] {strides = array<i32>} : memref<32768xf32, #tpu.memory_space<vmem>>, vector<16xf32>,
      tpu.vector_store %arg7[%parallel_loop3A_102], %parallel_loop3A_99 {strides = array<i32>} : memref<32768xf32, #tpu.memory_space<vmem>>, vector<16xf32>,
      %parallel_loop3A_104 = vector.extract_strided_slice %parallel_loop3A_43 {offsets = [3], sizes = [1], strides = [1]} : vector<16xi32> to vector<1xi32>
      %parallel_loop3A_105 = vector.extract %parallel_loop3A_104[0] : i32 from vector<1xi32>
      %parallel_loop3A_106 = arith.constant 16 : i32
      %parallel_loop3A_107 = arith.muli %parallel_loop3A_36, %parallel_loop3A_106 : i32
      %parallel_loop3A_108 = arith.constant 3 : i32
      %parallel_loop3A_109 = arith.addi %parallel_loop3A_107, %parallel_loop3A_108 : i32
      %parallel_loop3A_110 = arith.constant 32 : i32
      %parallel_loop3A_111 = arith.muli %parallel_loop3A_109, %parallel_loop3A_110 : i32
      %parallel_loop3A_112 = arith.index_cast %parallel_loop3A_105 : i32 to index
      %parallel_loop3A_113 = tpu.vector_load %arg5[%parallel_loop3A_112] {strides = array<i32>} : memref<32768xf32, #tpu.memory_space<vmem>>, vector<16xf32>,
      %parallel_loop3A_114 = arith.index_cast %parallel_loop3A_111 : i32 to index
      %parallel_loop3A_115 = tpu.vector_load %arg7[%parallel_loop3A_114] {strides = array<i32>} : memref<32768xf32, #tpu.memory_space<vmem>>, vector<16xf32>,
      tpu.vector_store %arg7[%parallel_loop3A_114], %parallel_loop3A_113 {strides = array<i32>} : memref<32768xf32, #tpu.memory_space<vmem>>, vector<16xf32>,
      %parallel_loop3A_116 = arith.constant 16 : i32
      %parallel_loop3A_117 = arith.addi %parallel_loop3A_105, %parallel_loop3A_116 : i32
      %parallel_loop3A_118 = arith.index_cast %parallel_loop3A_117 : i32 to index
      %parallel_loop3A_119 = tpu.vector_load %arg5[%parallel_loop3A_118] {strides = array<i32>} : memref<32768xf32, #tpu.memory_space<vmem>>, vector<16xf32>,
      %parallel_loop3A_120 = arith.constant 16 : i32
      %parallel_loop3A_121 = arith.addi %parallel_loop3A_111, %parallel_loop3A_120 : i32
      %parallel_loop3A_122 = arith.index_cast %parallel_loop3A_121 : i32 to index
      %parallel_loop3A_123 = tpu.vector_load %arg7[%parallel_loop3A_122] {strides = array<i32>} : memref<32768xf32, #tpu.memory_space<vmem>>, vector<16xf32>,
      tpu.vector_store %arg7[%parallel_loop3A_122], %parallel_loop3A_119 {strides = array<i32>} : memref<32768xf32, #tpu.memory_space<vmem>>, vector<16xf32>,
      %parallel_loop3A_124 = vector.extract_strided_slice %parallel_loop3A_43 {offsets = [4], sizes = [1], strides = [1]} : vector<16xi32> to vector<1xi32>
      %parallel_loop3A_125 = vector.extract %parallel_loop3A_124[0] : i32 from vector<1xi32>
      %parallel_loop3A_126 = arith.constant 16 : i32
      %parallel_loop3A_127 = arith.muli %parallel_loop3A_36, %parallel_loop3A_126 : i32
      %parallel_loop3A_128 = arith.constant 4 : i32
      %parallel_loop3A_129 = arith.addi %parallel_loop3A_127, %parallel_loop3A_128 : i32
      %parallel_loop3A_130 = arith.constant 32 : i32
      %parallel_loop3A_131 = arith.muli %parallel_loop3A_129, %parallel_loop3A_130 : i32
      %parallel_loop3A_132 = arith.index_cast %parallel_loop3A_125 : i32 to index
      %parallel_loop3A_133 = tpu.vector_load %arg5[%parallel_loop3A_132] {strides = array<i32>} : memref<32768xf32, #tpu.memory_space<vmem>>, vector<16xf32>,
      %parallel_loop3A_134 = arith.index_cast %parallel_loop3A_131 : i32 to index
      %parallel_loop3A_135 = tpu.vector_load %arg7[%parallel_loop3A_134] {strides = array<i32>} : memref<32768xf32, #tpu.memory_space<vmem>>, vector<16xf32>,
      tpu.vector_store %arg7[%parallel_loop3A_134], %parallel_loop3A_133 {strides = array<i32>} : memref<32768xf32, #tpu.memory_space<vmem>>, vector<16xf32>,
      %parallel_loop3A_136 = arith.constant 16 : i32
      %parallel_loop3A_137 = arith.addi %parallel_loop3A_125, %parallel_loop3A_136 : i32
      %parallel_loop3A_138 = arith.index_cast %parallel_loop3A_137 : i32 to index
      %parallel_loop3A_139 = tpu.vector_load %arg5[%parallel_loop3A_138] {strides = array<i32>} : memref<32768xf32, #tpu.memory_space<vmem>>, vector<16xf32>,
      %parallel_loop3A_140 = arith.constant 16 : i32
      %parallel_loop3A_141 = arith.addi %parallel_loop3A_131, %parallel_loop3A_140 : i32
      %parallel_loop3A_142 = arith.index_cast %parallel_loop3A_141 : i32 to index
      %parallel_loop3A_143 = tpu.vector_load %arg7[%parallel_loop3A_142] {strides = array<i32>} : memref<32768xf32, #tpu.memory_space<vmem>>, vector<16xf32>,
      tpu.vector_store %arg7[%parallel_loop3A_142], %parallel_loop3A_139 {strides = array<i32>} : memref<32768xf32, #tpu.memory_space<vmem>>, vector<16xf32>,
      %parallel_loop3A_144 = vector.extract_strided_slice %parallel_loop3A_43 {offsets = [5], sizes = [1], strides = [1]} : vector<16xi32> to vector<1xi32>
      %parallel_loop3A_145 = vector.extract %parallel_loop3A_144[0] : i32 from vector<1xi32>
      %parallel_loop3A_146 = arith.constant 16 : i32
      %parallel_loop3A_147 = arith.muli %parallel_loop3A_36, %parallel_loop3A_146 : i32
      %parallel_loop3A_148 = arith.constant 5 : i32
      %parallel_loop3A_149 = arith.addi %parallel_loop3A_147, %parallel_loop3A_148 : i32
      %parallel_loop3A_150 = arith.constant 32 : i32
      %parallel_loop3A_151 = arith.muli %parallel_loop3A_149, %parallel_loop3A_150 : i32
      %parallel_loop3A_152 = arith.index_cast %parallel_loop3A_145 : i32 to index
      %parallel_loop3A_153 = tpu.vector_load %arg5[%parallel_loop3A_152] {strides = array<i32>} : memref<32768xf32, #tpu.memory_space<vmem>>, vector<16xf32>,
      %parallel_loop3A_154 = arith.index_cast %parallel_loop3A_151 : i32 to index
      %parallel_loop3A_155 = tpu.vector_load %arg7[%parallel_loop3A_154] {strides = array<i32>} : memref<32768xf32, #tpu.memory_space<vmem>>, vector<16xf32>,
      tpu.vector_store %arg7[%parallel_loop3A_154], %parallel_loop3A_153 {strides = array<i32>} : memref<32768xf32, #tpu.memory_space<vmem>>, vector<16xf32>,
      %parallel_loop3A_156 = arith.constant 16 : i32
      %parallel_loop3A_157 = arith.addi %parallel_loop3A_145, %parallel_loop3A_156 : i32
      %parallel_loop3A_158 = arith.index_cast %parallel_loop3A_157 : i32 to index
      %parallel_loop3A_159 = tpu.vector_load %arg5[%parallel_loop3A_158] {strides = array<i32>} : memref<32768xf32, #tpu.memory_space<vmem>>, vector<16xf32>,
      %parallel_loop3A_160 = arith.constant 16 : i32
      %parallel_loop3A_161 = arith.addi %parallel_loop3A_151, %parallel_loop3A_160 : i32
      %parallel_loop3A_162 = arith.index_cast %parallel_loop3A_161 : i32 to index
      %parallel_loop3A_163 = tpu.vector_load %arg7[%parallel_loop3A_162] {strides = array<i32>} : memref<32768xf32, #tpu.memory_space<vmem>>, vector<16xf32>,
      tpu.vector_store %arg7[%parallel_loop3A_162], %parallel_loop3A_159 {strides = array<i32>} : memref<32768xf32, #tpu.memory_space<vmem>>, vector<16xf32>,
      %parallel_loop3A_164 = vector.extract_strided_slice %parallel_loop3A_43 {offsets = [6], sizes = [1], strides = [1]} : vector<16xi32> to vector<1xi32>
      %parallel_loop3A_165 = vector.extract %parallel_loop3A_164[0] : i32 from vector<1xi32>
      %parallel_loop3A_166 = arith.constant 16 : i32
      %parallel_loop3A_167 = arith.muli %parallel_loop3A_36, %parallel_loop3A_166 : i32
      %parallel_loop3A_168 = arith.constant 6 : i32
      %parallel_loop3A_169 = arith.addi %parallel_loop3A_167, %parallel_loop3A_168 : i32
      %parallel_loop3A_170 = arith.constant 32 : i32
      %parallel_loop3A_171 = arith.muli %parallel_loop3A_169, %parallel_loop3A_170 : i32
      %parallel_loop3A_172 = arith.index_cast %parallel_loop3A_165 : i32 to index
      %parallel_loop3A_173 = tpu.vector_load %arg5[%parallel_loop3A_172] {strides = array<i32>} : memref<32768xf32, #tpu.memory_space<vmem>>, vector<16xf32>,
      %parallel_loop3A_174 = arith.index_cast %parallel_loop3A_171 : i32 to index
      %parallel_loop3A_175 = tpu.vector_load %arg7[%parallel_loop3A_174] {strides = array<i32>} : memref<32768xf32, #tpu.memory_space<vmem>>, vector<16xf32>,
      tpu.vector_store %arg7[%parallel_loop3A_174], %parallel_loop3A_173 {strides = array<i32>} : memref<32768xf32, #tpu.memory_space<vmem>>, vector<16xf32>,
      %parallel_loop3A_176 = arith.constant 16 : i32
      %parallel_loop3A_177 = arith.addi %parallel_loop3A_165, %parallel_loop3A_176 : i32
      %parallel_loop3A_178 = arith.index_cast %parallel_loop3A_177 : i32 to index
      %parallel_loop3A_179 = tpu.vector_load %arg5[%parallel_loop3A_178] {strides = array<i32>} : memref<32768xf32, #tpu.memory_space<vmem>>, vector<16xf32>,
      %parallel_loop3A_180 = arith.constant 16 : i32
      %parallel_loop3A_181 = arith.addi %parallel_loop3A_171, %parallel_loop3A_180 : i32
      %parallel_loop3A_182 = arith.index_cast %parallel_loop3A_181 : i32 to index
      %parallel_loop3A_183 = tpu.vector_load %arg7[%parallel_loop3A_182] {strides = array<i32>} : memref<32768xf32, #tpu.memory_space<vmem>>, vector<16xf32>,
      tpu.vector_store %arg7[%parallel_loop3A_182], %parallel_loop3A_179 {strides = array<i32>} : memref<32768xf32, #tpu.memory_space<vmem>>, vector<16xf32>,
      %parallel_loop3A_184 = vector.extract_strided_slice %parallel_loop3A_43 {offsets = [7], sizes = [1], strides = [1]} : vector<16xi32> to vector<1xi32>
      %parallel_loop3A_185 = vector.extract %parallel_loop3A_184[0] : i32 from vector<1xi32>
      %parallel_loop3A_186 = arith.constant 16 : i32
      %parallel_loop3A_187 = arith.muli %parallel_loop3A_36, %parallel_loop3A_186 : i32
      %parallel_loop3A_188 = arith.constant 7 : i32
      %parallel_loop3A_189 = arith.addi %parallel_loop3A_187, %parallel_loop3A_188 : i32
      %parallel_loop3A_190 = arith.constant 32 : i32
      %parallel_loop3A_191 = arith.muli %parallel_loop3A_189, %parallel_loop3A_190 : i32
      %parallel_loop3A_192 = arith.index_cast %parallel_loop3A_185 : i32 to index
      %parallel_loop3A_193 = tpu.vector_load %arg5[%parallel_loop3A_192] {strides = array<i32>} : memref<32768xf32, #tpu.memory_space<vmem>>, vector<16xf32>,
      %parallel_loop3A_194 = arith.index_cast %parallel_loop3A_191 : i32 to index
      %parallel_loop3A_195 = tpu.vector_load %arg7[%parallel_loop3A_194] {strides = array<i32>} : memref<32768xf32, #tpu.memory_space<vmem>>, vector<16xf32>,
      tpu.vector_store %arg7[%parallel_loop3A_194], %parallel_loop3A_193 {strides = array<i32>} : memref<32768xf32, #tpu.memory_space<vmem>>, vector<16xf32>,
      %parallel_loop3A_196 = arith.constant 16 : i32
      %parallel_loop3A_197 = arith.addi %parallel_loop3A_185, %parallel_loop3A_196 : i32
      %parallel_loop3A_198 = arith.index_cast %parallel_loop3A_197 : i32 to index
      %parallel_loop3A_199 = tpu.vector_load %arg5[%parallel_loop3A_198] {strides = array<i32>} : memref<32768xf32, #tpu.memory_space<vmem>>, vector<16xf32>,
      %parallel_loop3A_200 = arith.constant 16 : i32
      %parallel_loop3A_201 = arith.addi %parallel_loop3A_191, %parallel_loop3A_200 : i32
      %parallel_loop3A_202 = arith.index_cast %parallel_loop3A_201 : i32 to index
      %parallel_loop3A_203 = tpu.vector_load %arg7[%parallel_loop3A_202] {strides = array<i32>} : memref<32768xf32, #tpu.memory_space<vmem>>, vector<16xf32>,
      tpu.vector_store %arg7[%parallel_loop3A_202], %parallel_loop3A_199 {strides = array<i32>} : memref<32768xf32, #tpu.memory_space<vmem>>, vector<16xf32>,
      %parallel_loop3A_204 = vector.extract_strided_slice %parallel_loop3A_43 {offsets = [8], sizes = [1], strides = [1]} : vector<16xi32> to vector<1xi32>
      %parallel_loop3A_205 = vector.extract %parallel_loop3A_204[0] : i32 from vector<1xi32>
      %parallel_loop3A_206 = arith.constant 16 : i32
      %parallel_loop3A_207 = arith.muli %parallel_loop3A_36, %parallel_loop3A_206 : i32
      %parallel_loop3A_208 = arith.constant 8 : i32
      %parallel_loop3A_209 = arith.addi %parallel_loop3A_207, %parallel_loop3A_208 : i32
      %parallel_loop3A_210 = arith.constant 32 : i32
      %parallel_loop3A_211 = arith.muli %parallel_loop3A_209, %parallel_loop3A_210 : i32
      %parallel_loop3A_212 = arith.index_cast %parallel_loop3A_205 : i32 to index
      %parallel_loop3A_213 = tpu.vector_load %arg5[%parallel_loop3A_212] {strides = array<i32>} : memref<32768xf32, #tpu.memory_space<vmem>>, vector<16xf32>,
      %parallel_loop3A_214 = arith.index_cast %parallel_loop3A_211 : i32 to index
      %parallel_loop3A_215 = tpu.vector_load %arg7[%parallel_loop3A_214] {strides = array<i32>} : memref<32768xf32, #tpu.memory_space<vmem>>, vector<16xf32>,
      tpu.vector_store %arg7[%parallel_loop3A_214], %parallel_loop3A_213 {strides = array<i32>} : memref<32768xf32, #tpu.memory_space<vmem>>, vector<16xf32>,
      %parallel_loop3A_216 = arith.constant 16 : i32
      %parallel_loop3A_217 = arith.addi %parallel_loop3A_205, %parallel_loop3A_216 : i32
      %parallel_loop3A_218 = arith.index_cast %parallel_loop3A_217 : i32 to index
      %parallel_loop3A_219 = tpu.vector_load %arg5[%parallel_loop3A_218] {strides = array<i32>} : memref<32768xf32, #tpu.memory_space<vmem>>, vector<16xf32>,
      %parallel_loop3A_220 = arith.constant 16 : i32
      %parallel_loop3A_221 = arith.addi %parallel_loop3A_211, %parallel_loop3A_220 : i32
      %parallel_loop3A_222 = arith.index_cast %parallel_loop3A_221 : i32 to index
      %parallel_loop3A_223 = tpu.vector_load %arg7[%parallel_loop3A_222] {strides = array<i32>} : memref<32768xf32, #tpu.memory_space<vmem>>, vector<16xf32>,
      tpu.vector_store %arg7[%parallel_loop3A_222], %parallel_loop3A_219 {strides = array<i32>} : memref<32768xf32, #tpu.memory_space<vmem>>, vector<16xf32>,
      %parallel_loop3A_224 = vector.extract_strided_slice %parallel_loop3A_43 {offsets = [9], sizes = [1], strides = [1]} : vector<16xi32> to vector<1xi32>
      %parallel_loop3A_225 = vector.extract %parallel_loop3A_224[0] : i32 from vector<1xi32>
      %parallel_loop3A_226 = arith.constant 16 : i32
      %parallel_loop3A_227 = arith.muli %parallel_loop3A_36, %parallel_loop3A_226 : i32
      %parallel_loop3A_228 = arith.constant 9 : i32
      %parallel_loop3A_229 = arith.addi %parallel_loop3A_227, %parallel_loop3A_228 : i32
      %parallel_loop3A_230 = arith.constant 32 : i32
      %parallel_loop3A_231 = arith.muli %parallel_loop3A_229, %parallel_loop3A_230 : i32
      %parallel_loop3A_232 = arith.index_cast %parallel_loop3A_225 : i32 to index
      %parallel_loop3A_233 = tpu.vector_load %arg5[%parallel_loop3A_232] {strides = array<i32>} : memref<32768xf32, #tpu.memory_space<vmem>>, vector<16xf32>,
      %parallel_loop3A_234 = arith.index_cast %parallel_loop3A_231 : i32 to index
      %parallel_loop3A_235 = tpu.vector_load %arg7[%parallel_loop3A_234] {strides = array<i32>} : memref<32768xf32, #tpu.memory_space<vmem>>, vector<16xf32>,
      tpu.vector_store %arg7[%parallel_loop3A_234], %parallel_loop3A_233 {strides = array<i32>} : memref<32768xf32, #tpu.memory_space<vmem>>, vector<16xf32>,
      %parallel_loop3A_236 = arith.constant 16 : i32
      %parallel_loop3A_237 = arith.addi %parallel_loop3A_225, %parallel_loop3A_236 : i32
      %parallel_loop3A_238 = arith.index_cast %parallel_loop3A_237 : i32 to index
      %parallel_loop3A_239 = tpu.vector_load %arg5[%parallel_loop3A_238] {strides = array<i32>} : memref<32768xf32, #tpu.memory_space<vmem>>, vector<16xf32>,
      %parallel_loop3A_240 = arith.constant 16 : i32
      %parallel_loop3A_241 = arith.addi %parallel_loop3A_231, %parallel_loop3A_240 : i32
      %parallel_loop3A_242 = arith.index_cast %parallel_loop3A_241 : i32 to index
      %parallel_loop3A_243 = tpu.vector_load %arg7[%parallel_loop3A_242] {strides = array<i32>} : memref<32768xf32, #tpu.memory_space<vmem>>, vector<16xf32>,
      tpu.vector_store %arg7[%parallel_loop3A_242], %parallel_loop3A_239 {strides = array<i32>} : memref<32768xf32, #tpu.memory_space<vmem>>, vector<16xf32>,
      %parallel_loop3A_244 = vector.extract_strided_slice %parallel_loop3A_43 {offsets = [10], sizes = [1], strides = [1]} : vector<16xi32> to vector<1xi32>
      %parallel_loop3A_245 = vector.extract %parallel_loop3A_244[0] : i32 from vector<1xi32>
      %parallel_loop3A_246 = arith.constant 16 : i32
      %parallel_loop3A_247 = arith.muli %parallel_loop3A_36, %parallel_loop3A_246 : i32
      %parallel_loop3A_248 = arith.constant 10 : i32
      %parallel_loop3A_249 = arith.addi %parallel_loop3A_247, %parallel_loop3A_248 : i32
      %parallel_loop3A_250 = arith.constant 32 : i32
      %parallel_loop3A_251 = arith.muli %parallel_loop3A_249, %parallel_loop3A_250 : i32
      %parallel_loop3A_252 = arith.index_cast %parallel_loop3A_245 : i32 to index
      %parallel_loop3A_253 = tpu.vector_load %arg5[%parallel_loop3A_252] {strides = array<i32>} : memref<32768xf32, #tpu.memory_space<vmem>>, vector<16xf32>,
      %parallel_loop3A_254 = arith.index_cast %parallel_loop3A_251 : i32 to index
      %parallel_loop3A_255 = tpu.vector_load %arg7[%parallel_loop3A_254] {strides = array<i32>} : memref<32768xf32, #tpu.memory_space<vmem>>, vector<16xf32>,
      tpu.vector_store %arg7[%parallel_loop3A_254], %parallel_loop3A_253 {strides = array<i32>} : memref<32768xf32, #tpu.memory_space<vmem>>, vector<16xf32>,
      %parallel_loop3A_256 = arith.constant 16 : i32
      %parallel_loop3A_257 = arith.addi %parallel_loop3A_245, %parallel_loop3A_256 : i32
      %parallel_loop3A_258 = arith.index_cast %parallel_loop3A_257 : i32 to index
      %parallel_loop3A_259 = tpu.vector_load %arg5[%parallel_loop3A_258] {strides = array<i32>} : memref<32768xf32, #tpu.memory_space<vmem>>, vector<16xf32>,
      %parallel_loop3A_260 = arith.constant 16 : i32
      %parallel_loop3A_261 = arith.addi %parallel_loop3A_251, %parallel_loop3A_260 : i32
      %parallel_loop3A_262 = arith.index_cast %parallel_loop3A_261 : i32 to index
      %parallel_loop3A_263 = tpu.vector_load %arg7[%parallel_loop3A_262] {strides = array<i32>} : memref<32768xf32, #tpu.memory_space<vmem>>, vector<16xf32>,
      tpu.vector_store %arg7[%parallel_loop3A_262], %parallel_loop3A_259 {strides = array<i32>} : memref<32768xf32, #tpu.memory_space<vmem>>, vector<16xf32>,
      %parallel_loop3A_264 = vector.extract_strided_slice %parallel_loop3A_43 {offsets = [11], sizes = [1], strides = [1]} : vector<16xi32> to vector<1xi32>
      %parallel_loop3A_265 = vector.extract %parallel_loop3A_264[0] : i32 from vector<1xi32>
      %parallel_loop3A_266 = arith.constant 16 : i32
      %parallel_loop3A_267 = arith.muli %parallel_loop3A_36, %parallel_loop3A_266 : i32
      %parallel_loop3A_268 = arith.constant 11 : i32
      %parallel_loop3A_269 = arith.addi %parallel_loop3A_267, %parallel_loop3A_268 : i32
      %parallel_loop3A_270 = arith.constant 32 : i32
      %parallel_loop3A_271 = arith.muli %parallel_loop3A_269, %parallel_loop3A_270 : i32
      %parallel_loop3A_272 = arith.index_cast %parallel_loop3A_265 : i32 to index
      %parallel_loop3A_273 = tpu.vector_load %arg5[%parallel_loop3A_272] {strides = array<i32>} : memref<32768xf32, #tpu.memory_space<vmem>>, vector<16xf32>,
      %parallel_loop3A_274 = arith.index_cast %parallel_loop3A_271 : i32 to index
      %parallel_loop3A_275 = tpu.vector_load %arg7[%parallel_loop3A_274] {strides = array<i32>} : memref<32768xf32, #tpu.memory_space<vmem>>, vector<16xf32>,
      tpu.vector_store %arg7[%parallel_loop3A_274], %parallel_loop3A_273 {strides = array<i32>} : memref<32768xf32, #tpu.memory_space<vmem>>, vector<16xf32>,
      %parallel_loop3A_276 = arith.constant 16 : i32
      %parallel_loop3A_277 = arith.addi %parallel_loop3A_265, %parallel_loop3A_276 : i32
      %parallel_loop3A_278 = arith.index_cast %parallel_loop3A_277 : i32 to index
      %parallel_loop3A_279 = tpu.vector_load %arg5[%parallel_loop3A_278] {strides = array<i32>} : memref<32768xf32, #tpu.memory_space<vmem>>, vector<16xf32>,
      %parallel_loop3A_280 = arith.constant 16 : i32
      %parallel_loop3A_281 = arith.addi %parallel_loop3A_271, %parallel_loop3A_280 : i32
      %parallel_loop3A_282 = arith.index_cast %parallel_loop3A_281 : i32 to index
      %parallel_loop3A_283 = tpu.vector_load %arg7[%parallel_loop3A_282] {strides = array<i32>} : memref<32768xf32, #tpu.memory_space<vmem>>, vector<16xf32>,
      tpu.vector_store %arg7[%parallel_loop3A_282], %parallel_loop3A_279 {strides = array<i32>} : memref<32768xf32, #tpu.memory_space<vmem>>, vector<16xf32>,
      %parallel_loop3A_284 = vector.extract_strided_slice %parallel_loop3A_43 {offsets = [12], sizes = [1], strides = [1]} : vector<16xi32> to vector<1xi32>
      %parallel_loop3A_285 = vector.extract %parallel_loop3A_284[0] : i32 from vector<1xi32>
      %parallel_loop3A_286 = arith.constant 16 : i32
      %parallel_loop3A_287 = arith.muli %parallel_loop3A_36, %parallel_loop3A_286 : i32
      %parallel_loop3A_288 = arith.constant 12 : i32
      %parallel_loop3A_289 = arith.addi %parallel_loop3A_287, %parallel_loop3A_288 : i32
      %parallel_loop3A_290 = arith.constant 32 : i32
      %parallel_loop3A_291 = arith.muli %parallel_loop3A_289, %parallel_loop3A_290 : i32
      %parallel_loop3A_292 = arith.index_cast %parallel_loop3A_285 : i32 to index
      %parallel_loop3A_293 = tpu.vector_load %arg5[%parallel_loop3A_292] {strides = array<i32>} : memref<32768xf32, #tpu.memory_space<vmem>>, vector<16xf32>,
      %parallel_loop3A_294 = arith.index_cast %parallel_loop3A_291 : i32 to index
      %parallel_loop3A_295 = tpu.vector_load %arg7[%parallel_loop3A_294] {strides = array<i32>} : memref<32768xf32, #tpu.memory_space<vmem>>, vector<16xf32>,
      tpu.vector_store %arg7[%parallel_loop3A_294], %parallel_loop3A_293 {strides = array<i32>} : memref<32768xf32, #tpu.memory_space<vmem>>, vector<16xf32>,
      %parallel_loop3A_296 = arith.constant 16 : i32
      %parallel_loop3A_297 = arith.addi %parallel_loop3A_285, %parallel_loop3A_296 : i32
      %parallel_loop3A_298 = arith.index_cast %parallel_loop3A_297 : i32 to index
      %parallel_loop3A_299 = tpu.vector_load %arg5[%parallel_loop3A_298] {strides = array<i32>} : memref<32768xf32, #tpu.memory_space<vmem>>, vector<16xf32>,
      %parallel_loop3A_300 = arith.constant 16 : i32
      %parallel_loop3A_301 = arith.addi %parallel_loop3A_291, %parallel_loop3A_300 : i32
      %parallel_loop3A_302 = arith.index_cast %parallel_loop3A_301 : i32 to index
      %parallel_loop3A_303 = tpu.vector_load %arg7[%parallel_loop3A_302] {strides = array<i32>} : memref<32768xf32, #tpu.memory_space<vmem>>, vector<16xf32>,
      tpu.vector_store %arg7[%parallel_loop3A_302], %parallel_loop3A_299 {strides = array<i32>} : memref<32768xf32, #tpu.memory_space<vmem>>, vector<16xf32>,
      %parallel_loop3A_304 = vector.extract_strided_slice %parallel_loop3A_43 {offsets = [13], sizes = [1], strides = [1]} : vector<16xi32> to vector<1xi32>
      %parallel_loop3A_305 = vector.extract %parallel_loop3A_304[0] : i32 from vector<1xi32>
      %parallel_loop3A_306 = arith.constant 16 : i32
      %parallel_loop3A_307 = arith.muli %parallel_loop3A_36, %parallel_loop3A_306 : i32
      %parallel_loop3A_308 = arith.constant 13 : i32
      %parallel_loop3A_309 = arith.addi %parallel_loop3A_307, %parallel_loop3A_308 : i32
      %parallel_loop3A_310 = arith.constant 32 : i32
      %parallel_loop3A_311 = arith.muli %parallel_loop3A_309, %parallel_loop3A_310 : i32
      %parallel_loop3A_312 = arith.index_cast %parallel_loop3A_305 : i32 to index
      %parallel_loop3A_313 = tpu.vector_load %arg5[%parallel_loop3A_312] {strides = array<i32>} : memref<32768xf32, #tpu.memory_space<vmem>>, vector<16xf32>,
      %parallel_loop3A_314 = arith.index_cast %parallel_loop3A_311 : i32 to index
      %parallel_loop3A_315 = tpu.vector_load %arg7[%parallel_loop3A_314] {strides = array<i32>} : memref<32768xf32, #tpu.memory_space<vmem>>, vector<16xf32>,
      tpu.vector_store %arg7[%parallel_loop3A_314], %parallel_loop3A_313 {strides = array<i32>} : memref<32768xf32, #tpu.memory_space<vmem>>, vector<16xf32>,
      %parallel_loop3A_316 = arith.constant 16 : i32
      %parallel_loop3A_317 = arith.addi %parallel_loop3A_305, %parallel_loop3A_316 : i32
      %parallel_loop3A_318 = arith.index_cast %parallel_loop3A_317 : i32 to index
      %parallel_loop3A_319 = tpu.vector_load %arg5[%parallel_loop3A_318] {strides = array<i32>} : memref<32768xf32, #tpu.memory_space<vmem>>, vector<16xf32>,
      %parallel_loop3A_320 = arith.constant 16 : i32
      %parallel_loop3A_321 = arith.addi %parallel_loop3A_311, %parallel_loop3A_320 : i32
      %parallel_loop3A_322 = arith.index_cast %parallel_loop3A_321 : i32 to index
      %parallel_loop3A_323 = tpu.vector_load %arg7[%parallel_loop3A_322] {strides = array<i32>} : memref<32768xf32, #tpu.memory_space<vmem>>, vector<16xf32>,
      tpu.vector_store %arg7[%parallel_loop3A_322], %parallel_loop3A_319 {strides = array<i32>} : memref<32768xf32, #tpu.memory_space<vmem>>, vector<16xf32>,
      %parallel_loop3A_324 = vector.extract_strided_slice %parallel_loop3A_43 {offsets = [14], sizes = [1], strides = [1]} : vector<16xi32> to vector<1xi32>
      %parallel_loop3A_325 = vector.extract %parallel_loop3A_324[0] : i32 from vector<1xi32>
      %parallel_loop3A_326 = arith.constant 16 : i32
      %parallel_loop3A_327 = arith.muli %parallel_loop3A_36, %parallel_loop3A_326 : i32
      %parallel_loop3A_328 = arith.constant 14 : i32
      %parallel_loop3A_329 = arith.addi %parallel_loop3A_327, %parallel_loop3A_328 : i32
      %parallel_loop3A_330 = arith.constant 32 : i32
      %parallel_loop3A_331 = arith.muli %parallel_loop3A_329, %parallel_loop3A_330 : i32
      %parallel_loop3A_332 = arith.index_cast %parallel_loop3A_325 : i32 to index
      %parallel_loop3A_333 = tpu.vector_load %arg5[%parallel_loop3A_332] {strides = array<i32>} : memref<32768xf32, #tpu.memory_space<vmem>>, vector<16xf32>,
      %parallel_loop3A_334 = arith.index_cast %parallel_loop3A_331 : i32 to index
      %parallel_loop3A_335 = tpu.vector_load %arg7[%parallel_loop3A_334] {strides = array<i32>} : memref<32768xf32, #tpu.memory_space<vmem>>, vector<16xf32>,
      tpu.vector_store %arg7[%parallel_loop3A_334], %parallel_loop3A_333 {strides = array<i32>} : memref<32768xf32, #tpu.memory_space<vmem>>, vector<16xf32>,
      %parallel_loop3A_336 = arith.constant 16 : i32
      %parallel_loop3A_337 = arith.addi %parallel_loop3A_325, %parallel_loop3A_336 : i32
      %parallel_loop3A_338 = arith.index_cast %parallel_loop3A_337 : i32 to index
      %parallel_loop3A_339 = tpu.vector_load %arg5[%parallel_loop3A_338] {strides = array<i32>} : memref<32768xf32, #tpu.memory_space<vmem>>, vector<16xf32>,
      %parallel_loop3A_340 = arith.constant 16 : i32
      %parallel_loop3A_341 = arith.addi %parallel_loop3A_331, %parallel_loop3A_340 : i32
      %parallel_loop3A_342 = arith.index_cast %parallel_loop3A_341 : i32 to index
      %parallel_loop3A_343 = tpu.vector_load %arg7[%parallel_loop3A_342] {strides = array<i32>} : memref<32768xf32, #tpu.memory_space<vmem>>, vector<16xf32>,
      tpu.vector_store %arg7[%parallel_loop3A_342], %parallel_loop3A_339 {strides = array<i32>} : memref<32768xf32, #tpu.memory_space<vmem>>, vector<16xf32>,
      %parallel_loop3A_344 = vector.extract_strided_slice %parallel_loop3A_43 {offsets = [15], sizes = [1], strides = [1]} : vector<16xi32> to vector<1xi32>
      %parallel_loop3A_345 = vector.extract %parallel_loop3A_344[0] : i32 from vector<1xi32>
      %parallel_loop3A_346 = arith.constant 16 : i32
      %parallel_loop3A_347 = arith.muli %parallel_loop3A_36, %parallel_loop3A_346 : i32
      %parallel_loop3A_348 = arith.constant 15 : i32
      %parallel_loop3A_349 = arith.addi %parallel_loop3A_347, %parallel_loop3A_348 : i32
      %parallel_loop3A_350 = arith.constant 32 : i32
      %parallel_loop3A_351 = arith.muli %parallel_loop3A_349, %parallel_loop3A_350 : i32
      %parallel_loop3A_352 = arith.index_cast %parallel_loop3A_345 : i32 to index
      %parallel_loop3A_353 = tpu.vector_load %arg5[%parallel_loop3A_352] {strides = array<i32>} : memref<32768xf32, #tpu.memory_space<vmem>>, vector<16xf32>,
      %parallel_loop3A_354 = arith.index_cast %parallel_loop3A_351 : i32 to index
      %parallel_loop3A_355 = tpu.vector_load %arg7[%parallel_loop3A_354] {strides = array<i32>} : memref<32768xf32, #tpu.memory_space<vmem>>, vector<16xf32>,
      tpu.vector_store %arg7[%parallel_loop3A_354], %parallel_loop3A_353 {strides = array<i32>} : memref<32768xf32, #tpu.memory_space<vmem>>, vector<16xf32>,
      %parallel_loop3A_356 = arith.constant 16 : i32
      %parallel_loop3A_357 = arith.addi %parallel_loop3A_345, %parallel_loop3A_356 : i32
      %parallel_loop3A_358 = arith.index_cast %parallel_loop3A_357 : i32 to index
      %parallel_loop3A_359 = tpu.vector_load %arg5[%parallel_loop3A_358] {strides = array<i32>} : memref<32768xf32, #tpu.memory_space<vmem>>, vector<16xf32>,
      %parallel_loop3A_360 = arith.constant 16 : i32
      %parallel_loop3A_361 = arith.addi %parallel_loop3A_351, %parallel_loop3A_360 : i32
      %parallel_loop3A_362 = arith.index_cast %parallel_loop3A_361 : i32 to index
      %parallel_loop3A_363 = tpu.vector_load %arg7[%parallel_loop3A_362] {strides = array<i32>} : memref<32768xf32, #tpu.memory_space<vmem>>, vector<16xf32>,
      tpu.vector_store %arg7[%parallel_loop3A_362], %parallel_loop3A_359 {strides = array<i32>} : memref<32768xf32, #tpu.memory_space<vmem>>, vector<16xf32>,
    } {sc.loop_unroll_factor = 2 : i64, sc.parallel_access}
    %mul3A_16 = arith.constant 32 : i32
    %mul3A_17 = arith.muli %add3A_12, %mul3A_16 : i32
    "tpu.region"() ({
      %run_scoped3A = tpu.sem_alloc : memref<!tpu.dma_semaphore, #tpu.memory_space<semaphore_mem>>
      %dma_start3A = tpu.memref_slice %arg4[%mul3A_17] : memref<4194304xf32, #tpu.memory_space<hbm>> -> memref<32768xf32, #tpu.memory_space<hbm>>
      %dma_start3A_36 = tpu.memref_slice %arg4[%mul3A_17] : memref<4194304xf32, #tpu.memory_space<hbm>> -> memref<32768xf32, #tpu.memory_space<hbm>>
      tpu.enqueue_dma source(%arg7 : memref<32768xf32, #tpu.memory_space<vmem>>) target(%dma_start3A_36 : memref<32768xf32, #tpu.memory_space<hbm>>) target_semaphore(%run_scoped3A : memref<!tpu.dma_semaphore, #tpu.memory_space<semaphore_mem>>)
      %dma_wait3A = tpu.memref_slice %arg4[%mul3A_17] : memref<4194304xf32, #tpu.memory_space<hbm>> -> memref<32768xf32, #tpu.memory_space<hbm>>
      %dma_wait3A_37 = tpu.memref_slice %arg4[%mul3A_17] : memref<4194304xf32, #tpu.memory_space<hbm>> -> memref<32768xf32, #tpu.memory_space<hbm>>
      tpu.wait_dma2 semaphore(%run_scoped3A : memref<!tpu.dma_semaphore, #tpu.memory_space<semaphore_mem>>) src(%arg7 : memref<32768xf32, #tpu.memory_space<vmem>>) dst(%dma_wait3A_37 : memref<32768xf32, #tpu.memory_space<hbm>>)
      tpu.yield
    }) : () -> ()
    %mul3A_18 = arith.constant 4096 : i32
    %mul3A_19 = arith.muli %add3A, %mul3A_18 : i32
    %add3A_20 = arith.constant 2048 : i32
    %add3A_21 = arith.addi %mul3A_19, %add3A_20 : i32
    "tpu.region"() ({
      %run_scoped3A = tpu.sem_alloc : memref<!tpu.dma_semaphore, #tpu.memory_space<semaphore_mem>>
      %dma_start3A = tpu.memref_slice %arg3[%add3A_21] : memref<131072xi32, #tpu.memory_space<hbm>> -> memref<1024xi32, #tpu.memory_space<hbm>>
      %dma_start3A_36 = tpu.memref_slice %arg3[%add3A_21] : memref<131072xi32, #tpu.memory_space<hbm>> -> memref<1024xi32, #tpu.memory_space<hbm>>
      tpu.enqueue_dma source(%dma_start3A_36 : memref<1024xi32, #tpu.memory_space<hbm>>) target(%arg6 : memref<1024xi32, #tpu.memory_space<vmem>>) target_semaphore(%run_scoped3A : memref<!tpu.dma_semaphore, #tpu.memory_space<semaphore_mem>>)
      %dma_wait3A = tpu.memref_slice %arg3[%add3A_21] : memref<131072xi32, #tpu.memory_space<hbm>> -> memref<1024xi32, #tpu.memory_space<hbm>>
      %dma_wait3A_37 = tpu.memref_slice %arg3[%add3A_21] : memref<131072xi32, #tpu.memory_space<hbm>> -> memref<1024xi32, #tpu.memory_space<hbm>>
      tpu.wait_dma2 semaphore(%run_scoped3A : memref<!tpu.dma_semaphore, #tpu.memory_space<semaphore_mem>>) src(%dma_wait3A_37 : memref<1024xi32, #tpu.memory_space<hbm>>) dst(%arg6 : memref<1024xi32, #tpu.memory_space<vmem>>)
      tpu.yield
    }) : () -> ()
    %parallel_loop3A_22 = arith.constant 0 : i32
    %parallel_loop3A_23 = arith.constant 64 : i32
    %parallel_loop3A_24 = arith.constant 1 : i32
    scf.for %parallel_loop3A_36 = %parallel_loop3A_22 to %parallel_loop3A_23 step %parallel_loop3A_24  : i32 {
      %parallel_loop3A_37 = arith.constant 16 : i32
      %parallel_loop3A_38 = arith.muli %parallel_loop3A_36, %parallel_loop3A_37 : i32
      %parallel_loop3A_39 = arith.index_cast %parallel_loop3A_38 : i32 to index
      %parallel_loop3A_40 = tpu.vector_load %arg6[%parallel_loop3A_39] {strides = array<i32>} : memref<1024xi32, #tpu.memory_space<vmem>>, vector<16xi32>,
      %parallel_loop3A_41 = arith.constant 32 : i32
      %parallel_loop3A_42 = vector.broadcast %parallel_loop3A_41 : i32 to vector<16xi32>
      %parallel_loop3A_43 = arith.muli %parallel_loop3A_40, %parallel_loop3A_42 : vector<16xi32>
      %parallel_loop3A_44 = vector.extract_strided_slice %parallel_loop3A_43 {offsets = [0], sizes = [1], strides = [1]} : vector<16xi32> to vector<1xi32>
      %parallel_loop3A_45 = vector.extract %parallel_loop3A_44[0] : i32 from vector<1xi32>
      %parallel_loop3A_46 = arith.constant 16 : i32
      %parallel_loop3A_47 = arith.muli %parallel_loop3A_36, %parallel_loop3A_46 : i32
      %parallel_loop3A_48 = arith.constant 0 : i32
      %parallel_loop3A_49 = arith.addi %parallel_loop3A_47, %parallel_loop3A_48 : i32
      %parallel_loop3A_50 = arith.constant 32 : i32
      %parallel_loop3A_51 = arith.muli %parallel_loop3A_49, %parallel_loop3A_50 : i32
      %parallel_loop3A_52 = arith.index_cast %parallel_loop3A_45 : i32 to index
      %parallel_loop3A_53 = tpu.vector_load %arg5[%parallel_loop3A_52] {strides = array<i32>} : memref<32768xf32, #tpu.memory_space<vmem>>, vector<16xf32>,
      %parallel_loop3A_54 = arith.index_cast %parallel_loop3A_51 : i32 to index
      %parallel_loop3A_55 = tpu.vector_load %arg7[%parallel_loop3A_54] {strides = array<i32>} : memref<32768xf32, #tpu.memory_space<vmem>>, vector<16xf32>,
      tpu.vector_store %arg7[%parallel_loop3A_54], %parallel_loop3A_53 {strides = array<i32>} : memref<32768xf32, #tpu.memory_space<vmem>>, vector<16xf32>,
      %parallel_loop3A_56 = arith.constant 16 : i32
      %parallel_loop3A_57 = arith.addi %parallel_loop3A_45, %parallel_loop3A_56 : i32
      %parallel_loop3A_58 = arith.index_cast %parallel_loop3A_57 : i32 to index
      %parallel_loop3A_59 = tpu.vector_load %arg5[%parallel_loop3A_58] {strides = array<i32>} : memref<32768xf32, #tpu.memory_space<vmem>>, vector<16xf32>,
      %parallel_loop3A_60 = arith.constant 16 : i32
      %parallel_loop3A_61 = arith.addi %parallel_loop3A_51, %parallel_loop3A_60 : i32
      %parallel_loop3A_62 = arith.index_cast %parallel_loop3A_61 : i32 to index
      %parallel_loop3A_63 = tpu.vector_load %arg7[%parallel_loop3A_62] {strides = array<i32>} : memref<32768xf32, #tpu.memory_space<vmem>>, vector<16xf32>,
      tpu.vector_store %arg7[%parallel_loop3A_62], %parallel_loop3A_59 {strides = array<i32>} : memref<32768xf32, #tpu.memory_space<vmem>>, vector<16xf32>,
      %parallel_loop3A_64 = vector.extract_strided_slice %parallel_loop3A_43 {offsets = [1], sizes = [1], strides = [1]} : vector<16xi32> to vector<1xi32>
      %parallel_loop3A_65 = vector.extract %parallel_loop3A_64[0] : i32 from vector<1xi32>
      %parallel_loop3A_66 = arith.constant 16 : i32
      %parallel_loop3A_67 = arith.muli %parallel_loop3A_36, %parallel_loop3A_66 : i32
      %parallel_loop3A_68 = arith.constant 1 : i32
      %parallel_loop3A_69 = arith.addi %parallel_loop3A_67, %parallel_loop3A_68 : i32
      %parallel_loop3A_70 = arith.constant 32 : i32
      %parallel_loop3A_71 = arith.muli %parallel_loop3A_69, %parallel_loop3A_70 : i32
      %parallel_loop3A_72 = arith.index_cast %parallel_loop3A_65 : i32 to index
      %parallel_loop3A_73 = tpu.vector_load %arg5[%parallel_loop3A_72] {strides = array<i32>} : memref<32768xf32, #tpu.memory_space<vmem>>, vector<16xf32>,
      %parallel_loop3A_74 = arith.index_cast %parallel_loop3A_71 : i32 to index
      %parallel_loop3A_75 = tpu.vector_load %arg7[%parallel_loop3A_74] {strides = array<i32>} : memref<32768xf32, #tpu.memory_space<vmem>>, vector<16xf32>,
      tpu.vector_store %arg7[%parallel_loop3A_74], %parallel_loop3A_73 {strides = array<i32>} : memref<32768xf32, #tpu.memory_space<vmem>>, vector<16xf32>,
      %parallel_loop3A_76 = arith.constant 16 : i32
      %parallel_loop3A_77 = arith.addi %parallel_loop3A_65, %parallel_loop3A_76 : i32
      %parallel_loop3A_78 = arith.index_cast %parallel_loop3A_77 : i32 to index
      %parallel_loop3A_79 = tpu.vector_load %arg5[%parallel_loop3A_78] {strides = array<i32>} : memref<32768xf32, #tpu.memory_space<vmem>>, vector<16xf32>,
      %parallel_loop3A_80 = arith.constant 16 : i32
      %parallel_loop3A_81 = arith.addi %parallel_loop3A_71, %parallel_loop3A_80 : i32
      %parallel_loop3A_82 = arith.index_cast %parallel_loop3A_81 : i32 to index
      %parallel_loop3A_83 = tpu.vector_load %arg7[%parallel_loop3A_82] {strides = array<i32>} : memref<32768xf32, #tpu.memory_space<vmem>>, vector<16xf32>,
      tpu.vector_store %arg7[%parallel_loop3A_82], %parallel_loop3A_79 {strides = array<i32>} : memref<32768xf32, #tpu.memory_space<vmem>>, vector<16xf32>,
      %parallel_loop3A_84 = vector.extract_strided_slice %parallel_loop3A_43 {offsets = [2], sizes = [1], strides = [1]} : vector<16xi32> to vector<1xi32>
      %parallel_loop3A_85 = vector.extract %parallel_loop3A_84[0] : i32 from vector<1xi32>
      %parallel_loop3A_86 = arith.constant 16 : i32
      %parallel_loop3A_87 = arith.muli %parallel_loop3A_36, %parallel_loop3A_86 : i32
      %parallel_loop3A_88 = arith.constant 2 : i32
      %parallel_loop3A_89 = arith.addi %parallel_loop3A_87, %parallel_loop3A_88 : i32
      %parallel_loop3A_90 = arith.constant 32 : i32
      %parallel_loop3A_91 = arith.muli %parallel_loop3A_89, %parallel_loop3A_90 : i32
      %parallel_loop3A_92 = arith.index_cast %parallel_loop3A_85 : i32 to index
      %parallel_loop3A_93 = tpu.vector_load %arg5[%parallel_loop3A_92] {strides = array<i32>} : memref<32768xf32, #tpu.memory_space<vmem>>, vector<16xf32>,
      %parallel_loop3A_94 = arith.index_cast %parallel_loop3A_91 : i32 to index
      %parallel_loop3A_95 = tpu.vector_load %arg7[%parallel_loop3A_94] {strides = array<i32>} : memref<32768xf32, #tpu.memory_space<vmem>>, vector<16xf32>,
      tpu.vector_store %arg7[%parallel_loop3A_94], %parallel_loop3A_93 {strides = array<i32>} : memref<32768xf32, #tpu.memory_space<vmem>>, vector<16xf32>,
      %parallel_loop3A_96 = arith.constant 16 : i32
      %parallel_loop3A_97 = arith.addi %parallel_loop3A_85, %parallel_loop3A_96 : i32
      %parallel_loop3A_98 = arith.index_cast %parallel_loop3A_97 : i32 to index
      %parallel_loop3A_99 = tpu.vector_load %arg5[%parallel_loop3A_98] {strides = array<i32>} : memref<32768xf32, #tpu.memory_space<vmem>>, vector<16xf32>,
      %parallel_loop3A_100 = arith.constant 16 : i32
      %parallel_loop3A_101 = arith.addi %parallel_loop3A_91, %parallel_loop3A_100 : i32
      %parallel_loop3A_102 = arith.index_cast %parallel_loop3A_101 : i32 to index
      %parallel_loop3A_103 = tpu.vector_load %arg7[%parallel_loop3A_102] {strides = array<i32>} : memref<32768xf32, #tpu.memory_space<vmem>>, vector<16xf32>,
      tpu.vector_store %arg7[%parallel_loop3A_102], %parallel_loop3A_99 {strides = array<i32>} : memref<32768xf32, #tpu.memory_space<vmem>>, vector<16xf32>,
      %parallel_loop3A_104 = vector.extract_strided_slice %parallel_loop3A_43 {offsets = [3], sizes = [1], strides = [1]} : vector<16xi32> to vector<1xi32>
      %parallel_loop3A_105 = vector.extract %parallel_loop3A_104[0] : i32 from vector<1xi32>
      %parallel_loop3A_106 = arith.constant 16 : i32
      %parallel_loop3A_107 = arith.muli %parallel_loop3A_36, %parallel_loop3A_106 : i32
      %parallel_loop3A_108 = arith.constant 3 : i32
      %parallel_loop3A_109 = arith.addi %parallel_loop3A_107, %parallel_loop3A_108 : i32
      %parallel_loop3A_110 = arith.constant 32 : i32
      %parallel_loop3A_111 = arith.muli %parallel_loop3A_109, %parallel_loop3A_110 : i32
      %parallel_loop3A_112 = arith.index_cast %parallel_loop3A_105 : i32 to index
      %parallel_loop3A_113 = tpu.vector_load %arg5[%parallel_loop3A_112] {strides = array<i32>} : memref<32768xf32, #tpu.memory_space<vmem>>, vector<16xf32>,
      %parallel_loop3A_114 = arith.index_cast %parallel_loop3A_111 : i32 to index
      %parallel_loop3A_115 = tpu.vector_load %arg7[%parallel_loop3A_114] {strides = array<i32>} : memref<32768xf32, #tpu.memory_space<vmem>>, vector<16xf32>,
      tpu.vector_store %arg7[%parallel_loop3A_114], %parallel_loop3A_113 {strides = array<i32>} : memref<32768xf32, #tpu.memory_space<vmem>>, vector<16xf32>,
      %parallel_loop3A_116 = arith.constant 16 : i32
      %parallel_loop3A_117 = arith.addi %parallel_loop3A_105, %parallel_loop3A_116 : i32
      %parallel_loop3A_118 = arith.index_cast %parallel_loop3A_117 : i32 to index
      %parallel_loop3A_119 = tpu.vector_load %arg5[%parallel_loop3A_118] {strides = array<i32>} : memref<32768xf32, #tpu.memory_space<vmem>>, vector<16xf32>,
      %parallel_loop3A_120 = arith.constant 16 : i32
      %parallel_loop3A_121 = arith.addi %parallel_loop3A_111, %parallel_loop3A_120 : i32
      %parallel_loop3A_122 = arith.index_cast %parallel_loop3A_121 : i32 to index
      %parallel_loop3A_123 = tpu.vector_load %arg7[%parallel_loop3A_122] {strides = array<i32>} : memref<32768xf32, #tpu.memory_space<vmem>>, vector<16xf32>,
      tpu.vector_store %arg7[%parallel_loop3A_122], %parallel_loop3A_119 {strides = array<i32>} : memref<32768xf32, #tpu.memory_space<vmem>>, vector<16xf32>,
      %parallel_loop3A_124 = vector.extract_strided_slice %parallel_loop3A_43 {offsets = [4], sizes = [1], strides = [1]} : vector<16xi32> to vector<1xi32>
      %parallel_loop3A_125 = vector.extract %parallel_loop3A_124[0] : i32 from vector<1xi32>
      %parallel_loop3A_126 = arith.constant 16 : i32
      %parallel_loop3A_127 = arith.muli %parallel_loop3A_36, %parallel_loop3A_126 : i32
      %parallel_loop3A_128 = arith.constant 4 : i32
      %parallel_loop3A_129 = arith.addi %parallel_loop3A_127, %parallel_loop3A_128 : i32
      %parallel_loop3A_130 = arith.constant 32 : i32
      %parallel_loop3A_131 = arith.muli %parallel_loop3A_129, %parallel_loop3A_130 : i32
      %parallel_loop3A_132 = arith.index_cast %parallel_loop3A_125 : i32 to index
      %parallel_loop3A_133 = tpu.vector_load %arg5[%parallel_loop3A_132] {strides = array<i32>} : memref<32768xf32, #tpu.memory_space<vmem>>, vector<16xf32>,
      %parallel_loop3A_134 = arith.index_cast %parallel_loop3A_131 : i32 to index
      %parallel_loop3A_135 = tpu.vector_load %arg7[%parallel_loop3A_134] {strides = array<i32>} : memref<32768xf32, #tpu.memory_space<vmem>>, vector<16xf32>,
      tpu.vector_store %arg7[%parallel_loop3A_134], %parallel_loop3A_133 {strides = array<i32>} : memref<32768xf32, #tpu.memory_space<vmem>>, vector<16xf32>,
      %parallel_loop3A_136 = arith.constant 16 : i32
      %parallel_loop3A_137 = arith.addi %parallel_loop3A_125, %parallel_loop3A_136 : i32
      %parallel_loop3A_138 = arith.index_cast %parallel_loop3A_137 : i32 to index
      %parallel_loop3A_139 = tpu.vector_load %arg5[%parallel_loop3A_138] {strides = array<i32>} : memref<32768xf32, #tpu.memory_space<vmem>>, vector<16xf32>,
      %parallel_loop3A_140 = arith.constant 16 : i32
      %parallel_loop3A_141 = arith.addi %parallel_loop3A_131, %parallel_loop3A_140 : i32
      %parallel_loop3A_142 = arith.index_cast %parallel_loop3A_141 : i32 to index
      %parallel_loop3A_143 = tpu.vector_load %arg7[%parallel_loop3A_142] {strides = array<i32>} : memref<32768xf32, #tpu.memory_space<vmem>>, vector<16xf32>,
      tpu.vector_store %arg7[%parallel_loop3A_142], %parallel_loop3A_139 {strides = array<i32>} : memref<32768xf32, #tpu.memory_space<vmem>>, vector<16xf32>,
      %parallel_loop3A_144 = vector.extract_strided_slice %parallel_loop3A_43 {offsets = [5], sizes = [1], strides = [1]} : vector<16xi32> to vector<1xi32>
      %parallel_loop3A_145 = vector.extract %parallel_loop3A_144[0] : i32 from vector<1xi32>
      %parallel_loop3A_146 = arith.constant 16 : i32
      %parallel_loop3A_147 = arith.muli %parallel_loop3A_36, %parallel_loop3A_146 : i32
      %parallel_loop3A_148 = arith.constant 5 : i32
      %parallel_loop3A_149 = arith.addi %parallel_loop3A_147, %parallel_loop3A_148 : i32
      %parallel_loop3A_150 = arith.constant 32 : i32
      %parallel_loop3A_151 = arith.muli %parallel_loop3A_149, %parallel_loop3A_150 : i32
      %parallel_loop3A_152 = arith.index_cast %parallel_loop3A_145 : i32 to index
      %parallel_loop3A_153 = tpu.vector_load %arg5[%parallel_loop3A_152] {strides = array<i32>} : memref<32768xf32, #tpu.memory_space<vmem>>, vector<16xf32>,
      %parallel_loop3A_154 = arith.index_cast %parallel_loop3A_151 : i32 to index
      %parallel_loop3A_155 = tpu.vector_load %arg7[%parallel_loop3A_154] {strides = array<i32>} : memref<32768xf32, #tpu.memory_space<vmem>>, vector<16xf32>,
      tpu.vector_store %arg7[%parallel_loop3A_154], %parallel_loop3A_153 {strides = array<i32>} : memref<32768xf32, #tpu.memory_space<vmem>>, vector<16xf32>,
      %parallel_loop3A_156 = arith.constant 16 : i32
      %parallel_loop3A_157 = arith.addi %parallel_loop3A_145, %parallel_loop3A_156 : i32
      %parallel_loop3A_158 = arith.index_cast %parallel_loop3A_157 : i32 to index
      %parallel_loop3A_159 = tpu.vector_load %arg5[%parallel_loop3A_158] {strides = array<i32>} : memref<32768xf32, #tpu.memory_space<vmem>>, vector<16xf32>,
      %parallel_loop3A_160 = arith.constant 16 : i32
      %parallel_loop3A_161 = arith.addi %parallel_loop3A_151, %parallel_loop3A_160 : i32
      %parallel_loop3A_162 = arith.index_cast %parallel_loop3A_161 : i32 to index
      %parallel_loop3A_163 = tpu.vector_load %arg7[%parallel_loop3A_162] {strides = array<i32>} : memref<32768xf32, #tpu.memory_space<vmem>>, vector<16xf32>,
      tpu.vector_store %arg7[%parallel_loop3A_162], %parallel_loop3A_159 {strides = array<i32>} : memref<32768xf32, #tpu.memory_space<vmem>>, vector<16xf32>,
      %parallel_loop3A_164 = vector.extract_strided_slice %parallel_loop3A_43 {offsets = [6], sizes = [1], strides = [1]} : vector<16xi32> to vector<1xi32>
      %parallel_loop3A_165 = vector.extract %parallel_loop3A_164[0] : i32 from vector<1xi32>
      %parallel_loop3A_166 = arith.constant 16 : i32
      %parallel_loop3A_167 = arith.muli %parallel_loop3A_36, %parallel_loop3A_166 : i32
      %parallel_loop3A_168 = arith.constant 6 : i32
      %parallel_loop3A_169 = arith.addi %parallel_loop3A_167, %parallel_loop3A_168 : i32
      %parallel_loop3A_170 = arith.constant 32 : i32
      %parallel_loop3A_171 = arith.muli %parallel_loop3A_169, %parallel_loop3A_170 : i32
      %parallel_loop3A_172 = arith.index_cast %parallel_loop3A_165 : i32 to index
      %parallel_loop3A_173 = tpu.vector_load %arg5[%parallel_loop3A_172] {strides = array<i32>} : memref<32768xf32, #tpu.memory_space<vmem>>, vector<16xf32>,
      %parallel_loop3A_174 = arith.index_cast %parallel_loop3A_171 : i32 to index
      %parallel_loop3A_175 = tpu.vector_load %arg7[%parallel_loop3A_174] {strides = array<i32>} : memref<32768xf32, #tpu.memory_space<vmem>>, vector<16xf32>,
      tpu.vector_store %arg7[%parallel_loop3A_174], %parallel_loop3A_173 {strides = array<i32>} : memref<32768xf32, #tpu.memory_space<vmem>>, vector<16xf32>,
      %parallel_loop3A_176 = arith.constant 16 : i32
      %parallel_loop3A_177 = arith.addi %parallel_loop3A_165, %parallel_loop3A_176 : i32
      %parallel_loop3A_178 = arith.index_cast %parallel_loop3A_177 : i32 to index
      %parallel_loop3A_179 = tpu.vector_load %arg5[%parallel_loop3A_178] {strides = array<i32>} : memref<32768xf32, #tpu.memory_space<vmem>>, vector<16xf32>,
      %parallel_loop3A_180 = arith.constant 16 : i32
      %parallel_loop3A_181 = arith.addi %parallel_loop3A_171, %parallel_loop3A_180 : i32
      %parallel_loop3A_182 = arith.index_cast %parallel_loop3A_181 : i32 to index
      %parallel_loop3A_183 = tpu.vector_load %arg7[%parallel_loop3A_182] {strides = array<i32>} : memref<32768xf32, #tpu.memory_space<vmem>>, vector<16xf32>,
      tpu.vector_store %arg7[%parallel_loop3A_182], %parallel_loop3A_179 {strides = array<i32>} : memref<32768xf32, #tpu.memory_space<vmem>>, vector<16xf32>,
      %parallel_loop3A_184 = vector.extract_strided_slice %parallel_loop3A_43 {offsets = [7], sizes = [1], strides = [1]} : vector<16xi32> to vector<1xi32>
      %parallel_loop3A_185 = vector.extract %parallel_loop3A_184[0] : i32 from vector<1xi32>
      %parallel_loop3A_186 = arith.constant 16 : i32
      %parallel_loop3A_187 = arith.muli %parallel_loop3A_36, %parallel_loop3A_186 : i32
      %parallel_loop3A_188 = arith.constant 7 : i32
      %parallel_loop3A_189 = arith.addi %parallel_loop3A_187, %parallel_loop3A_188 : i32
      %parallel_loop3A_190 = arith.constant 32 : i32
      %parallel_loop3A_191 = arith.muli %parallel_loop3A_189, %parallel_loop3A_190 : i32
      %parallel_loop3A_192 = arith.index_cast %parallel_loop3A_185 : i32 to index
      %parallel_loop3A_193 = tpu.vector_load %arg5[%parallel_loop3A_192] {strides = array<i32>} : memref<32768xf32, #tpu.memory_space<vmem>>, vector<16xf32>,
      %parallel_loop3A_194 = arith.index_cast %parallel_loop3A_191 : i32 to index
      %parallel_loop3A_195 = tpu.vector_load %arg7[%parallel_loop3A_194] {strides = array<i32>} : memref<32768xf32, #tpu.memory_space<vmem>>, vector<16xf32>,
      tpu.vector_store %arg7[%parallel_loop3A_194], %parallel_loop3A_193 {strides = array<i32>} : memref<32768xf32, #tpu.memory_space<vmem>>, vector<16xf32>,
      %parallel_loop3A_196 = arith.constant 16 : i32
      %parallel_loop3A_197 = arith.addi %parallel_loop3A_185, %parallel_loop3A_196 : i32
      %parallel_loop3A_198 = arith.index_cast %parallel_loop3A_197 : i32 to index
      %parallel_loop3A_199 = tpu.vector_load %arg5[%parallel_loop3A_198] {strides = array<i32>} : memref<32768xf32, #tpu.memory_space<vmem>>, vector<16xf32>,
      %parallel_loop3A_200 = arith.constant 16 : i32
      %parallel_loop3A_201 = arith.addi %parallel_loop3A_191, %parallel_loop3A_200 : i32
      %parallel_loop3A_202 = arith.index_cast %parallel_loop3A_201 : i32 to index
      %parallel_loop3A_203 = tpu.vector_load %arg7[%parallel_loop3A_202] {strides = array<i32>} : memref<32768xf32, #tpu.memory_space<vmem>>, vector<16xf32>,
      tpu.vector_store %arg7[%parallel_loop3A_202], %parallel_loop3A_199 {strides = array<i32>} : memref<32768xf32, #tpu.memory_space<vmem>>, vector<16xf32>,
      %parallel_loop3A_204 = vector.extract_strided_slice %parallel_loop3A_43 {offsets = [8], sizes = [1], strides = [1]} : vector<16xi32> to vector<1xi32>
      %parallel_loop3A_205 = vector.extract %parallel_loop3A_204[0] : i32 from vector<1xi32>
      %parallel_loop3A_206 = arith.constant 16 : i32
      %parallel_loop3A_207 = arith.muli %parallel_loop3A_36, %parallel_loop3A_206 : i32
      %parallel_loop3A_208 = arith.constant 8 : i32
      %parallel_loop3A_209 = arith.addi %parallel_loop3A_207, %parallel_loop3A_208 : i32
      %parallel_loop3A_210 = arith.constant 32 : i32
      %parallel_loop3A_211 = arith.muli %parallel_loop3A_209, %parallel_loop3A_210 : i32
      %parallel_loop3A_212 = arith.index_cast %parallel_loop3A_205 : i32 to index
      %parallel_loop3A_213 = tpu.vector_load %arg5[%parallel_loop3A_212] {strides = array<i32>} : memref<32768xf32, #tpu.memory_space<vmem>>, vector<16xf32>,
      %parallel_loop3A_214 = arith.index_cast %parallel_loop3A_211 : i32 to index
      %parallel_loop3A_215 = tpu.vector_load %arg7[%parallel_loop3A_214] {strides = array<i32>} : memref<32768xf32, #tpu.memory_space<vmem>>, vector<16xf32>,
      tpu.vector_store %arg7[%parallel_loop3A_214], %parallel_loop3A_213 {strides = array<i32>} : memref<32768xf32, #tpu.memory_space<vmem>>, vector<16xf32>,
      %parallel_loop3A_216 = arith.constant 16 : i32
      %parallel_loop3A_217 = arith.addi %parallel_loop3A_205, %parallel_loop3A_216 : i32
      %parallel_loop3A_218 = arith.index_cast %parallel_loop3A_217 : i32 to index
      %parallel_loop3A_219 = tpu.vector_load %arg5[%parallel_loop3A_218] {strides = array<i32>} : memref<32768xf32, #tpu.memory_space<vmem>>, vector<16xf32>,
      %parallel_loop3A_220 = arith.constant 16 : i32
      %parallel_loop3A_221 = arith.addi %parallel_loop3A_211, %parallel_loop3A_220 : i32
      %parallel_loop3A_222 = arith.index_cast %parallel_loop3A_221 : i32 to index
      %parallel_loop3A_223 = tpu.vector_load %arg7[%parallel_loop3A_222] {strides = array<i32>} : memref<32768xf32, #tpu.memory_space<vmem>>, vector<16xf32>,
      tpu.vector_store %arg7[%parallel_loop3A_222], %parallel_loop3A_219 {strides = array<i32>} : memref<32768xf32, #tpu.memory_space<vmem>>, vector<16xf32>,
      %parallel_loop3A_224 = vector.extract_strided_slice %parallel_loop3A_43 {offsets = [9], sizes = [1], strides = [1]} : vector<16xi32> to vector<1xi32>
      %parallel_loop3A_225 = vector.extract %parallel_loop3A_224[0] : i32 from vector<1xi32>
      %parallel_loop3A_226 = arith.constant 16 : i32
      %parallel_loop3A_227 = arith.muli %parallel_loop3A_36, %parallel_loop3A_226 : i32
      %parallel_loop3A_228 = arith.constant 9 : i32
      %parallel_loop3A_229 = arith.addi %parallel_loop3A_227, %parallel_loop3A_228 : i32
      %parallel_loop3A_230 = arith.constant 32 : i32
      %parallel_loop3A_231 = arith.muli %parallel_loop3A_229, %parallel_loop3A_230 : i32
      %parallel_loop3A_232 = arith.index_cast %parallel_loop3A_225 : i32 to index
      %parallel_loop3A_233 = tpu.vector_load %arg5[%parallel_loop3A_232] {strides = array<i32>} : memref<32768xf32, #tpu.memory_space<vmem>>, vector<16xf32>,
      %parallel_loop3A_234 = arith.index_cast %parallel_loop3A_231 : i32 to index
      %parallel_loop3A_235 = tpu.vector_load %arg7[%parallel_loop3A_234] {strides = array<i32>} : memref<32768xf32, #tpu.memory_space<vmem>>, vector<16xf32>,
      tpu.vector_store %arg7[%parallel_loop3A_234], %parallel_loop3A_233 {strides = array<i32>} : memref<32768xf32, #tpu.memory_space<vmem>>, vector<16xf32>,
      %parallel_loop3A_236 = arith.constant 16 : i32
      %parallel_loop3A_237 = arith.addi %parallel_loop3A_225, %parallel_loop3A_236 : i32
      %parallel_loop3A_238 = arith.index_cast %parallel_loop3A_237 : i32 to index
      %parallel_loop3A_239 = tpu.vector_load %arg5[%parallel_loop3A_238] {strides = array<i32>} : memref<32768xf32, #tpu.memory_space<vmem>>, vector<16xf32>,
      %parallel_loop3A_240 = arith.constant 16 : i32
      %parallel_loop3A_241 = arith.addi %parallel_loop3A_231, %parallel_loop3A_240 : i32
      %parallel_loop3A_242 = arith.index_cast %parallel_loop3A_241 : i32 to index
      %parallel_loop3A_243 = tpu.vector_load %arg7[%parallel_loop3A_242] {strides = array<i32>} : memref<32768xf32, #tpu.memory_space<vmem>>, vector<16xf32>,
      tpu.vector_store %arg7[%parallel_loop3A_242], %parallel_loop3A_239 {strides = array<i32>} : memref<32768xf32, #tpu.memory_space<vmem>>, vector<16xf32>,
      %parallel_loop3A_244 = vector.extract_strided_slice %parallel_loop3A_43 {offsets = [10], sizes = [1], strides = [1]} : vector<16xi32> to vector<1xi32>
      %parallel_loop3A_245 = vector.extract %parallel_loop3A_244[0] : i32 from vector<1xi32>
      %parallel_loop3A_246 = arith.constant 16 : i32
      %parallel_loop3A_247 = arith.muli %parallel_loop3A_36, %parallel_loop3A_246 : i32
      %parallel_loop3A_248 = arith.constant 10 : i32
      %parallel_loop3A_249 = arith.addi %parallel_loop3A_247, %parallel_loop3A_248 : i32
      %parallel_loop3A_250 = arith.constant 32 : i32
      %parallel_loop3A_251 = arith.muli %parallel_loop3A_249, %parallel_loop3A_250 : i32
      %parallel_loop3A_252 = arith.index_cast %parallel_loop3A_245 : i32 to index
      %parallel_loop3A_253 = tpu.vector_load %arg5[%parallel_loop3A_252] {strides = array<i32>} : memref<32768xf32, #tpu.memory_space<vmem>>, vector<16xf32>,
      %parallel_loop3A_254 = arith.index_cast %parallel_loop3A_251 : i32 to index
      %parallel_loop3A_255 = tpu.vector_load %arg7[%parallel_loop3A_254] {strides = array<i32>} : memref<32768xf32, #tpu.memory_space<vmem>>, vector<16xf32>,
      tpu.vector_store %arg7[%parallel_loop3A_254], %parallel_loop3A_253 {strides = array<i32>} : memref<32768xf32, #tpu.memory_space<vmem>>, vector<16xf32>,
      %parallel_loop3A_256 = arith.constant 16 : i32
      %parallel_loop3A_257 = arith.addi %parallel_loop3A_245, %parallel_loop3A_256 : i32
      %parallel_loop3A_258 = arith.index_cast %parallel_loop3A_257 : i32 to index
      %parallel_loop3A_259 = tpu.vector_load %arg5[%parallel_loop3A_258] {strides = array<i32>} : memref<32768xf32, #tpu.memory_space<vmem>>, vector<16xf32>,
      %parallel_loop3A_260 = arith.constant 16 : i32
      %parallel_loop3A_261 = arith.addi %parallel_loop3A_251, %parallel_loop3A_260 : i32
      %parallel_loop3A_262 = arith.index_cast %parallel_loop3A_261 : i32 to index
      %parallel_loop3A_263 = tpu.vector_load %arg7[%parallel_loop3A_262] {strides = array<i32>} : memref<32768xf32, #tpu.memory_space<vmem>>, vector<16xf32>,
      tpu.vector_store %arg7[%parallel_loop3A_262], %parallel_loop3A_259 {strides = array<i32>} : memref<32768xf32, #tpu.memory_space<vmem>>, vector<16xf32>,
      %parallel_loop3A_264 = vector.extract_strided_slice %parallel_loop3A_43 {offsets = [11], sizes = [1], strides = [1]} : vector<16xi32> to vector<1xi32>
      %parallel_loop3A_265 = vector.extract %parallel_loop3A_264[0] : i32 from vector<1xi32>
      %parallel_loop3A_266 = arith.constant 16 : i32
      %parallel_loop3A_267 = arith.muli %parallel_loop3A_36, %parallel_loop3A_266 : i32
      %parallel_loop3A_268 = arith.constant 11 : i32
      %parallel_loop3A_269 = arith.addi %parallel_loop3A_267, %parallel_loop3A_268 : i32
      %parallel_loop3A_270 = arith.constant 32 : i32
      %parallel_loop3A_271 = arith.muli %parallel_loop3A_269, %parallel_loop3A_270 : i32
      %parallel_loop3A_272 = arith.index_cast %parallel_loop3A_265 : i32 to index
      %parallel_loop3A_273 = tpu.vector_load %arg5[%parallel_loop3A_272] {strides = array<i32>} : memref<32768xf32, #tpu.memory_space<vmem>>, vector<16xf32>,
      %parallel_loop3A_274 = arith.index_cast %parallel_loop3A_271 : i32 to index
      %parallel_loop3A_275 = tpu.vector_load %arg7[%parallel_loop3A_274] {strides = array<i32>} : memref<32768xf32, #tpu.memory_space<vmem>>, vector<16xf32>,
      tpu.vector_store %arg7[%parallel_loop3A_274], %parallel_loop3A_273 {strides = array<i32>} : memref<32768xf32, #tpu.memory_space<vmem>>, vector<16xf32>,
      %parallel_loop3A_276 = arith.constant 16 : i32
      %parallel_loop3A_277 = arith.addi %parallel_loop3A_265, %parallel_loop3A_276 : i32
      %parallel_loop3A_278 = arith.index_cast %parallel_loop3A_277 : i32 to index
      %parallel_loop3A_279 = tpu.vector_load %arg5[%parallel_loop3A_278] {strides = array<i32>} : memref<32768xf32, #tpu.memory_space<vmem>>, vector<16xf32>,
      %parallel_loop3A_280 = arith.constant 16 : i32
      %parallel_loop3A_281 = arith.addi %parallel_loop3A_271, %parallel_loop3A_280 : i32
      %parallel_loop3A_282 = arith.index_cast %parallel_loop3A_281 : i32 to index
      %parallel_loop3A_283 = tpu.vector_load %arg7[%parallel_loop3A_282] {strides = array<i32>} : memref<32768xf32, #tpu.memory_space<vmem>>, vector<16xf32>,
      tpu.vector_store %arg7[%parallel_loop3A_282], %parallel_loop3A_279 {strides = array<i32>} : memref<32768xf32, #tpu.memory_space<vmem>>, vector<16xf32>,
      %parallel_loop3A_284 = vector.extract_strided_slice %parallel_loop3A_43 {offsets = [12], sizes = [1], strides = [1]} : vector<16xi32> to vector<1xi32>
      %parallel_loop3A_285 = vector.extract %parallel_loop3A_284[0] : i32 from vector<1xi32>
      %parallel_loop3A_286 = arith.constant 16 : i32
      %parallel_loop3A_287 = arith.muli %parallel_loop3A_36, %parallel_loop3A_286 : i32
      %parallel_loop3A_288 = arith.constant 12 : i32
      %parallel_loop3A_289 = arith.addi %parallel_loop3A_287, %parallel_loop3A_288 : i32
      %parallel_loop3A_290 = arith.constant 32 : i32
      %parallel_loop3A_291 = arith.muli %parallel_loop3A_289, %parallel_loop3A_290 : i32
      %parallel_loop3A_292 = arith.index_cast %parallel_loop3A_285 : i32 to index
      %parallel_loop3A_293 = tpu.vector_load %arg5[%parallel_loop3A_292] {strides = array<i32>} : memref<32768xf32, #tpu.memory_space<vmem>>, vector<16xf32>,
      %parallel_loop3A_294 = arith.index_cast %parallel_loop3A_291 : i32 to index
      %parallel_loop3A_295 = tpu.vector_load %arg7[%parallel_loop3A_294] {strides = array<i32>} : memref<32768xf32, #tpu.memory_space<vmem>>, vector<16xf32>,
      tpu.vector_store %arg7[%parallel_loop3A_294], %parallel_loop3A_293 {strides = array<i32>} : memref<32768xf32, #tpu.memory_space<vmem>>, vector<16xf32>,
      %parallel_loop3A_296 = arith.constant 16 : i32
      %parallel_loop3A_297 = arith.addi %parallel_loop3A_285, %parallel_loop3A_296 : i32
      %parallel_loop3A_298 = arith.index_cast %parallel_loop3A_297 : i32 to index
      %parallel_loop3A_299 = tpu.vector_load %arg5[%parallel_loop3A_298] {strides = array<i32>} : memref<32768xf32, #tpu.memory_space<vmem>>, vector<16xf32>,
      %parallel_loop3A_300 = arith.constant 16 : i32
      %parallel_loop3A_301 = arith.addi %parallel_loop3A_291, %parallel_loop3A_300 : i32
      %parallel_loop3A_302 = arith.index_cast %parallel_loop3A_301 : i32 to index
      %parallel_loop3A_303 = tpu.vector_load %arg7[%parallel_loop3A_302] {strides = array<i32>} : memref<32768xf32, #tpu.memory_space<vmem>>, vector<16xf32>,
      tpu.vector_store %arg7[%parallel_loop3A_302], %parallel_loop3A_299 {strides = array<i32>} : memref<32768xf32, #tpu.memory_space<vmem>>, vector<16xf32>,
      %parallel_loop3A_304 = vector.extract_strided_slice %parallel_loop3A_43 {offsets = [13], sizes = [1], strides = [1]} : vector<16xi32> to vector<1xi32>
      %parallel_loop3A_305 = vector.extract %parallel_loop3A_304[0] : i32 from vector<1xi32>
      %parallel_loop3A_306 = arith.constant 16 : i32
      %parallel_loop3A_307 = arith.muli %parallel_loop3A_36, %parallel_loop3A_306 : i32
      %parallel_loop3A_308 = arith.constant 13 : i32
      %parallel_loop3A_309 = arith.addi %parallel_loop3A_307, %parallel_loop3A_308 : i32
      %parallel_loop3A_310 = arith.constant 32 : i32
      %parallel_loop3A_311 = arith.muli %parallel_loop3A_309, %parallel_loop3A_310 : i32
      %parallel_loop3A_312 = arith.index_cast %parallel_loop3A_305 : i32 to index
      %parallel_loop3A_313 = tpu.vector_load %arg5[%parallel_loop3A_312] {strides = array<i32>} : memref<32768xf32, #tpu.memory_space<vmem>>, vector<16xf32>,
      %parallel_loop3A_314 = arith.index_cast %parallel_loop3A_311 : i32 to index
      %parallel_loop3A_315 = tpu.vector_load %arg7[%parallel_loop3A_314] {strides = array<i32>} : memref<32768xf32, #tpu.memory_space<vmem>>, vector<16xf32>,
      tpu.vector_store %arg7[%parallel_loop3A_314], %parallel_loop3A_313 {strides = array<i32>} : memref<32768xf32, #tpu.memory_space<vmem>>, vector<16xf32>,
      %parallel_loop3A_316 = arith.constant 16 : i32
      %parallel_loop3A_317 = arith.addi %parallel_loop3A_305, %parallel_loop3A_316 : i32
      %parallel_loop3A_318 = arith.index_cast %parallel_loop3A_317 : i32 to index
      %parallel_loop3A_319 = tpu.vector_load %arg5[%parallel_loop3A_318] {strides = array<i32>} : memref<32768xf32, #tpu.memory_space<vmem>>, vector<16xf32>,
      %parallel_loop3A_320 = arith.constant 16 : i32
      %parallel_loop3A_321 = arith.addi %parallel_loop3A_311, %parallel_loop3A_320 : i32
      %parallel_loop3A_322 = arith.index_cast %parallel_loop3A_321 : i32 to index
      %parallel_loop3A_323 = tpu.vector_load %arg7[%parallel_loop3A_322] {strides = array<i32>} : memref<32768xf32, #tpu.memory_space<vmem>>, vector<16xf32>,
      tpu.vector_store %arg7[%parallel_loop3A_322], %parallel_loop3A_319 {strides = array<i32>} : memref<32768xf32, #tpu.memory_space<vmem>>, vector<16xf32>,
      %parallel_loop3A_324 = vector.extract_strided_slice %parallel_loop3A_43 {offsets = [14], sizes = [1], strides = [1]} : vector<16xi32> to vector<1xi32>
      %parallel_loop3A_325 = vector.extract %parallel_loop3A_324[0] : i32 from vector<1xi32>
      %parallel_loop3A_326 = arith.constant 16 : i32
      %parallel_loop3A_327 = arith.muli %parallel_loop3A_36, %parallel_loop3A_326 : i32
      %parallel_loop3A_328 = arith.constant 14 : i32
      %parallel_loop3A_329 = arith.addi %parallel_loop3A_327, %parallel_loop3A_328 : i32
      %parallel_loop3A_330 = arith.constant 32 : i32
      %parallel_loop3A_331 = arith.muli %parallel_loop3A_329, %parallel_loop3A_330 : i32
      %parallel_loop3A_332 = arith.index_cast %parallel_loop3A_325 : i32 to index
      %parallel_loop3A_333 = tpu.vector_load %arg5[%parallel_loop3A_332] {strides = array<i32>} : memref<32768xf32, #tpu.memory_space<vmem>>, vector<16xf32>,
      %parallel_loop3A_334 = arith.index_cast %parallel_loop3A_331 : i32 to index
      %parallel_loop3A_335 = tpu.vector_load %arg7[%parallel_loop3A_334] {strides = array<i32>} : memref<32768xf32, #tpu.memory_space<vmem>>, vector<16xf32>,
      tpu.vector_store %arg7[%parallel_loop3A_334], %parallel_loop3A_333 {strides = array<i32>} : memref<32768xf32, #tpu.memory_space<vmem>>, vector<16xf32>,
      %parallel_loop3A_336 = arith.constant 16 : i32
      %parallel_loop3A_337 = arith.addi %parallel_loop3A_325, %parallel_loop3A_336 : i32
      %parallel_loop3A_338 = arith.index_cast %parallel_loop3A_337 : i32 to index
      %parallel_loop3A_339 = tpu.vector_load %arg5[%parallel_loop3A_338] {strides = array<i32>} : memref<32768xf32, #tpu.memory_space<vmem>>, vector<16xf32>,
      %parallel_loop3A_340 = arith.constant 16 : i32
      %parallel_loop3A_341 = arith.addi %parallel_loop3A_331, %parallel_loop3A_340 : i32
      %parallel_loop3A_342 = arith.index_cast %parallel_loop3A_341 : i32 to index
      %parallel_loop3A_343 = tpu.vector_load %arg7[%parallel_loop3A_342] {strides = array<i32>} : memref<32768xf32, #tpu.memory_space<vmem>>, vector<16xf32>,
      tpu.vector_store %arg7[%parallel_loop3A_342], %parallel_loop3A_339 {strides = array<i32>} : memref<32768xf32, #tpu.memory_space<vmem>>, vector<16xf32>,
      %parallel_loop3A_344 = vector.extract_strided_slice %parallel_loop3A_43 {offsets = [15], sizes = [1], strides = [1]} : vector<16xi32> to vector<1xi32>
      %parallel_loop3A_345 = vector.extract %parallel_loop3A_344[0] : i32 from vector<1xi32>
      %parallel_loop3A_346 = arith.constant 16 : i32
      %parallel_loop3A_347 = arith.muli %parallel_loop3A_36, %parallel_loop3A_346 : i32
      %parallel_loop3A_348 = arith.constant 15 : i32
      %parallel_loop3A_349 = arith.addi %parallel_loop3A_347, %parallel_loop3A_348 : i32
      %parallel_loop3A_350 = arith.constant 32 : i32
      %parallel_loop3A_351 = arith.muli %parallel_loop3A_349, %parallel_loop3A_350 : i32
      %parallel_loop3A_352 = arith.index_cast %parallel_loop3A_345 : i32 to index
      %parallel_loop3A_353 = tpu.vector_load %arg5[%parallel_loop3A_352] {strides = array<i32>} : memref<32768xf32, #tpu.memory_space<vmem>>, vector<16xf32>,
      %parallel_loop3A_354 = arith.index_cast %parallel_loop3A_351 : i32 to index
      %parallel_loop3A_355 = tpu.vector_load %arg7[%parallel_loop3A_354] {strides = array<i32>} : memref<32768xf32, #tpu.memory_space<vmem>>, vector<16xf32>,
      tpu.vector_store %arg7[%parallel_loop3A_354], %parallel_loop3A_353 {strides = array<i32>} : memref<32768xf32, #tpu.memory_space<vmem>>, vector<16xf32>,
      %parallel_loop3A_356 = arith.constant 16 : i32
      %parallel_loop3A_357 = arith.addi %parallel_loop3A_345, %parallel_loop3A_356 : i32
      %parallel_loop3A_358 = arith.index_cast %parallel_loop3A_357 : i32 to index
      %parallel_loop3A_359 = tpu.vector_load %arg5[%parallel_loop3A_358] {strides = array<i32>} : memref<32768xf32, #tpu.memory_space<vmem>>, vector<16xf32>,
      %parallel_loop3A_360 = arith.constant 16 : i32
      %parallel_loop3A_361 = arith.addi %parallel_loop3A_351, %parallel_loop3A_360 : i32
      %parallel_loop3A_362 = arith.index_cast %parallel_loop3A_361 : i32 to index
      %parallel_loop3A_363 = tpu.vector_load %arg7[%parallel_loop3A_362] {strides = array<i32>} : memref<32768xf32, #tpu.memory_space<vmem>>, vector<16xf32>,
      tpu.vector_store %arg7[%parallel_loop3A_362], %parallel_loop3A_359 {strides = array<i32>} : memref<32768xf32, #tpu.memory_space<vmem>>, vector<16xf32>,
    } {sc.loop_unroll_factor = 2 : i64, sc.parallel_access}
    %mul3A_25 = arith.constant 32 : i32
    %mul3A_26 = arith.muli %add3A_21, %mul3A_25 : i32
    "tpu.region"() ({
      %run_scoped3A = tpu.sem_alloc : memref<!tpu.dma_semaphore, #tpu.memory_space<semaphore_mem>>
      %dma_start3A = tpu.memref_slice %arg4[%mul3A_26] : memref<4194304xf32, #tpu.memory_space<hbm>> -> memref<32768xf32, #tpu.memory_space<hbm>>
      %dma_start3A_36 = tpu.memref_slice %arg4[%mul3A_26] : memref<4194304xf32, #tpu.memory_space<hbm>> -> memref<32768xf32, #tpu.memory_space<hbm>>
      tpu.enqueue_dma source(%arg7 : memref<32768xf32, #tpu.memory_space<vmem>>) target(%dma_start3A_36 : memref<32768xf32, #tpu.memory_space<hbm>>) target_semaphore(%run_scoped3A : memref<!tpu.dma_semaphore, #tpu.memory_space<semaphore_mem>>)
      %dma_wait3A = tpu.memref_slice %arg4[%mul3A_26] : memref<4194304xf32, #tpu.memory_space<hbm>> -> memref<32768xf32, #tpu.memory_space<hbm>>
      %dma_wait3A_37 = tpu.memref_slice %arg4[%mul3A_26] : memref<4194304xf32, #tpu.memory_space<hbm>> -> memref<32768xf32, #tpu.memory_space<hbm>>
      tpu.wait_dma2 semaphore(%run_scoped3A : memref<!tpu.dma_semaphore, #tpu.memory_space<semaphore_mem>>) src(%arg7 : memref<32768xf32, #tpu.memory_space<vmem>>) dst(%dma_wait3A_37 : memref<32768xf32, #tpu.memory_space<hbm>>)
      tpu.yield
    }) : () -> ()
    %mul3A_27 = arith.constant 4096 : i32
    %mul3A_28 = arith.muli %add3A, %mul3A_27 : i32
    %add3A_29 = arith.constant 3072 : i32
    %add3A_30 = arith.addi %mul3A_28, %add3A_29 : i32
    "tpu.region"() ({
      %run_scoped3A = tpu.sem_alloc : memref<!tpu.dma_semaphore, #tpu.memory_space<semaphore_mem>>
      %dma_start3A = tpu.memref_slice %arg3[%add3A_30] : memref<131072xi32, #tpu.memory_space<hbm>> -> memref<1024xi32, #tpu.memory_space<hbm>>
      %dma_start3A_36 = tpu.memref_slice %arg3[%add3A_30] : memref<131072xi32, #tpu.memory_space<hbm>> -> memref<1024xi32, #tpu.memory_space<hbm>>
      tpu.enqueue_dma source(%dma_start3A_36 : memref<1024xi32, #tpu.memory_space<hbm>>) target(%arg6 : memref<1024xi32, #tpu.memory_space<vmem>>) target_semaphore(%run_scoped3A : memref<!tpu.dma_semaphore, #tpu.memory_space<semaphore_mem>>)
      %dma_wait3A = tpu.memref_slice %arg3[%add3A_30] : memref<131072xi32, #tpu.memory_space<hbm>> -> memref<1024xi32, #tpu.memory_space<hbm>>
      %dma_wait3A_37 = tpu.memref_slice %arg3[%add3A_30] : memref<131072xi32, #tpu.memory_space<hbm>> -> memref<1024xi32, #tpu.memory_space<hbm>>
      tpu.wait_dma2 semaphore(%run_scoped3A : memref<!tpu.dma_semaphore, #tpu.memory_space<semaphore_mem>>) src(%dma_wait3A_37 : memref<1024xi32, #tpu.memory_space<hbm>>) dst(%arg6 : memref<1024xi32, #tpu.memory_space<vmem>>)
      tpu.yield
    }) : () -> ()
    %parallel_loop3A_31 = arith.constant 0 : i32
    %parallel_loop3A_32 = arith.constant 64 : i32
    %parallel_loop3A_33 = arith.constant 1 : i32
    scf.for %parallel_loop3A_36 = %parallel_loop3A_31 to %parallel_loop3A_32 step %parallel_loop3A_33  : i32 {
      %parallel_loop3A_37 = arith.constant 16 : i32
      %parallel_loop3A_38 = arith.muli %parallel_loop3A_36, %parallel_loop3A_37 : i32
      %parallel_loop3A_39 = arith.index_cast %parallel_loop3A_38 : i32 to index
      %parallel_loop3A_40 = tpu.vector_load %arg6[%parallel_loop3A_39] {strides = array<i32>} : memref<1024xi32, #tpu.memory_space<vmem>>, vector<16xi32>,
      %parallel_loop3A_41 = arith.constant 32 : i32
      %parallel_loop3A_42 = vector.broadcast %parallel_loop3A_41 : i32 to vector<16xi32>
      %parallel_loop3A_43 = arith.muli %parallel_loop3A_40, %parallel_loop3A_42 : vector<16xi32>
      %parallel_loop3A_44 = vector.extract_strided_slice %parallel_loop3A_43 {offsets = [0], sizes = [1], strides = [1]} : vector<16xi32> to vector<1xi32>
      %parallel_loop3A_45 = vector.extract %parallel_loop3A_44[0] : i32 from vector<1xi32>
      %parallel_loop3A_46 = arith.constant 16 : i32
      %parallel_loop3A_47 = arith.muli %parallel_loop3A_36, %parallel_loop3A_46 : i32
      %parallel_loop3A_48 = arith.constant 0 : i32
      %parallel_loop3A_49 = arith.addi %parallel_loop3A_47, %parallel_loop3A_48 : i32
      %parallel_loop3A_50 = arith.constant 32 : i32
      %parallel_loop3A_51 = arith.muli %parallel_loop3A_49, %parallel_loop3A_50 : i32
      %parallel_loop3A_52 = arith.index_cast %parallel_loop3A_45 : i32 to index
      %parallel_loop3A_53 = tpu.vector_load %arg5[%parallel_loop3A_52] {strides = array<i32>} : memref<32768xf32, #tpu.memory_space<vmem>>, vector<16xf32>,
      %parallel_loop3A_54 = arith.index_cast %parallel_loop3A_51 : i32 to index
      %parallel_loop3A_55 = tpu.vector_load %arg7[%parallel_loop3A_54] {strides = array<i32>} : memref<32768xf32, #tpu.memory_space<vmem>>, vector<16xf32>,
      tpu.vector_store %arg7[%parallel_loop3A_54], %parallel_loop3A_53 {strides = array<i32>} : memref<32768xf32, #tpu.memory_space<vmem>>, vector<16xf32>,
      %parallel_loop3A_56 = arith.constant 16 : i32
      %parallel_loop3A_57 = arith.addi %parallel_loop3A_45, %parallel_loop3A_56 : i32
      %parallel_loop3A_58 = arith.index_cast %parallel_loop3A_57 : i32 to index
      %parallel_loop3A_59 = tpu.vector_load %arg5[%parallel_loop3A_58] {strides = array<i32>} : memref<32768xf32, #tpu.memory_space<vmem>>, vector<16xf32>,
      %parallel_loop3A_60 = arith.constant 16 : i32
      %parallel_loop3A_61 = arith.addi %parallel_loop3A_51, %parallel_loop3A_60 : i32
      %parallel_loop3A_62 = arith.index_cast %parallel_loop3A_61 : i32 to index
      %parallel_loop3A_63 = tpu.vector_load %arg7[%parallel_loop3A_62] {strides = array<i32>} : memref<32768xf32, #tpu.memory_space<vmem>>, vector<16xf32>,
      tpu.vector_store %arg7[%parallel_loop3A_62], %parallel_loop3A_59 {strides = array<i32>} : memref<32768xf32, #tpu.memory_space<vmem>>, vector<16xf32>,
      %parallel_loop3A_64 = vector.extract_strided_slice %parallel_loop3A_43 {offsets = [1], sizes = [1], strides = [1]} : vector<16xi32> to vector<1xi32>
      %parallel_loop3A_65 = vector.extract %parallel_loop3A_64[0] : i32 from vector<1xi32>
      %parallel_loop3A_66 = arith.constant 16 : i32
      %parallel_loop3A_67 = arith.muli %parallel_loop3A_36, %parallel_loop3A_66 : i32
      %parallel_loop3A_68 = arith.constant 1 : i32
      %parallel_loop3A_69 = arith.addi %parallel_loop3A_67, %parallel_loop3A_68 : i32
      %parallel_loop3A_70 = arith.constant 32 : i32
      %parallel_loop3A_71 = arith.muli %parallel_loop3A_69, %parallel_loop3A_70 : i32
      %parallel_loop3A_72 = arith.index_cast %parallel_loop3A_65 : i32 to index
      %parallel_loop3A_73 = tpu.vector_load %arg5[%parallel_loop3A_72] {strides = array<i32>} : memref<32768xf32, #tpu.memory_space<vmem>>, vector<16xf32>,
      %parallel_loop3A_74 = arith.index_cast %parallel_loop3A_71 : i32 to index
      %parallel_loop3A_75 = tpu.vector_load %arg7[%parallel_loop3A_74] {strides = array<i32>} : memref<32768xf32, #tpu.memory_space<vmem>>, vector<16xf32>,
      tpu.vector_store %arg7[%parallel_loop3A_74], %parallel_loop3A_73 {strides = array<i32>} : memref<32768xf32, #tpu.memory_space<vmem>>, vector<16xf32>,
      %parallel_loop3A_76 = arith.constant 16 : i32
      %parallel_loop3A_77 = arith.addi %parallel_loop3A_65, %parallel_loop3A_76 : i32
      %parallel_loop3A_78 = arith.index_cast %parallel_loop3A_77 : i32 to index
      %parallel_loop3A_79 = tpu.vector_load %arg5[%parallel_loop3A_78] {strides = array<i32>} : memref<32768xf32, #tpu.memory_space<vmem>>, vector<16xf32>,
      %parallel_loop3A_80 = arith.constant 16 : i32
      %parallel_loop3A_81 = arith.addi %parallel_loop3A_71, %parallel_loop3A_80 : i32
      %parallel_loop3A_82 = arith.index_cast %parallel_loop3A_81 : i32 to index
      %parallel_loop3A_83 = tpu.vector_load %arg7[%parallel_loop3A_82] {strides = array<i32>} : memref<32768xf32, #tpu.memory_space<vmem>>, vector<16xf32>,
      tpu.vector_store %arg7[%parallel_loop3A_82], %parallel_loop3A_79 {strides = array<i32>} : memref<32768xf32, #tpu.memory_space<vmem>>, vector<16xf32>,
      %parallel_loop3A_84 = vector.extract_strided_slice %parallel_loop3A_43 {offsets = [2], sizes = [1], strides = [1]} : vector<16xi32> to vector<1xi32>
      %parallel_loop3A_85 = vector.extract %parallel_loop3A_84[0] : i32 from vector<1xi32>
      %parallel_loop3A_86 = arith.constant 16 : i32
      %parallel_loop3A_87 = arith.muli %parallel_loop3A_36, %parallel_loop3A_86 : i32
      %parallel_loop3A_88 = arith.constant 2 : i32
      %parallel_loop3A_89 = arith.addi %parallel_loop3A_87, %parallel_loop3A_88 : i32
      %parallel_loop3A_90 = arith.constant 32 : i32
      %parallel_loop3A_91 = arith.muli %parallel_loop3A_89, %parallel_loop3A_90 : i32
      %parallel_loop3A_92 = arith.index_cast %parallel_loop3A_85 : i32 to index
      %parallel_loop3A_93 = tpu.vector_load %arg5[%parallel_loop3A_92] {strides = array<i32>} : memref<32768xf32, #tpu.memory_space<vmem>>, vector<16xf32>,
      %parallel_loop3A_94 = arith.index_cast %parallel_loop3A_91 : i32 to index
      %parallel_loop3A_95 = tpu.vector_load %arg7[%parallel_loop3A_94] {strides = array<i32>} : memref<32768xf32, #tpu.memory_space<vmem>>, vector<16xf32>,
      tpu.vector_store %arg7[%parallel_loop3A_94], %parallel_loop3A_93 {strides = array<i32>} : memref<32768xf32, #tpu.memory_space<vmem>>, vector<16xf32>,
      %parallel_loop3A_96 = arith.constant 16 : i32
      %parallel_loop3A_97 = arith.addi %parallel_loop3A_85, %parallel_loop3A_96 : i32
      %parallel_loop3A_98 = arith.index_cast %parallel_loop3A_97 : i32 to index
      %parallel_loop3A_99 = tpu.vector_load %arg5[%parallel_loop3A_98] {strides = array<i32>} : memref<32768xf32, #tpu.memory_space<vmem>>, vector<16xf32>,
      %parallel_loop3A_100 = arith.constant 16 : i32
      %parallel_loop3A_101 = arith.addi %parallel_loop3A_91, %parallel_loop3A_100 : i32
      %parallel_loop3A_102 = arith.index_cast %parallel_loop3A_101 : i32 to index
      %parallel_loop3A_103 = tpu.vector_load %arg7[%parallel_loop3A_102] {strides = array<i32>} : memref<32768xf32, #tpu.memory_space<vmem>>, vector<16xf32>,
      tpu.vector_store %arg7[%parallel_loop3A_102], %parallel_loop3A_99 {strides = array<i32>} : memref<32768xf32, #tpu.memory_space<vmem>>, vector<16xf32>,
      %parallel_loop3A_104 = vector.extract_strided_slice %parallel_loop3A_43 {offsets = [3], sizes = [1], strides = [1]} : vector<16xi32> to vector<1xi32>
      %parallel_loop3A_105 = vector.extract %parallel_loop3A_104[0] : i32 from vector<1xi32>
      %parallel_loop3A_106 = arith.constant 16 : i32
      %parallel_loop3A_107 = arith.muli %parallel_loop3A_36, %parallel_loop3A_106 : i32
      %parallel_loop3A_108 = arith.constant 3 : i32
      %parallel_loop3A_109 = arith.addi %parallel_loop3A_107, %parallel_loop3A_108 : i32
      %parallel_loop3A_110 = arith.constant 32 : i32
      %parallel_loop3A_111 = arith.muli %parallel_loop3A_109, %parallel_loop3A_110 : i32
      %parallel_loop3A_112 = arith.index_cast %parallel_loop3A_105 : i32 to index
      %parallel_loop3A_113 = tpu.vector_load %arg5[%parallel_loop3A_112] {strides = array<i32>} : memref<32768xf32, #tpu.memory_space<vmem>>, vector<16xf32>,
      %parallel_loop3A_114 = arith.index_cast %parallel_loop3A_111 : i32 to index
      %parallel_loop3A_115 = tpu.vector_load %arg7[%parallel_loop3A_114] {strides = array<i32>} : memref<32768xf32, #tpu.memory_space<vmem>>, vector<16xf32>,
      tpu.vector_store %arg7[%parallel_loop3A_114], %parallel_loop3A_113 {strides = array<i32>} : memref<32768xf32, #tpu.memory_space<vmem>>, vector<16xf32>,
      %parallel_loop3A_116 = arith.constant 16 : i32
      %parallel_loop3A_117 = arith.addi %parallel_loop3A_105, %parallel_loop3A_116 : i32
      %parallel_loop3A_118 = arith.index_cast %parallel_loop3A_117 : i32 to index
      %parallel_loop3A_119 = tpu.vector_load %arg5[%parallel_loop3A_118] {strides = array<i32>} : memref<32768xf32, #tpu.memory_space<vmem>>, vector<16xf32>,
      %parallel_loop3A_120 = arith.constant 16 : i32
      %parallel_loop3A_121 = arith.addi %parallel_loop3A_111, %parallel_loop3A_120 : i32
      %parallel_loop3A_122 = arith.index_cast %parallel_loop3A_121 : i32 to index
      %parallel_loop3A_123 = tpu.vector_load %arg7[%parallel_loop3A_122] {strides = array<i32>} : memref<32768xf32, #tpu.memory_space<vmem>>, vector<16xf32>,
      tpu.vector_store %arg7[%parallel_loop3A_122], %parallel_loop3A_119 {strides = array<i32>} : memref<32768xf32, #tpu.memory_space<vmem>>, vector<16xf32>,
      %parallel_loop3A_124 = vector.extract_strided_slice %parallel_loop3A_43 {offsets = [4], sizes = [1], strides = [1]} : vector<16xi32> to vector<1xi32>
      %parallel_loop3A_125 = vector.extract %parallel_loop3A_124[0] : i32 from vector<1xi32>
      %parallel_loop3A_126 = arith.constant 16 : i32
      %parallel_loop3A_127 = arith.muli %parallel_loop3A_36, %parallel_loop3A_126 : i32
      %parallel_loop3A_128 = arith.constant 4 : i32
      %parallel_loop3A_129 = arith.addi %parallel_loop3A_127, %parallel_loop3A_128 : i32
      %parallel_loop3A_130 = arith.constant 32 : i32
      %parallel_loop3A_131 = arith.muli %parallel_loop3A_129, %parallel_loop3A_130 : i32
      %parallel_loop3A_132 = arith.index_cast %parallel_loop3A_125 : i32 to index
      %parallel_loop3A_133 = tpu.vector_load %arg5[%parallel_loop3A_132] {strides = array<i32>} : memref<32768xf32, #tpu.memory_space<vmem>>, vector<16xf32>,
      %parallel_loop3A_134 = arith.index_cast %parallel_loop3A_131 : i32 to index
      %parallel_loop3A_135 = tpu.vector_load %arg7[%parallel_loop3A_134] {strides = array<i32>} : memref<32768xf32, #tpu.memory_space<vmem>>, vector<16xf32>,
      tpu.vector_store %arg7[%parallel_loop3A_134], %parallel_loop3A_133 {strides = array<i32>} : memref<32768xf32, #tpu.memory_space<vmem>>, vector<16xf32>,
      %parallel_loop3A_136 = arith.constant 16 : i32
      %parallel_loop3A_137 = arith.addi %parallel_loop3A_125, %parallel_loop3A_136 : i32
      %parallel_loop3A_138 = arith.index_cast %parallel_loop3A_137 : i32 to index
      %parallel_loop3A_139 = tpu.vector_load %arg5[%parallel_loop3A_138] {strides = array<i32>} : memref<32768xf32, #tpu.memory_space<vmem>>, vector<16xf32>,
      %parallel_loop3A_140 = arith.constant 16 : i32
      %parallel_loop3A_141 = arith.addi %parallel_loop3A_131, %parallel_loop3A_140 : i32
      %parallel_loop3A_142 = arith.index_cast %parallel_loop3A_141 : i32 to index
      %parallel_loop3A_143 = tpu.vector_load %arg7[%parallel_loop3A_142] {strides = array<i32>} : memref<32768xf32, #tpu.memory_space<vmem>>, vector<16xf32>,
      tpu.vector_store %arg7[%parallel_loop3A_142], %parallel_loop3A_139 {strides = array<i32>} : memref<32768xf32, #tpu.memory_space<vmem>>, vector<16xf32>,
      %parallel_loop3A_144 = vector.extract_strided_slice %parallel_loop3A_43 {offsets = [5], sizes = [1], strides = [1]} : vector<16xi32> to vector<1xi32>
      %parallel_loop3A_145 = vector.extract %parallel_loop3A_144[0] : i32 from vector<1xi32>
      %parallel_loop3A_146 = arith.constant 16 : i32
      %parallel_loop3A_147 = arith.muli %parallel_loop3A_36, %parallel_loop3A_146 : i32
      %parallel_loop3A_148 = arith.constant 5 : i32
      %parallel_loop3A_149 = arith.addi %parallel_loop3A_147, %parallel_loop3A_148 : i32
      %parallel_loop3A_150 = arith.constant 32 : i32
      %parallel_loop3A_151 = arith.muli %parallel_loop3A_149, %parallel_loop3A_150 : i32
      %parallel_loop3A_152 = arith.index_cast %parallel_loop3A_145 : i32 to index
      %parallel_loop3A_153 = tpu.vector_load %arg5[%parallel_loop3A_152] {strides = array<i32>} : memref<32768xf32, #tpu.memory_space<vmem>>, vector<16xf32>,
      %parallel_loop3A_154 = arith.index_cast %parallel_loop3A_151 : i32 to index
      %parallel_loop3A_155 = tpu.vector_load %arg7[%parallel_loop3A_154] {strides = array<i32>} : memref<32768xf32, #tpu.memory_space<vmem>>, vector<16xf32>,
      tpu.vector_store %arg7[%parallel_loop3A_154], %parallel_loop3A_153 {strides = array<i32>} : memref<32768xf32, #tpu.memory_space<vmem>>, vector<16xf32>,
      %parallel_loop3A_156 = arith.constant 16 : i32
      %parallel_loop3A_157 = arith.addi %parallel_loop3A_145, %parallel_loop3A_156 : i32
      %parallel_loop3A_158 = arith.index_cast %parallel_loop3A_157 : i32 to index
      %parallel_loop3A_159 = tpu.vector_load %arg5[%parallel_loop3A_158] {strides = array<i32>} : memref<32768xf32, #tpu.memory_space<vmem>>, vector<16xf32>,
      %parallel_loop3A_160 = arith.constant 16 : i32
      %parallel_loop3A_161 = arith.addi %parallel_loop3A_151, %parallel_loop3A_160 : i32
      %parallel_loop3A_162 = arith.index_cast %parallel_loop3A_161 : i32 to index
      %parallel_loop3A_163 = tpu.vector_load %arg7[%parallel_loop3A_162] {strides = array<i32>} : memref<32768xf32, #tpu.memory_space<vmem>>, vector<16xf32>,
      tpu.vector_store %arg7[%parallel_loop3A_162], %parallel_loop3A_159 {strides = array<i32>} : memref<32768xf32, #tpu.memory_space<vmem>>, vector<16xf32>,
      %parallel_loop3A_164 = vector.extract_strided_slice %parallel_loop3A_43 {offsets = [6], sizes = [1], strides = [1]} : vector<16xi32> to vector<1xi32>
      %parallel_loop3A_165 = vector.extract %parallel_loop3A_164[0] : i32 from vector<1xi32>
      %parallel_loop3A_166 = arith.constant 16 : i32
      %parallel_loop3A_167 = arith.muli %parallel_loop3A_36, %parallel_loop3A_166 : i32
      %parallel_loop3A_168 = arith.constant 6 : i32
      %parallel_loop3A_169 = arith.addi %parallel_loop3A_167, %parallel_loop3A_168 : i32
      %parallel_loop3A_170 = arith.constant 32 : i32
      %parallel_loop3A_171 = arith.muli %parallel_loop3A_169, %parallel_loop3A_170 : i32
      %parallel_loop3A_172 = arith.index_cast %parallel_loop3A_165 : i32 to index
      %parallel_loop3A_173 = tpu.vector_load %arg5[%parallel_loop3A_172] {strides = array<i32>} : memref<32768xf32, #tpu.memory_space<vmem>>, vector<16xf32>,
      %parallel_loop3A_174 = arith.index_cast %parallel_loop3A_171 : i32 to index
      %parallel_loop3A_175 = tpu.vector_load %arg7[%parallel_loop3A_174] {strides = array<i32>} : memref<32768xf32, #tpu.memory_space<vmem>>, vector<16xf32>,
      tpu.vector_store %arg7[%parallel_loop3A_174], %parallel_loop3A_173 {strides = array<i32>} : memref<32768xf32, #tpu.memory_space<vmem>>, vector<16xf32>,
      %parallel_loop3A_176 = arith.constant 16 : i32
      %parallel_loop3A_177 = arith.addi %parallel_loop3A_165, %parallel_loop3A_176 : i32
      %parallel_loop3A_178 = arith.index_cast %parallel_loop3A_177 : i32 to index
      %parallel_loop3A_179 = tpu.vector_load %arg5[%parallel_loop3A_178] {strides = array<i32>} : memref<32768xf32, #tpu.memory_space<vmem>>, vector<16xf32>,
      %parallel_loop3A_180 = arith.constant 16 : i32
      %parallel_loop3A_181 = arith.addi %parallel_loop3A_171, %parallel_loop3A_180 : i32
      %parallel_loop3A_182 = arith.index_cast %parallel_loop3A_181 : i32 to index
      %parallel_loop3A_183 = tpu.vector_load %arg7[%parallel_loop3A_182] {strides = array<i32>} : memref<32768xf32, #tpu.memory_space<vmem>>, vector<16xf32>,
      tpu.vector_store %arg7[%parallel_loop3A_182], %parallel_loop3A_179 {strides = array<i32>} : memref<32768xf32, #tpu.memory_space<vmem>>, vector<16xf32>,
      %parallel_loop3A_184 = vector.extract_strided_slice %parallel_loop3A_43 {offsets = [7], sizes = [1], strides = [1]} : vector<16xi32> to vector<1xi32>
      %parallel_loop3A_185 = vector.extract %parallel_loop3A_184[0] : i32 from vector<1xi32>
      %parallel_loop3A_186 = arith.constant 16 : i32
      %parallel_loop3A_187 = arith.muli %parallel_loop3A_36, %parallel_loop3A_186 : i32
      %parallel_loop3A_188 = arith.constant 7 : i32
      %parallel_loop3A_189 = arith.addi %parallel_loop3A_187, %parallel_loop3A_188 : i32
      %parallel_loop3A_190 = arith.constant 32 : i32
      %parallel_loop3A_191 = arith.muli %parallel_loop3A_189, %parallel_loop3A_190 : i32
      %parallel_loop3A_192 = arith.index_cast %parallel_loop3A_185 : i32 to index
      %parallel_loop3A_193 = tpu.vector_load %arg5[%parallel_loop3A_192] {strides = array<i32>} : memref<32768xf32, #tpu.memory_space<vmem>>, vector<16xf32>,
      %parallel_loop3A_194 = arith.index_cast %parallel_loop3A_191 : i32 to index
      %parallel_loop3A_195 = tpu.vector_load %arg7[%parallel_loop3A_194] {strides = array<i32>} : memref<32768xf32, #tpu.memory_space<vmem>>, vector<16xf32>,
      tpu.vector_store %arg7[%parallel_loop3A_194], %parallel_loop3A_193 {strides = array<i32>} : memref<32768xf32, #tpu.memory_space<vmem>>, vector<16xf32>,
      %parallel_loop3A_196 = arith.constant 16 : i32
      %parallel_loop3A_197 = arith.addi %parallel_loop3A_185, %parallel_loop3A_196 : i32
      %parallel_loop3A_198 = arith.index_cast %parallel_loop3A_197 : i32 to index
      %parallel_loop3A_199 = tpu.vector_load %arg5[%parallel_loop3A_198] {strides = array<i32>} : memref<32768xf32, #tpu.memory_space<vmem>>, vector<16xf32>,
      %parallel_loop3A_200 = arith.constant 16 : i32
      %parallel_loop3A_201 = arith.addi %parallel_loop3A_191, %parallel_loop3A_200 : i32
      %parallel_loop3A_202 = arith.index_cast %parallel_loop3A_201 : i32 to index
      %parallel_loop3A_203 = tpu.vector_load %arg7[%parallel_loop3A_202] {strides = array<i32>} : memref<32768xf32, #tpu.memory_space<vmem>>, vector<16xf32>,
      tpu.vector_store %arg7[%parallel_loop3A_202], %parallel_loop3A_199 {strides = array<i32>} : memref<32768xf32, #tpu.memory_space<vmem>>, vector<16xf32>,
      %parallel_loop3A_204 = vector.extract_strided_slice %parallel_loop3A_43 {offsets = [8], sizes = [1], strides = [1]} : vector<16xi32> to vector<1xi32>
      %parallel_loop3A_205 = vector.extract %parallel_loop3A_204[0] : i32 from vector<1xi32>
      %parallel_loop3A_206 = arith.constant 16 : i32
      %parallel_loop3A_207 = arith.muli %parallel_loop3A_36, %parallel_loop3A_206 : i32
      %parallel_loop3A_208 = arith.constant 8 : i32
      %parallel_loop3A_209 = arith.addi %parallel_loop3A_207, %parallel_loop3A_208 : i32
      %parallel_loop3A_210 = arith.constant 32 : i32
      %parallel_loop3A_211 = arith.muli %parallel_loop3A_209, %parallel_loop3A_210 : i32
      %parallel_loop3A_212 = arith.index_cast %parallel_loop3A_205 : i32 to index
      %parallel_loop3A_213 = tpu.vector_load %arg5[%parallel_loop3A_212] {strides = array<i32>} : memref<32768xf32, #tpu.memory_space<vmem>>, vector<16xf32>,
      %parallel_loop3A_214 = arith.index_cast %parallel_loop3A_211 : i32 to index
      %parallel_loop3A_215 = tpu.vector_load %arg7[%parallel_loop3A_214] {strides = array<i32>} : memref<32768xf32, #tpu.memory_space<vmem>>, vector<16xf32>,
      tpu.vector_store %arg7[%parallel_loop3A_214], %parallel_loop3A_213 {strides = array<i32>} : memref<32768xf32, #tpu.memory_space<vmem>>, vector<16xf32>,
      %parallel_loop3A_216 = arith.constant 16 : i32
      %parallel_loop3A_217 = arith.addi %parallel_loop3A_205, %parallel_loop3A_216 : i32
      %parallel_loop3A_218 = arith.index_cast %parallel_loop3A_217 : i32 to index
      %parallel_loop3A_219 = tpu.vector_load %arg5[%parallel_loop3A_218] {strides = array<i32>} : memref<32768xf32, #tpu.memory_space<vmem>>, vector<16xf32>,
      %parallel_loop3A_220 = arith.constant 16 : i32
      %parallel_loop3A_221 = arith.addi %parallel_loop3A_211, %parallel_loop3A_220 : i32
      %parallel_loop3A_222 = arith.index_cast %parallel_loop3A_221 : i32 to index
      %parallel_loop3A_223 = tpu.vector_load %arg7[%parallel_loop3A_222] {strides = array<i32>} : memref<32768xf32, #tpu.memory_space<vmem>>, vector<16xf32>,
      tpu.vector_store %arg7[%parallel_loop3A_222], %parallel_loop3A_219 {strides = array<i32>} : memref<32768xf32, #tpu.memory_space<vmem>>, vector<16xf32>,
      %parallel_loop3A_224 = vector.extract_strided_slice %parallel_loop3A_43 {offsets = [9], sizes = [1], strides = [1]} : vector<16xi32> to vector<1xi32>
      %parallel_loop3A_225 = vector.extract %parallel_loop3A_224[0] : i32 from vector<1xi32>
      %parallel_loop3A_226 = arith.constant 16 : i32
      %parallel_loop3A_227 = arith.muli %parallel_loop3A_36, %parallel_loop3A_226 : i32
      %parallel_loop3A_228 = arith.constant 9 : i32
      %parallel_loop3A_229 = arith.addi %parallel_loop3A_227, %parallel_loop3A_228 : i32
      %parallel_loop3A_230 = arith.constant 32 : i32
      %parallel_loop3A_231 = arith.muli %parallel_loop3A_229, %parallel_loop3A_230 : i32
      %parallel_loop3A_232 = arith.index_cast %parallel_loop3A_225 : i32 to index
      %parallel_loop3A_233 = tpu.vector_load %arg5[%parallel_loop3A_232] {strides = array<i32>} : memref<32768xf32, #tpu.memory_space<vmem>>, vector<16xf32>,
      %parallel_loop3A_234 = arith.index_cast %parallel_loop3A_231 : i32 to index
      %parallel_loop3A_235 = tpu.vector_load %arg7[%parallel_loop3A_234] {strides = array<i32>} : memref<32768xf32, #tpu.memory_space<vmem>>, vector<16xf32>,
      tpu.vector_store %arg7[%parallel_loop3A_234], %parallel_loop3A_233 {strides = array<i32>} : memref<32768xf32, #tpu.memory_space<vmem>>, vector<16xf32>,
      %parallel_loop3A_236 = arith.constant 16 : i32
      %parallel_loop3A_237 = arith.addi %parallel_loop3A_225, %parallel_loop3A_236 : i32
      %parallel_loop3A_238 = arith.index_cast %parallel_loop3A_237 : i32 to index
      %parallel_loop3A_239 = tpu.vector_load %arg5[%parallel_loop3A_238] {strides = array<i32>} : memref<32768xf32, #tpu.memory_space<vmem>>, vector<16xf32>,
      %parallel_loop3A_240 = arith.constant 16 : i32
      %parallel_loop3A_241 = arith.addi %parallel_loop3A_231, %parallel_loop3A_240 : i32
      %parallel_loop3A_242 = arith.index_cast %parallel_loop3A_241 : i32 to index
      %parallel_loop3A_243 = tpu.vector_load %arg7[%parallel_loop3A_242] {strides = array<i32>} : memref<32768xf32, #tpu.memory_space<vmem>>, vector<16xf32>,
      tpu.vector_store %arg7[%parallel_loop3A_242], %parallel_loop3A_239 {strides = array<i32>} : memref<32768xf32, #tpu.memory_space<vmem>>, vector<16xf32>,
      %parallel_loop3A_244 = vector.extract_strided_slice %parallel_loop3A_43 {offsets = [10], sizes = [1], strides = [1]} : vector<16xi32> to vector<1xi32>
      %parallel_loop3A_245 = vector.extract %parallel_loop3A_244[0] : i32 from vector<1xi32>
      %parallel_loop3A_246 = arith.constant 16 : i32
      %parallel_loop3A_247 = arith.muli %parallel_loop3A_36, %parallel_loop3A_246 : i32
      %parallel_loop3A_248 = arith.constant 10 : i32
      %parallel_loop3A_249 = arith.addi %parallel_loop3A_247, %parallel_loop3A_248 : i32
      %parallel_loop3A_250 = arith.constant 32 : i32
      %parallel_loop3A_251 = arith.muli %parallel_loop3A_249, %parallel_loop3A_250 : i32
      %parallel_loop3A_252 = arith.index_cast %parallel_loop3A_245 : i32 to index
      %parallel_loop3A_253 = tpu.vector_load %arg5[%parallel_loop3A_252] {strides = array<i32>} : memref<32768xf32, #tpu.memory_space<vmem>>, vector<16xf32>,
      %parallel_loop3A_254 = arith.index_cast %parallel_loop3A_251 : i32 to index
      %parallel_loop3A_255 = tpu.vector_load %arg7[%parallel_loop3A_254] {strides = array<i32>} : memref<32768xf32, #tpu.memory_space<vmem>>, vector<16xf32>,
      tpu.vector_store %arg7[%parallel_loop3A_254], %parallel_loop3A_253 {strides = array<i32>} : memref<32768xf32, #tpu.memory_space<vmem>>, vector<16xf32>,
      %parallel_loop3A_256 = arith.constant 16 : i32
      %parallel_loop3A_257 = arith.addi %parallel_loop3A_245, %parallel_loop3A_256 : i32
      %parallel_loop3A_258 = arith.index_cast %parallel_loop3A_257 : i32 to index
      %parallel_loop3A_259 = tpu.vector_load %arg5[%parallel_loop3A_258] {strides = array<i32>} : memref<32768xf32, #tpu.memory_space<vmem>>, vector<16xf32>,
      %parallel_loop3A_260 = arith.constant 16 : i32
      %parallel_loop3A_261 = arith.addi %parallel_loop3A_251, %parallel_loop3A_260 : i32
      %parallel_loop3A_262 = arith.index_cast %parallel_loop3A_261 : i32 to index
      %parallel_loop3A_263 = tpu.vector_load %arg7[%parallel_loop3A_262] {strides = array<i32>} : memref<32768xf32, #tpu.memory_space<vmem>>, vector<16xf32>,
      tpu.vector_store %arg7[%parallel_loop3A_262], %parallel_loop3A_259 {strides = array<i32>} : memref<32768xf32, #tpu.memory_space<vmem>>, vector<16xf32>,
      %parallel_loop3A_264 = vector.extract_strided_slice %parallel_loop3A_43 {offsets = [11], sizes = [1], strides = [1]} : vector<16xi32> to vector<1xi32>
      %parallel_loop3A_265 = vector.extract %parallel_loop3A_264[0] : i32 from vector<1xi32>
      %parallel_loop3A_266 = arith.constant 16 : i32
      %parallel_loop3A_267 = arith.muli %parallel_loop3A_36, %parallel_loop3A_266 : i32
      %parallel_loop3A_268 = arith.constant 11 : i32
      %parallel_loop3A_269 = arith.addi %parallel_loop3A_267, %parallel_loop3A_268 : i32
      %parallel_loop3A_270 = arith.constant 32 : i32
      %parallel_loop3A_271 = arith.muli %parallel_loop3A_269, %parallel_loop3A_270 : i32
      %parallel_loop3A_272 = arith.index_cast %parallel_loop3A_265 : i32 to index
      %parallel_loop3A_273 = tpu.vector_load %arg5[%parallel_loop3A_272] {strides = array<i32>} : memref<32768xf32, #tpu.memory_space<vmem>>, vector<16xf32>,
      %parallel_loop3A_274 = arith.index_cast %parallel_loop3A_271 : i32 to index
      %parallel_loop3A_275 = tpu.vector_load %arg7[%parallel_loop3A_274] {strides = array<i32>} : memref<32768xf32, #tpu.memory_space<vmem>>, vector<16xf32>,
      tpu.vector_store %arg7[%parallel_loop3A_274], %parallel_loop3A_273 {strides = array<i32>} : memref<32768xf32, #tpu.memory_space<vmem>>, vector<16xf32>,
      %parallel_loop3A_276 = arith.constant 16 : i32
      %parallel_loop3A_277 = arith.addi %parallel_loop3A_265, %parallel_loop3A_276 : i32
      %parallel_loop3A_278 = arith.index_cast %parallel_loop3A_277 : i32 to index
      %parallel_loop3A_279 = tpu.vector_load %arg5[%parallel_loop3A_278] {strides = array<i32>} : memref<32768xf32, #tpu.memory_space<vmem>>, vector<16xf32>,
      %parallel_loop3A_280 = arith.constant 16 : i32
      %parallel_loop3A_281 = arith.addi %parallel_loop3A_271, %parallel_loop3A_280 : i32
      %parallel_loop3A_282 = arith.index_cast %parallel_loop3A_281 : i32 to index
      %parallel_loop3A_283 = tpu.vector_load %arg7[%parallel_loop3A_282] {strides = array<i32>} : memref<32768xf32, #tpu.memory_space<vmem>>, vector<16xf32>,
      tpu.vector_store %arg7[%parallel_loop3A_282], %parallel_loop3A_279 {strides = array<i32>} : memref<32768xf32, #tpu.memory_space<vmem>>, vector<16xf32>,
      %parallel_loop3A_284 = vector.extract_strided_slice %parallel_loop3A_43 {offsets = [12], sizes = [1], strides = [1]} : vector<16xi32> to vector<1xi32>
      %parallel_loop3A_285 = vector.extract %parallel_loop3A_284[0] : i32 from vector<1xi32>
      %parallel_loop3A_286 = arith.constant 16 : i32
      %parallel_loop3A_287 = arith.muli %parallel_loop3A_36, %parallel_loop3A_286 : i32
      %parallel_loop3A_288 = arith.constant 12 : i32
      %parallel_loop3A_289 = arith.addi %parallel_loop3A_287, %parallel_loop3A_288 : i32
      %parallel_loop3A_290 = arith.constant 32 : i32
      %parallel_loop3A_291 = arith.muli %parallel_loop3A_289, %parallel_loop3A_290 : i32
      %parallel_loop3A_292 = arith.index_cast %parallel_loop3A_285 : i32 to index
      %parallel_loop3A_293 = tpu.vector_load %arg5[%parallel_loop3A_292] {strides = array<i32>} : memref<32768xf32, #tpu.memory_space<vmem>>, vector<16xf32>,
      %parallel_loop3A_294 = arith.index_cast %parallel_loop3A_291 : i32 to index
      %parallel_loop3A_295 = tpu.vector_load %arg7[%parallel_loop3A_294] {strides = array<i32>} : memref<32768xf32, #tpu.memory_space<vmem>>, vector<16xf32>,
      tpu.vector_store %arg7[%parallel_loop3A_294], %parallel_loop3A_293 {strides = array<i32>} : memref<32768xf32, #tpu.memory_space<vmem>>, vector<16xf32>,
      %parallel_loop3A_296 = arith.constant 16 : i32
      %parallel_loop3A_297 = arith.addi %parallel_loop3A_285, %parallel_loop3A_296 : i32
      %parallel_loop3A_298 = arith.index_cast %parallel_loop3A_297 : i32 to index
      %parallel_loop3A_299 = tpu.vector_load %arg5[%parallel_loop3A_298] {strides = array<i32>} : memref<32768xf32, #tpu.memory_space<vmem>>, vector<16xf32>,
      %parallel_loop3A_300 = arith.constant 16 : i32
      %parallel_loop3A_301 = arith.addi %parallel_loop3A_291, %parallel_loop3A_300 : i32
      %parallel_loop3A_302 = arith.index_cast %parallel_loop3A_301 : i32 to index
      %parallel_loop3A_303 = tpu.vector_load %arg7[%parallel_loop3A_302] {strides = array<i32>} : memref<32768xf32, #tpu.memory_space<vmem>>, vector<16xf32>,
      tpu.vector_store %arg7[%parallel_loop3A_302], %parallel_loop3A_299 {strides = array<i32>} : memref<32768xf32, #tpu.memory_space<vmem>>, vector<16xf32>,
      %parallel_loop3A_304 = vector.extract_strided_slice %parallel_loop3A_43 {offsets = [13], sizes = [1], strides = [1]} : vector<16xi32> to vector<1xi32>
      %parallel_loop3A_305 = vector.extract %parallel_loop3A_304[0] : i32 from vector<1xi32>
      %parallel_loop3A_306 = arith.constant 16 : i32
      %parallel_loop3A_307 = arith.muli %parallel_loop3A_36, %parallel_loop3A_306 : i32
      %parallel_loop3A_308 = arith.constant 13 : i32
      %parallel_loop3A_309 = arith.addi %parallel_loop3A_307, %parallel_loop3A_308 : i32
      %parallel_loop3A_310 = arith.constant 32 : i32
      %parallel_loop3A_311 = arith.muli %parallel_loop3A_309, %parallel_loop3A_310 : i32
      %parallel_loop3A_312 = arith.index_cast %parallel_loop3A_305 : i32 to index
      %parallel_loop3A_313 = tpu.vector_load %arg5[%parallel_loop3A_312] {strides = array<i32>} : memref<32768xf32, #tpu.memory_space<vmem>>, vector<16xf32>,
      %parallel_loop3A_314 = arith.index_cast %parallel_loop3A_311 : i32 to index
      %parallel_loop3A_315 = tpu.vector_load %arg7[%parallel_loop3A_314] {strides = array<i32>} : memref<32768xf32, #tpu.memory_space<vmem>>, vector<16xf32>,
      tpu.vector_store %arg7[%parallel_loop3A_314], %parallel_loop3A_313 {strides = array<i32>} : memref<32768xf32, #tpu.memory_space<vmem>>, vector<16xf32>,
      %parallel_loop3A_316 = arith.constant 16 : i32
      %parallel_loop3A_317 = arith.addi %parallel_loop3A_305, %parallel_loop3A_316 : i32
      %parallel_loop3A_318 = arith.index_cast %parallel_loop3A_317 : i32 to index
      %parallel_loop3A_319 = tpu.vector_load %arg5[%parallel_loop3A_318] {strides = array<i32>} : memref<32768xf32, #tpu.memory_space<vmem>>, vector<16xf32>,
      %parallel_loop3A_320 = arith.constant 16 : i32
      %parallel_loop3A_321 = arith.addi %parallel_loop3A_311, %parallel_loop3A_320 : i32
      %parallel_loop3A_322 = arith.index_cast %parallel_loop3A_321 : i32 to index
      %parallel_loop3A_323 = tpu.vector_load %arg7[%parallel_loop3A_322] {strides = array<i32>} : memref<32768xf32, #tpu.memory_space<vmem>>, vector<16xf32>,
      tpu.vector_store %arg7[%parallel_loop3A_322], %parallel_loop3A_319 {strides = array<i32>} : memref<32768xf32, #tpu.memory_space<vmem>>, vector<16xf32>,
      %parallel_loop3A_324 = vector.extract_strided_slice %parallel_loop3A_43 {offsets = [14], sizes = [1], strides = [1]} : vector<16xi32> to vector<1xi32>
      %parallel_loop3A_325 = vector.extract %parallel_loop3A_324[0] : i32 from vector<1xi32>
      %parallel_loop3A_326 = arith.constant 16 : i32
      %parallel_loop3A_327 = arith.muli %parallel_loop3A_36, %parallel_loop3A_326 : i32
      %parallel_loop3A_328 = arith.constant 14 : i32
      %parallel_loop3A_329 = arith.addi %parallel_loop3A_327, %parallel_loop3A_328 : i32
      %parallel_loop3A_330 = arith.constant 32 : i32
      %parallel_loop3A_331 = arith.muli %parallel_loop3A_329, %parallel_loop3A_330 : i32
      %parallel_loop3A_332 = arith.index_cast %parallel_loop3A_325 : i32 to index
      %parallel_loop3A_333 = tpu.vector_load %arg5[%parallel_loop3A_332] {strides = array<i32>} : memref<32768xf32, #tpu.memory_space<vmem>>, vector<16xf32>,
      %parallel_loop3A_334 = arith.index_cast %parallel_loop3A_331 : i32 to index
      %parallel_loop3A_335 = tpu.vector_load %arg7[%parallel_loop3A_334] {strides = array<i32>} : memref<32768xf32, #tpu.memory_space<vmem>>, vector<16xf32>,
      tpu.vector_store %arg7[%parallel_loop3A_334], %parallel_loop3A_333 {strides = array<i32>} : memref<32768xf32, #tpu.memory_space<vmem>>, vector<16xf32>,
      %parallel_loop3A_336 = arith.constant 16 : i32
      %parallel_loop3A_337 = arith.addi %parallel_loop3A_325, %parallel_loop3A_336 : i32
      %parallel_loop3A_338 = arith.index_cast %parallel_loop3A_337 : i32 to index
      %parallel_loop3A_339 = tpu.vector_load %arg5[%parallel_loop3A_338] {strides = array<i32>} : memref<32768xf32, #tpu.memory_space<vmem>>, vector<16xf32>,
      %parallel_loop3A_340 = arith.constant 16 : i32
      %parallel_loop3A_341 = arith.addi %parallel_loop3A_331, %parallel_loop3A_340 : i32
      %parallel_loop3A_342 = arith.index_cast %parallel_loop3A_341 : i32 to index
      %parallel_loop3A_343 = tpu.vector_load %arg7[%parallel_loop3A_342] {strides = array<i32>} : memref<32768xf32, #tpu.memory_space<vmem>>, vector<16xf32>,
      tpu.vector_store %arg7[%parallel_loop3A_342], %parallel_loop3A_339 {strides = array<i32>} : memref<32768xf32, #tpu.memory_space<vmem>>, vector<16xf32>,
      %parallel_loop3A_344 = vector.extract_strided_slice %parallel_loop3A_43 {offsets = [15], sizes = [1], strides = [1]} : vector<16xi32> to vector<1xi32>
      %parallel_loop3A_345 = vector.extract %parallel_loop3A_344[0] : i32 from vector<1xi32>
      %parallel_loop3A_346 = arith.constant 16 : i32
      %parallel_loop3A_347 = arith.muli %parallel_loop3A_36, %parallel_loop3A_346 : i32
      %parallel_loop3A_348 = arith.constant 15 : i32
      %parallel_loop3A_349 = arith.addi %parallel_loop3A_347, %parallel_loop3A_348 : i32
      %parallel_loop3A_350 = arith.constant 32 : i32
      %parallel_loop3A_351 = arith.muli %parallel_loop3A_349, %parallel_loop3A_350 : i32
      %parallel_loop3A_352 = arith.index_cast %parallel_loop3A_345 : i32 to index
      %parallel_loop3A_353 = tpu.vector_load %arg5[%parallel_loop3A_352] {strides = array<i32>} : memref<32768xf32, #tpu.memory_space<vmem>>, vector<16xf32>,
      %parallel_loop3A_354 = arith.index_cast %parallel_loop3A_351 : i32 to index
      %parallel_loop3A_355 = tpu.vector_load %arg7[%parallel_loop3A_354] {strides = array<i32>} : memref<32768xf32, #tpu.memory_space<vmem>>, vector<16xf32>,
      tpu.vector_store %arg7[%parallel_loop3A_354], %parallel_loop3A_353 {strides = array<i32>} : memref<32768xf32, #tpu.memory_space<vmem>>, vector<16xf32>,
      %parallel_loop3A_356 = arith.constant 16 : i32
      %parallel_loop3A_357 = arith.addi %parallel_loop3A_345, %parallel_loop3A_356 : i32
      %parallel_loop3A_358 = arith.index_cast %parallel_loop3A_357 : i32 to index
      %parallel_loop3A_359 = tpu.vector_load %arg5[%parallel_loop3A_358] {strides = array<i32>} : memref<32768xf32, #tpu.memory_space<vmem>>, vector<16xf32>,
      %parallel_loop3A_360 = arith.constant 16 : i32
      %parallel_loop3A_361 = arith.addi %parallel_loop3A_351, %parallel_loop3A_360 : i32
      %parallel_loop3A_362 = arith.index_cast %parallel_loop3A_361 : i32 to index
      %parallel_loop3A_363 = tpu.vector_load %arg7[%parallel_loop3A_362] {strides = array<i32>} : memref<32768xf32, #tpu.memory_space<vmem>>, vector<16xf32>,
      tpu.vector_store %arg7[%parallel_loop3A_362], %parallel_loop3A_359 {strides = array<i32>} : memref<32768xf32, #tpu.memory_space<vmem>>, vector<16xf32>,
    } {sc.loop_unroll_factor = 2 : i64, sc.parallel_access}
    %mul3A_34 = arith.constant 32 : i32
    %mul3A_35 = arith.muli %add3A_30, %mul3A_34 : i32
    "tpu.region"() ({
      %run_scoped3A = tpu.sem_alloc : memref<!tpu.dma_semaphore, #tpu.memory_space<semaphore_mem>>
      %dma_start3A = tpu.memref_slice %arg4[%mul3A_35] : memref<4194304xf32, #tpu.memory_space<hbm>> -> memref<32768xf32, #tpu.memory_space<hbm>>
      %dma_start3A_36 = tpu.memref_slice %arg4[%mul3A_35] : memref<4194304xf32, #tpu.memory_space<hbm>> -> memref<32768xf32, #tpu.memory_space<hbm>>
      tpu.enqueue_dma source(%arg7 : memref<32768xf32, #tpu.memory_space<vmem>>) target(%dma_start3A_36 : memref<32768xf32, #tpu.memory_space<hbm>>) target_semaphore(%run_scoped3A : memref<!tpu.dma_semaphore, #tpu.memory_space<semaphore_mem>>)
      %dma_wait3A = tpu.memref_slice %arg4[%mul3A_35] : memref<4194304xf32, #tpu.memory_space<hbm>> -> memref<32768xf32, #tpu.memory_space<hbm>>
      %dma_wait3A_37 = tpu.memref_slice %arg4[%mul3A_35] : memref<4194304xf32, #tpu.memory_space<hbm>> -> memref<32768xf32, #tpu.memory_space<hbm>>
      tpu.wait_dma2 semaphore(%run_scoped3A : memref<!tpu.dma_semaphore, #tpu.memory_space<semaphore_mem>>) src(%arg7 : memref<32768xf32, #tpu.memory_space<vmem>>) dst(%dma_wait3A_37 : memref<32768xf32, #tpu.memory_space<hbm>>)
      tpu.yield
    }) : () -> ()
    return
  }
}

module attributes {stable_mosaic.version = 14 : i64} {
  func.func @_vq_block_kernel(%arg0: i32, %arg1: memref<32x4096xf32, #tpu.memory_space<vmem>>, %arg2: memref<1024x32xf32, #tpu.memory_space<vmem>>, %arg3: memref<1024x1xf32, #tpu.memory_space<vmem>>, %arg4: memref<8x1024xbf16, #tpu.memory_space<vmem>>, %arg5: memref<4096xi32, #tpu.memory_space<vmem>>, %arg6: memref<1x1xf32, #tpu.memory_space<vmem>>) attributes {dimension_semantics = [#tpu.dimension_semantics<arbitrary>], iteration_bounds = array<i64: 32>, scalar_prefetch = 0 : i64, scratch_operands = 0 : i64, tpu.core_type = #tpu.core_type<tc>, window_params = [{transform_indices = @transform_0, window_bounds = array<i64: 32, 4096>}, {pipeline_mode = #tpu.pipeline_mode<synchronous>, transform_indices = @transform_1, window_bounds = array<i64: 1024, 32>}, {pipeline_mode = #tpu.pipeline_mode<synchronous>, transform_indices = @transform_2, window_bounds = array<i64: 1024, 1>}, {pipeline_mode = #tpu.pipeline_mode<synchronous>, transform_indices = @transform_3, window_bounds = array<i64: 8, 1024>}, {transform_indices = @transform_4, window_bounds = array<i64: 4096>}, {pipeline_mode = #tpu.pipeline_mode<synchronous>, transform_indices = @transform_5, window_bounds = array<i64: 1, 1>}]} {
    %get3A = arith.constant 0 : index
    %get3A_0 = arith.constant 0 : index
    %get3A_1 = vector.load %arg1[%get3A, %get3A_0] : memref<32x4096xf32, #tpu.memory_space<vmem>>, vector<32x4096xf32>
    %get3A_2 = arith.constant 0 : index
    %get3A_3 = arith.constant 0 : index
    %get3A_4 = vector.load %arg2[%get3A_2, %get3A_3] : memref<1024x32xf32, #tpu.memory_space<vmem>>, vector<1024x32xf32>
    %dot_general3A = arith.constant dense<0.000000e+00> : vector<1024x4096xf32>
    %dot_general3A_5 = tpu.matmul %get3A_4, %get3A_1, %dot_general3A {dimension_numbers = #tpu.dot_dimension_numbers<[1], [0], [0], [1], [0, 0, 1, 1], [], []>, transpose_lhs_hint = false} : vector<1024x32xf32>, vector<32x4096xf32>, vector<1024x4096xf32> -> vector<1024x4096xf32>
    %get3A_6 = arith.constant 0 : index
    %get3A_7 = arith.constant 0 : index
    %get3A_8 = vector.load %arg3[%get3A_6, %get3A_7] : memref<1024x1xf32, #tpu.memory_space<vmem>>, vector<1024x1xf32>
    %add3A = vector.broadcast %get3A_8 : vector<1024x1xf32> to vector<1024x4096xf32>
    %add3A_9 = arith.addf %dot_general3A_5, %add3A : vector<1024x4096xf32>
    %reduce_min3A = arith.constant dense<0x7F800000> : vector<4096xf32>
    %reduce_min3A_10 = vector.multi_reduction <minimumf>, %add3A_9, %reduce_min3A [0] : vector<1024x4096xf32> to vector<4096xf32>
    %broadcast_in_dim3A = vector.shape_cast %reduce_min3A_10 : vector<4096xf32> to vector<1x4096xf32>
    %eq3A = vector.broadcast %broadcast_in_dim3A : vector<1x4096xf32> to vector<1024x4096xf32>
    %eq3A_11 = arith.cmpf oeq, %add3A_9, %eq3A : vector<1024x4096xf32>
    %convert_element_type3A = arith.extui %eq3A_11 : vector<1024x4096xi1> to vector<1024x4096xi32>
    %convert_element_type3A_12 = arith.sitofp %convert_element_type3A : vector<1024x4096xi32> to vector<1024x4096xf32>
    %convert_element_type3A_13 = arith.truncf %convert_element_type3A_12 : vector<1024x4096xf32> to vector<1024x4096xbf16>
    %get3A_14 = arith.constant 0 : index
    %get3A_15 = arith.constant 0 : index
    %get3A_16 = vector.load %arg4[%get3A_14, %get3A_15] : memref<8x1024xbf16, #tpu.memory_space<vmem>>, vector<8x1024xbf16>
    %dot_general3A_17 = arith.constant dense<0.000000e+00> : vector<8x4096xf32>
    %dot_general3A_18 = tpu.matmul %get3A_16, %convert_element_type3A_13, %dot_general3A_17 {dimension_numbers = #tpu.dot_dimension_numbers<[1], [0], [0], [1], [0, 0, 1, 1], [], []>, transpose_lhs_hint = false} : vector<8x1024xbf16>, vector<1024x4096xbf16>, vector<8x4096xf32> -> vector<8x4096xf32>
    %slice3A = vector.extract_strided_slice %dot_general3A_18 {offsets = [0, 0], sizes = [1, 4096], strides = [1, 1]} : vector<8x4096xf32> to vector<1x4096xf32>
    %squeeze3A = vector.shape_cast %slice3A : vector<1x4096xf32> to vector<4096xf32>
    %slice3A_19 = vector.extract_strided_slice %dot_general3A_18 {offsets = [1, 0], sizes = [1, 4096], strides = [1, 1]} : vector<8x4096xf32> to vector<1x4096xf32>
    %squeeze3A_20 = vector.shape_cast %slice3A_19 : vector<1x4096xf32> to vector<4096xf32>
    %add3A_21 = arith.addf %squeeze3A, %squeeze3A_20 : vector<4096xf32>
    %min3A = arith.constant 1.023000e+03 : f32
    %min3A_22 = vector.broadcast %min3A : f32 to vector<4096xf32>
    %min3A_23 = arith.minimumf %add3A_21, %min3A_22 : vector<4096xf32>
    %convert_element_type3A_24 = arith.fptosi %min3A_23 : vector<4096xf32> to vector<4096xi32>
    %swap3A = arith.constant 0 : index
    %swap3A_25 = vector.load %arg5[%swap3A] : memref<4096xi32, #tpu.memory_space<vmem>>, vector<4096xi32>
    tpu.vector_store %arg5[%swap3A], %convert_element_type3A_24 {strides = array<i32>} : memref<4096xi32, #tpu.memory_space<vmem>>, vector<4096xi32>,
    %mul3A = arith.mulf %get3A_1, %get3A_1 : vector<32x4096xf32>
    %reduce_sum3A = arith.constant dense<0.000000e+00> : vector<4096xf32>
    %reduce_sum3A_26 = vector.multi_reduction <add>, %mul3A, %reduce_sum3A [0] : vector<32x4096xf32> to vector<4096xf32>
    %reduce_sum3A_27 = vector.shape_cast %broadcast_in_dim3A : vector<1x4096xf32> to vector<1x1x4096xf32>
    %reduce_sum3A_28 = arith.constant dense<0.000000e+00> : vector<1xf32>
    %reduce_sum3A_29 = vector.multi_reduction <add>, %reduce_sum3A_27, %reduce_sum3A_28 [1, 2] : vector<1x1x4096xf32> to vector<1xf32>
    %reduce_sum3A_30 = vector.shape_cast %reduce_sum3A_29 : vector<1xf32> to vector<1x1x1xf32>
    %reduce_sum3A_31 = vector.extract %reduce_sum3A_30[0, 0, 0] : f32 from vector<1x1x1xf32>
    %reduce_sum3A_32 = vector.shape_cast %reduce_sum3A_26 : vector<4096xf32> to vector<1x4096xf32>
    %reduce_sum3A_33 = arith.constant dense<0.000000e+00> : vector<1xf32>
    %reduce_sum3A_34 = vector.multi_reduction <add>, %reduce_sum3A_32, %reduce_sum3A_33 [1] : vector<1x4096xf32> to vector<1xf32>
    %reduce_sum3A_35 = vector.shape_cast %reduce_sum3A_34 : vector<1xf32> to vector<1x1xf32>
    %reduce_sum3A_36 = vector.extract %reduce_sum3A_35[0, 0] : f32 from vector<1x1xf32>
    %add3A_37 = arith.addf %reduce_sum3A_31, %reduce_sum3A_36 : f32
    %broadcast_in_dim3A_38 = vector.broadcast %add3A_37 : f32 to vector<1x1xf32>
    %eq3A_39 = arith.constant 0 : i32
    %eq3A_40 = arith.cmpi eq, %arg0, %eq3A_39 : i32
    %convert_element_type3A_41 = arith.extui %eq3A_40 : i1 to i32
    %cond3A = arith.constant 0 : i32
    %cond3A_42 = arith.cmpi ne, %convert_element_type3A_41, %cond3A : i32
    scf.if %cond3A_42 {
      %broadcast_in_dim3A_50 = arith.constant 0.000000e+00 : f32
      %broadcast_in_dim3A_51 = vector.broadcast %broadcast_in_dim3A_50 : f32 to vector<1x1xf32>
      %swap3A_52 = arith.constant 0 : index
      %swap3A_53 = arith.constant 0 : index
      %swap3A_54 = vector.load %arg6[%swap3A_52, %swap3A_53] : memref<1x1xf32, #tpu.memory_space<vmem>>, vector<1x1xf32>
      tpu.vector_store %arg6[%swap3A_52, %swap3A_53], %broadcast_in_dim3A_51 {strides = array<i32>} : memref<1x1xf32, #tpu.memory_space<vmem>>, vector<1x1xf32>,
    } else {
    }
    %get3A_43 = arith.constant 0 : index
    %get3A_44 = arith.constant 0 : index
    %get3A_45 = vector.load %arg6[%get3A_43, %get3A_44] : memref<1x1xf32, #tpu.memory_space<vmem>>, vector<1x1xf32>
    %add3A_46 = arith.addf %get3A_45, %broadcast_in_dim3A_38 : vector<1x1xf32>
    %swap3A_47 = arith.constant 0 : index
    %swap3A_48 = arith.constant 0 : index
    %swap3A_49 = vector.load %arg6[%swap3A_47, %swap3A_48] : memref<1x1xf32, #tpu.memory_space<vmem>>, vector<1x1xf32>
    tpu.vector_store %arg6[%swap3A_47, %swap3A_48], %add3A_46 {strides = array<i32>} : memref<1x1xf32, #tpu.memory_space<vmem>>, vector<1x1xf32>,
    return
  }
  func.func @transform_0(%arg0: i32) -> (i32, i32) {
    %c0_i32 = arith.constant 0 : i32
    %c0_i32_0 = arith.constant 0 : i32
    return %c0_i32, %arg0 : i32, i32
  }
  func.func @transform_1(%arg0: i32) -> (i32, i32) {
    %c0_i32 = arith.constant 0 : i32
    %c0_i32_0 = arith.constant 0 : i32
    %c0_i32_1 = arith.constant 0 : i32
    return %c0_i32, %c0_i32_0 : i32, i32
  }
  func.func @transform_2(%arg0: i32) -> (i32, i32) {
    %c0_i32 = arith.constant 0 : i32
    %c0_i32_0 = arith.constant 0 : i32
    %c0_i32_1 = arith.constant 0 : i32
    return %c0_i32, %c0_i32_0 : i32, i32
  }
  func.func @transform_3(%arg0: i32) -> (i32, i32) {
    %c0_i32 = arith.constant 0 : i32
    %c0_i32_0 = arith.constant 0 : i32
    %c0_i32_1 = arith.constant 0 : i32
    return %c0_i32, %c0_i32_0 : i32, i32
  }
  func.func @transform_4(%arg0: i32) -> i32 {
    %c0_i32 = arith.constant 0 : i32
    return %arg0 : i32
  }
  func.func @transform_5(%arg0: i32) -> (i32, i32) {
    %c0_i32 = arith.constant 0 : i32
    %c0_i32_0 = arith.constant 0 : i32
    %c0_i32_1 = arith.constant 0 : i32
    return %c0_i32, %c0_i32_0 : i32, i32
  }
}

</mosaic_0001>

<sc_bundles>
// kernel: kernel.4.cloned.1.call-start
scs
__scs_entry_jumppad:
0x0: {  	(pc) =	sbr.rel $0x88, $3  }
0x1: {  	(tag) =	ssettag $0x0;
	lr =	simm.s32 $0x1  }
0x2: {  	[smem:$0x3F9F] =	sst lr;
	_ =	strace $0xD0000000  }
0x3: {  	_ = 	snop  }
0x4: {  	_ = 	snop  }
0x5: {  	_ = 	snop  }
0x6: {  	_ = 	snop  }
0x7: {  	_ = 	snop  }
__scs_overlays_trampoline_lowered:
0x8: {  	[smem:$0x3FAE] =	sst s0  }
0x9: {  	[smem:$0x3FAF] =	sst s1  }
0xa: {  	[smem:$0x3FB0] =	sst s2  }
0xb: {  	[smem:$0x3FB1] =	sst s3  }
0xc: {  	[smem:$0x3FB2] =	sst s4  }
0xd: {  	[smem:$0x3FB3] =	sst s5  }
0xe: {  	[smem:$0x3FB4] =	sst s6  }
0xf: {  	[smem:$0x3FB5] =	sst s7  }
0x10: {  	[smem:$0x3FB6] =	sst s8  }
0x11: {  	[smem:$0x3FB7] =	sst s9;
	s0 =	simm.s32 @!p0 $0x0  }
0x12: {  	s1 =	sld [smem:$0x3F9D];
	s0 =	simm.s32 @p0 $0x1  }
0x13: {  	[smem:$0x3FB8] =	sst s0;
	s0 =	simm.s32 @!p1 $0x0  }
0x14: {  	s2 =	sld [smem:$0x3F9C];
	s0 =	simm.s32 @p1 $0x1  }
0x15: {  	[smem:$0x3FB9] =	sst s0;
	s0 =	simm.s32 @!p2 $0x0  }
0x16: {  	s3 =	sld [smem:$0x3FDB];
	s0 =	simm.s32 @p2 $0x1  }
0x17: {  	s4 =	simm.s32 $0x1BF5;
	[smem:$0x3FBB] =	sst s0  }
0x18: {  	s0 =	sld [smem:$0x3F9E];
	_ =	swait.ge [sflag:s4], $0x0  }
0x19: {  	s7 =	sld [smem:$0x3F9F]  }
0x1a: {  	s8 =	sadd.s32 $0xFFFFE003, lr  }
0x1b: {  	s9 =	sadd.s32 $0xFFFFFEF7, lr;
	s5 =	simm.s32 $0xFFFFFFFF;
	p2 =	slt.u32 s8, $0xFFFFF086  }
0x1c: {  	p1 =	slt.u32 s9, $0xF7A;
	s5 =	simm.s32 @!p2 $0x0  }
0x1d: {  	s5 =	simm.s32 @p1 $0x1;
	p0 =	seq.s32 s7, s2  }
0x1e: {  	s7 =	smul.u32 @!p0 $0xF7A, s2;
	p2 =	seq.s32 @!p0 s5, $0x0  }
0x1f: {  	s9 =	smul.u32 $0xF7A, s1;
	s8 =	simm.s32 @!p0 $0x1BF5;
	p2 =	por !p2, p0  }
0x20: {  	[sflag:s8] =	ssyncset.s32 @!p0 $0xFFFFF086;
	s6 =	sadd.s32 @!p0 s3, s7;
	s7 =	simm.s32 @!p0 $0x108  }
0x21: {  	s3 =	sadd.s32 s3, s9;
	s6 =	sadd.s32 @!p0 $0x88, s6;
	s7 =	simm.s32 @p2 $0x1082  }
0x22: {  	[simem:s7], [sflag:s8] =	dma.local @!p0 [hbm:s6], $0xF7A  }
0x23: {  	s9 =	sor.u32 $0xD0000000, s2;
	s6 =	simm.s32 $0x108;
	_ =	swait.ge @!p0 [sflag:s8], $0x0  }
0x24: {  	s3 =	sadd.s32 $0x88, s3;
	s6 =	simm.s32 @!p1 $0x1082;
	[sflag:s4] =	ssyncset.s32 $0xFFFFF086  }
0x25: {  	[simem:s6], [sflag:s4] =	dma.local [hbm:s3], $0xF7A  }
0x26: {  	[smem:$0x3F9F] =	sst s1;
	(tag) =	ssettag s2;
	_ =	strace s9  }
0x27: {  	s1 =	sld [smem:$0x3FAF]  }
0x28: {  	s2 =	sld [smem:$0x3FB0]  }
0x29: {  	s4 =	sld [smem:$0x3FB2]  }
0x2a: {  	p0 =	seq.s32 s5, $0x0;
	s5 =	sld [smem:$0x3FB3]  }
0x2b: {  	s6 =	sld [smem:$0x3FB4]  }
0x2c: {  	s7 =	sld [smem:$0x3FB5]  }
0x2d: {  	s3 =	simm.s32 $0x108;
	s8 =	sld [smem:$0x3FB6]  }
0x2e: {  	s3 =	simm.s32 @!p0 $0x1082;
	s9 =	sld [smem:$0x3FB7]  }
0x2f: {  	lr =	sadd.s32 s0, s3;
	s0 =	sld [smem:$0x3FAE]  }
0x30: {  	s3 =	sld [smem:$0x3FB1]  }
0x31: {  	[smem:$0x3FBA] =	sst s10  }
0x32: {  	s10 =	sld [smem:$0x3FB8];
	_ =	sdelay $0x3  }
0x33: {  	p0 =	seq.s32 s10, $0x1;
	s10 =	sld [smem:$0x3FBA];
	_ =	sdelay $0x3  }
0x34: {  	[smem:$0x3FBA] =	sst s10  }
0x35: {  	s10 =	sld [smem:$0x3FB9];
	_ =	sdelay $0x3  }
0x36: {  	p1 =	seq.s32 s10, $0x1;
	s10 =	sld [smem:$0x3FBA];
	_ =	sdelay $0x3  }
0x37: {  	[smem:$0x3FBA] =	sst s10  }
0x38: {  	s10 =	sld [smem:$0x3FBB]  }
0x39: {  	_ = 	snop;
	(pc) =	sbr.ind lr, $3  }
0x3a: {  	_ = 	snop  }
0x3b: {  	_ = 	snop  }
0x3c: {  	p2 =	seq.s32 s10, $0x1;
	s10 =	sld [smem:$0x3FBA]  }
0x3d: {  	_ =	shalt  }
0x3e: {  	_ =	shalt  }
0x3f: {  	_ =	shalt  }
0x40: {  	_ =	shalt  }
0x41: {  	_ =	shalt  }
0x42: {  	_ =	shalt  }
0x43: {  	_ =	shalt  }
0x44: {  	_ =	shalt  }
0x45: {  	_ =	shalt  }
0x46: {  	_ =	shalt  }
0x47: {  	_ =	shalt  }
0x48: {  	_ =	shalt  }
0x49: {  	_ =	shalt  }
0x4a: {  	_ =	shalt  }
0x4b: {  	_ =	shalt  }
0x4c: {  	_ =	shalt  }
0x4d: {  	_ =	shalt  }
0x4e: {  	_ =	shalt  }
0x4f: {  	_ =	shalt  }
0x50: {  	_ =	shalt  }
0x51: {  	_ =	shalt  }
0x52: {  	_ =	shalt  }
0x53: {  	_ =	shalt  }
0x54: {  	_ =	shalt  }
0x55: {  	_ =	shalt  }
0x56: {  	_ =	shalt  }
0x57: {  	_ =	shalt  }
0x58: {  	_ =	shalt  }
0x59: {  	_ =	shalt  }
0x5a: {  	_ =	shalt  }
0x5b: {  	_ =	shalt  }
0x5c: {  	_ =	shalt  }
0x5d: {  	_ =	shalt  }
0x5e: {  	_ =	shalt  }
0x5f: {  	_ =	shalt  }
0x60: {  	_ =	shalt  }
0x61: {  	_ =	shalt  }
0x62: {  	_ =	shalt  }
0x63: {  	_ =	shalt  }
0x64: {  	_ =	shalt  }
0x65: {  	_ =	shalt  }
0x66: {  	_ =	shalt  }
0x67: {  	_ =	shalt  }
0x68: {  	_ =	shalt  }
0x69: {  	_ =	shalt  }
0x6a: {  	_ =	shalt  }
0x6b: {  	_ =	shalt  }
0x6c: {  	_ =	shalt  }
0x6d: {  	_ =	shalt  }
0x6e: {  	_ =	shalt  }
0x6f: {  	_ =	shalt  }
0x70: {  	_ =	shalt  }
0x71: {  	_ =	shalt  }
0x72: {  	_ =	shalt  }
0x73: {  	_ =	shalt  }
0x74: {  	_ =	shalt  }
0x75: {  	_ =	shalt  }
0x76: {  	_ =	shalt  }
0x77: {  	_ =	shalt  }
0x78: {  	_ =	shalt  }
0x79: {  	_ =	shalt  }
0x7a: {  	_ =	shalt  }
0x7b: {  	_ =	shalt  }
0x7c: {  	_ =	shalt  }
0x7d: {  	_ =	shalt  }
0x7e: {  	_ =	shalt  }
0x7f: {  	_ =	shalt  }
0x80: {  	_ =	shalt  }
0x81: {  	_ =	shalt  }
0x82: {  	_ =	shalt  }
0x83: {  	_ =	shalt  }
0x84: {  	_ =	shalt  }
0x85: {  	_ =	shalt  }
0x86: {  	_ =	shalt  }
0x87: {  	_ =	shalt  }
.Lfunc_end0:
.L_simem_size_0:
called_computation_lowered:
.L_overlay_start_0:
0x88: {  	s2 =	sld [smem:$0x3FD9]  }
0x89: {  	s3 =	sld [smem:$0x3FFE];
	_ =	sdelay $0x1  }
0x8a: {  	s1 =	srdreg.scid  }
0x8b: {  	s0 =	sand.u32 $0x1, s1  }
0x8c: {  	s14 =	sshll.u32 s0, $0xA;
	s2 =	sadd.s32 s3, s2  }
0x8d: {  	s2 =	sadd.s32 s2, s14  }
0x8e: {  	[smem:$0x3FC6] =	sst s2  }
0x8f: {  	_ = 	snop  }
0x90: {  	s2 =	sld [smem:$0x3FD0];
	_ =	sdelay $0x2  }
0x91: {  	s15 =	simm.s32 $0xA;
	s4 =	simm.s32 $0x10  }
0x92: {  	[smem:s4], [sflag:s15] =	dma.local [hbm:s2], $0x1  }
0x93: {  	_ =	swait.eq [sflag:s15], $0x1  }
0x94: {  	[sflag:s15] =	ssyncset.done $0x0  }
0x95: {  	s16 =	sld [smem:$0x10];
	[sflag:s15] =	ssyncadd.s32 $0xFFFFFFFF  }
0x96: {  	s17 =	sld [smem:$0x11];
	(tm) =	ssettm $0x1  }
0x97: {  	s18 =	sld [smem:$0x3FFB];
	_ =	sdelay $0x3  }
0x98: {  	_ =	strace s18  }
0x99: {  	s4 =	sld [smem:$0x3FFC];
	_ =	sdelay $0x3  }
0x9a: {  	_ =	strace s4  }
0x9b: {  	s4 =	sld [smem:$0x3FFD];
	_ =	sdelay $0x3  }
0x9c: {  	_ =	strace s4  }
0x9d: {  	_ =	strace $0x8FFFFFFF  }
0x9e: {  	s19 =	sld [smem:$0x3FDB];
	_ =	sdelay $0x1  }
0x9f: {  	s5 =	simm.s32 $_scs_section_size  }
0xa0: {  	s6 =	simm.s32 $_size__tile_overlayer_lowered;
	s7 =	simm.s32 $_tile_overlayer_lowered  }
0xa1: {  	s22 =	simm.s32 $0x1BFF;
	s21 =	sshll.u32 s7, $0x1;
	s4 =	sadd.s32 s5, s19  }
0xa2: {  	s8 =	simm.s32 $0x0;
	s20 =	sshll.u32 s6, $0x1;
	s6 =	sadd.s32 s21, s4  }
0xa3: {  	[timem:s8], [sflag:s22] =	dma.local [hbm:s6], s20  }
0xa4: {  	_ =	swait.ge [sflag:s22], s20  }
0xa5: {  	s5 =	ssub.s32 $0x0, s20;
	[sflag:s22] =	ssyncset.done $0x0  }
0xa6: {  	[sflag:s22] =	ssyncadd.s32 s5;
	_ =	sdelay $0x1  }
0xa7: {  	s23 =	simm.s32 $0x1B8B  }
0xa8: {  	_ =	swait.ge [sflag:s23], $0x1  }
0xa9: {  	[sflag:s23] =	ssyncset.done $0x0  }
0xaa: {  	s25 =	simm.s32 $0x1B8E;
	s24 =	sld [smem:$0x3FFE];
	[sflag:s23] =	ssyncadd.s32 $0xFFFFFFFF  }
0xab: {  	s26 =	simm.s32 $execute0_lowered;
	[smem:$0x3FD2] =	sst s25  }
0xac: {  	s6 =	sshll.u32 s26, $0x1;
	_ =	strace $0x80000046;
	[dreg:$0x1] =	wrdreg $0xFFFFFFFF  }
0xad: {  	s28 =	simm.s32 $_size_execute0_lowered;
	s4 =	sadd.s32 s4, s6;
	[dreg:$0x0] =	wrdreg $0x0  }
0xae: {  	s6 =	sshll.u32 s28, $0x1;
	[dreg:$0x2] =	wrdreg s4  }
0xaf: {  	[dreg:$0x3] =	wrdreg s6  }
0xb0: {  	[dreg:$0x4] =	wrdreg $0xC0  }
0xb1: {  	_ =	task [dreg:s8], $0x5FFFF  }
0xb2: {  	[dreg:$0x1] =	wrdreg $0xFFFFFFFF  }
0xb3: {  	[dreg:$0x0] =	wrdreg $0x60  }
0xb4: {  	[dreg:$0x2] =	wrdreg s24  }
0xb5: {  	[dreg:$0x3] =	wrdreg s16  }
0xb6: {  	[dreg:$0x4] =	wrdreg s17  }
0xb7: {  	[dreg:$0x5] =	wrdreg $0x9  }
0xb8: {  	_ =	task.clear_ibuf [dreg:s8], $0x6FFFF;
	_ =	strace $0x90000046  }
0xb9: {  	s29 =	simm.s32 $0x9;
	_ =	strace $0x80000048  }
0xba: {  	_ =	swait.ge [sflag:s29], $0x1  }
0xbb: {  	[sflag:s29] =	ssyncadd.s32 $0xFFFFFFFF  }
0xbc: {  	_ =	strace $0x90000048  }
0xbd: {  	_ =	sfence  }
0xbe: {  	s30 =	sld [smem:$0x0];
	_ =	sdelay $0x2  }
0xbf: {  	s31 =	sshll.u32 s1, $0xD;
	s1 =	sshrl.u32 s1, $0x2  }
0xc0: {  	s3 =	sand.u32 $0x4000, s31;
	s1 =	sadd.s32 s1, s30  }
0xc1: {  	s0 =	sor.u32 s3, s0;
	s1 =	sshll.u32 s1, $0x11  }
0xc2: {  	s0 =	sor.u32 s1, s0  }
0xc3: {  	s0 =	sadd.s32 $0x8F2B, s0  }
0xc4: {  	[sflag:s0] =	ssyncadd.remote.s32 $0x1  }
0xc5: {  	_ =	sfence.sel $0xFFFF  }
0xc6: {  	[dreg:$0x0] =	wrdreg $0xFFFFFFFF;
	(pc) =	sbr.abs _section_cstart, $3  }
0xc7: {  	[dreg:$0x1] =	wrdreg $0xFFFFFFFF  }
0xc8: {  	_ =	task.clear_ibuf [dreg:s8], $0x2FFFF;
	_ =	strace $0x9FFFFFFF  }
0xc9: {  	(tm) =	ssettm $0x7FFFFFFF  }
tec
execute0_lowered:
.L_overlay_start_1:
0x0: {  	(tag) =	ssettag $0x1  }
0x1: {  	s0 =	rddreg [dreg:$0x0]  }
0x2: {  	s1 =	rddreg [dreg:$0x1]  }
0x3: {  	s2 =	rddreg [dreg:$0x2];
	s3 =	srdreg.scid  }
0x4: {  	s7 =	simm.s32 $0x0;
	s5 =	stileid.u32;
	s3 =	sand.u32 $0x1, s3  }
0x5: {  	[smem:$0x7FF] =	sst s7;
	s5 =	sshll.u32 s5, $0x1;
	s0 =	sadd.s32 $0x600, s0  }
0x6: {  	s4 =	ssub.s32 $0x2, s3;
	_ =	strace $0x80000047;
	s3 =	sor.u32 s3, s5  }
0x7: {  	[dreg:$0x1c] =	wrdreg s0;
	s6 =	sshrl.u32 s4, $0x1;
	s22 =	sshll.u32 s3, $0xC  }
0x8: {  	s5 =	sshll.u32 s3, $0x9;
	s3 =	sshll.u32 s3, $0xE;
	s21 =	ssub.s32 s4, s6  }
0x9: {  	s23 =	sor.u32 $0x400, s22;
	s5 =	sadd.s32 s1, s5;
	s3 =	sadd.s32 s2, s3  }
0xa: {  	s26 =	sor.u32 $0x800, s22;
	s4 =	sor.u32 $0xC00, s22;
	[dreg:$0x1d] =	wrdreg s5  }
0xb: {  	[dreg:$0x1e] =	wrdreg s3;
	s24 =	sshrl.u32 s23, $0x3;
	s0 =	smax.u32 s21, $0x1  }
0xc: {  	s25 =	sshll.u32 s23, $0x2;
	s3 =	sadd.s32 s1, s24;
	[smem:$0x7FD] =	sst s0  }
0xd: {  	s28 =	sshrl.u32 s26, $0x3;
	[dreg:$0x1f] =	wrdreg s3;
	s3 =	sadd.s32 s2, s25  }
0xe: {  	s30 =	sshrl.u32 s4, $0x3;
	[smem:$0x7F8] =	sst s3;
	s3 =	sadd.s32 s1, s28  }
0xf: {  	s29 =	sshll.u32 s26, $0x2;
	s1 =	sadd.s32 s1, s30;
	[smem:$0x7F9] =	sst s3  }
0x10: {  	s31 =	sshll.u32 s4, $0x2;
	s3 =	sadd.s32 s2, s29;
	[smem:$0x7FB] =	sst s1  }
0x11: {  	s1 =	sadd.s32 s2, s31;
	[smem:$0x7FA] =	sst s3  }
0x12: {  	s2 =	simm.s32 $0x0;
	[smem:$0x7FC] =	sst s1;
	s1 =	simm.s32 $0x1  }
.LBB2_1:
0x13: {  	[smem:$0x7F6] =	sst s2  }
0x14: {  	s0 =	rddreg [dreg:$0x1c]  }
0x15: {  	[tilespmem:s7], [sflag:$0x1] =	stream.linear.gather [hbm4b:s0+s7], $0x8000, $0x38;
	[tilespmem:$0x10400] =	vst v63  }
0x16: {  	_ =	swait.ge [sflag:s1], $0x8000  }
0x17: {  	[sflag:s1] =	ssyncset.done $0x0  }
0x18: {  	s13 =	simm.s32 $0x8000;
	s12 =	rddreg [dreg:$0x1d];
	[sflag:s1] =	ssyncadd.s32 $0xFFFF8000  }
0x19: {  	[tilespmem:s13], [sflag:$0x1] =	stream.linear.gather [hbm4b:s12+s7], $0x400, $0x38;
	[tilespmem:$0x10400] =	vst v63  }
0x1a: {  	_ =	swait.ge [sflag:s1], $0x400  }
0x1b: {  	[sflag:s1] =	ssyncset.done $0x0  }
0x1c: {  	s14 =	simm.s32 $0x8010;
	[sflag:s1] =	ssyncadd.s32 $0xFFFFFC00  }
0x1d: {  	v0 =	vld [tilespmem:s14+$0x0];
	_ =	sdelay $0x2  }
0x1e: {  	v2 =	vld [tilespmem:s14+$0xFFFFFFF0];
	_ =	sdelay $0x1  }
0x1f: {  	v1 =	vshll.u32 v0, $0x5  }
0x20: {  	(v2sf) =	vpush v1, $0x0;
	_ =	sdelay $0x1  }
0x21: {  	v0 =	vshll.u32 v2, $0x5  }
0x22: {  	(v2sf) =	vpush v0, $0x0  }
0x23: {  	(v2sf) =	vpush v0, $0x1  }
0x24: {  	(v2sf) =	vpush v0, $0x2  }
0x25: {  	(v2sf) =	vpush v0, $0x3  }
0x26: {  	(v2sf) =	vpush v0, $0x4  }
0x27: {  	(v2sf) =	vpush v0, $0x5  }
0x28: {  	(v2sf) =	vpush v0, $0x6  }
0x29: {  	(v2sf) =	vpush v0, $0x7  }
0x2a: {  	(v2sf) =	vpush v0, $0x8  }
0x2b: {  	(v2sf) =	vpush v1, $0x1;
	_ =	sdelay $0x2  }
0x2c: {  	s15 =	spop (v2sf)  }
0x2d: {  	v2 =	vld [tilespmem:s15+$0x0]  }
0x2e: {  	(v2sf) =	vpush v0, $0x9  }
0x2f: {  	(v2sf) =	vpush v0, $0xA;
	s16 =	spop (v2sf)  }
0x30: {  	(v2sf) =	vpush v0, $0xB;
	s5 =	spop (v2sf)  }
0x31: {  	s21 =	simm.s32 $0x8600;
	(v2sf) =	vpush v0, $0xC;
	s6 =	spop (v2sf)  }
0x32: {  	(v2sf) =	vpush v0, $0xD;
	s8 =	spop (v2sf);
	[tilespmem:s21+$0x0] =	vst v2  }
0x33: {  	(v2sf) =	vpush v0, $0xE;
	s17 =	spop (v2sf);
	v2 =	vld [tilespmem:s15+$0x10]  }
0x34: {  	(v2sf) =	vpush v0, $0xF;
	s0 =	spop (v2sf)  }
0x35: {  	s22 =	spop (v2sf);
	(v2sf) =	vpush v1, $0x2  }
0x36: {  	v3 =	vld [tilespmem:s16+$0x0];
	s14 =	spop (v2sf)  }
0x37: {  	s13 =	spop (v2sf)  }
0x38: {  	s3 =	spop (v2sf);
	[tilespmem:s21+$0x10] =	vst v2  }
0x39: {  	v2 =	vld [tilespmem:s3+$0x0];
	_ =	sdelay $0x1  }
0x3a: {  	[tilespmem:s21+$0xFFFFFE00] =	vst v3  }
0x3b: {  	v0 =	vld [tilespmem:s16+$0x10]  }
0x3c: {  	s11 =	spop (v2sf)  }
0x3d: {  	s24 =	spop (v2sf);
	[tilespmem:s21+$0x20] =	vst v2  }
0x3e: {  	s2 =	spop (v2sf);
	v2 =	vld [tilespmem:s3+$0x10]  }
0x3f: {  	s4 =	spop (v2sf)  }
0x40: {  	[tilespmem:s21+$0xFFFFFE10] =	vst v0;
	(v2sf) =	vpush v1, $0x3;
	s3 =	spop (v2sf)  }
0x41: {  	v0 =	vld [tilespmem:s5+$0x0];
	s7 =	spop (v2sf)  }
0x42: {  	s25 =	spop (v2sf)  }
0x43: {  	s18 =	spop (v2sf);
	[tilespmem:s21+$0x30] =	vst v2  }
0x44: {  	v2 =	vld [tilespmem:s18+$0x0];
	_ =	sdelay $0x1  }
0x45: {  	[tilespmem:s21+$0xFFFFFE20] =	vst v0  }
0x46: {  	v0 =	vld [tilespmem:s5+$0x10];
	_ =	sdelay $0x1  }
0x47: {  	[tilespmem:s21+$0x40] =	vst v2  }
0x48: {  	v2 =	vld [tilespmem:s18+$0x10];
	_ =	sdelay $0x1  }
0x49: {  	(v2sf) =	vpush v1, $0x4;
	[tilespmem:s21+$0xFFFFFE30] =	vst v0  }
0x4a: {  	v0 =	vld [tilespmem:s6+$0x0];
	_ =	sdelay $0x1  }
0x4b: {  	s19 =	spop (v2sf);
	[tilespmem:s21+$0x50] =	vst v2  }
0x4c: {  	v2 =	vld [tilespmem:s19+$0x0];
	_ =	sdelay $0x1  }
0x4d: {  	[tilespmem:s21+$0xFFFFFE40] =	vst v0  }
0x4e: {  	v0 =	vld [tilespmem:s6+$0x10]  }
0x4f: {  	s20 =	simm.s32 $0x8030  }
0x50: {  	v3 =	vld [tilespmem:s20+$0x0];
	[tilespmem:s21+$0x60] =	vst v2  }
0x51: {  	v4 =	vld [tilespmem:s19+$0x10]  }
0x52: {  	v5 =	vld [tilespmem:s20+$0xFFFFFFF0]  }
0x53: {  	(v2sf) =	vpush v1, $0x5;
	[tilespmem:s21+$0xFFFFFE50] =	vst v0  }
0x54: {  	v0 =	vld [tilespmem:s8+$0x0];
	_ =	sdelay $0x1  }
0x55: {  	v2 =	vshll.u32 v3, $0x5;
	s23 =	spop (v2sf);
	[tilespmem:s21+$0x70] =	vst v4  }
0x56: {  	(v2sf) =	vpush v2, $0x0;
	v3 =	vshll.u32 v5, $0x5;
	v4 =	vld [tilespmem:s23+$0x0]  }
0x57: {  	(v2sf) =	vpush v3, $0x0  }
0x58: {  	[tilespmem:s21+$0xFFFFFE60] =	vst v0  }
0x59: {  	(v2sf) =	vpush v3, $0x1;
	v0 =	vld [tilespmem:s8+$0x10]  }
0x5a: {  	(v2sf) =	vpush v3, $0x2  }
0x5b: {  	(v2sf) =	vpush v3, $0x3;
	[tilespmem:s21+$0x80] =	vst v4  }
0x5c: {  	(v2sf) =	vpush v3, $0x4;
	v4 =	vld [tilespmem:s23+$0x10]  }
0x5d: {  	(v2sf) =	vpush v1, $0x6  }
0x5e: {  	(v2sf) =	vpush v3, $0x5;
	[tilespmem:s21+$0xFFFFFE70] =	vst v0  }
0x5f: {  	(v2sf) =	vpush v3, $0x6;
	v0 =	vld [tilespmem:s17+$0x0]  }
0x60: {  	(v2sf) =	vpush v3, $0x7  }
0x61: {  	(v2sf) =	vpush v3, $0x8;
	s26 =	spop (v2sf);
	[tilespmem:s21+$0x90] =	vst v4  }
0x62: {  	(v2sf) =	vpush v2, $0x1;
	v4 =	vld [tilespmem:s26+$0x0];
	_ =	sdelay $0x1  }
0x63: {  	(v2sf) =	vpush v3, $0x9;
	[tilespmem:s21+$0xFFFFFE80] =	vst v0  }
0x64: {  	s6 =	spop (v2sf);
	(v2sf) =	vpush v3, $0xA;
	v0 =	vld [tilespmem:s17+$0x10]  }
0x65: {  	v5 =	vld [tilespmem:s6+$0x0];
	(v2sf) =	vpush v3, $0xB;
	s9 =	spop (v2sf)  }
0x66: {  	(v2sf) =	vpush v3, $0xC;
	[tilespmem:s21+$0xA0] =	vst v4;
	v4 =	vld [tilespmem:s9+$0x0]  }
0x67: {  	(v2sf) =	vpush v3, $0xD;
	s18 =	spop (v2sf);
	v6 =	vld [tilespmem:s26+$0x10]  }
0x68: {  	s17 =	spop (v2sf)  }
0x69: {  	s19 =	simm.s32 $0x8A00;
	s8 =	spop (v2sf);
	[tilespmem:s21+$0xFFFFFE90] =	vst v0  }
0x6a: {  	[tilespmem:s19+$0x0] =	vst v5;
	(v2sf) =	vpush v1, $0x7;
	s23 =	spop (v2sf);
	v0 =	vld [tilespmem:s0+$0x0]  }
0x6b: {  	v5 =	vld [tilespmem:s6+$0x10];
	(v2sf) =	vpush v3, $0xE;
	s5 =	spop (v2sf);
	[tilespmem:s19+$0xFFFFFE00] =	vst v4  }
0x6c: {  	(v2sf) =	vpush v3, $0xF;
	s16 =	spop (v2sf);
	[tilespmem:s21+$0xB0] =	vst v6;
	v3 =	vld [tilespmem:s9+$0x10]  }
0x6d: {  	s15 =	spop (v2sf);
	v4 =	vld [tilespmem:s5+$0x0]  }
0x6e: {  	(v2sf) =	vpush v2, $0x2;
	s12 =	spop (v2sf)  }
0x6f: {  	s10 =	spop (v2sf);
	[tilespmem:s21+$0xFFFFFEA0] =	vst v0  }
0x70: {  	[tilespmem:s19+$0x10] =	vst v5;
	s20 =	spop (v2sf);
	v0 =	vld [tilespmem:s0+$0x10]  }
0x71: {  	v5 =	vld [tilespmem:s20+$0x0];
	[tilespmem:s19+$0xFFFFFE10] =	vst v3  }
0x72: {  	s6 =	spop (v2sf);
	[tilespmem:s21+$0xC0] =	vst v4;
	v3 =	vld [tilespmem:s18+$0x0]  }
0x73: {  	v4 =	vld [tilespmem:s5+$0x10];
	s5 =	spop (v2sf)  }
0x74: {  	s1 =	spop (v2sf)  }
0x75: {  	[tilespmem:s21+$0xFFFFFEB0] =	vst v0;
	s9 =	spop (v2sf)  }
0x76: {  	[tilespmem:s19+$0x20] =	vst v5;
	s26 =	spop (v2sf)  }
0x77: {  	v5 =	vld [tilespmem:s20+$0x10];
	[smem:$0x7F7] =	sst s26  }
0x78: {  	(v2sf) =	vpush v1, $0x8;
	[tilespmem:s19+$0xFFFFFE20] =	vst v3  }
0x79: {  	s0 =	spop (v2sf);
	v3 =	vld [tilespmem:s18+$0x10]  }
0x7a: {  	(v2sf) =	vpush v2, $0x3;
	s26 =	spop (v2sf)  }
0x7b: {  	v0 =	vld [tilespmem:s22+$0x0];
	[tilespmem:s21+$0xD0] =	vst v4;
	s20 =	spop (v2sf)  }
0x7c: {  	v4 =	vld [tilespmem:s0+$0x0];
	[dreg:$0x4] =	wrdreg s20  }
0x7d: {  	s20 =	spop (v2sf);
	[tilespmem:s19+$0x30] =	vst v5  }
0x7e: {  	v5 =	vld [tilespmem:s20+$0x0];
	[tilespmem:s19+$0xFFFFFE30] =	vst v3  }
0x7f: {  	v3 =	vld [tilespmem:s17+$0x0]  }
0x80: {  	[tilespmem:s21+$0xFFFFFEC0] =	vst v0  }
0x81: {  	v0 =	vld [tilespmem:s22+$0x10];
	[tilespmem:s21+$0xE0] =	vst v4  }
0x82: {  	v4 =	vld [tilespmem:s0+$0x10]  }
0x83: {  	[tilespmem:s19+$0x40] =	vst v5  }
0x84: {  	(v2sf) =	vpush v1, $0x9;
	v5 =	vld [tilespmem:s20+$0x10];
	[tilespmem:s19+$0xFFFFFE40] =	vst v3  }
0x85: {  	v3 =	vld [tilespmem:s17+$0x10]  }
0x86: {  	(v2sf) =	vpush v2, $0x4;
	[tilespmem:s21+$0xFFFFFED0] =	vst v0  }
0x87: {  	s18 =	spop (v2sf);
	v0 =	vld [tilespmem:s14+$0x0];
	[tilespmem:s21+$0xF0] =	vst v4  }
0x88: {  	v4 =	vld [tilespmem:s18+$0x0]  }
0x89: {  	s20 =	spop (v2sf);
	[tilespmem:s19+$0x50] =	vst v5  }
0x8a: {  	v5 =	vld [tilespmem:s20+$0x0];
	[tilespmem:s19+$0xFFFFFE50] =	vst v3  }
0x8b: {  	s22 =	simm.s32 $0x8050;
	v3 =	vld [tilespmem:s8+$0x0]  }
0x8c: {  	v6 =	vld [tilespmem:s22+$0x0];
	[tilespmem:s21+$0xFFFFFEE0] =	vst v0  }
0x8d: {  	v0 =	vld [tilespmem:s14+$0x10];
	[tilespmem:s21+$0x100] =	vst v4  }
0x8e: {  	v4 =	vld [tilespmem:s18+$0x10]  }
0x8f: {  	v7 =	vld [tilespmem:s22+$0xFFFFFFF0];
	[tilespmem:s19+$0x60] =	vst v5  }
0x90: {  	(v2sf) =	vpush v1, $0xA;
	v5 =	vld [tilespmem:s20+$0x10];
	[tilespmem:s19+$0xFFFFFE60] =	vst v3  }
0x91: {  	v3 =	vld [tilespmem:s8+$0x10]  }
0x92: {  	(v2sf) =	vpush v2, $0x5;
	[tilespmem:s21+$0xFFFFFEF0] =	vst v0  }
0x93: {  	v0 =	vshll.u32 v6, $0x5;
	v8 =	vld [tilespmem:s13+$0x0];
	[tilespmem:s21+$0x110] =	vst v4;
	s8 =	spop (v2sf)  }
0x94: {  	(v2sf) =	vpush v0, $0x0;
	v4 =	vld [tilespmem:s8+$0x0]  }
0x95: {  	s14 =	spop (v2sf);
	[tilespmem:s19+$0x70] =	vst v5;
	v5 =	vshll.u32 v7, $0x5  }
0x96: {  	v6 =	vld [tilespmem:s14+$0x0];
	(v2sf) =	vpush v5, $0x0;
	[tilespmem:s19+$0xFFFFFE70] =	vst v3  }
0x97: {  	(v2sf) =	vpush v1, $0xB;
	v3 =	vld [tilespmem:s23+$0x0]  }
0x98: {  	[tilespmem:s21+$0xFFFFFF00] =	vst v8;
	(v2sf) =	vpush v5, $0x1  }
0x99: {  	v7 =	vld [tilespmem:s13+$0x10];
	(v2sf) =	vpush v5, $0x2;
	[tilespmem:s21+$0x120] =	vst v4  }
0x9a: {  	(v2sf) =	vpush v5, $0x3;
	v4 =	vld [tilespmem:s8+$0x10]  }
0x9b: {  	[tilespmem:s19+$0x80] =	vst v6;
	(v2sf) =	vpush v5, $0x4  }
0x9c: {  	v6 =	vld [tilespmem:s14+$0x10];
	(v2sf) =	vpush v2, $0x6;
	[tilespmem:s19+$0xFFFFFE80] =	vst v3  }
0x9d: {  	(v2sf) =	vpush v5, $0x5;
	v3 =	vld [tilespmem:s23+$0x10]  }
0x9e: {  	[tilespmem:s21+$0xFFFFFF10] =	vst v7;
	(v2sf) =	vpush v5, $0x6  }
0x9f: {  	s17 =	spop (v2sf);
	v7 =	vld [tilespmem:s11+$0x0];
	(v2sf) =	vpush v5, $0x7;
	[tilespmem:s21+$0x130] =	vst v4  }
0xa0: {  	(v2sf) =	vpush v5, $0x8;
	v4 =	vld [tilespmem:s17+$0x0]  }
0xa1: {  	s22 =	spop (v2sf);
	[tilespmem:s19+$0x90] =	vst v6;
	(v2sf) =	vpush v0, $0x1  }
0xa2: {  	v6 =	vld [tilespmem:s22+$0x0];
	[tilespmem:s19+$0xFFFFFE90] =	vst v3  }
0xa3: {  	s23 =	spop (v2sf);
	(v2sf) =	vpush v5, $0x9;
	v3 =	vld [tilespmem:s16+$0x0]  }
0xa4: {  	[tilespmem:s21+$0xFFFFFF20] =	vst v7;
	(v2sf) =	vpush v1, $0xC;
	v7 =	vld [tilespmem:s23+$0x0]  }
0xa5: {  	v8 =	vld [tilespmem:s11+$0x10];
	(v2sf) =	vpush v5, $0xA;
	s18 =	spop (v2sf);
	[tilespmem:s21+$0x140] =	vst v4  }
0xa6: {  	s20 =	spop (v2sf);
	v4 =	vld [tilespmem:s17+$0x10]  }
0xa7: {  	(v2sf) =	vpush v5, $0xB;
	v9 =	vld [tilespmem:s18+$0x0];
	[tilespmem:s19+$0xA0] =	vst v6;
	s17 =	spop (v2sf)  }
0xa8: {  	v6 =	vld [tilespmem:s22+$0x10];
	s8 =	spop (v2sf);
	s22 =	simm.s32 $0x8E00;
	[tilespmem:s19+$0xFFFFFEA0] =	vst v3  }
0xa9: {  	(v2sf) =	vpush v5, $0xC;
	s0 =	spop (v2sf);
	[tilespmem:s22+$0x0] =	vst v7;
	v3 =	vld [tilespmem:s16+$0x10]  }
0xaa: {  	(v2sf) =	vpush v5, $0xD;
	[tilespmem:s21+$0xFFFFFF30] =	vst v8;
	s31 =	spop (v2sf);
	v7 =	vld [tilespmem:s23+$0x10]  }
0xab: {  	(v2sf) =	vpush v2, $0x7;
	v8 =	vld [tilespmem:s24+$0x0];
	s23 =	spop (v2sf);
	[tilespmem:s21+$0x150] =	vst v4  }
0xac: {  	(v2sf) =	vpush v5, $0xE;
	[tilespmem:s22+$0xFFFFFE00] =	vst v9;
	s14 =	spop (v2sf);
	v4 =	vld [tilespmem:s20+$0x0]  }
0xad: {  	(v2sf) =	vpush v5, $0xF;
	[tilespmem:s19+$0xB0] =	vst v6;
	s11 =	spop (v2sf);
	v6 =	vld [tilespmem:s18+$0x10]  }
0xae: {  	(v2sf) =	vpush v0, $0x2;
	v5 =	vld [tilespmem:s23+$0x0];
	s13 =	spop (v2sf);
	[tilespmem:s19+$0xFFFFFEB0] =	vst v3  }
0xaf: {  	s16 =	spop (v2sf);
	[tilespmem:s22+$0x10] =	vst v7;
	v3 =	vld [tilespmem:s15+$0x0]  }
0xb0: {  	[tilespmem:s21+$0xFFFFFF40] =	vst v8;
	s18 =	spop (v2sf)  }
0xb1: {  	v7 =	vld [tilespmem:s18+$0x0];
	[tilespmem:s21+$0x160] =	vst v4  }
0xb2: {  	v8 =	vld [tilespmem:s24+$0x10];
	s29 =	spop (v2sf);
	[tilespmem:s22+$0xFFFFFE10] =	vst v6  }
0xb3: {  	v4 =	vld [tilespmem:s20+$0x10];
	s20 =	spop (v2sf);
	[tilespmem:s19+$0xC0] =	vst v5  }
0xb4: {  	v6 =	vld [tilespmem:s17+$0x0];
	s24 =	spop (v2sf);
	[tilespmem:s19+$0xFFFFFEC0] =	vst v3  }
0xb5: {  	v5 =	vld [tilespmem:s23+$0x10];
	[dreg:$0xc] =	wrdreg s24  }
0xb6: {  	s24 =	spop (v2sf);
	[tilespmem:s22+$0x20] =	vst v7  }
0xb7: {  	v3 =	vld [tilespmem:s15+$0x10];
	[dreg:$0x8] =	wrdreg s24  }
0xb8: {  	s30 =	spop (v2sf);
	v7 =	vld [tilespmem:s18+$0x10];
	[tilespmem:s21+$0xFFFFFF50] =	vst v8  }
0xb9: {  	(v2sf) =	vpush v1, $0xD;
	s28 =	spop (v2sf);
	[tilespmem:s21+$0x170] =	vst v4;
	v8 =	vld [tilespmem:s2+$0x0]  }
0xba: {  	(v2sf) =	vpush v2, $0x8;
	[tilespmem:s19+$0xD0] =	vst v5;
	s15 =	spop (v2sf);
	v4 =	vld [tilespmem:s20+$0x0]  }
0xbb: {  	[tilespmem:s22+$0xFFFFFE20] =	vst v6;
	v5 =	vld [tilespmem:s15+$0x0];
	s24 =	spop (v2sf)  }
0xbc: {  	(v2sf) =	vpush v0, $0x3;
	v6 =	vld [tilespmem:s17+$0x10];
	s23 =	spop (v2sf);
	[tilespmem:s19+$0xFFFFFED0] =	vst v3  }
0xbd: {  	s18 =	spop (v2sf);
	v3 =	vld [tilespmem:s12+$0x0];
	[tilespmem:s22+$0x30] =	vst v7  }
0xbe: {  	[tilespmem:s21+$0xFFFFFF60] =	vst v8;
	v7 =	vld [tilespmem:s18+$0x0]  }
0xbf: {  	[tilespmem:s21+$0x180] =	vst v4;
	v8 =	vld [tilespmem:s2+$0x10]  }
0xc0: {  	(v2sf) =	vpush v1, $0xE;
	[tilespmem:s19+$0xE0] =	vst v5;
	v4 =	vld [tilespmem:s20+$0x10]  }
0xc1: {  	(v2sf) =	vpush v2, $0x9;
	[tilespmem:s22+$0xFFFFFE30] =	vst v6;
	v5 =	vld [tilespmem:s15+$0x10]  }
0xc2: {  	(v2sf) =	vpush v0, $0x4;
	v6 =	vld [tilespmem:s8+$0x0];
	s15 =	simm.s32 $0x8070  }
0xc3: {  	(v2sf) =	vpush v1, $0xF;
	v1 =	vld [tilespmem:s15+$0x0]  }
0xc4: {  	v60 =	vld [tilespmem:s15+$0xFFFFFFF0];
	[tilespmem:s19+$0xFFFFFEE0] =	vst v3  }
0xc5: {  	v3 =	vld [tilespmem:s12+$0x10];
	[tilespmem:s22+$0x40] =	vst v7  }
0xc6: {  	v7 =	vld [tilespmem:s18+$0x10];
	[tilespmem:s21+$0xFFFFFF70] =	vst v8  }
0xc7: {  	[tilespmem:s22+$0xFFFFFE40] =	vst v6;
	v8 =	vld [tilespmem:s4+$0x0]  }
0xc8: {  	s17 =	spop (v2sf);
	[tilespmem:s21+$0x190] =	vst v4;
	v6 =	vld [tilespmem:s8+$0x10]  }
0xc9: {  	[tilespmem:s19+$0xF0] =	vst v5;
	s18 =	spop (v2sf);
	v4 =	vld [tilespmem:s17+$0x0]  }
0xca: {  	v5 =	vld [tilespmem:s18+$0x0];
	[tilespmem:s19+$0xFFFFFEF0] =	vst v3  }
0xcb: {  	s20 =	spop (v2sf);
	v3 =	vld [tilespmem:s10+$0x0];
	[tilespmem:s22+$0x50] =	vst v7  }
0xcc: {  	[tilespmem:s21+$0xFFFFFF80] =	vst v8;
	v7 =	vld [tilespmem:s20+$0x0]  }
0xcd: {  	[tilespmem:s22+$0xFFFFFE50] =	vst v6;
	v8 =	vld [tilespmem:s4+$0x10]  }
0xce: {  	[tilespmem:s21+$0x1A0] =	vst v4;
	v6 =	vld [tilespmem:s0+$0x0]  }
0xcf: {  	[tilespmem:s19+$0x100] =	vst v5;
	v4 =	vld [tilespmem:s17+$0x10]  }
0xd0: {  	v5 =	vld [tilespmem:s18+$0x10];
	[tilespmem:s19+$0xFFFFFF00] =	vst v3  }
0xd1: {  	(v2sf) =	vpush v2, $0xA;
	v3 =	vld [tilespmem:s10+$0x10];
	[tilespmem:s22+$0x60] =	vst v7  }
0xd2: {  	(v2sf) =	vpush v0, $0x5;
	v1 =	vshll.u32 v1, $0x5;
	v7 =	vld [tilespmem:s20+$0x10];
	[tilespmem:s21+$0xFFFFFF90] =	vst v8  }
0xd3: {  	(v2sf) =	vpush v1, $0x0;
	[tilespmem:s22+$0xFFFFFE60] =	vst v6;
	v8 =	vld [tilespmem:s3+$0x0]  }
0xd4: {  	s17 =	spop (v2sf);
	[tilespmem:s21+$0x1B0] =	vst v4;
	v4 =	vld [tilespmem:s0+$0x10]  }
0xd5: {  	s18 =	spop (v2sf);
	[tilespmem:s19+$0x110] =	vst v5;
	v6 =	vld [tilespmem:s17+$0x0]  }
0xd6: {  	v5 =	vld [tilespmem:s18+$0x0];
	[tilespmem:s19+$0xFFFFFF10] =	vst v3  }
0xd7: {  	s20 =	spop (v2sf);
	v3 =	vld [tilespmem:s6+$0x0];
	[tilespmem:s22+$0x70] =	vst v7  }
0xd8: {  	[tilespmem:s21+$0xFFFFFFA0] =	vst v8;
	v7 =	vld [tilespmem:s20+$0x0]  }
0xd9: {  	[tilespmem:s22+$0xFFFFFE70] =	vst v4;
	v8 =	vld [tilespmem:s3+$0x10]  }
0xda: {  	[tilespmem:s21+$0x1C0] =	vst v6;
	v4 =	vshll.u32 v60, $0x5;
	v6 =	vld [tilespmem:s31+$0x0]  }
0xdb: {  	[tilespmem:s19+$0x120] =	vst v5;
	v61 =	vld [tilespmem:s17+$0x10];
	(v2sf) =	vpush v4, $0x0  }
0xdc: {  	v5 =	vld [tilespmem:s18+$0x10];
	(v2sf) =	vpush v2, $0xB;
	[tilespmem:s19+$0xFFFFFF20] =	vst v3  }
0xdd: {  	(v2sf) =	vpush v4, $0x1;
	v3 =	vld [tilespmem:s6+$0x10];
	[tilespmem:s22+$0x80] =	vst v7  }
0xde: {  	(v2sf) =	vpush v4, $0x2;
	[tilespmem:s21+$0xFFFFFFB0] =	vst v8;
	v7 =	vld [tilespmem:s20+$0x10]  }
0xdf: {  	s4 =	spop (v2sf);
	(v2sf) =	vpush v4, $0x3;
	[tilespmem:s22+$0xFFFFFE80] =	vst v6;
	v8 =	vld [tilespmem:s7+$0x0]  }
0xe0: {  	s6 =	spop (v2sf);
	[tilespmem:s21+$0x1D0] =	vst v61;
	(v2sf) =	vpush v4, $0x4;
	v6 =	vld [tilespmem:s31+$0x10]  }
0xe1: {  	s8 =	spop (v2sf);
	[tilespmem:s19+$0x130] =	vst v5;
	v9 =	vld [tilespmem:s4+$0x0];
	(v2sf) =	vpush v0, $0x6  }
0xe2: {  	s10 =	spop (v2sf);
	v5 =	vld [tilespmem:s6+$0x0];
	(v2sf) =	vpush v4, $0x5;
	[tilespmem:s19+$0xFFFFFF30] =	vst v3  }
0xe3: {  	v62 =	vld [tilespmem:s10+$0x0];
	(v2sf) =	vpush v4, $0x6;
	[tilespmem:s22+$0x90] =	vst v7  }
0xe4: {  	v3 =	vld [tilespmem:s5+$0x0];
	(v2sf) =	vpush v4, $0x7;
	[tilespmem:s21+$0xFFFFFFC0] =	vst v8  }
0xe5: {  	(v2sf) =	vpush v4, $0x8;
	v7 =	vld [tilespmem:s8+$0x0];
	[tilespmem:s22+$0xFFFFFE90] =	vst v6  }
0xe6: {  	[tilespmem:s21+$0x1E0] =	vst v9;
	(v2sf) =	vpush v1, $0x1;
	v8 =	vld [tilespmem:s7+$0x10]  }
0xe7: {  	s31 =	simm.s32 $0x9200;
	[tilespmem:s19+$0x140] =	vst v5;
	v6 =	vld [tilespmem:s14+$0x0];
	(v2sf) =	vpush v4, $0x9  }
0xe8: {  	[tilespmem:s31+$0x0] =	vst v62;
	v5 =	vld [tilespmem:s6+$0x10];
	(v2sf) =	vpush v2, $0xC  }
0xe9: {  	v9 =	vld [tilespmem:s4+$0x10];
	[tilespmem:s19+$0xFFFFFF40] =	vst v3;
	(v2sf) =	vpush v4, $0xA  }
0xea: {  	v3 =	vld [tilespmem:s5+$0x10];
	s17 =	spop (v2sf);
	(v2sf) =	vpush v4, $0xB;
	[tilespmem:s22+$0xA0] =	vst v7  }
0xeb: {  	s18 =	spop (v2sf);
	[tilespmem:s21+$0xFFFFFFD0] =	vst v8;
	v7 =	vld [tilespmem:s8+$0x10]  }
0xec: {  	(v2sf) =	vpush v4, $0xC;
	[tilespmem:s22+$0xFFFFFEA0] =	vst v6;
	s7 =	spop (v2sf);
	v8 =	vld [tilespmem:s25+$0x0]  }
0xed: {  	(v2sf) =	vpush v4, $0xD;
	[tilespmem:s19+$0x150] =	vst v5;
	v6 =	vld [tilespmem:s14+$0x10];
	s2 =	spop (v2sf)  }
0xee: {  	[tilespmem:s21+$0x1F0] =	vst v9;
	v5 =	vld [tilespmem:s18+$0x0];
	s15 =	spop (v2sf)  }
0xef: {  	v9 =	vld [tilespmem:s10+$0x10];
	(v2sf) =	vpush v0, $0x7;
	[tilespmem:s19+$0xFFFFFF50] =	vst v3;
	s12 =	spop (v2sf)  }
0xf0: {  	v3 =	vld [tilespmem:s1+$0x0];
	s20 =	spop (v2sf);
	[tilespmem:s22+$0xB0] =	vst v7  }
0xf1: {  	s8 =	spop (v2sf);
	[tilespmem:s21+$0xFFFFFFE0] =	vst v8;
	v8 =	vld [tilespmem:s17+$0x0]  }
0xf2: {  	v7 =	vld [tilespmem:s20+$0x0];
	[tilespmem:s22+$0xFFFFFEB0] =	vst v6;
	s6 =	spop (v2sf)  }
0xf3: {  	[tilespmem:s19+$0x160] =	vst v5;
	v6 =	vld [tilespmem:s11+$0x0];
	s5 =	spop (v2sf)  }
0xf4: {  	[tilespmem:s31+$0x10] =	vst v9;
	v5 =	vld [tilespmem:s18+$0x10];
	s4 =	spop (v2sf)  }
0xf5: {  	[tilespmem:s19+$0xFFFFFF60] =	vst v3;
	s18 =	spop (v2sf)  }
0xf6: {  	(v2sf) =	vpush v4, $0xE;
	v3 =	vld [tilespmem:s1+$0x10];
	s14 =	spop (v2sf);
	[tilespmem:s31+$0xFFFFFE00] =	vst v8  }
0xf7: {  	(v2sf) =	vpush v4, $0xF;
	[tilespmem:s22+$0xC0] =	vst v7;
	v4 =	vld [tilespmem:s17+$0x10];
	s17 =	spop (v2sf)  }
0xf8: {  	v7 =	vld [tilespmem:s20+$0x10];
	[tilespmem:s22+$0xFFFFFEC0] =	vst v6;
	s10 =	spop (v2sf)  }
0xf9: {  	[tilespmem:s19+$0x170] =	vst v5;
	v6 =	vld [tilespmem:s11+$0x10];
	s11 =	spop (v2sf)  }
0xfa: {  	(v2sf) =	vpush v1, $0x2;
	v8 =	vld [tilespmem:s18+$0x0];
	[dreg:$0x14] =	wrdreg s11  }
0xfb: {  	(v2sf) =	vpush v2, $0xD;
	s1 =	spop (v2sf);
	[tilespmem:s19+$0xFFFFFF70] =	vst v3  }
0xfc: {  	s20 =	spop (v2sf);
	[tilespmem:s31+$0xFFFFFE10] =	vst v4;
	v4 =	vld [tilespmem:s17+$0x0]  }
0xfd: {  	v5 =	vld [tilespmem:s7+$0x0];
	[dreg:$0x10] =	wrdreg s20  }
0xfe: {  	(v2sf) =	vpush v0, $0x8;
	s3 =	spop (v2sf);
	v3 =	vld [tilespmem:s9+$0x0];
	[tilespmem:s22+$0xD0] =	vst v7  }
0xff: {  	[tilespmem:s22+$0xFFFFFED0] =	vst v6;
	v7 =	vld [tilespmem:s3+$0x0]  }
0x100: {  	[tilespmem:s31+$0x20] =	vst v8;
	v6 =	vld [tilespmem:s13+$0x0]  }
0x101: {  	v8 =	vld [tilespmem:s18+$0x10];
	[tilespmem:s19+$0x180] =	vst v4  }
0x102: {  	v4 =	vld [tilespmem:s17+$0x10];
	[tilespmem:s31+$0xFFFFFE20] =	vst v5  }
0x103: {  	v5 =	vld [tilespmem:s7+$0x10];
	[tilespmem:s19+$0xFFFFFF80] =	vst v3  }
0x104: {  	v3 =	vld [tilespmem:s9+$0x10];
	[tilespmem:s22+$0xE0] =	vst v7  }
0x105: {  	[tilespmem:s22+$0xFFFFFEE0] =	vst v6  }
0x106: {  	(v2sf) =	vpush v1, $0x3;
	[tilespmem:s31+$0x30] =	vst v8  }
0x107: {  	(v2sf) =	vpush v2, $0xE;
	s11 =	spop (v2sf);
	[tilespmem:s19+$0x190] =	vst v4  }
0x108: {  	s7 =	spop (v2sf);
	v7 =	vld [tilespmem:s3+$0x10];
	[tilespmem:s31+$0xFFFFFE30] =	vst v5  }
0x109: {  	v6 =	vld [tilespmem:s13+$0x10];
	s13 =	spop (v2sf);
	[tilespmem:s19+$0xFFFFFF90] =	vst v3  }
0x10a: {  	v8 =	vld [tilespmem:s13+$0x0];
	s17 =	spop (v2sf);
	s18 =	sld [smem:$0x7F7]  }
0x10b: {  	v4 =	vld [tilespmem:s17+$0x0]  }
0x10c: {  	v5 =	vld [tilespmem:s2+$0x0]  }
0x10d: {  	s20 =	spop (v2sf);
	[tilespmem:s22+$0xF0] =	vst v7;
	v3 =	vld [tilespmem:s18+$0x0]  }
0x10e: {  	[tilespmem:s22+$0xFFFFFEF0] =	vst v6;
	v7 =	vld [tilespmem:s20+$0x0]  }
0x10f: {  	[tilespmem:s31+$0x40] =	vst v8;
	v6 =	vld [tilespmem:s16+$0x0]  }
0x110: {  	v8 =	vld [tilespmem:s13+$0x10];
	[tilespmem:s19+$0x1A0] =	vst v4  }
0x111: {  	v63 =	vld [tilespmem:s17+$0x10];
	[tilespmem:s31+$0xFFFFFE40] =	vst v5  }
0x112: {  	v10 =	vld [tilespmem:s2+$0x10];
	[tilespmem:s19+$0xFFFFFFA0] =	vst v3  }
0x113: {  	[tilespmem:s22+$0x100] =	vst v7;
	v11 =	vld [tilespmem:s18+$0x10]  }
0x114: {  	(v2sf) =	vpush v0, $0x9;
	[tilespmem:s22+$0xFFFFFF00] =	vst v6;
	v4 =	vld [tilespmem:s20+$0x10]  }
0x115: {  	s17 =	spop (v2sf);
	[tilespmem:s31+$0x50] =	vst v8;
	v3 =	vld [tilespmem:s16+$0x10]  }
0x116: {  	(v2sf) =	vpush v1, $0x4;
	s13 =	spop (v2sf);
	v5 =	vld [tilespmem:s17+$0x0];
	[tilespmem:s19+$0x1B0] =	vst v63  }
0x117: {  	(v2sf) =	vpush v2, $0xF;
	[tilespmem:s31+$0xFFFFFE50] =	vst v10;
	v2 =	vld [tilespmem:s13+$0x0]  }
0x118: {  	s9 =	simm.s32 $0x6;
	(v2sf) =	vpush v0, $0xA;
	s2 =	simm.s32 $0x8090;
	v6 =	vld [tilespmem:s15+$0x0];
	[tilespmem:s19+$0xFFFFFFB0] =	vst v11  }
.LBB2_2:
0x119: {  	_ =	sdelay $0x6  }
0x11a: {  	v7 =	vld [tilespmem:s2+$0x0];
	[tilespmem:s31+$0x60] =	vst v5  }
0x11b: {  	v5 =	vld [tilespmem:s17+$0x10];
	[tilespmem:s31+$0xFFFFFE60] =	vst v6  }
0x11c: {  	v8 =	vld [tilespmem:s2+$0xFFFFFFF0];
	[tilespmem:s22+$0xFFFFFF10] =	vst v3  }
0x11d: {  	[tilespmem:s22+$0x110] =	vst v4;
	v3 =	vld [tilespmem:s15+$0x10];
	s16 =	spop (v2sf)  }
0x11e: {  	v4 =	vld [tilespmem:s16+$0x0]  }
0x11f: {  	[tilespmem:s19+$0x1C0] =	vst v2  }
0x120: {  	v6 =	vld [tilespmem:s13+$0x10]  }
0x121: {  	(v2sf) =	vpush v1, $0x5;
	s15 =	spop (v2sf);
	[tilespmem:s31+$0x70] =	vst v5;
	v5 =	vld [tilespmem:s29+$0x0]  }
0x122: {  	[tilespmem:s31+$0xFFFFFE70] =	vst v3;
	v9 =	vld [tilespmem:s15+$0x0]  }
0x123: {  	v3 =	vld [tilespmem:s26+$0x0];
	[tilespmem:s22+$0x120] =	vst v4  }
0x124: {  	v4 =	vld [tilespmem:s16+$0x10]  }
0x125: {  	v2 =	vshll.u32 v7, $0x5;
	s17 =	spop (v2sf);
	[tilespmem:s19+$0x1D0] =	vst v6;
	v6 =	vshll.u32 v8, $0x5;
	v8 =	vld [tilespmem:s12+$0x0]  }
0x126: {  	(v2sf) =	vpush v2, $0x0;
	[tilespmem:s22+$0xFFFFFF20] =	vst v5;
	v7 =	vld [tilespmem:s17+$0x0]  }
0x127: {  	(v2sf) =	vpush v6, $0x0;
	[tilespmem:s31+$0x80] =	vst v9  }
0x128: {  	v5 =	vld [tilespmem:s29+$0x10];
	[tilespmem:s19+$0xFFFFFFC0] =	vst v3;
	(v2sf) =	vpush v0, $0xB  }
0x129: {  	s18 =	spop (v2sf);
	v9 =	vld [tilespmem:s15+$0x10];
	(v2sf) =	vpush v6, $0x1;
	[tilespmem:s22+$0x130] =	vst v4  }
0x12a: {  	(v2sf) =	vpush v6, $0x2;
	[tilespmem:s31+$0xFFFFFE80] =	vst v8;
	v4 =	vld [tilespmem:s18+$0x0]  }
0x12b: {  	(v2sf) =	vpush v6, $0x3;
	[tilespmem:s19+$0x1E0] =	vst v7;
	v7 =	vld [tilespmem:s26+$0x10]  }
0x12c: {  	(v2sf) =	vpush v6, $0x4;
	v3 =	vld [tilespmem:s17+$0x10]  }
0x12d: {  	v8 =	vld [tilespmem:s12+$0x10];
	[tilespmem:s22+$0xFFFFFF30] =	vst v5;
	(v2sf) =	vpush v1, $0x6  }
0x12e: {  	s20 =	rddreg [dreg:$0xc];
	[tilespmem:s31+$0x90] =	vst v9;
	(v2sf) =	vpush v6, $0x5  }
0x12f: {  	v5 =	vld [tilespmem:s20+$0x0];
	(v2sf) =	vpush v6, $0x6;
	[tilespmem:s22+$0x140] =	vst v4  }
0x130: {  	s0 =	smov.u32 s24;
	s24 =	spop (v2sf);
	(v2sf) =	vpush v6, $0x7;
	v4 =	vld [tilespmem:s25+$0x10];
	[tilespmem:s19+$0xFFFFFFD0] =	vst v7  }
0x131: {  	s25 =	rddreg [dreg:$0x4];
	(v2sf) =	vpush v6, $0x8;
	v9 =	vld [tilespmem:s24+$0x0];
	[tilespmem:s19+$0x1F0] =	vst v3  }
0x132: {  	[tilespmem:s31+$0xFFFFFE90] =	vst v8;
	s26 =	smov.u32 s25;
	(v2sf) =	vpush v2, $0x1;
	v3 =	vld [tilespmem:s18+$0x10]  }
0x133: {  	(v2sf) =	vpush v6, $0x9;
	v7 =	vld [tilespmem:s26+$0x0]  }
0x134: {  	v8 =	vld [tilespmem:s8+$0x0];
	[tilespmem:s22+$0xFFFFFF40] =	vst v5;
	(v2sf) =	vpush v0, $0xC  }
0x135: {  	s16 =	spop (v2sf);
	v5 =	vld [tilespmem:s20+$0x10];
	(v2sf) =	vpush v6, $0xA;
	[tilespmem:s21+$0xFFFFFFF0] =	vst v4  }
0x136: {  	s25 =	smov.u32 s19;
	s19 =	smov.u32 s22;
	v4 =	vld [tilespmem:s16+$0x0];
	s17 =	spop (v2sf);
	(v2sf) =	vpush v6, $0xB;
	[tilespmem:s31+$0xA0] =	vst v9  }
0x137: {  	s15 =	smov.u32 s23;
	(v2sf) =	vpush v6, $0xC;
	s23 =	spop (v2sf);
	v9 =	vld [tilespmem:s24+$0x10];
	[tilespmem:s19+$0x150] =	vst v3  }
0x138: {  	s20 =	spop (v2sf);
	(v2sf) =	vpush v6, $0xD;
	[tilespmem:s25+$0xFFFFFFE0] =	vst v7;
	v3 =	vld [tilespmem:s23+$0x0]  }
0x139: {  	[dreg:$0x4] =	wrdreg s15;
	s22 =	smov.u32 s31;
	v7 =	vld [tilespmem:s17+$0x0];
	s13 =	spop (v2sf);
	[tilespmem:s31+$0xFFFFFEA0] =	vst v8;
	(v2sf) =	vpush v1, $0x7  }
0x13a: {  	s18 =	rddreg [dreg:$0x8];
	s31 =	sadd.s32 $0x400, s31;
	s15 =	spop (v2sf);
	(v2sf) =	vpush v6, $0xE;
	v8 =	vld [tilespmem:s8+$0x10];
	[tilespmem:s19+$0xFFFFFF50] =	vst v5  }
0x13b: {  	[tilespmem:s31+$0x0] =	vst v4;
	s12 =	spop (v2sf);
	(v2sf) =	vpush v6, $0xF;
	v4 =	vld [tilespmem:s18+$0x0]  }
0x13c: {  	v5 =	vld [tilespmem:s16+$0x10];
	s24 =	spop (v2sf);
	[tilespmem:s22+$0xB0] =	vst v9  }
0x13d: {  	[dreg:$0x18] =	wrdreg s0;
	s8 =	spop (v2sf);
	v6 =	vld [tilespmem:s24+$0x0];
	[tilespmem:s19+$0x160] =	vst v3  }
0x13e: {  	s0 =	smov.u32 s1;
	s1 =	smov.u32 s11;
	[tilespmem:s31+$0xFFFFFE00] =	vst v7;
	s11 =	spop (v2sf);
	(v2sf) =	vpush v2, $0x2;
	v3 =	vld [tilespmem:s23+$0x10]  }
0x13f: {  	v7 =	vld [tilespmem:s17+$0x10];
	s17 =	spop (v2sf);
	[tilespmem:s22+$0xFFFFFEB0] =	vst v8  }
0x140: {  	s16 =	spop (v2sf);
	v8 =	vld [tilespmem:s6+$0x0];
	[tilespmem:s19+$0xFFFFFF60] =	vst v4;
	(v2sf) =	vpush v0, $0xD  }
0x141: {  	[tilespmem:s31+$0x10] =	vst v5;
	s23 =	spop (v2sf);
	v4 =	vld [tilespmem:s18+$0x10]  }
0x142: {  	s3 =	smov.u32 s14;
	v5 =	vld [tilespmem:s23+$0x0];
	s14 =	spop (v2sf);
	[tilespmem:s22+$0xC0] =	vst v6  }
0x143: {  	s21 =	smov.u32 s10;
	s10 =	rddreg [dreg:$0x14];
	v6 =	vld [tilespmem:s24+$0x10];
	[tilespmem:s19+$0x170] =	vst v3;
	s24 =	spop (v2sf)  }
0x144: {  	s18 =	smov.u32 s10;
	[tilespmem:s31+$0xFFFFFE10] =	vst v7;
	s10 =	spop (v2sf);
	v3 =	vld [tilespmem:s24+$0x0]  }
0x145: {  	[dreg:$0xc] =	wrdreg s21;
	v7 =	vld [tilespmem:s20+$0x0];
	[tilespmem:s22+$0xFFFFFEC0] =	vst v8;
	s21 =	spop (v2sf);
	(v2sf) =	vpush v1, $0x8  }
0x146: {  	v8 =	vld [tilespmem:s6+$0x10];
	[tilespmem:s19+$0xFFFFFF70] =	vst v4;
	[dreg:$0x14] =	wrdreg s21;
	s21 =	spop (v2sf)  }
0x147: {  	[dreg:$0x8] =	wrdreg s18;
	[tilespmem:s31+$0x20] =	vst v5;
	v4 =	vld [tilespmem:s30+$0x0];
	s18 =	spop (v2sf)  }
0x148: {  	v5 =	vld [tilespmem:s23+$0x10];
	[tilespmem:s22+$0xD0] =	vst v6;
	s23 =	spop (v2sf)  }
0x149: {  	s6 =	smov.u32 s11;
	s11 =	spop (v2sf);
	v6 =	vld [tilespmem:s23+$0x0];
	[tilespmem:s19+$0x180] =	vst v3  }
0x14a: {  	s29 =	smov.u32 s7;
	[tilespmem:s31+$0xFFFFFE20] =	vst v7;
	s7 =	spop (v2sf);
	(v2sf) =	vpush v2, $0x3;
	v3 =	vld [tilespmem:s24+$0x10]  }
0x14b: {  	v7 =	vld [tilespmem:s20+$0x10];
	[tilespmem:s22+$0xFFFFFED0] =	vst v8  }
0x14c: {  	v8 =	vld [tilespmem:s5+$0x0];
	[tilespmem:s19+$0xFFFFFF80] =	vst v4;
	(v2sf) =	vpush v0, $0xE  }
0x14d: {  	[tilespmem:s31+$0x30] =	vst v5;
	s20 =	spop (v2sf);
	v4 =	vld [tilespmem:s30+$0x10]  }
0x14e: {  	v5 =	vld [tilespmem:s20+$0x0];
	[tilespmem:s22+$0xE0] =	vst v6  }
0x14f: {  	s30 =	smov.u32 s0;
	s0 =	spop (v2sf);
	v6 =	vld [tilespmem:s23+$0x10];
	[tilespmem:s19+$0x190] =	vst v3  }
0x150: {  	[tilespmem:s31+$0xFFFFFE30] =	vst v7;
	v3 =	vld [tilespmem:s0+$0x0]  }
0x151: {  	v7 =	vld [tilespmem:s13+$0x0];
	[tilespmem:s22+$0xFFFFFEE0] =	vst v8  }
0x152: {  	v8 =	vld [tilespmem:s5+$0x10];
	[tilespmem:s19+$0xFFFFFF90] =	vst v4  }
0x153: {  	[tilespmem:s31+$0x40] =	vst v5;
	v4 =	vld [tilespmem:s28+$0x0]  }
0x154: {  	v5 =	vld [tilespmem:s20+$0x10];
	[tilespmem:s22+$0xF0] =	vst v6;
	s20 =	spop (v2sf)  }
0x155: {  	v6 =	vld [tilespmem:s20+$0x0];
	[tilespmem:s19+$0x1A0] =	vst v3  }
0x156: {  	[tilespmem:s31+$0xFFFFFE40] =	vst v7;
	v3 =	vld [tilespmem:s0+$0x10]  }
0x157: {  	s9 =	sadd.s32 $0x2, s9;
	v7 =	vld [tilespmem:s13+$0x10];
	[tilespmem:s22+$0xFFFFFEF0] =	vst v8  }
0x158: {  	p0 =	slt.u32 s9, $0x3E;
	s23 =	smov.u32 s29;
	v8 =	vld [tilespmem:s4+$0x0];
	[tilespmem:s19+$0xFFFFFFA0] =	vst v4  }
0x159: {  	s29 =	smov.u32 s3;
	s5 =	smov.u32 s17;
	[tilespmem:s31+$0x50] =	vst v5;
	v63 =	vld [tilespmem:s28+$0x10];
	s17 =	spop (v2sf)  }
.Ltmp0:
0x15a: {  	(v2sf) =	vpush v1, $0x9;
	s3 =	rddreg [dreg:$0x10];
	s13 =	smov.u32 s18;
	v5 =	vld [tilespmem:s17+$0x0];
	[tilespmem:s22+$0x100] =	vst v6;
	(pc) =	sbr.rel @p0 .LBB2_2-.Ltmp0, $4  }
0x15b: {  	(v2sf) =	vpush v2, $0x4;
	[dreg:$0x10] =	wrdreg s13;
	s13 =	spop (v2sf);
	v4 =	vld [tilespmem:s20+$0x10];
	[tilespmem:s19+$0x1B0] =	vst v3  }
0x15c: {  	s2 =	sadd.s32 $0x20, s2;
	s24 =	smov.u32 s1;
	(v2sf) =	vpush v0, $0xF;
	v0 =	vmov v1;
	v1 =	vmov v2;
	[tilespmem:s31+$0xFFFFFE50] =	vst v7;
	v2 =	vld [tilespmem:s13+$0x0]  }
0x15d: {  	s1 =	smov.u32 s21;
	s21 =	smov.u32 s25;
	s25 =	smov.u32 s26;
	v6 =	vld [tilespmem:s15+$0x0];
	[tilespmem:s22+$0xFFFFFF00] =	vst v8  }
0x15e: {  	s26 =	rddreg [dreg:$0x18];
	s28 =	smov.u32 s3;
	(v2sf) =	vpush v0, $0xA;
	v3 =	vld [tilespmem:s4+$0x10];
	[tilespmem:s19+$0xFFFFFFB0] =	vst v63;
	s4 =	smov.u32 s16  }
0x15f: {  	_ =	sdelay $0x4  }
0x160: {  	[tilespmem:s31+$0x60] =	vst v5  }
0x161: {  	v5 =	vld [tilespmem:s17+$0x10]  }
0x162: {  	[tilespmem:s31+$0xFFFFFE60] =	vst v6  }
0x163: {  	(v2sf) =	vpush v1, $0x5;
	v6 =	vld [tilespmem:s15+$0x10];
	_ =	sdelay $0x1  }
0x164: {  	s0 =	spop (v2sf)  }
0x165: {  	[tilespmem:s31+$0x70] =	vst v5;
	s2 =	spop (v2sf)  }
0x166: {  	v5 =	vld [tilespmem:s2+$0x0]  }
0x167: {  	[tilespmem:s31+$0xFFFFFE70] =	vst v6  }
0x168: {  	v6 =	vld [tilespmem:s12+$0x0];
	_ =	sdelay $0x2  }
0x169: {  	[tilespmem:s31+$0x80] =	vst v5  }
0x16a: {  	v5 =	vld [tilespmem:s2+$0x10]  }
0x16b: {  	(v2sf) =	vpush v0, $0xB;
	[tilespmem:s31+$0xFFFFFE80] =	vst v6  }
0x16c: {  	(v2sf) =	vpush v1, $0x6;
	v6 =	vld [tilespmem:s12+$0x10]  }
0x16d: {  	s2 =	spop (v2sf)  }
0x16e: {  	s12 =	spop (v2sf)  }
0x16f: {  	s9 =	spop (v2sf);
	[tilespmem:s31+$0x90] =	vst v5  }
0x170: {  	v5 =	vld [tilespmem:s9+$0x0]  }
0x171: {  	[tilespmem:s31+$0xFFFFFE90] =	vst v6  }
0x172: {  	v6 =	vld [tilespmem:s8+$0x0];
	_ =	sdelay $0x2  }
0x173: {  	[tilespmem:s31+$0xA0] =	vst v5  }
0x174: {  	v5 =	vld [tilespmem:s9+$0x10]  }
0x175: {  	(v2sf) =	vpush v0, $0xC;
	[tilespmem:s31+$0xFFFFFEA0] =	vst v6  }
0x176: {  	(v2sf) =	vpush v1, $0x7;
	v6 =	vld [tilespmem:s8+$0x10];
	_ =	sdelay $0x1  }
0x177: {  	s9 =	spop (v2sf)  }
0x178: {  	s3 =	spop (v2sf);
	[tilespmem:s31+$0xB0] =	vst v5  }
0x179: {  	v5 =	vld [tilespmem:s3+$0x0]  }
0x17a: {  	[tilespmem:s31+$0xFFFFFEB0] =	vst v6  }
0x17b: {  	v6 =	vld [tilespmem:s6+$0x0];
	_ =	sdelay $0x2  }
0x17c: {  	[tilespmem:s31+$0xC0] =	vst v5  }
0x17d: {  	v5 =	vld [tilespmem:s3+$0x10]  }
0x17e: {  	(v2sf) =	vpush v0, $0xD;
	[tilespmem:s31+$0xFFFFFEC0] =	vst v6  }
0x17f: {  	(v2sf) =	vpush v1, $0x8;
	v6 =	vld [tilespmem:s6+$0x10];
	_ =	sdelay $0x1  }
0x180: {  	s8 =	spop (v2sf)  }
0x181: {  	s16 =	spop (v2sf);
	[tilespmem:s31+$0xD0] =	vst v5  }
0x182: {  	v5 =	vld [tilespmem:s16+$0x0]  }
0x183: {  	[tilespmem:s31+$0xFFFFFED0] =	vst v6  }
0x184: {  	v6 =	vld [tilespmem:s5+$0x0];
	_ =	sdelay $0x2  }
0x185: {  	[tilespmem:s31+$0xE0] =	vst v5  }
0x186: {  	v5 =	vld [tilespmem:s16+$0x10]  }
0x187: {  	(v2sf) =	vpush v0, $0xE;
	[tilespmem:s31+$0xFFFFFEE0] =	vst v6  }
0x188: {  	(v2sf) =	vpush v1, $0x9;
	v6 =	vld [tilespmem:s5+$0x10];
	_ =	sdelay $0x1  }
0x189: {  	s6 =	spop (v2sf)  }
0x18a: {  	s17 =	spop (v2sf);
	[tilespmem:s31+$0xF0] =	vst v5  }
0x18b: {  	v5 =	vld [tilespmem:s17+$0x0]  }
0x18c: {  	[tilespmem:s31+$0xFFFFFEF0] =	vst v6  }
0x18d: {  	v6 =	vld [tilespmem:s4+$0x0];
	_ =	sdelay $0x2  }
0x18e: {  	[tilespmem:s31+$0x100] =	vst v5  }
0x18f: {  	v5 =	vld [tilespmem:s17+$0x10]  }
0x190: {  	(v2sf) =	vpush v0, $0xF;
	[tilespmem:s31+$0xFFFFFF00] =	vst v6  }
0x191: {  	(v2sf) =	vpush v1, $0xA;
	v0 =	vld [tilespmem:s4+$0x10]  }
0x192: {  	[tilespmem:s22+$0x110] =	vst v4  }
0x193: {  	[tilespmem:s22+$0xFFFFFF10] =	vst v3;
	v4 =	vld [tilespmem:s0+$0x0];
	s5 =	spop (v2sf)  }
0x194: {  	s18 =	spop (v2sf);
	[tilespmem:s31+$0x110] =	vst v5;
	v5 =	vld [tilespmem:s29+$0x0]  }
0x195: {  	v3 =	vld [tilespmem:s18+$0x0]  }
0x196: {  	[tilespmem:s31+$0xFFFFFF10] =	vst v0  }
0x197: {  	v0 =	vld [tilespmem:s14+$0x0]  }
0x198: {  	[tilespmem:s22+$0x120] =	vst v4  }
0x199: {  	v4 =	vld [tilespmem:s0+$0x10];
	[tilespmem:s22+$0xFFFFFF20] =	vst v5  }
0x19a: {  	[tilespmem:s31+$0x120] =	vst v3;
	v5 =	vld [tilespmem:s29+$0x10]  }
0x19b: {  	v3 =	vld [tilespmem:s18+$0x10]  }
0x19c: {  	[tilespmem:s31+$0xFFFFFF20] =	vst v0  }
0x19d: {  	v0 =	vld [tilespmem:s14+$0x10]  }
0x19e: {  	(v2sf) =	vpush v1, $0xB;
	[tilespmem:s22+$0x130] =	vst v4  }
0x19f: {  	s4 =	spop (v2sf);
	[tilespmem:s22+$0xFFFFFF30] =	vst v5  }
0x1a0: {  	v4 =	vld [tilespmem:s12+$0x0];
	s20 =	spop (v2sf);
	[tilespmem:s31+$0x130] =	vst v3  }
0x1a1: {  	v3 =	vld [tilespmem:s20+$0x0];
	s0 =	rddreg [dreg:$0xc]  }
0x1a2: {  	[tilespmem:s31+$0xFFFFFF30] =	vst v0;
	v5 =	vld [tilespmem:s0+$0x0]  }
0x1a3: {  	v0 =	vld [tilespmem:s10+$0x0];
	_ =	sdelay $0x1  }
0x1a4: {  	[tilespmem:s22+$0x140] =	vst v4  }
0x1a5: {  	v4 =	vld [tilespmem:s12+$0x10];
	[tilespmem:s31+$0x140] =	vst v3  }
0x1a6: {  	v3 =	vld [tilespmem:s20+$0x10];
	[tilespmem:s22+$0xFFFFFF40] =	vst v5  }
0x1a7: {  	[tilespmem:s31+$0xFFFFFF40] =	vst v0;
	v5 =	vld [tilespmem:s0+$0x10]  }
0x1a8: {  	v0 =	vld [tilespmem:s10+$0x10]  }
0x1a9: {  	(v2sf) =	vpush v1, $0xC  }
0x1aa: {  	[tilespmem:s22+$0x150] =	vst v4  }
0x1ab: {  	[tilespmem:s31+$0x150] =	vst v3  }
0x1ac: {  	v4 =	vld [tilespmem:s9+$0x0];
	s0 =	spop (v2sf);
	[tilespmem:s22+$0xFFFFFF50] =	vst v5  }
0x1ad: {  	v3 =	vld [tilespmem:s0+$0x0];
	s12 =	rddreg [dreg:$0x8];
	[tilespmem:s31+$0xFFFFFF50] =	vst v0  }
0x1ae: {  	v5 =	vld [tilespmem:s12+$0x0];
	s3 =	rddreg [dreg:$0x14]  }
0x1af: {  	v0 =	vld [tilespmem:s3+$0x0];
	_ =	sdelay $0x1  }
0x1b0: {  	[tilespmem:s22+$0x160] =	vst v4  }
0x1b1: {  	v4 =	vld [tilespmem:s9+$0x10];
	[tilespmem:s31+$0x160] =	vst v3  }
0x1b2: {  	v3 =	vld [tilespmem:s0+$0x10];
	[tilespmem:s22+$0xFFFFFF60] =	vst v5  }
0x1b3: {  	v5 =	vld [tilespmem:s12+$0x10];
	[tilespmem:s31+$0xFFFFFF60] =	vst v0  }
0x1b4: {  	v0 =	vld [tilespmem:s3+$0x10]  }
0x1b5: {  	(v2sf) =	vpush v1, $0xD  }
0x1b6: {  	[tilespmem:s22+$0x170] =	vst v4  }
0x1b7: {  	s14 =	spop (v2sf);
	v4 =	vld [tilespmem:s8+$0x0];
	[tilespmem:s31+$0x170] =	vst v3  }
0x1b8: {  	v3 =	vld [tilespmem:s14+$0x0];
	[tilespmem:s22+$0xFFFFFF70] =	vst v5  }
0x1b9: {  	v5 =	vld [tilespmem:s30+$0x0];
	[tilespmem:s31+$0xFFFFFF70] =	vst v0  }
0x1ba: {  	v0 =	vld [tilespmem:s1+$0x0];
	_ =	sdelay $0x1  }
0x1bb: {  	[tilespmem:s22+$0x180] =	vst v4  }
0x1bc: {  	v4 =	vld [tilespmem:s8+$0x10];
	[tilespmem:s31+$0x180] =	vst v3  }
0x1bd: {  	v3 =	vld [tilespmem:s14+$0x10];
	[tilespmem:s22+$0xFFFFFF80] =	vst v5  }
0x1be: {  	v5 =	vld [tilespmem:s30+$0x10];
	[tilespmem:s31+$0xFFFFFF80] =	vst v0  }
0x1bf: {  	v0 =	vld [tilespmem:s1+$0x10]  }
0x1c0: {  	(v2sf) =	vpush v1, $0xE  }
0x1c1: {  	[tilespmem:s22+$0x190] =	vst v4  }
0x1c2: {  	v4 =	vld [tilespmem:s6+$0x0];
	[tilespmem:s31+$0x190] =	vst v3  }
0x1c3: {  	s15 =	spop (v2sf);
	[tilespmem:s22+$0xFFFFFF90] =	vst v5  }
0x1c4: {  	v3 =	vld [tilespmem:s15+$0x0];
	[tilespmem:s31+$0xFFFFFF90] =	vst v0  }
0x1c5: {  	v5 =	vld [tilespmem:s28+$0x0];
	s16 =	rddreg [dreg:$0x10]  }
0x1c6: {  	v0 =	vld [tilespmem:s16+$0x0]  }
0x1c7: {  	[tilespmem:s22+$0x1A0] =	vst v4  }
0x1c8: {  	[tilespmem:s19+$0x1C0] =	vst v2;
	v4 =	vld [tilespmem:s6+$0x10]  }
0x1c9: {  	(v2sf) =	vpush v1, $0xF;
	v1 =	vld [tilespmem:s13+$0x10];
	[tilespmem:s31+$0x1A0] =	vst v3  }
0x1ca: {  	v3 =	vld [tilespmem:s15+$0x10];
	[tilespmem:s22+$0xFFFFFFA0] =	vst v5  }
0x1cb: {  	v5 =	vld [tilespmem:s28+$0x10];
	[tilespmem:s31+$0xFFFFFFA0] =	vst v0  }
0x1cc: {  	v0 =	vld [tilespmem:s16+$0x10]  }
0x1cd: {  	[tilespmem:s22+$0x1B0] =	vst v4;
	v4 =	vld [tilespmem:s26+$0x0]  }
0x1ce: {  	[tilespmem:s19+$0x1D0] =	vst v1;
	v2 =	vld [tilespmem:s5+$0x0]  }
0x1cf: {  	s17 =	spop (v2sf);
	v1 =	vld [tilespmem:s2+$0x0];
	[tilespmem:s31+$0x1B0] =	vst v3  }
0x1d0: {  	v3 =	vld [tilespmem:s17+$0x0];
	[tilespmem:s22+$0xFFFFFFB0] =	vst v5  }
0x1d1: {  	v5 =	vld [tilespmem:s24+$0x0];
	[tilespmem:s31+$0xFFFFFFB0] =	vst v0  }
0x1d2: {  	[tilespmem:s19+$0xFFFFFFC0] =	vst v4;
	v0 =	vld [tilespmem:s11+$0x0]  }
0x1d3: {  	[tilespmem:s22+$0x1C0] =	vst v2;
	v4 =	vld [tilespmem:s26+$0x10]  }
0x1d4: {  	[tilespmem:s19+$0x1E0] =	vst v1;
	v2 =	vld [tilespmem:s5+$0x10]  }
0x1d5: {  	[tilespmem:s31+$0x1C0] =	vst v3  }
0x1d6: {  	v3 =	vld [tilespmem:s17+$0x10];
	[tilespmem:s22+$0xFFFFFFC0] =	vst v5  }
0x1d7: {  	v5 =	vld [tilespmem:s24+$0x10];
	[tilespmem:s31+$0xFFFFFFC0] =	vst v0  }
0x1d8: {  	[tilespmem:s19+$0xFFFFFFD0] =	vst v4;
	v0 =	vld [tilespmem:s11+$0x10]  }
0x1d9: {  	v1 =	vld [tilespmem:s2+$0x10];
	[tilespmem:s22+$0x1D0] =	vst v2  }
0x1da: {  	v2 =	vld [tilespmem:s4+$0x0];
	s18 =	rddreg [dreg:$0x4]  }
0x1db: {  	s20 =	spop (v2sf);
	v4 =	vld [tilespmem:s18+$0x0];
	[tilespmem:s31+$0x1D0] =	vst v3  }
0x1dc: {  	v3 =	vld [tilespmem:s20+$0x0];
	[tilespmem:s22+$0xFFFFFFD0] =	vst v5  }
0x1dd: {  	v5 =	vld [tilespmem:s23+$0x0];
	[tilespmem:s31+$0xFFFFFFD0] =	vst v0  }
0x1de: {  	[tilespmem:s19+$0x1F0] =	vst v1;
	v0 =	vld [tilespmem:s7+$0x0]  }
0x1df: {  	v1 =	vld [tilespmem:s25+$0x10];
	[tilespmem:s22+$0x1E0] =	vst v2  }
0x1e0: {  	[tilespmem:s19+$0xFFFFFFE0] =	vst v4;
	v2 =	vld [tilespmem:s4+$0x10]  }
0x1e1: {  	v4 =	vld [tilespmem:s18+$0x10];
	[tilespmem:s31+$0x1E0] =	vst v3  }
0x1e2: {  	v3 =	vld [tilespmem:s20+$0x10];
	[tilespmem:s22+$0xFFFFFFE0] =	vst v5  }
0x1e3: {  	v5 =	vld [tilespmem:s23+$0x10];
	[tilespmem:s31+$0xFFFFFFE0] =	vst v0  }
0x1e4: {  	[tilespmem:s21+$0xFFFFFFF0] =	vst v1;
	v0 =	vld [tilespmem:s7+$0x10]  }
0x1e5: {  	[tilespmem:s22+$0x1F0] =	vst v2  }
0x1e6: {  	[tilespmem:s19+$0xFFFFFFF0] =	vst v4  }
0x1e7: {  	[tilespmem:s31+$0x1F0] =	vst v3  }
0x1e8: {  	[tilespmem:s22+$0xFFFFFFF0] =	vst v5  }
0x1e9: {  	s26 =	simm.s32 $0x1;
	[tilespmem:s31+$0xFFFFFFF0] =	vst v0  }
0x1ea: {  	s25 =	simm.s32 $0x8400;
	s23 =	simm.s32 $0x0;
	s24 =	rddreg [dreg:$0x1e]  }
0x1eb: {  	[hbm4b:s24+s23] =	stream.linear.scatter [tilespmem:s25], [sflag:$0x1], $0x8000, $0x38;
	[tilespmem:$0x10400] =	vst v63  }
0x1ec: {  	_ =	swait.ge [sflag:s26], $0x8000  }
0x1ed: {  	[sflag:s26] =	ssyncset.done $0x0  }
0x1ee: {  	s5 =	simm.s32 $0x8000;
	s4 =	rddreg [dreg:$0x1f];
	[sflag:s26] =	ssyncadd.s32 $0xFFFF8000  }
0x1ef: {  	[tilespmem:s5], [sflag:$0x1] =	stream.linear.gather [hbm4b:s4+s23], $0x400, $0x38;
	[tilespmem:$0x10400] =	vst v63  }
0x1f0: {  	_ =	swait.ge [sflag:s26], $0x400  }
0x1f1: {  	[sflag:s26] =	ssyncset.done $0x0  }
0x1f2: {  	s6 =	simm.s32 $0x8010;
	[sflag:s26] =	ssyncadd.s32 $0xFFFFFC00  }
0x1f3: {  	v0 =	vld [tilespmem:s6+$0x0];
	_ =	sdelay $0x2  }
0x1f4: {  	v2 =	vld [tilespmem:s6+$0xFFFFFFF0];
	_ =	sdelay $0x1  }
0x1f5: {  	v1 =	vshll.u32 v0, $0x5  }
0x1f6: {  	(v2sf) =	vpush v1, $0x0;
	_ =	sdelay $0x1  }
0x1f7: {  	v0 =	vshll.u32 v2, $0x5  }
0x1f8: {  	(v2sf) =	vpush v0, $0x0  }
0x1f9: {  	(v2sf) =	vpush v0, $0x1  }
0x1fa: {  	(v2sf) =	vpush v0, $0x2  }
0x1fb: {  	(v2sf) =	vpush v0, $0x3  }
0x1fc: {  	(v2sf) =	vpush v0, $0x4  }
0x1fd: {  	(v2sf) =	vpush v0, $0x5  }
0x1fe: {  	(v2sf) =	vpush v0, $0x6  }
0x1ff: {  	(v2sf) =	vpush v0, $0x7  }
0x200: {  	(v2sf) =	vpush v0, $0x8  }
0x201: {  	(v2sf) =	vpush v1, $0x1;
	_ =	sdelay $0x2  }
0x202: {  	s7 =	spop (v2sf)  }
0x203: {  	v2 =	vld [tilespmem:s7+$0x0]  }
0x204: {  	(v2sf) =	vpush v0, $0x9  }
0x205: {  	(v2sf) =	vpush v0, $0xA;
	s8 =	spop (v2sf)  }
0x206: {  	(v2sf) =	vpush v0, $0xB;
	s9 =	spop (v2sf)  }
0x207: {  	s21 =	simm.s32 $0x8600;
	(v2sf) =	vpush v0, $0xC;
	s10 =	spop (v2sf)  }
0x208: {  	(v2sf) =	vpush v0, $0xD;
	s12 =	spop (v2sf);
	[tilespmem:s21+$0x0] =	vst v2  }
0x209: {  	(v2sf) =	vpush v0, $0xE;
	s15 =	spop (v2sf);
	v2 =	vld [tilespmem:s7+$0x10]  }
0x20a: {  	(v2sf) =	vpush v0, $0xF;
	s0 =	spop (v2sf)  }
0x20b: {  	(v2sf) =	vpush v1, $0x2;
	s22 =	spop (v2sf)  }
0x20c: {  	v3 =	vld [tilespmem:s8+$0x0];
	s14 =	spop (v2sf)  }
0x20d: {  	s13 =	spop (v2sf)  }
0x20e: {  	s16 =	spop (v2sf);
	[tilespmem:s21+$0x10] =	vst v2  }
0x20f: {  	v2 =	vld [tilespmem:s16+$0x0];
	_ =	sdelay $0x1  }
0x210: {  	[tilespmem:s21+$0xFFFFFE00] =	vst v3  }
0x211: {  	v0 =	vld [tilespmem:s8+$0x10]  }
0x212: {  	s11 =	spop (v2sf)  }
0x213: {  	s24 =	spop (v2sf);
	[tilespmem:s21+$0x20] =	vst v2  }
0x214: {  	s2 =	spop (v2sf);
	v2 =	vld [tilespmem:s16+$0x10]  }
0x215: {  	s4 =	spop (v2sf)  }
0x216: {  	[tilespmem:s21+$0xFFFFFE10] =	vst v0;
	(v2sf) =	vpush v1, $0x3;
	s3 =	spop (v2sf)  }
0x217: {  	v0 =	vld [tilespmem:s9+$0x0];
	s7 =	spop (v2sf)  }
0x218: {  	s25 =	spop (v2sf)  }
0x219: {  	s17 =	spop (v2sf);
	[tilespmem:s21+$0x30] =	vst v2  }
0x21a: {  	v2 =	vld [tilespmem:s17+$0x0];
	_ =	sdelay $0x1  }
0x21b: {  	[tilespmem:s21+$0xFFFFFE20] =	vst v0  }
0x21c: {  	v0 =	vld [tilespmem:s9+$0x10];
	_ =	sdelay $0x1  }
0x21d: {  	[tilespmem:s21+$0x40] =	vst v2  }
0x21e: {  	v2 =	vld [tilespmem:s17+$0x10];
	_ =	sdelay $0x1  }
0x21f: {  	(v2sf) =	vpush v1, $0x4;
	[tilespmem:s21+$0xFFFFFE30] =	vst v0  }
0x220: {  	v0 =	vld [tilespmem:s10+$0x0];
	_ =	sdelay $0x1  }
0x221: {  	s18 =	spop (v2sf);
	[tilespmem:s21+$0x50] =	vst v2  }
0x222: {  	v2 =	vld [tilespmem:s18+$0x0];
	_ =	sdelay $0x1  }
0x223: {  	[tilespmem:s21+$0xFFFFFE40] =	vst v0  }
0x224: {  	v0 =	vld [tilespmem:s10+$0x10]  }
0x225: {  	s19 =	simm.s32 $0x8030  }
0x226: {  	v3 =	vld [tilespmem:s19+$0x0];
	[tilespmem:s21+$0x60] =	vst v2  }
0x227: {  	v4 =	vld [tilespmem:s18+$0x10]  }
0x228: {  	v5 =	vld [tilespmem:s19+$0xFFFFFFF0]  }
0x229: {  	(v2sf) =	vpush v1, $0x5;
	[tilespmem:s21+$0xFFFFFE50] =	vst v0  }
0x22a: {  	v0 =	vld [tilespmem:s12+$0x0];
	_ =	sdelay $0x1  }
0x22b: {  	v2 =	vshll.u32 v3, $0x5;
	s20 =	spop (v2sf);
	[tilespmem:s21+$0x70] =	vst v4  }
0x22c: {  	(v2sf) =	vpush v2, $0x0;
	v3 =	vshll.u32 v5, $0x5;
	v4 =	vld [tilespmem:s20+$0x0]  }
0x22d: {  	(v2sf) =	vpush v3, $0x0  }
0x22e: {  	[tilespmem:s21+$0xFFFFFE60] =	vst v0  }
0x22f: {  	(v2sf) =	vpush v3, $0x1;
	v0 =	vld [tilespmem:s12+$0x10]  }
0x230: {  	(v2sf) =	vpush v3, $0x2  }
0x231: {  	(v2sf) =	vpush v3, $0x3;
	[tilespmem:s21+$0x80] =	vst v4  }
0x232: {  	(v2sf) =	vpush v3, $0x4;
	v4 =	vld [tilespmem:s20+$0x10]  }
0x233: {  	(v2sf) =	vpush v1, $0x6  }
0x234: {  	(v2sf) =	vpush v3, $0x5;
	[tilespmem:s21+$0xFFFFFE70] =	vst v0  }
0x235: {  	(v2sf) =	vpush v3, $0x6;
	v0 =	vld [tilespmem:s15+$0x0]  }
0x236: {  	(v2sf) =	vpush v3, $0x7  }
0x237: {  	(v2sf) =	vpush v3, $0x8;
	s23 =	spop (v2sf);
	[tilespmem:s21+$0x90] =	vst v4  }
0x238: {  	(v2sf) =	vpush v2, $0x1;
	v4 =	vld [tilespmem:s23+$0x0];
	_ =	sdelay $0x1  }
0x239: {  	(v2sf) =	vpush v3, $0x9;
	[tilespmem:s21+$0xFFFFFE80] =	vst v0  }
0x23a: {  	s6 =	spop (v2sf);
	(v2sf) =	vpush v3, $0xA;
	v0 =	vld [tilespmem:s15+$0x10]  }
0x23b: {  	v5 =	vld [tilespmem:s6+$0x0];
	(v2sf) =	vpush v3, $0xB;
	s26 =	spop (v2sf)  }
0x23c: {  	(v2sf) =	vpush v3, $0xC;
	[tilespmem:s21+$0xA0] =	vst v4;
	v4 =	vld [tilespmem:s26+$0x0]  }
0x23d: {  	(v2sf) =	vpush v3, $0xD;
	s18 =	spop (v2sf);
	v6 =	vld [tilespmem:s23+$0x10]  }
0x23e: {  	s17 =	spop (v2sf)  }
0x23f: {  	s19 =	simm.s32 $0x8A00;
	s8 =	spop (v2sf);
	[tilespmem:s21+$0xFFFFFE90] =	vst v0  }
0x240: {  	[tilespmem:s19+$0x0] =	vst v5;
	(v2sf) =	vpush v1, $0x7;
	s23 =	spop (v2sf);
	v0 =	vld [tilespmem:s0+$0x0]  }
0x241: {  	v5 =	vld [tilespmem:s6+$0x10];
	(v2sf) =	vpush v3, $0xE;
	s5 =	spop (v2sf);
	[tilespmem:s19+$0xFFFFFE00] =	vst v4  }
0x242: {  	(v2sf) =	vpush v3, $0xF;
	s16 =	spop (v2sf);
	[tilespmem:s21+$0xB0] =	vst v6;
	v3 =	vld [tilespmem:s26+$0x10]  }
0x243: {  	s15 =	spop (v2sf);
	v4 =	vld [tilespmem:s5+$0x0]  }
0x244: {  	(v2sf) =	vpush v2, $0x2;
	s12 =	spop (v2sf)  }
0x245: {  	s10 =	spop (v2sf);
	[tilespmem:s21+$0xFFFFFEA0] =	vst v0  }
0x246: {  	[tilespmem:s19+$0x10] =	vst v5;
	s20 =	spop (v2sf);
	v0 =	vld [tilespmem:s0+$0x10]  }
0x247: {  	v5 =	vld [tilespmem:s20+$0x0];
	[tilespmem:s19+$0xFFFFFE10] =	vst v3  }
0x248: {  	s6 =	spop (v2sf);
	[tilespmem:s21+$0xC0] =	vst v4;
	v3 =	vld [tilespmem:s18+$0x0]  }
0x249: {  	v4 =	vld [tilespmem:s5+$0x10];
	s5 =	spop (v2sf)  }
0x24a: {  	s1 =	spop (v2sf)  }
0x24b: {  	[tilespmem:s21+$0xFFFFFEB0] =	vst v0;
	s9 =	spop (v2sf)  }
0x24c: {  	[tilespmem:s19+$0x20] =	vst v5;
	s26 =	spop (v2sf)  }
0x24d: {  	v5 =	vld [tilespmem:s20+$0x10];
	[smem:$0x7F5] =	sst s26  }
0x24e: {  	(v2sf) =	vpush v1, $0x8;
	[tilespmem:s19+$0xFFFFFE20] =	vst v3  }
0x24f: {  	s0 =	spop (v2sf);
	v3 =	vld [tilespmem:s18+$0x10]  }
0x250: {  	(v2sf) =	vpush v2, $0x3;
	s26 =	spop (v2sf)  }
0x251: {  	v0 =	vld [tilespmem:s22+$0x0];
	[tilespmem:s21+$0xD0] =	vst v4;
	s20 =	spop (v2sf)  }
0x252: {  	v4 =	vld [tilespmem:s0+$0x0];
	[dreg:$0x5] =	wrdreg s20  }
0x253: {  	s20 =	spop (v2sf);
	[tilespmem:s19+$0x30] =	vst v5  }
0x254: {  	v5 =	vld [tilespmem:s20+$0x0];
	[tilespmem:s19+$0xFFFFFE30] =	vst v3  }
0x255: {  	v3 =	vld [tilespmem:s17+$0x0]  }
0x256: {  	[tilespmem:s21+$0xFFFFFEC0] =	vst v0  }
0x257: {  	v0 =	vld [tilespmem:s22+$0x10];
	[tilespmem:s21+$0xE0] =	vst v4  }
0x258: {  	v4 =	vld [tilespmem:s0+$0x10]  }
0x259: {  	[tilespmem:s19+$0x40] =	vst v5  }
0x25a: {  	(v2sf) =	vpush v1, $0x9;
	v5 =	vld [tilespmem:s20+$0x10];
	[tilespmem:s19+$0xFFFFFE40] =	vst v3  }
0x25b: {  	v3 =	vld [tilespmem:s17+$0x10]  }
0x25c: {  	(v2sf) =	vpush v2, $0x4;
	[tilespmem:s21+$0xFFFFFED0] =	vst v0  }
0x25d: {  	s18 =	spop (v2sf);
	v0 =	vld [tilespmem:s14+$0x0];
	[tilespmem:s21+$0xF0] =	vst v4  }
0x25e: {  	v4 =	vld [tilespmem:s18+$0x0]  }
0x25f: {  	s20 =	spop (v2sf);
	[tilespmem:s19+$0x50] =	vst v5  }
0x260: {  	v5 =	vld [tilespmem:s20+$0x0];
	[tilespmem:s19+$0xFFFFFE50] =	vst v3  }
0x261: {  	s22 =	simm.s32 $0x8050;
	v3 =	vld [tilespmem:s8+$0x0]  }
0x262: {  	v6 =	vld [tilespmem:s22+$0x0];
	[tilespmem:s21+$0xFFFFFEE0] =	vst v0  }
0x263: {  	v0 =	vld [tilespmem:s14+$0x10];
	[tilespmem:s21+$0x100] =	vst v4  }
0x264: {  	v4 =	vld [tilespmem:s18+$0x10]  }
0x265: {  	v7 =	vld [tilespmem:s22+$0xFFFFFFF0];
	[tilespmem:s19+$0x60] =	vst v5  }
0x266: {  	(v2sf) =	vpush v1, $0xA;
	v5 =	vld [tilespmem:s20+$0x10];
	[tilespmem:s19+$0xFFFFFE60] =	vst v3  }
0x267: {  	v3 =	vld [tilespmem:s8+$0x10]  }
0x268: {  	(v2sf) =	vpush v2, $0x5;
	[tilespmem:s21+$0xFFFFFEF0] =	vst v0  }
0x269: {  	v0 =	vshll.u32 v6, $0x5;
	v8 =	vld [tilespmem:s13+$0x0];
	[tilespmem:s21+$0x110] =	vst v4;
	s8 =	spop (v2sf)  }
0x26a: {  	(v2sf) =	vpush v0, $0x0;
	v4 =	vld [tilespmem:s8+$0x0]  }
0x26b: {  	s14 =	spop (v2sf);
	[tilespmem:s19+$0x70] =	vst v5;
	v5 =	vshll.u32 v7, $0x5  }
0x26c: {  	v6 =	vld [tilespmem:s14+$0x0];
	(v2sf) =	vpush v5, $0x0;
	[tilespmem:s19+$0xFFFFFE70] =	vst v3  }
0x26d: {  	(v2sf) =	vpush v1, $0xB;
	v3 =	vld [tilespmem:s23+$0x0]  }
0x26e: {  	[tilespmem:s21+$0xFFFFFF00] =	vst v8;
	(v2sf) =	vpush v5, $0x1  }
0x26f: {  	v7 =	vld [tilespmem:s13+$0x10];
	(v2sf) =	vpush v5, $0x2;
	[tilespmem:s21+$0x120] =	vst v4  }
0x270: {  	(v2sf) =	vpush v5, $0x3;
	v4 =	vld [tilespmem:s8+$0x10]  }
0x271: {  	[tilespmem:s19+$0x80] =	vst v6;
	(v2sf) =	vpush v5, $0x4  }
0x272: {  	v6 =	vld [tilespmem:s14+$0x10];
	(v2sf) =	vpush v2, $0x6;
	[tilespmem:s19+$0xFFFFFE80] =	vst v3  }
0x273: {  	(v2sf) =	vpush v5, $0x5;
	v3 =	vld [tilespmem:s23+$0x10]  }
0x274: {  	[tilespmem:s21+$0xFFFFFF10] =	vst v7;
	(v2sf) =	vpush v5, $0x6  }
0x275: {  	s17 =	spop (v2sf);
	v7 =	vld [tilespmem:s11+$0x0];
	(v2sf) =	vpush v5, $0x7;
	[tilespmem:s21+$0x130] =	vst v4  }
0x276: {  	(v2sf) =	vpush v5, $0x8;
	v4 =	vld [tilespmem:s17+$0x0]  }
0x277: {  	s22 =	spop (v2sf);
	[tilespmem:s19+$0x90] =	vst v6;
	(v2sf) =	vpush v0, $0x1  }
0x278: {  	v6 =	vld [tilespmem:s22+$0x0];
	[tilespmem:s19+$0xFFFFFE90] =	vst v3  }
0x279: {  	s23 =	spop (v2sf);
	(v2sf) =	vpush v5, $0x9;
	v3 =	vld [tilespmem:s16+$0x0]  }
0x27a: {  	[tilespmem:s21+$0xFFFFFF20] =	vst v7;
	(v2sf) =	vpush v1, $0xC;
	v7 =	vld [tilespmem:s23+$0x0]  }
0x27b: {  	v8 =	vld [tilespmem:s11+$0x10];
	(v2sf) =	vpush v5, $0xA;
	s18 =	spop (v2sf);
	[tilespmem:s21+$0x140] =	vst v4  }
0x27c: {  	s20 =	spop (v2sf);
	v4 =	vld [tilespmem:s17+$0x10]  }
0x27d: {  	(v2sf) =	vpush v5, $0xB;
	v9 =	vld [tilespmem:s18+$0x0];
	[tilespmem:s19+$0xA0] =	vst v6;
	s17 =	spop (v2sf)  }
0x27e: {  	v6 =	vld [tilespmem:s22+$0x10];
	s8 =	spop (v2sf);
	s22 =	simm.s32 $0x8E00;
	[tilespmem:s19+$0xFFFFFEA0] =	vst v3  }
0x27f: {  	(v2sf) =	vpush v5, $0xC;
	s0 =	spop (v2sf);
	[tilespmem:s22+$0x0] =	vst v7;
	v3 =	vld [tilespmem:s16+$0x10]  }
0x280: {  	(v2sf) =	vpush v5, $0xD;
	[tilespmem:s21+$0xFFFFFF30] =	vst v8;
	s31 =	spop (v2sf);
	v7 =	vld [tilespmem:s23+$0x10]  }
0x281: {  	(v2sf) =	vpush v2, $0x7;
	v8 =	vld [tilespmem:s24+$0x0];
	s23 =	spop (v2sf);
	[tilespmem:s21+$0x150] =	vst v4  }
0x282: {  	(v2sf) =	vpush v5, $0xE;
	[tilespmem:s22+$0xFFFFFE00] =	vst v9;
	s14 =	spop (v2sf);
	v4 =	vld [tilespmem:s20+$0x0]  }
0x283: {  	(v2sf) =	vpush v5, $0xF;
	[tilespmem:s19+$0xB0] =	vst v6;
	s11 =	spop (v2sf);
	v6 =	vld [tilespmem:s18+$0x10]  }
0x284: {  	(v2sf) =	vpush v0, $0x2;
	v5 =	vld [tilespmem:s23+$0x0];
	s13 =	spop (v2sf);
	[tilespmem:s19+$0xFFFFFEB0] =	vst v3  }
0x285: {  	s16 =	spop (v2sf);
	[tilespmem:s22+$0x10] =	vst v7;
	v3 =	vld [tilespmem:s15+$0x0]  }
0x286: {  	[tilespmem:s21+$0xFFFFFF40] =	vst v8;
	s18 =	spop (v2sf)  }
0x287: {  	v7 =	vld [tilespmem:s18+$0x0];
	[tilespmem:s21+$0x160] =	vst v4  }
0x288: {  	v8 =	vld [tilespmem:s24+$0x10];
	s29 =	spop (v2sf);
	[tilespmem:s22+$0xFFFFFE10] =	vst v6  }
0x289: {  	v4 =	vld [tilespmem:s20+$0x10];
	s20 =	spop (v2sf);
	[tilespmem:s19+$0xC0] =	vst v5  }
0x28a: {  	v6 =	vld [tilespmem:s17+$0x0];
	s24 =	spop (v2sf);
	[tilespmem:s19+$0xFFFFFEC0] =	vst v3  }
0x28b: {  	v5 =	vld [tilespmem:s23+$0x10];
	[dreg:$0xd] =	wrdreg s24  }
0x28c: {  	s24 =	spop (v2sf);
	[tilespmem:s22+$0x20] =	vst v7  }
0x28d: {  	v3 =	vld [tilespmem:s15+$0x10];
	[dreg:$0x9] =	wrdreg s24  }
0x28e: {  	s30 =	spop (v2sf);
	v7 =	vld [tilespmem:s18+$0x10];
	[tilespmem:s21+$0xFFFFFF50] =	vst v8  }
0x28f: {  	(v2sf) =	vpush v1, $0xD;
	s28 =	spop (v2sf);
	[tilespmem:s21+$0x170] =	vst v4;
	v8 =	vld [tilespmem:s2+$0x0]  }
0x290: {  	(v2sf) =	vpush v2, $0x8;
	[tilespmem:s19+$0xD0] =	vst v5;
	s15 =	spop (v2sf);
	v4 =	vld [tilespmem:s20+$0x0]  }
0x291: {  	[tilespmem:s22+$0xFFFFFE20] =	vst v6;
	v5 =	vld [tilespmem:s15+$0x0];
	s24 =	spop (v2sf)  }
0x292: {  	(v2sf) =	vpush v0, $0x3;
	v6 =	vld [tilespmem:s17+$0x10];
	s23 =	spop (v2sf);
	[tilespmem:s19+$0xFFFFFED0] =	vst v3  }
0x293: {  	s18 =	spop (v2sf);
	v3 =	vld [tilespmem:s12+$0x0];
	[tilespmem:s22+$0x30] =	vst v7  }
0x294: {  	[tilespmem:s21+$0xFFFFFF60] =	vst v8;
	v7 =	vld [tilespmem:s18+$0x0]  }
0x295: {  	[tilespmem:s21+$0x180] =	vst v4;
	v8 =	vld [tilespmem:s2+$0x10]  }
0x296: {  	(v2sf) =	vpush v1, $0xE;
	[tilespmem:s19+$0xE0] =	vst v5;
	v4 =	vld [tilespmem:s20+$0x10]  }
0x297: {  	(v2sf) =	vpush v2, $0x9;
	[tilespmem:s22+$0xFFFFFE30] =	vst v6;
	v5 =	vld [tilespmem:s15+$0x10]  }
0x298: {  	(v2sf) =	vpush v0, $0x4;
	v6 =	vld [tilespmem:s8+$0x0];
	s15 =	simm.s32 $0x8070  }
0x299: {  	(v2sf) =	vpush v1, $0xF;
	v1 =	vld [tilespmem:s15+$0x0]  }
0x29a: {  	v60 =	vld [tilespmem:s15+$0xFFFFFFF0];
	[tilespmem:s19+$0xFFFFFEE0] =	vst v3  }
0x29b: {  	v3 =	vld [tilespmem:s12+$0x10];
	[tilespmem:s22+$0x40] =	vst v7  }
0x29c: {  	v7 =	vld [tilespmem:s18+$0x10];
	[tilespmem:s21+$0xFFFFFF70] =	vst v8  }
0x29d: {  	[tilespmem:s22+$0xFFFFFE40] =	vst v6;
	v8 =	vld [tilespmem:s4+$0x0]  }
0x29e: {  	s17 =	spop (v2sf);
	[tilespmem:s21+$0x190] =	vst v4;
	v6 =	vld [tilespmem:s8+$0x10]  }
0x29f: {  	[tilespmem:s19+$0xF0] =	vst v5;
	s18 =	spop (v2sf);
	v4 =	vld [tilespmem:s17+$0x0]  }
0x2a0: {  	v5 =	vld [tilespmem:s18+$0x0];
	[tilespmem:s19+$0xFFFFFEF0] =	vst v3  }
0x2a1: {  	s20 =	spop (v2sf);
	v3 =	vld [tilespmem:s10+$0x0];
	[tilespmem:s22+$0x50] =	vst v7  }
0x2a2: {  	[tilespmem:s21+$0xFFFFFF80] =	vst v8;
	v7 =	vld [tilespmem:s20+$0x0]  }
0x2a3: {  	[tilespmem:s22+$0xFFFFFE50] =	vst v6;
	v8 =	vld [tilespmem:s4+$0x10]  }
0x2a4: {  	[tilespmem:s21+$0x1A0] =	vst v4;
	v6 =	vld [tilespmem:s0+$0x0]  }
0x2a5: {  	[tilespmem:s19+$0x100] =	vst v5;
	v4 =	vld [tilespmem:s17+$0x10]  }
0x2a6: {  	v5 =	vld [tilespmem:s18+$0x10];
	[tilespmem:s19+$0xFFFFFF00] =	vst v3  }
0x2a7: {  	(v2sf) =	vpush v2, $0xA;
	v3 =	vld [tilespmem:s10+$0x10];
	[tilespmem:s22+$0x60] =	vst v7  }
0x2a8: {  	(v2sf) =	vpush v0, $0x5;
	v1 =	vshll.u32 v1, $0x5;
	v7 =	vld [tilespmem:s20+$0x10];
	[tilespmem:s21+$0xFFFFFF90] =	vst v8  }
0x2a9: {  	(v2sf) =	vpush v1, $0x0;
	[tilespmem:s22+$0xFFFFFE60] =	vst v6;
	v8 =	vld [tilespmem:s3+$0x0]  }
0x2aa: {  	s17 =	spop (v2sf);
	[tilespmem:s21+$0x1B0] =	vst v4;
	v4 =	vld [tilespmem:s0+$0x10]  }
0x2ab: {  	s18 =	spop (v2sf);
	[tilespmem:s19+$0x110] =	vst v5;
	v6 =	vld [tilespmem:s17+$0x0]  }
0x2ac: {  	v5 =	vld [tilespmem:s18+$0x0];
	[tilespmem:s19+$0xFFFFFF10] =	vst v3  }
0x2ad: {  	s20 =	spop (v2sf);
	v3 =	vld [tilespmem:s6+$0x0];
	[tilespmem:s22+$0x70] =	vst v7  }
0x2ae: {  	[tilespmem:s21+$0xFFFFFFA0] =	vst v8;
	v7 =	vld [tilespmem:s20+$0x0]  }
0x2af: {  	[tilespmem:s22+$0xFFFFFE70] =	vst v4;
	v8 =	vld [tilespmem:s3+$0x10]  }
0x2b0: {  	[tilespmem:s21+$0x1C0] =	vst v6;
	v4 =	vshll.u32 v60, $0x5;
	v6 =	vld [tilespmem:s31+$0x0]  }
0x2b1: {  	[tilespmem:s19+$0x120] =	vst v5;
	v61 =	vld [tilespmem:s17+$0x10];
	(v2sf) =	vpush v4, $0x0  }
0x2b2: {  	v5 =	vld [tilespmem:s18+$0x10];
	(v2sf) =	vpush v2, $0xB;
	[tilespmem:s19+$0xFFFFFF20] =	vst v3  }
0x2b3: {  	(v2sf) =	vpush v4, $0x1;
	v3 =	vld [tilespmem:s6+$0x10];
	[tilespmem:s22+$0x80] =	vst v7  }
0x2b4: {  	(v2sf) =	vpush v4, $0x2;
	[tilespmem:s21+$0xFFFFFFB0] =	vst v8;
	v7 =	vld [tilespmem:s20+$0x10]  }
0x2b5: {  	s4 =	spop (v2sf);
	(v2sf) =	vpush v4, $0x3;
	[tilespmem:s22+$0xFFFFFE80] =	vst v6;
	v8 =	vld [tilespmem:s7+$0x0]  }
0x2b6: {  	s6 =	spop (v2sf);
	[tilespmem:s21+$0x1D0] =	vst v61;
	(v2sf) =	vpush v4, $0x4;
	v6 =	vld [tilespmem:s31+$0x10]  }
0x2b7: {  	s8 =	spop (v2sf);
	[tilespmem:s19+$0x130] =	vst v5;
	v9 =	vld [tilespmem:s4+$0x0];
	(v2sf) =	vpush v0, $0x6  }
0x2b8: {  	s10 =	spop (v2sf);
	v5 =	vld [tilespmem:s6+$0x0];
	(v2sf) =	vpush v4, $0x5;
	[tilespmem:s19+$0xFFFFFF30] =	vst v3  }
0x2b9: {  	v62 =	vld [tilespmem:s10+$0x0];
	(v2sf) =	vpush v4, $0x6;
	[tilespmem:s22+$0x90] =	vst v7  }
0x2ba: {  	v3 =	vld [tilespmem:s5+$0x0];
	(v2sf) =	vpush v4, $0x7;
	[tilespmem:s21+$0xFFFFFFC0] =	vst v8  }
0x2bb: {  	(v2sf) =	vpush v4, $0x8;
	v7 =	vld [tilespmem:s8+$0x0];
	[tilespmem:s22+$0xFFFFFE90] =	vst v6  }
0x2bc: {  	[tilespmem:s21+$0x1E0] =	vst v9;
	(v2sf) =	vpush v1, $0x1;
	v8 =	vld [tilespmem:s7+$0x10]  }
0x2bd: {  	s31 =	simm.s32 $0x9200;
	[tilespmem:s19+$0x140] =	vst v5;
	v6 =	vld [tilespmem:s14+$0x0];
	(v2sf) =	vpush v4, $0x9  }
0x2be: {  	[tilespmem:s31+$0x0] =	vst v62;
	v5 =	vld [tilespmem:s6+$0x10];
	(v2sf) =	vpush v2, $0xC  }
0x2bf: {  	v9 =	vld [tilespmem:s4+$0x10];
	[tilespmem:s19+$0xFFFFFF40] =	vst v3;
	(v2sf) =	vpush v4, $0xA  }
0x2c0: {  	v3 =	vld [tilespmem:s5+$0x10];
	s17 =	spop (v2sf);
	(v2sf) =	vpush v4, $0xB;
	[tilespmem:s22+$0xA0] =	vst v7  }
0x2c1: {  	s18 =	spop (v2sf);
	[tilespmem:s21+$0xFFFFFFD0] =	vst v8;
	v7 =	vld [tilespmem:s8+$0x10]  }
0x2c2: {  	(v2sf) =	vpush v4, $0xC;
	[tilespmem:s22+$0xFFFFFEA0] =	vst v6;
	s7 =	spop (v2sf);
	v8 =	vld [tilespmem:s25+$0x0]  }
0x2c3: {  	(v2sf) =	vpush v4, $0xD;
	[tilespmem:s19+$0x150] =	vst v5;
	v6 =	vld [tilespmem:s14+$0x10];
	s2 =	spop (v2sf)  }
0x2c4: {  	[tilespmem:s21+$0x1F0] =	vst v9;
	v5 =	vld [tilespmem:s18+$0x0];
	s15 =	spop (v2sf)  }
0x2c5: {  	v9 =	vld [tilespmem:s10+$0x10];
	(v2sf) =	vpush v0, $0x7;
	[tilespmem:s19+$0xFFFFFF50] =	vst v3;
	s12 =	spop (v2sf)  }
0x2c6: {  	v3 =	vld [tilespmem:s1+$0x0];
	s20 =	spop (v2sf);
	[tilespmem:s22+$0xB0] =	vst v7  }
0x2c7: {  	s8 =	spop (v2sf);
	[tilespmem:s21+$0xFFFFFFE0] =	vst v8;
	v8 =	vld [tilespmem:s17+$0x0]  }
0x2c8: {  	v7 =	vld [tilespmem:s20+$0x0];
	[tilespmem:s22+$0xFFFFFEB0] =	vst v6;
	s6 =	spop (v2sf)  }
0x2c9: {  	[tilespmem:s19+$0x160] =	vst v5;
	v6 =	vld [tilespmem:s11+$0x0];
	s5 =	spop (v2sf)  }
0x2ca: {  	[tilespmem:s31+$0x10] =	vst v9;
	v5 =	vld [tilespmem:s18+$0x10];
	s4 =	spop (v2sf)  }
0x2cb: {  	[tilespmem:s19+$0xFFFFFF60] =	vst v3;
	s18 =	spop (v2sf)  }
0x2cc: {  	(v2sf) =	vpush v4, $0xE;
	v3 =	vld [tilespmem:s1+$0x10];
	s14 =	spop (v2sf);
	[tilespmem:s31+$0xFFFFFE00] =	vst v8  }
0x2cd: {  	(v2sf) =	vpush v4, $0xF;
	[tilespmem:s22+$0xC0] =	vst v7;
	v4 =	vld [tilespmem:s17+$0x10];
	s17 =	spop (v2sf)  }
0x2ce: {  	v7 =	vld [tilespmem:s20+$0x10];
	[tilespmem:s22+$0xFFFFFEC0] =	vst v6;
	s10 =	spop (v2sf)  }
0x2cf: {  	[tilespmem:s19+$0x170] =	vst v5;
	v6 =	vld [tilespmem:s11+$0x10];
	s11 =	spop (v2sf)  }
0x2d0: {  	(v2sf) =	vpush v1, $0x2;
	v8 =	vld [tilespmem:s18+$0x0];
	[dreg:$0x15] =	wrdreg s11  }
0x2d1: {  	(v2sf) =	vpush v2, $0xD;
	s1 =	spop (v2sf);
	[tilespmem:s19+$0xFFFFFF70] =	vst v3  }
0x2d2: {  	s20 =	spop (v2sf);
	[tilespmem:s31+$0xFFFFFE10] =	vst v4;
	v4 =	vld [tilespmem:s17+$0x0]  }
0x2d3: {  	v5 =	vld [tilespmem:s7+$0x0];
	[dreg:$0x11] =	wrdreg s20  }
0x2d4: {  	(v2sf) =	vpush v0, $0x8;
	s3 =	spop (v2sf);
	v3 =	vld [tilespmem:s9+$0x0];
	[tilespmem:s22+$0xD0] =	vst v7  }
0x2d5: {  	[tilespmem:s22+$0xFFFFFED0] =	vst v6;
	v7 =	vld [tilespmem:s3+$0x0]  }
0x2d6: {  	[tilespmem:s31+$0x20] =	vst v8;
	v6 =	vld [tilespmem:s13+$0x0]  }
0x2d7: {  	v8 =	vld [tilespmem:s18+$0x10];
	[tilespmem:s19+$0x180] =	vst v4  }
0x2d8: {  	v4 =	vld [tilespmem:s17+$0x10];
	[tilespmem:s31+$0xFFFFFE20] =	vst v5  }
0x2d9: {  	v5 =	vld [tilespmem:s7+$0x10];
	[tilespmem:s19+$0xFFFFFF80] =	vst v3  }
0x2da: {  	v3 =	vld [tilespmem:s9+$0x10];
	[tilespmem:s22+$0xE0] =	vst v7  }
0x2db: {  	[tilespmem:s22+$0xFFFFFEE0] =	vst v6  }
0x2dc: {  	(v2sf) =	vpush v1, $0x3;
	[tilespmem:s31+$0x30] =	vst v8  }
0x2dd: {  	(v2sf) =	vpush v2, $0xE;
	s11 =	spop (v2sf);
	[tilespmem:s19+$0x190] =	vst v4  }
0x2de: {  	s7 =	spop (v2sf);
	v7 =	vld [tilespmem:s3+$0x10];
	[tilespmem:s31+$0xFFFFFE30] =	vst v5  }
0x2df: {  	v6 =	vld [tilespmem:s13+$0x10];
	s13 =	spop (v2sf);
	[tilespmem:s19+$0xFFFFFF90] =	vst v3  }
0x2e0: {  	v8 =	vld [tilespmem:s13+$0x0];
	s17 =	spop (v2sf);
	s18 =	sld [smem:$0x7F5]  }
0x2e1: {  	v4 =	vld [tilespmem:s17+$0x0]  }
0x2e2: {  	v5 =	vld [tilespmem:s2+$0x0]  }
0x2e3: {  	s20 =	spop (v2sf);
	[tilespmem:s22+$0xF0] =	vst v7;
	v3 =	vld [tilespmem:s18+$0x0]  }
0x2e4: {  	[tilespmem:s22+$0xFFFFFEF0] =	vst v6;
	v7 =	vld [tilespmem:s20+$0x0]  }
0x2e5: {  	[tilespmem:s31+$0x40] =	vst v8;
	v6 =	vld [tilespmem:s16+$0x0]  }
0x2e6: {  	v8 =	vld [tilespmem:s13+$0x10];
	[tilespmem:s19+$0x1A0] =	vst v4  }
0x2e7: {  	v63 =	vld [tilespmem:s17+$0x10];
	[tilespmem:s31+$0xFFFFFE40] =	vst v5  }
0x2e8: {  	v10 =	vld [tilespmem:s2+$0x10];
	[tilespmem:s19+$0xFFFFFFA0] =	vst v3  }
0x2e9: {  	[tilespmem:s22+$0x100] =	vst v7;
	v11 =	vld [tilespmem:s18+$0x10]  }
0x2ea: {  	(v2sf) =	vpush v0, $0x9;
	[tilespmem:s22+$0xFFFFFF00] =	vst v6;
	v4 =	vld [tilespmem:s20+$0x10]  }
0x2eb: {  	s17 =	spop (v2sf);
	[tilespmem:s31+$0x50] =	vst v8;
	v3 =	vld [tilespmem:s16+$0x10]  }
0x2ec: {  	(v2sf) =	vpush v1, $0x4;
	s13 =	spop (v2sf);
	v5 =	vld [tilespmem:s17+$0x0];
	[tilespmem:s19+$0x1B0] =	vst v63  }
0x2ed: {  	(v2sf) =	vpush v2, $0xF;
	[tilespmem:s31+$0xFFFFFE50] =	vst v10;
	v2 =	vld [tilespmem:s13+$0x0]  }
0x2ee: {  	s9 =	simm.s32 $0x6;
	(v2sf) =	vpush v0, $0xA;
	s2 =	simm.s32 $0x8090;
	v6 =	vld [tilespmem:s15+$0x0];
	[tilespmem:s19+$0xFFFFFFB0] =	vst v11  }
.LBB2_4:
0x2ef: {  	_ =	sdelay $0x6  }
0x2f0: {  	v7 =	vld [tilespmem:s2+$0x0];
	[tilespmem:s31+$0x60] =	vst v5  }
0x2f1: {  	v5 =	vld [tilespmem:s17+$0x10];
	[tilespmem:s31+$0xFFFFFE60] =	vst v6  }
0x2f2: {  	v8 =	vld [tilespmem:s2+$0xFFFFFFF0];
	[tilespmem:s22+$0xFFFFFF10] =	vst v3  }
0x2f3: {  	[tilespmem:s22+$0x110] =	vst v4;
	v3 =	vld [tilespmem:s15+$0x10];
	s16 =	spop (v2sf)  }
0x2f4: {  	v4 =	vld [tilespmem:s16+$0x0]  }
0x2f5: {  	[tilespmem:s19+$0x1C0] =	vst v2  }
0x2f6: {  	v6 =	vld [tilespmem:s13+$0x10]  }
0x2f7: {  	(v2sf) =	vpush v1, $0x5;
	s15 =	spop (v2sf);
	[tilespmem:s31+$0x70] =	vst v5;
	v5 =	vld [tilespmem:s29+$0x0]  }
0x2f8: {  	[tilespmem:s31+$0xFFFFFE70] =	vst v3;
	v9 =	vld [tilespmem:s15+$0x0]  }
0x2f9: {  	v3 =	vld [tilespmem:s26+$0x0];
	[tilespmem:s22+$0x120] =	vst v4  }
0x2fa: {  	v4 =	vld [tilespmem:s16+$0x10]  }
0x2fb: {  	v2 =	vshll.u32 v7, $0x5;
	s17 =	spop (v2sf);
	[tilespmem:s19+$0x1D0] =	vst v6;
	v6 =	vshll.u32 v8, $0x5;
	v8 =	vld [tilespmem:s12+$0x0]  }
0x2fc: {  	(v2sf) =	vpush v2, $0x0;
	[tilespmem:s22+$0xFFFFFF20] =	vst v5;
	v7 =	vld [tilespmem:s17+$0x0]  }
0x2fd: {  	(v2sf) =	vpush v6, $0x0;
	[tilespmem:s31+$0x80] =	vst v9  }
0x2fe: {  	v5 =	vld [tilespmem:s29+$0x10];
	[tilespmem:s19+$0xFFFFFFC0] =	vst v3;
	(v2sf) =	vpush v0, $0xB  }
0x2ff: {  	s18 =	spop (v2sf);
	v9 =	vld [tilespmem:s15+$0x10];
	(v2sf) =	vpush v6, $0x1;
	[tilespmem:s22+$0x130] =	vst v4  }
0x300: {  	(v2sf) =	vpush v6, $0x2;
	[tilespmem:s31+$0xFFFFFE80] =	vst v8;
	v4 =	vld [tilespmem:s18+$0x0]  }
0x301: {  	(v2sf) =	vpush v6, $0x3;
	[tilespmem:s19+$0x1E0] =	vst v7;
	v7 =	vld [tilespmem:s26+$0x10]  }
0x302: {  	(v2sf) =	vpush v6, $0x4;
	v3 =	vld [tilespmem:s17+$0x10]  }
0x303: {  	v8 =	vld [tilespmem:s12+$0x10];
	[tilespmem:s22+$0xFFFFFF30] =	vst v5;
	(v2sf) =	vpush v1, $0x6  }
0x304: {  	s20 =	rddreg [dreg:$0xd];
	[tilespmem:s31+$0x90] =	vst v9;
	(v2sf) =	vpush v6, $0x5  }
0x305: {  	v5 =	vld [tilespmem:s20+$0x0];
	(v2sf) =	vpush v6, $0x6;
	[tilespmem:s22+$0x140] =	vst v4  }
0x306: {  	s0 =	smov.u32 s24;
	s24 =	spop (v2sf);
	(v2sf) =	vpush v6, $0x7;
	v4 =	vld [tilespmem:s25+$0x10];
	[tilespmem:s19+$0xFFFFFFD0] =	vst v7  }
0x307: {  	s25 =	rddreg [dreg:$0x5];
	(v2sf) =	vpush v6, $0x8;
	v9 =	vld [tilespmem:s24+$0x0];
	[tilespmem:s19+$0x1F0] =	vst v3  }
0x308: {  	[tilespmem:s31+$0xFFFFFE90] =	vst v8;
	s26 =	smov.u32 s25;
	(v2sf) =	vpush v2, $0x1;
	v3 =	vld [tilespmem:s18+$0x10]  }
0x309: {  	(v2sf) =	vpush v6, $0x9;
	v7 =	vld [tilespmem:s26+$0x0]  }
0x30a: {  	v8 =	vld [tilespmem:s8+$0x0];
	[tilespmem:s22+$0xFFFFFF40] =	vst v5;
	(v2sf) =	vpush v0, $0xC  }
0x30b: {  	s16 =	spop (v2sf);
	v5 =	vld [tilespmem:s20+$0x10];
	(v2sf) =	vpush v6, $0xA;
	[tilespmem:s21+$0xFFFFFFF0] =	vst v4  }
0x30c: {  	s25 =	smov.u32 s19;
	s19 =	smov.u32 s22;
	v4 =	vld [tilespmem:s16+$0x0];
	s17 =	spop (v2sf);
	(v2sf) =	vpush v6, $0xB;
	[tilespmem:s31+$0xA0] =	vst v9  }
0x30d: {  	s15 =	smov.u32 s23;
	(v2sf) =	vpush v6, $0xC;
	s23 =	spop (v2sf);
	v9 =	vld [tilespmem:s24+$0x10];
	[tilespmem:s19+$0x150] =	vst v3  }
0x30e: {  	s20 =	spop (v2sf);
	(v2sf) =	vpush v6, $0xD;
	[tilespmem:s25+$0xFFFFFFE0] =	vst v7;
	v3 =	vld [tilespmem:s23+$0x0]  }
0x30f: {  	[dreg:$0x5] =	wrdreg s15;
	s22 =	smov.u32 s31;
	v7 =	vld [tilespmem:s17+$0x0];
	s13 =	spop (v2sf);
	[tilespmem:s31+$0xFFFFFEA0] =	vst v8;
	(v2sf) =	vpush v1, $0x7  }
0x310: {  	s18 =	rddreg [dreg:$0x9];
	s31 =	sadd.s32 $0x400, s31;
	s15 =	spop (v2sf);
	(v2sf) =	vpush v6, $0xE;
	v8 =	vld [tilespmem:s8+$0x10];
	[tilespmem:s19+$0xFFFFFF50] =	vst v5  }
0x311: {  	[tilespmem:s31+$0x0] =	vst v4;
	s12 =	spop (v2sf);
	(v2sf) =	vpush v6, $0xF;
	v4 =	vld [tilespmem:s18+$0x0]  }
0x312: {  	v5 =	vld [tilespmem:s16+$0x10];
	s24 =	spop (v2sf);
	[tilespmem:s22+$0xB0] =	vst v9  }
0x313: {  	[dreg:$0x19] =	wrdreg s0;
	s8 =	spop (v2sf);
	v6 =	vld [tilespmem:s24+$0x0];
	[tilespmem:s19+$0x160] =	vst v3  }
0x314: {  	s0 =	smov.u32 s1;
	s1 =	smov.u32 s11;
	[tilespmem:s31+$0xFFFFFE00] =	vst v7;
	s11 =	spop (v2sf);
	(v2sf) =	vpush v2, $0x2;
	v3 =	vld [tilespmem:s23+$0x10]  }
0x315: {  	v7 =	vld [tilespmem:s17+$0x10];
	s17 =	spop (v2sf);
	[tilespmem:s22+$0xFFFFFEB0] =	vst v8  }
0x316: {  	s16 =	spop (v2sf);
	v8 =	vld [tilespmem:s6+$0x0];
	[tilespmem:s19+$0xFFFFFF60] =	vst v4;
	(v2sf) =	vpush v0, $0xD  }
0x317: {  	[tilespmem:s31+$0x10] =	vst v5;
	s23 =	spop (v2sf);
	v4 =	vld [tilespmem:s18+$0x10]  }
0x318: {  	s3 =	smov.u32 s14;
	v5 =	vld [tilespmem:s23+$0x0];
	s14 =	spop (v2sf);
	[tilespmem:s22+$0xC0] =	vst v6  }
0x319: {  	s21 =	smov.u32 s10;
	s10 =	rddreg [dreg:$0x15];
	v6 =	vld [tilespmem:s24+$0x10];
	[tilespmem:s19+$0x170] =	vst v3;
	s24 =	spop (v2sf)  }
0x31a: {  	s18 =	smov.u32 s10;
	[tilespmem:s31+$0xFFFFFE10] =	vst v7;
	s10 =	spop (v2sf);
	v3 =	vld [tilespmem:s24+$0x0]  }
0x31b: {  	[dreg:$0xd] =	wrdreg s21;
	v7 =	vld [tilespmem:s20+$0x0];
	[tilespmem:s22+$0xFFFFFEC0] =	vst v8;
	s21 =	spop (v2sf);
	(v2sf) =	vpush v1, $0x8  }
0x31c: {  	v8 =	vld [tilespmem:s6+$0x10];
	[tilespmem:s19+$0xFFFFFF70] =	vst v4;
	[dreg:$0x15] =	wrdreg s21;
	s21 =	spop (v2sf)  }
0x31d: {  	[dreg:$0x9] =	wrdreg s18;
	[tilespmem:s31+$0x20] =	vst v5;
	v4 =	vld [tilespmem:s30+$0x0];
	s18 =	spop (v2sf)  }
0x31e: {  	v5 =	vld [tilespmem:s23+$0x10];
	[tilespmem:s22+$0xD0] =	vst v6;
	s23 =	spop (v2sf)  }
0x31f: {  	s6 =	smov.u32 s11;
	s11 =	spop (v2sf);
	v6 =	vld [tilespmem:s23+$0x0];
	[tilespmem:s19+$0x180] =	vst v3  }
0x320: {  	s29 =	smov.u32 s7;
	[tilespmem:s31+$0xFFFFFE20] =	vst v7;
	s7 =	spop (v2sf);
	(v2sf) =	vpush v2, $0x3;
	v3 =	vld [tilespmem:s24+$0x10]  }
0x321: {  	v7 =	vld [tilespmem:s20+$0x10];
	[tilespmem:s22+$0xFFFFFED0] =	vst v8  }
0x322: {  	v8 =	vld [tilespmem:s5+$0x0];
	[tilespmem:s19+$0xFFFFFF80] =	vst v4;
	(v2sf) =	vpush v0, $0xE  }
0x323: {  	[tilespmem:s31+$0x30] =	vst v5;
	s20 =	spop (v2sf);
	v4 =	vld [tilespmem:s30+$0x10]  }
0x324: {  	v5 =	vld [tilespmem:s20+$0x0];
	[tilespmem:s22+$0xE0] =	vst v6  }
0x325: {  	s30 =	smov.u32 s0;
	s0 =	spop (v2sf);
	v6 =	vld [tilespmem:s23+$0x10];
	[tilespmem:s19+$0x190] =	vst v3  }
0x326: {  	[tilespmem:s31+$0xFFFFFE30] =	vst v7;
	v3 =	vld [tilespmem:s0+$0x0]  }
0x327: {  	v7 =	vld [tilespmem:s13+$0x0];
	[tilespmem:s22+$0xFFFFFEE0] =	vst v8  }
0x328: {  	v8 =	vld [tilespmem:s5+$0x10];
	[tilespmem:s19+$0xFFFFFF90] =	vst v4  }
0x329: {  	[tilespmem:s31+$0x40] =	vst v5;
	v4 =	vld [tilespmem:s28+$0x0]  }
0x32a: {  	v5 =	vld [tilespmem:s20+$0x10];
	[tilespmem:s22+$0xF0] =	vst v6;
	s20 =	spop (v2sf)  }
0x32b: {  	v6 =	vld [tilespmem:s20+$0x0];
	[tilespmem:s19+$0x1A0] =	vst v3  }
0x32c: {  	[tilespmem:s31+$0xFFFFFE40] =	vst v7;
	v3 =	vld [tilespmem:s0+$0x10]  }
0x32d: {  	s9 =	sadd.s32 $0x2, s9;
	v7 =	vld [tilespmem:s13+$0x10];
	[tilespmem:s22+$0xFFFFFEF0] =	vst v8  }
0x32e: {  	p0 =	slt.u32 s9, $0x3E;
	s23 =	smov.u32 s29;
	v8 =	vld [tilespmem:s4+$0x0];
	[tilespmem:s19+$0xFFFFFFA0] =	vst v4  }
0x32f: {  	s29 =	smov.u32 s3;
	s5 =	smov.u32 s17;
	[tilespmem:s31+$0x50] =	vst v5;
	v63 =	vld [tilespmem:s28+$0x10];
	s17 =	spop (v2sf)  }
.Ltmp1:
0x330: {  	(v2sf) =	vpush v1, $0x9;
	s3 =	rddreg [dreg:$0x11];
	s13 =	smov.u32 s18;
	v5 =	vld [tilespmem:s17+$0x0];
	[tilespmem:s22+$0x100] =	vst v6;
	(pc) =	sbr.rel @p0 .LBB2_4-.Ltmp1, $4  }
0x331: {  	(v2sf) =	vpush v2, $0x4;
	[dreg:$0x11] =	wrdreg s13;
	s13 =	spop (v2sf);
	v4 =	vld [tilespmem:s20+$0x10];
	[tilespmem:s19+$0x1B0] =	vst v3  }
0x332: {  	s2 =	sadd.s32 $0x20, s2;
	s24 =	smov.u32 s1;
	(v2sf) =	vpush v0, $0xF;
	v0 =	vmov v1;
	v1 =	vmov v2;
	[tilespmem:s31+$0xFFFFFE50] =	vst v7;
	v2 =	vld [tilespmem:s13+$0x0]  }
0x333: {  	s1 =	smov.u32 s21;
	s21 =	smov.u32 s25;
	s25 =	smov.u32 s26;
	v6 =	vld [tilespmem:s15+$0x0];
	[tilespmem:s22+$0xFFFFFF00] =	vst v8  }
0x334: {  	s26 =	rddreg [dreg:$0x19];
	s28 =	smov.u32 s3;
	(v2sf) =	vpush v0, $0xA;
	v3 =	vld [tilespmem:s4+$0x10];
	[tilespmem:s19+$0xFFFFFFB0] =	vst v63;
	s4 =	smov.u32 s16  }
0x335: {  	_ =	sdelay $0x4  }
0x336: {  	[tilespmem:s31+$0x60] =	vst v5  }
0x337: {  	v5 =	vld [tilespmem:s17+$0x10]  }
0x338: {  	[tilespmem:s31+$0xFFFFFE60] =	vst v6  }
0x339: {  	(v2sf) =	vpush v1, $0x5;
	v6 =	vld [tilespmem:s15+$0x10];
	_ =	sdelay $0x1  }
0x33a: {  	s0 =	spop (v2sf)  }
0x33b: {  	[tilespmem:s31+$0x70] =	vst v5;
	s2 =	spop (v2sf)  }
0x33c: {  	v5 =	vld [tilespmem:s2+$0x0]  }
0x33d: {  	[tilespmem:s31+$0xFFFFFE70] =	vst v6  }
0x33e: {  	v6 =	vld [tilespmem:s12+$0x0];
	_ =	sdelay $0x2  }
0x33f: {  	[tilespmem:s31+$0x80] =	vst v5  }
0x340: {  	v5 =	vld [tilespmem:s2+$0x10]  }
0x341: {  	(v2sf) =	vpush v0, $0xB;
	[tilespmem:s31+$0xFFFFFE80] =	vst v6  }
0x342: {  	(v2sf) =	vpush v1, $0x6;
	v6 =	vld [tilespmem:s12+$0x10]  }
0x343: {  	s2 =	spop (v2sf)  }
0x344: {  	s12 =	spop (v2sf)  }
0x345: {  	s9 =	spop (v2sf);
	[tilespmem:s31+$0x90] =	vst v5  }
0x346: {  	v5 =	vld [tilespmem:s9+$0x0]  }
0x347: {  	[tilespmem:s31+$0xFFFFFE90] =	vst v6  }
0x348: {  	v6 =	vld [tilespmem:s8+$0x0];
	_ =	sdelay $0x2  }
0x349: {  	[tilespmem:s31+$0xA0] =	vst v5  }
0x34a: {  	v5 =	vld [tilespmem:s9+$0x10]  }
0x34b: {  	(v2sf) =	vpush v0, $0xC;
	[tilespmem:s31+$0xFFFFFEA0] =	vst v6  }
0x34c: {  	(v2sf) =	vpush v1, $0x7;
	v6 =	vld [tilespmem:s8+$0x10];
	_ =	sdelay $0x1  }
0x34d: {  	s9 =	spop (v2sf)  }
0x34e: {  	s3 =	spop (v2sf);
	[tilespmem:s31+$0xB0] =	vst v5  }
0x34f: {  	v5 =	vld [tilespmem:s3+$0x0]  }
0x350: {  	[tilespmem:s31+$0xFFFFFEB0] =	vst v6  }
0x351: {  	v6 =	vld [tilespmem:s6+$0x0];
	_ =	sdelay $0x2  }
0x352: {  	[tilespmem:s31+$0xC0] =	vst v5  }
0x353: {  	v5 =	vld [tilespmem:s3+$0x10]  }
0x354: {  	(v2sf) =	vpush v0, $0xD;
	[tilespmem:s31+$0xFFFFFEC0] =	vst v6  }
0x355: {  	(v2sf) =	vpush v1, $0x8;
	v6 =	vld [tilespmem:s6+$0x10];
	_ =	sdelay $0x1  }
0x356: {  	s8 =	spop (v2sf)  }
0x357: {  	s16 =	spop (v2sf);
	[tilespmem:s31+$0xD0] =	vst v5  }
0x358: {  	v5 =	vld [tilespmem:s16+$0x0]  }
0x359: {  	[tilespmem:s31+$0xFFFFFED0] =	vst v6  }
0x35a: {  	v6 =	vld [tilespmem:s5+$0x0];
	_ =	sdelay $0x2  }
0x35b: {  	[tilespmem:s31+$0xE0] =	vst v5  }
0x35c: {  	v5 =	vld [tilespmem:s16+$0x10]  }
0x35d: {  	(v2sf) =	vpush v0, $0xE;
	[tilespmem:s31+$0xFFFFFEE0] =	vst v6  }
0x35e: {  	(v2sf) =	vpush v1, $0x9;
	v6 =	vld [tilespmem:s5+$0x10];
	_ =	sdelay $0x1  }
0x35f: {  	s6 =	spop (v2sf)  }
0x360: {  	s17 =	spop (v2sf);
	[tilespmem:s31+$0xF0] =	vst v5  }
0x361: {  	v5 =	vld [tilespmem:s17+$0x0]  }
0x362: {  	[tilespmem:s31+$0xFFFFFEF0] =	vst v6  }
0x363: {  	v6 =	vld [tilespmem:s4+$0x0];
	_ =	sdelay $0x2  }
0x364: {  	[tilespmem:s31+$0x100] =	vst v5  }
0x365: {  	v5 =	vld [tilespmem:s17+$0x10]  }
0x366: {  	(v2sf) =	vpush v0, $0xF;
	[tilespmem:s31+$0xFFFFFF00] =	vst v6  }
0x367: {  	(v2sf) =	vpush v1, $0xA;
	v0 =	vld [tilespmem:s4+$0x10]  }
0x368: {  	[tilespmem:s22+$0x110] =	vst v4  }
0x369: {  	[tilespmem:s22+$0xFFFFFF10] =	vst v3;
	v4 =	vld [tilespmem:s0+$0x0];
	s5 =	spop (v2sf)  }
0x36a: {  	s18 =	spop (v2sf);
	[tilespmem:s31+$0x110] =	vst v5;
	v5 =	vld [tilespmem:s29+$0x0]  }
0x36b: {  	v3 =	vld [tilespmem:s18+$0x0]  }
0x36c: {  	[tilespmem:s31+$0xFFFFFF10] =	vst v0  }
0x36d: {  	v0 =	vld [tilespmem:s14+$0x0]  }
0x36e: {  	[tilespmem:s22+$0x120] =	vst v4  }
0x36f: {  	v4 =	vld [tilespmem:s0+$0x10];
	[tilespmem:s22+$0xFFFFFF20] =	vst v5  }
0x370: {  	[tilespmem:s31+$0x120] =	vst v3;
	v5 =	vld [tilespmem:s29+$0x10]  }
0x371: {  	v3 =	vld [tilespmem:s18+$0x10]  }
0x372: {  	[tilespmem:s31+$0xFFFFFF20] =	vst v0  }
0x373: {  	v0 =	vld [tilespmem:s14+$0x10]  }
0x374: {  	(v2sf) =	vpush v1, $0xB;
	[tilespmem:s22+$0x130] =	vst v4  }
0x375: {  	s4 =	spop (v2sf);
	[tilespmem:s22+$0xFFFFFF30] =	vst v5  }
0x376: {  	v4 =	vld [tilespmem:s12+$0x0];
	s20 =	spop (v2sf);
	[tilespmem:s31+$0x130] =	vst v3  }
0x377: {  	v3 =	vld [tilespmem:s20+$0x0];
	s0 =	rddreg [dreg:$0xd]  }
0x378: {  	[tilespmem:s31+$0xFFFFFF30] =	vst v0;
	v5 =	vld [tilespmem:s0+$0x0]  }
0x379: {  	v0 =	vld [tilespmem:s10+$0x0];
	_ =	sdelay $0x1  }
0x37a: {  	[tilespmem:s22+$0x140] =	vst v4  }
0x37b: {  	v4 =	vld [tilespmem:s12+$0x10];
	[tilespmem:s31+$0x140] =	vst v3  }
0x37c: {  	v3 =	vld [tilespmem:s20+$0x10];
	[tilespmem:s22+$0xFFFFFF40] =	vst v5  }
0x37d: {  	[tilespmem:s31+$0xFFFFFF40] =	vst v0;
	v5 =	vld [tilespmem:s0+$0x10]  }
0x37e: {  	v0 =	vld [tilespmem:s10+$0x10]  }
0x37f: {  	(v2sf) =	vpush v1, $0xC  }
0x380: {  	[tilespmem:s22+$0x150] =	vst v4  }
0x381: {  	[tilespmem:s31+$0x150] =	vst v3  }
0x382: {  	v4 =	vld [tilespmem:s9+$0x0];
	s0 =	spop (v2sf);
	[tilespmem:s22+$0xFFFFFF50] =	vst v5  }
0x383: {  	v3 =	vld [tilespmem:s0+$0x0];
	s12 =	rddreg [dreg:$0x9];
	[tilespmem:s31+$0xFFFFFF50] =	vst v0  }
0x384: {  	v5 =	vld [tilespmem:s12+$0x0];
	s3 =	rddreg [dreg:$0x15]  }
0x385: {  	v0 =	vld [tilespmem:s3+$0x0];
	_ =	sdelay $0x1  }
0x386: {  	[tilespmem:s22+$0x160] =	vst v4  }
0x387: {  	v4 =	vld [tilespmem:s9+$0x10];
	[tilespmem:s31+$0x160] =	vst v3  }
0x388: {  	v3 =	vld [tilespmem:s0+$0x10];
	[tilespmem:s22+$0xFFFFFF60] =	vst v5  }
0x389: {  	v5 =	vld [tilespmem:s12+$0x10];
	[tilespmem:s31+$0xFFFFFF60] =	vst v0  }
0x38a: {  	v0 =	vld [tilespmem:s3+$0x10]  }
0x38b: {  	(v2sf) =	vpush v1, $0xD  }
0x38c: {  	[tilespmem:s22+$0x170] =	vst v4  }
0x38d: {  	s14 =	spop (v2sf);
	v4 =	vld [tilespmem:s8+$0x0];
	[tilespmem:s31+$0x170] =	vst v3  }
0x38e: {  	v3 =	vld [tilespmem:s14+$0x0];
	[tilespmem:s22+$0xFFFFFF70] =	vst v5  }
0x38f: {  	v5 =	vld [tilespmem:s30+$0x0];
	[tilespmem:s31+$0xFFFFFF70] =	vst v0  }
0x390: {  	v0 =	vld [tilespmem:s1+$0x0];
	_ =	sdelay $0x1  }
0x391: {  	[tilespmem:s22+$0x180] =	vst v4  }
0x392: {  	v4 =	vld [tilespmem:s8+$0x10];
	[tilespmem:s31+$0x180] =	vst v3  }
0x393: {  	v3 =	vld [tilespmem:s14+$0x10];
	[tilespmem:s22+$0xFFFFFF80] =	vst v5  }
0x394: {  	v5 =	vld [tilespmem:s30+$0x10];
	[tilespmem:s31+$0xFFFFFF80] =	vst v0  }
0x395: {  	v0 =	vld [tilespmem:s1+$0x10]  }
0x396: {  	(v2sf) =	vpush v1, $0xE  }
0x397: {  	[tilespmem:s22+$0x190] =	vst v4  }
0x398: {  	v4 =	vld [tilespmem:s6+$0x0];
	[tilespmem:s31+$0x190] =	vst v3  }
0x399: {  	s15 =	spop (v2sf);
	[tilespmem:s22+$0xFFFFFF90] =	vst v5  }
0x39a: {  	v3 =	vld [tilespmem:s15+$0x0];
	[tilespmem:s31+$0xFFFFFF90] =	vst v0  }
0x39b: {  	v5 =	vld [tilespmem:s28+$0x0];
	s16 =	rddreg [dreg:$0x11]  }
0x39c: {  	v0 =	vld [tilespmem:s16+$0x0]  }
0x39d: {  	[tilespmem:s22+$0x1A0] =	vst v4  }
0x39e: {  	[tilespmem:s19+$0x1C0] =	vst v2;
	v4 =	vld [tilespmem:s6+$0x10]  }
0x39f: {  	(v2sf) =	vpush v1, $0xF;
	v1 =	vld [tilespmem:s13+$0x10];
	[tilespmem:s31+$0x1A0] =	vst v3  }
0x3a0: {  	v3 =	vld [tilespmem:s15+$0x10];
	[tilespmem:s22+$0xFFFFFFA0] =	vst v5  }
0x3a1: {  	v5 =	vld [tilespmem:s28+$0x10];
	[tilespmem:s31+$0xFFFFFFA0] =	vst v0  }
0x3a2: {  	v0 =	vld [tilespmem:s16+$0x10]  }
0x3a3: {  	[tilespmem:s22+$0x1B0] =	vst v4;
	v4 =	vld [tilespmem:s26+$0x0]  }
0x3a4: {  	[tilespmem:s19+$0x1D0] =	vst v1;
	v2 =	vld [tilespmem:s5+$0x0]  }
0x3a5: {  	s17 =	spop (v2sf);
	v1 =	vld [tilespmem:s2+$0x0];
	[tilespmem:s31+$0x1B0] =	vst v3  }
0x3a6: {  	v3 =	vld [tilespmem:s17+$0x0];
	[tilespmem:s22+$0xFFFFFFB0] =	vst v5  }
0x3a7: {  	v5 =	vld [tilespmem:s24+$0x0];
	[tilespmem:s31+$0xFFFFFFB0] =	vst v0  }
0x3a8: {  	[tilespmem:s19+$0xFFFFFFC0] =	vst v4;
	v0 =	vld [tilespmem:s11+$0x0]  }
0x3a9: {  	[tilespmem:s22+$0x1C0] =	vst v2;
	v4 =	vld [tilespmem:s26+$0x10]  }
0x3aa: {  	[tilespmem:s19+$0x1E0] =	vst v1;
	v2 =	vld [tilespmem:s5+$0x10]  }
0x3ab: {  	[tilespmem:s31+$0x1C0] =	vst v3  }
0x3ac: {  	v3 =	vld [tilespmem:s17+$0x10];
	[tilespmem:s22+$0xFFFFFFC0] =	vst v5  }
0x3ad: {  	v5 =	vld [tilespmem:s24+$0x10];
	[tilespmem:s31+$0xFFFFFFC0] =	vst v0  }
0x3ae: {  	[tilespmem:s19+$0xFFFFFFD0] =	vst v4;
	v0 =	vld [tilespmem:s11+$0x10]  }
0x3af: {  	v1 =	vld [tilespmem:s2+$0x10];
	[tilespmem:s22+$0x1D0] =	vst v2  }
0x3b0: {  	v2 =	vld [tilespmem:s4+$0x0];
	s18 =	rddreg [dreg:$0x5]  }
0x3b1: {  	s20 =	spop (v2sf);
	v4 =	vld [tilespmem:s18+$0x0];
	[tilespmem:s31+$0x1D0] =	vst v3  }
0x3b2: {  	v3 =	vld [tilespmem:s20+$0x0];
	[tilespmem:s22+$0xFFFFFFD0] =	vst v5  }
0x3b3: {  	v5 =	vld [tilespmem:s23+$0x0];
	[tilespmem:s31+$0xFFFFFFD0] =	vst v0  }
0x3b4: {  	[tilespmem:s19+$0x1F0] =	vst v1;
	v0 =	vld [tilespmem:s7+$0x0]  }
0x3b5: {  	v1 =	vld [tilespmem:s25+$0x10];
	[tilespmem:s22+$0x1E0] =	vst v2  }
0x3b6: {  	[tilespmem:s19+$0xFFFFFFE0] =	vst v4;
	v2 =	vld [tilespmem:s4+$0x10]  }
0x3b7: {  	v4 =	vld [tilespmem:s18+$0x10];
	[tilespmem:s31+$0x1E0] =	vst v3  }
0x3b8: {  	v3 =	vld [tilespmem:s20+$0x10];
	[tilespmem:s22+$0xFFFFFFE0] =	vst v5  }
0x3b9: {  	v5 =	vld [tilespmem:s23+$0x10];
	[tilespmem:s31+$0xFFFFFFE0] =	vst v0  }
0x3ba: {  	[tilespmem:s21+$0xFFFFFFF0] =	vst v1;
	v0 =	vld [tilespmem:s7+$0x10]  }
0x3bb: {  	[tilespmem:s22+$0x1F0] =	vst v2  }
0x3bc: {  	[tilespmem:s19+$0xFFFFFFF0] =	vst v4  }
0x3bd: {  	[tilespmem:s31+$0x1F0] =	vst v3  }
0x3be: {  	[tilespmem:s22+$0xFFFFFFF0] =	vst v5  }
0x3bf: {  	[tilespmem:s31+$0xFFFFFFF0] =	vst v0  }
0x3c0: {  	s24 =	sld [smem:$0x7F8];
	_ =	sdelay $0x1  }
0x3c1: {  	s26 =	simm.s32 $0x1;
	s25 =	simm.s32 $0x8400;
	s23 =	simm.s32 $0x0  }
0x3c2: {  	[hbm4b:s24+s23] =	stream.linear.scatter [tilespmem:s25], [sflag:$0x1], $0x8000, $0x38;
	[tilespmem:$0x10400] =	vst v63  }
0x3c3: {  	_ =	swait.ge [sflag:s26], $0x8000  }
0x3c4: {  	s4 =	sld [smem:$0x7F9]  }
0x3c5: {  	[sflag:s26] =	ssyncset.done $0x0  }
0x3c6: {  	s5 =	simm.s32 $0x8000;
	[sflag:s26] =	ssyncadd.s32 $0xFFFF8000  }
0x3c7: {  	[tilespmem:s5], [sflag:$0x1] =	stream.linear.gather [hbm4b:s4+s23], $0x400, $0x38;
	[tilespmem:$0x10400] =	vst v63  }
0x3c8: {  	_ =	swait.ge [sflag:s26], $0x400  }
0x3c9: {  	[sflag:s26] =	ssyncset.done $0x0  }
0x3ca: {  	s6 =	simm.s32 $0x8010;
	[sflag:s26] =	ssyncadd.s32 $0xFFFFFC00  }
0x3cb: {  	v0 =	vld [tilespmem:s6+$0x0];
	_ =	sdelay $0x2  }
0x3cc: {  	v2 =	vld [tilespmem:s6+$0xFFFFFFF0];
	_ =	sdelay $0x1  }
0x3cd: {  	v1 =	vshll.u32 v0, $0x5  }
0x3ce: {  	(v2sf) =	vpush v1, $0x0;
	_ =	sdelay $0x1  }
0x3cf: {  	v0 =	vshll.u32 v2, $0x5  }
0x3d0: {  	(v2sf) =	vpush v0, $0x0  }
0x3d1: {  	(v2sf) =	vpush v0, $0x1  }
0x3d2: {  	(v2sf) =	vpush v0, $0x2  }
0x3d3: {  	(v2sf) =	vpush v0, $0x3  }
0x3d4: {  	(v2sf) =	vpush v0, $0x4  }
0x3d5: {  	(v2sf) =	vpush v0, $0x5  }
0x3d6: {  	(v2sf) =	vpush v0, $0x6  }
0x3d7: {  	(v2sf) =	vpush v0, $0x7  }
0x3d8: {  	(v2sf) =	vpush v0, $0x8  }
0x3d9: {  	(v2sf) =	vpush v1, $0x1;
	_ =	sdelay $0x2  }
0x3da: {  	s7 =	spop (v2sf)  }
0x3db: {  	v2 =	vld [tilespmem:s7+$0x0]  }
0x3dc: {  	(v2sf) =	vpush v0, $0x9  }
0x3dd: {  	(v2sf) =	vpush v0, $0xA;
	s8 =	spop (v2sf)  }
0x3de: {  	(v2sf) =	vpush v0, $0xB;
	s9 =	spop (v2sf)  }
0x3df: {  	s21 =	simm.s32 $0x8600;
	(v2sf) =	vpush v0, $0xC;
	s10 =	spop (v2sf)  }
0x3e0: {  	(v2sf) =	vpush v0, $0xD;
	s12 =	spop (v2sf);
	[tilespmem:s21+$0x0] =	vst v2  }
0x3e1: {  	(v2sf) =	vpush v0, $0xE;
	s15 =	spop (v2sf);
	v2 =	vld [tilespmem:s7+$0x10]  }
0x3e2: {  	(v2sf) =	vpush v0, $0xF;
	s0 =	spop (v2sf)  }
0x3e3: {  	(v2sf) =	vpush v1, $0x2;
	s22 =	spop (v2sf)  }
0x3e4: {  	v3 =	vld [tilespmem:s8+$0x0];
	s14 =	spop (v2sf)  }
0x3e5: {  	s13 =	spop (v2sf)  }
0x3e6: {  	s16 =	spop (v2sf);
	[tilespmem:s21+$0x10] =	vst v2  }
0x3e7: {  	v2 =	vld [tilespmem:s16+$0x0];
	_ =	sdelay $0x1  }
0x3e8: {  	[tilespmem:s21+$0xFFFFFE00] =	vst v3  }
0x3e9: {  	v0 =	vld [tilespmem:s8+$0x10]  }
0x3ea: {  	s11 =	spop (v2sf)  }
0x3eb: {  	s24 =	spop (v2sf);
	[tilespmem:s21+$0x20] =	vst v2  }
0x3ec: {  	s2 =	spop (v2sf);
	v2 =	vld [tilespmem:s16+$0x10]  }
0x3ed: {  	s4 =	spop (v2sf)  }
0x3ee: {  	[tilespmem:s21+$0xFFFFFE10] =	vst v0;
	(v2sf) =	vpush v1, $0x3;
	s3 =	spop (v2sf)  }
0x3ef: {  	v0 =	vld [tilespmem:s9+$0x0];
	s7 =	spop (v2sf)  }
0x3f0: {  	s25 =	spop (v2sf)  }
0x3f1: {  	s17 =	spop (v2sf);
	[tilespmem:s21+$0x30] =	vst v2  }
0x3f2: {  	v2 =	vld [tilespmem:s17+$0x0];
	_ =	sdelay $0x1  }
0x3f3: {  	[tilespmem:s21+$0xFFFFFE20] =	vst v0  }
0x3f4: {  	v0 =	vld [tilespmem:s9+$0x10];
	_ =	sdelay $0x1  }
0x3f5: {  	[tilespmem:s21+$0x40] =	vst v2  }
0x3f6: {  	v2 =	vld [tilespmem:s17+$0x10];
	_ =	sdelay $0x1  }
0x3f7: {  	(v2sf) =	vpush v1, $0x4;
	[tilespmem:s21+$0xFFFFFE30] =	vst v0  }
0x3f8: {  	v0 =	vld [tilespmem:s10+$0x0];
	_ =	sdelay $0x1  }
0x3f9: {  	s18 =	spop (v2sf);
	[tilespmem:s21+$0x50] =	vst v2  }
0x3fa: {  	v2 =	vld [tilespmem:s18+$0x0];
	_ =	sdelay $0x1  }
0x3fb: {  	[tilespmem:s21+$0xFFFFFE40] =	vst v0  }
0x3fc: {  	v0 =	vld [tilespmem:s10+$0x10]  }
0x3fd: {  	s19 =	simm.s32 $0x8030  }
0x3fe: {  	v3 =	vld [tilespmem:s19+$0x0];
	[tilespmem:s21+$0x60] =	vst v2  }
0x3ff: {  	v4 =	vld [tilespmem:s18+$0x10]  }
0x400: {  	v5 =	vld [tilespmem:s19+$0xFFFFFFF0]  }
0x401: {  	(v2sf) =	vpush v1, $0x5;
	[tilespmem:s21+$0xFFFFFE50] =	vst v0  }
0x402: {  	v0 =	vld [tilespmem:s12+$0x0];
	_ =	sdelay $0x1  }
0x403: {  	v2 =	vshll.u32 v3, $0x5;
	s20 =	spop (v2sf);
	[tilespmem:s21+$0x70] =	vst v4  }
0x404: {  	(v2sf) =	vpush v2, $0x0;
	v3 =	vshll.u32 v5, $0x5;
	v4 =	vld [tilespmem:s20+$0x0]  }
0x405: {  	(v2sf) =	vpush v3, $0x0  }
0x406: {  	[tilespmem:s21+$0xFFFFFE60] =	vst v0  }
0x407: {  	(v2sf) =	vpush v3, $0x1;
	v0 =	vld [tilespmem:s12+$0x10]  }
0x408: {  	(v2sf) =	vpush v3, $0x2  }
0x409: {  	(v2sf) =	vpush v3, $0x3;
	[tilespmem:s21+$0x80] =	vst v4  }
0x40a: {  	(v2sf) =	vpush v3, $0x4;
	v4 =	vld [tilespmem:s20+$0x10]  }
0x40b: {  	(v2sf) =	vpush v1, $0x6  }
0x40c: {  	(v2sf) =	vpush v3, $0x5;
	[tilespmem:s21+$0xFFFFFE70] =	vst v0  }
0x40d: {  	(v2sf) =	vpush v3, $0x6;
	v0 =	vld [tilespmem:s15+$0x0]  }
0x40e: {  	(v2sf) =	vpush v3, $0x7  }
0x40f: {  	(v2sf) =	vpush v3, $0x8;
	s23 =	spop (v2sf);
	[tilespmem:s21+$0x90] =	vst v4  }
0x410: {  	(v2sf) =	vpush v2, $0x1;
	v4 =	vld [tilespmem:s23+$0x0];
	_ =	sdelay $0x1  }
0x411: {  	(v2sf) =	vpush v3, $0x9;
	[tilespmem:s21+$0xFFFFFE80] =	vst v0  }
0x412: {  	s6 =	spop (v2sf);
	(v2sf) =	vpush v3, $0xA;
	v0 =	vld [tilespmem:s15+$0x10]  }
0x413: {  	v5 =	vld [tilespmem:s6+$0x0];
	(v2sf) =	vpush v3, $0xB;
	s26 =	spop (v2sf)  }
0x414: {  	(v2sf) =	vpush v3, $0xC;
	[tilespmem:s21+$0xA0] =	vst v4;
	v4 =	vld [tilespmem:s26+$0x0]  }
0x415: {  	(v2sf) =	vpush v3, $0xD;
	s18 =	spop (v2sf);
	v6 =	vld [tilespmem:s23+$0x10]  }
0x416: {  	s17 =	spop (v2sf)  }
0x417: {  	s19 =	simm.s32 $0x8A00;
	s8 =	spop (v2sf);
	[tilespmem:s21+$0xFFFFFE90] =	vst v0  }
0x418: {  	[tilespmem:s19+$0x0] =	vst v5;
	(v2sf) =	vpush v1, $0x7;
	s23 =	spop (v2sf);
	v0 =	vld [tilespmem:s0+$0x0]  }
0x419: {  	v5 =	vld [tilespmem:s6+$0x10];
	(v2sf) =	vpush v3, $0xE;
	s5 =	spop (v2sf);
	[tilespmem:s19+$0xFFFFFE00] =	vst v4  }
0x41a: {  	(v2sf) =	vpush v3, $0xF;
	s16 =	spop (v2sf);
	[tilespmem:s21+$0xB0] =	vst v6;
	v3 =	vld [tilespmem:s26+$0x10]  }
0x41b: {  	s15 =	spop (v2sf);
	v4 =	vld [tilespmem:s5+$0x0]  }
0x41c: {  	(v2sf) =	vpush v2, $0x2;
	s12 =	spop (v2sf)  }
0x41d: {  	s10 =	spop (v2sf);
	[tilespmem:s21+$0xFFFFFEA0] =	vst v0  }
0x41e: {  	[tilespmem:s19+$0x10] =	vst v5;
	s20 =	spop (v2sf);
	v0 =	vld [tilespmem:s0+$0x10]  }
0x41f: {  	v5 =	vld [tilespmem:s20+$0x0];
	[tilespmem:s19+$0xFFFFFE10] =	vst v3  }
0x420: {  	s6 =	spop (v2sf);
	[tilespmem:s21+$0xC0] =	vst v4;
	v3 =	vld [tilespmem:s18+$0x0]  }
0x421: {  	v4 =	vld [tilespmem:s5+$0x10];
	s5 =	spop (v2sf)  }
0x422: {  	s1 =	spop (v2sf)  }
0x423: {  	[tilespmem:s21+$0xFFFFFEB0] =	vst v0;
	s9 =	spop (v2sf)  }
0x424: {  	[tilespmem:s19+$0x20] =	vst v5;
	s26 =	spop (v2sf)  }
0x425: {  	v5 =	vld [tilespmem:s20+$0x10];
	[smem:$0x7F4] =	sst s26  }
0x426: {  	(v2sf) =	vpush v1, $0x8;
	[tilespmem:s19+$0xFFFFFE20] =	vst v3  }
0x427: {  	s0 =	spop (v2sf);
	v3 =	vld [tilespmem:s18+$0x10]  }
0x428: {  	(v2sf) =	vpush v2, $0x3;
	s26 =	spop (v2sf)  }
0x429: {  	v0 =	vld [tilespmem:s22+$0x0];
	[tilespmem:s21+$0xD0] =	vst v4;
	s20 =	spop (v2sf)  }
0x42a: {  	v4 =	vld [tilespmem:s0+$0x0];
	[dreg:$0x6] =	wrdreg s20  }
0x42b: {  	s20 =	spop (v2sf);
	[tilespmem:s19+$0x30] =	vst v5  }
0x42c: {  	v5 =	vld [tilespmem:s20+$0x0];
	[tilespmem:s19+$0xFFFFFE30] =	vst v3  }
0x42d: {  	v3 =	vld [tilespmem:s17+$0x0]  }
0x42e: {  	[tilespmem:s21+$0xFFFFFEC0] =	vst v0  }
0x42f: {  	v0 =	vld [tilespmem:s22+$0x10];
	[tilespmem:s21+$0xE0] =	vst v4  }
0x430: {  	v4 =	vld [tilespmem:s0+$0x10]  }
0x431: {  	[tilespmem:s19+$0x40] =	vst v5  }
0x432: {  	(v2sf) =	vpush v1, $0x9;
	v5 =	vld [tilespmem:s20+$0x10];
	[tilespmem:s19+$0xFFFFFE40] =	vst v3  }
0x433: {  	v3 =	vld [tilespmem:s17+$0x10]  }
0x434: {  	(v2sf) =	vpush v2, $0x4;
	[tilespmem:s21+$0xFFFFFED0] =	vst v0  }
0x435: {  	s18 =	spop (v2sf);
	v0 =	vld [tilespmem:s14+$0x0];
	[tilespmem:s21+$0xF0] =	vst v4  }
0x436: {  	v4 =	vld [tilespmem:s18+$0x0]  }
0x437: {  	s20 =	spop (v2sf);
	[tilespmem:s19+$0x50] =	vst v5  }
0x438: {  	v5 =	vld [tilespmem:s20+$0x0];
	[tilespmem:s19+$0xFFFFFE50] =	vst v3  }
0x439: {  	s22 =	simm.s32 $0x8050;
	v3 =	vld [tilespmem:s8+$0x0]  }
0x43a: {  	v6 =	vld [tilespmem:s22+$0x0];
	[tilespmem:s21+$0xFFFFFEE0] =	vst v0  }
0x43b: {  	v0 =	vld [tilespmem:s14+$0x10];
	[tilespmem:s21+$0x100] =	vst v4  }
0x43c: {  	v4 =	vld [tilespmem:s18+$0x10]  }
0x43d: {  	v7 =	vld [tilespmem:s22+$0xFFFFFFF0];
	[tilespmem:s19+$0x60] =	vst v5  }
0x43e: {  	(v2sf) =	vpush v1, $0xA;
	v5 =	vld [tilespmem:s20+$0x10];
	[tilespmem:s19+$0xFFFFFE60] =	vst v3  }
0x43f: {  	v3 =	vld [tilespmem:s8+$0x10]  }
0x440: {  	(v2sf) =	vpush v2, $0x5;
	[tilespmem:s21+$0xFFFFFEF0] =	vst v0  }
0x441: {  	v0 =	vshll.u32 v6, $0x5;
	v8 =	vld [tilespmem:s13+$0x0];
	[tilespmem:s21+$0x110] =	vst v4;
	s8 =	spop (v2sf)  }
0x442: {  	(v2sf) =	vpush v0, $0x0;
	v4 =	vld [tilespmem:s8+$0x0]  }
0x443: {  	s14 =	spop (v2sf);
	[tilespmem:s19+$0x70] =	vst v5;
	v5 =	vshll.u32 v7, $0x5  }
0x444: {  	v6 =	vld [tilespmem:s14+$0x0];
	(v2sf) =	vpush v5, $0x0;
	[tilespmem:s19+$0xFFFFFE70] =	vst v3  }
0x445: {  	(v2sf) =	vpush v1, $0xB;
	v3 =	vld [tilespmem:s23+$0x0]  }
0x446: {  	[tilespmem:s21+$0xFFFFFF00] =	vst v8;
	(v2sf) =	vpush v5, $0x1  }
0x447: {  	v7 =	vld [tilespmem:s13+$0x10];
	(v2sf) =	vpush v5, $0x2;
	[tilespmem:s21+$0x120] =	vst v4  }
0x448: {  	(v2sf) =	vpush v5, $0x3;
	v4 =	vld [tilespmem:s8+$0x10]  }
0x449: {  	[tilespmem:s19+$0x80] =	vst v6;
	(v2sf) =	vpush v5, $0x4  }
0x44a: {  	v6 =	vld [tilespmem:s14+$0x10];
	(v2sf) =	vpush v2, $0x6;
	[tilespmem:s19+$0xFFFFFE80] =	vst v3  }
0x44b: {  	(v2sf) =	vpush v5, $0x5;
	v3 =	vld [tilespmem:s23+$0x10]  }
0x44c: {  	[tilespmem:s21+$0xFFFFFF10] =	vst v7;
	(v2sf) =	vpush v5, $0x6  }
0x44d: {  	s17 =	spop (v2sf);
	v7 =	vld [tilespmem:s11+$0x0];
	(v2sf) =	vpush v5, $0x7;
	[tilespmem:s21+$0x130] =	vst v4  }
0x44e: {  	(v2sf) =	vpush v5, $0x8;
	v4 =	vld [tilespmem:s17+$0x0]  }
0x44f: {  	s22 =	spop (v2sf);
	[tilespmem:s19+$0x90] =	vst v6;
	(v2sf) =	vpush v0, $0x1  }
0x450: {  	v6 =	vld [tilespmem:s22+$0x0];
	[tilespmem:s19+$0xFFFFFE90] =	vst v3  }
0x451: {  	s23 =	spop (v2sf);
	(v2sf) =	vpush v5, $0x9;
	v3 =	vld [tilespmem:s16+$0x0]  }
0x452: {  	[tilespmem:s21+$0xFFFFFF20] =	vst v7;
	(v2sf) =	vpush v1, $0xC;
	v7 =	vld [tilespmem:s23+$0x0]  }
0x453: {  	v8 =	vld [tilespmem:s11+$0x10];
	(v2sf) =	vpush v5, $0xA;
	s18 =	spop (v2sf);
	[tilespmem:s21+$0x140] =	vst v4  }
0x454: {  	s20 =	spop (v2sf);
	v4 =	vld [tilespmem:s17+$0x10]  }
0x455: {  	(v2sf) =	vpush v5, $0xB;
	v9 =	vld [tilespmem:s18+$0x0];
	[tilespmem:s19+$0xA0] =	vst v6;
	s17 =	spop (v2sf)  }
0x456: {  	v6 =	vld [tilespmem:s22+$0x10];
	s8 =	spop (v2sf);
	s22 =	simm.s32 $0x8E00;
	[tilespmem:s19+$0xFFFFFEA0] =	vst v3  }
0x457: {  	(v2sf) =	vpush v5, $0xC;
	s0 =	spop (v2sf);
	[tilespmem:s22+$0x0] =	vst v7;
	v3 =	vld [tilespmem:s16+$0x10]  }
0x458: {  	(v2sf) =	vpush v5, $0xD;
	[tilespmem:s21+$0xFFFFFF30] =	vst v8;
	s31 =	spop (v2sf);
	v7 =	vld [tilespmem:s23+$0x10]  }
0x459: {  	(v2sf) =	vpush v2, $0x7;
	v8 =	vld [tilespmem:s24+$0x0];
	s23 =	spop (v2sf);
	[tilespmem:s21+$0x150] =	vst v4  }
0x45a: {  	(v2sf) =	vpush v5, $0xE;
	[tilespmem:s22+$0xFFFFFE00] =	vst v9;
	s14 =	spop (v2sf);
	v4 =	vld [tilespmem:s20+$0x0]  }
0x45b: {  	(v2sf) =	vpush v5, $0xF;
	[tilespmem:s19+$0xB0] =	vst v6;
	s11 =	spop (v2sf);
	v6 =	vld [tilespmem:s18+$0x10]  }
0x45c: {  	(v2sf) =	vpush v0, $0x2;
	v5 =	vld [tilespmem:s23+$0x0];
	s13 =	spop (v2sf);
	[tilespmem:s19+$0xFFFFFEB0] =	vst v3  }
0x45d: {  	s16 =	spop (v2sf);
	[tilespmem:s22+$0x10] =	vst v7;
	v3 =	vld [tilespmem:s15+$0x0]  }
0x45e: {  	[tilespmem:s21+$0xFFFFFF40] =	vst v8;
	s18 =	spop (v2sf)  }
0x45f: {  	v7 =	vld [tilespmem:s18+$0x0];
	[tilespmem:s21+$0x160] =	vst v4  }
0x460: {  	v8 =	vld [tilespmem:s24+$0x10];
	s29 =	spop (v2sf);
	[tilespmem:s22+$0xFFFFFE10] =	vst v6  }
0x461: {  	v4 =	vld [tilespmem:s20+$0x10];
	s20 =	spop (v2sf);
	[tilespmem:s19+$0xC0] =	vst v5  }
0x462: {  	v6 =	vld [tilespmem:s17+$0x0];
	s24 =	spop (v2sf);
	[tilespmem:s19+$0xFFFFFEC0] =	vst v3  }
0x463: {  	v5 =	vld [tilespmem:s23+$0x10];
	[dreg:$0xe] =	wrdreg s24  }
0x464: {  	s24 =	spop (v2sf);
	[tilespmem:s22+$0x20] =	vst v7  }
0x465: {  	v3 =	vld [tilespmem:s15+$0x10];
	[dreg:$0xa] =	wrdreg s24  }
0x466: {  	s30 =	spop (v2sf);
	v7 =	vld [tilespmem:s18+$0x10];
	[tilespmem:s21+$0xFFFFFF50] =	vst v8  }
0x467: {  	(v2sf) =	vpush v1, $0xD;
	s28 =	spop (v2sf);
	[tilespmem:s21+$0x170] =	vst v4;
	v8 =	vld [tilespmem:s2+$0x0]  }
0x468: {  	(v2sf) =	vpush v2, $0x8;
	[tilespmem:s19+$0xD0] =	vst v5;
	s15 =	spop (v2sf);
	v4 =	vld [tilespmem:s20+$0x0]  }
0x469: {  	[tilespmem:s22+$0xFFFFFE20] =	vst v6;
	v5 =	vld [tilespmem:s15+$0x0];
	s24 =	spop (v2sf)  }
0x46a: {  	(v2sf) =	vpush v0, $0x3;
	v6 =	vld [tilespmem:s17+$0x10];
	s23 =	spop (v2sf);
	[tilespmem:s19+$0xFFFFFED0] =	vst v3  }
0x46b: {  	s18 =	spop (v2sf);
	v3 =	vld [tilespmem:s12+$0x0];
	[tilespmem:s22+$0x30] =	vst v7  }
0x46c: {  	[tilespmem:s21+$0xFFFFFF60] =	vst v8;
	v7 =	vld [tilespmem:s18+$0x0]  }
0x46d: {  	[tilespmem:s21+$0x180] =	vst v4;
	v8 =	vld [tilespmem:s2+$0x10]  }
0x46e: {  	(v2sf) =	vpush v1, $0xE;
	[tilespmem:s19+$0xE0] =	vst v5;
	v4 =	vld [tilespmem:s20+$0x10]  }
0x46f: {  	(v2sf) =	vpush v2, $0x9;
	[tilespmem:s22+$0xFFFFFE30] =	vst v6;
	v5 =	vld [tilespmem:s15+$0x10]  }
0x470: {  	(v2sf) =	vpush v0, $0x4;
	v6 =	vld [tilespmem:s8+$0x0];
	s15 =	simm.s32 $0x8070  }
0x471: {  	(v2sf) =	vpush v1, $0xF;
	v1 =	vld [tilespmem:s15+$0x0]  }
0x472: {  	v60 =	vld [tilespmem:s15+$0xFFFFFFF0];
	[tilespmem:s19+$0xFFFFFEE0] =	vst v3  }
0x473: {  	v3 =	vld [tilespmem:s12+$0x10];
	[tilespmem:s22+$0x40] =	vst v7  }
0x474: {  	v7 =	vld [tilespmem:s18+$0x10];
	[tilespmem:s21+$0xFFFFFF70] =	vst v8  }
0x475: {  	[tilespmem:s22+$0xFFFFFE40] =	vst v6;
	v8 =	vld [tilespmem:s4+$0x0]  }
0x476: {  	s17 =	spop (v2sf);
	[tilespmem:s21+$0x190] =	vst v4;
	v6 =	vld [tilespmem:s8+$0x10]  }
0x477: {  	[tilespmem:s19+$0xF0] =	vst v5;
	s18 =	spop (v2sf);
	v4 =	vld [tilespmem:s17+$0x0]  }
0x478: {  	v5 =	vld [tilespmem:s18+$0x0];
	[tilespmem:s19+$0xFFFFFEF0] =	vst v3  }
0x479: {  	s20 =	spop (v2sf);
	v3 =	vld [tilespmem:s10+$0x0];
	[tilespmem:s22+$0x50] =	vst v7  }
0x47a: {  	[tilespmem:s21+$0xFFFFFF80] =	vst v8;
	v7 =	vld [tilespmem:s20+$0x0]  }
0x47b: {  	[tilespmem:s22+$0xFFFFFE50] =	vst v6;
	v8 =	vld [tilespmem:s4+$0x10]  }
0x47c: {  	[tilespmem:s21+$0x1A0] =	vst v4;
	v6 =	vld [tilespmem:s0+$0x0]  }
0x47d: {  	[tilespmem:s19+$0x100] =	vst v5;
	v4 =	vld [tilespmem:s17+$0x10]  }
0x47e: {  	v5 =	vld [tilespmem:s18+$0x10];
	[tilespmem:s19+$0xFFFFFF00] =	vst v3  }
0x47f: {  	(v2sf) =	vpush v2, $0xA;
	v3 =	vld [tilespmem:s10+$0x10];
	[tilespmem:s22+$0x60] =	vst v7  }
0x480: {  	(v2sf) =	vpush v0, $0x5;
	v1 =	vshll.u32 v1, $0x5;
	v7 =	vld [tilespmem:s20+$0x10];
	[tilespmem:s21+$0xFFFFFF90] =	vst v8  }
0x481: {  	(v2sf) =	vpush v1, $0x0;
	[tilespmem:s22+$0xFFFFFE60] =	vst v6;
	v8 =	vld [tilespmem:s3+$0x0]  }
0x482: {  	s17 =	spop (v2sf);
	[tilespmem:s21+$0x1B0] =	vst v4;
	v4 =	vld [tilespmem:s0+$0x10]  }
0x483: {  	s18 =	spop (v2sf);
	[tilespmem:s19+$0x110] =	vst v5;
	v6 =	vld [tilespmem:s17+$0x0]  }
0x484: {  	v5 =	vld [tilespmem:s18+$0x0];
	[tilespmem:s19+$0xFFFFFF10] =	vst v3  }
0x485: {  	s20 =	spop (v2sf);
	v3 =	vld [tilespmem:s6+$0x0];
	[tilespmem:s22+$0x70] =	vst v7  }
0x486: {  	[tilespmem:s21+$0xFFFFFFA0] =	vst v8;
	v7 =	vld [tilespmem:s20+$0x0]  }
0x487: {  	[tilespmem:s22+$0xFFFFFE70] =	vst v4;
	v8 =	vld [tilespmem:s3+$0x10]  }
0x488: {  	[tilespmem:s21+$0x1C0] =	vst v6;
	v4 =	vshll.u32 v60, $0x5;
	v6 =	vld [tilespmem:s31+$0x0]  }
0x489: {  	[tilespmem:s19+$0x120] =	vst v5;
	v61 =	vld [tilespmem:s17+$0x10];
	(v2sf) =	vpush v4, $0x0  }
0x48a: {  	v5 =	vld [tilespmem:s18+$0x10];
	(v2sf) =	vpush v2, $0xB;
	[tilespmem:s19+$0xFFFFFF20] =	vst v3  }
0x48b: {  	(v2sf) =	vpush v4, $0x1;
	v3 =	vld [tilespmem:s6+$0x10];
	[tilespmem:s22+$0x80] =	vst v7  }
0x48c: {  	(v2sf) =	vpush v4, $0x2;
	[tilespmem:s21+$0xFFFFFFB0] =	vst v8;
	v7 =	vld [tilespmem:s20+$0x10]  }
0x48d: {  	s4 =	spop (v2sf);
	(v2sf) =	vpush v4, $0x3;
	[tilespmem:s22+$0xFFFFFE80] =	vst v6;
	v8 =	vld [tilespmem:s7+$0x0]  }
0x48e: {  	s6 =	spop (v2sf);
	[tilespmem:s21+$0x1D0] =	vst v61;
	(v2sf) =	vpush v4, $0x4;
	v6 =	vld [tilespmem:s31+$0x10]  }
0x48f: {  	s8 =	spop (v2sf);
	[tilespmem:s19+$0x130] =	vst v5;
	v9 =	vld [tilespmem:s4+$0x0];
	(v2sf) =	vpush v0, $0x6  }
0x490: {  	s10 =	spop (v2sf);
	v5 =	vld [tilespmem:s6+$0x0];
	(v2sf) =	vpush v4, $0x5;
	[tilespmem:s19+$0xFFFFFF30] =	vst v3  }
0x491: {  	v62 =	vld [tilespmem:s10+$0x0];
	(v2sf) =	vpush v4, $0x6;
	[tilespmem:s22+$0x90] =	vst v7  }
0x492: {  	v3 =	vld [tilespmem:s5+$0x0];
	(v2sf) =	vpush v4, $0x7;
	[tilespmem:s21+$0xFFFFFFC0] =	vst v8  }
0x493: {  	(v2sf) =	vpush v4, $0x8;
	v7 =	vld [tilespmem:s8+$0x0];
	[tilespmem:s22+$0xFFFFFE90] =	vst v6  }
0x494: {  	[tilespmem:s21+$0x1E0] =	vst v9;
	(v2sf) =	vpush v1, $0x1;
	v8 =	vld [tilespmem:s7+$0x10]  }
0x495: {  	s31 =	simm.s32 $0x9200;
	[tilespmem:s19+$0x140] =	vst v5;
	v6 =	vld [tilespmem:s14+$0x0];
	(v2sf) =	vpush v4, $0x9  }
0x496: {  	[tilespmem:s31+$0x0] =	vst v62;
	v5 =	vld [tilespmem:s6+$0x10];
	(v2sf) =	vpush v2, $0xC  }
0x497: {  	v9 =	vld [tilespmem:s4+$0x10];
	[tilespmem:s19+$0xFFFFFF40] =	vst v3;
	(v2sf) =	vpush v4, $0xA  }
0x498: {  	v3 =	vld [tilespmem:s5+$0x10];
	s17 =	spop (v2sf);
	(v2sf) =	vpush v4, $0xB;
	[tilespmem:s22+$0xA0] =	vst v7  }
0x499: {  	s18 =	spop (v2sf);
	[tilespmem:s21+$0xFFFFFFD0] =	vst v8;
	v7 =	vld [tilespmem:s8+$0x10]  }
0x49a: {  	(v2sf) =	vpush v4, $0xC;
	[tilespmem:s22+$0xFFFFFEA0] =	vst v6;
	s7 =	spop (v2sf);
	v8 =	vld [tilespmem:s25+$0x0]  }
0x49b: {  	(v2sf) =	vpush v4, $0xD;
	[tilespmem:s19+$0x150] =	vst v5;
	v6 =	vld [tilespmem:s14+$0x10];
	s2 =	spop (v2sf)  }
0x49c: {  	[tilespmem:s21+$0x1F0] =	vst v9;
	v5 =	vld [tilespmem:s18+$0x0];
	s15 =	spop (v2sf)  }
0x49d: {  	v9 =	vld [tilespmem:s10+$0x10];
	(v2sf) =	vpush v0, $0x7;
	[tilespmem:s19+$0xFFFFFF50] =	vst v3;
	s12 =	spop (v2sf)  }
0x49e: {  	v3 =	vld [tilespmem:s1+$0x0];
	s20 =	spop (v2sf);
	[tilespmem:s22+$0xB0] =	vst v7  }
0x49f: {  	s8 =	spop (v2sf);
	[tilespmem:s21+$0xFFFFFFE0] =	vst v8;
	v8 =	vld [tilespmem:s17+$0x0]  }
0x4a0: {  	v7 =	vld [tilespmem:s20+$0x0];
	[tilespmem:s22+$0xFFFFFEB0] =	vst v6;
	s6 =	spop (v2sf)  }
0x4a1: {  	[tilespmem:s19+$0x160] =	vst v5;
	v6 =	vld [tilespmem:s11+$0x0];
	s5 =	spop (v2sf)  }
0x4a2: {  	[tilespmem:s31+$0x10] =	vst v9;
	v5 =	vld [tilespmem:s18+$0x10];
	s4 =	spop (v2sf)  }
0x4a3: {  	[tilespmem:s19+$0xFFFFFF60] =	vst v3;
	s18 =	spop (v2sf)  }
0x4a4: {  	(v2sf) =	vpush v4, $0xE;
	v3 =	vld [tilespmem:s1+$0x10];
	s14 =	spop (v2sf);
	[tilespmem:s31+$0xFFFFFE00] =	vst v8  }
0x4a5: {  	(v2sf) =	vpush v4, $0xF;
	[tilespmem:s22+$0xC0] =	vst v7;
	v4 =	vld [tilespmem:s17+$0x10];
	s17 =	spop (v2sf)  }
0x4a6: {  	v7 =	vld [tilespmem:s20+$0x10];
	[tilespmem:s22+$0xFFFFFEC0] =	vst v6;
	s10 =	spop (v2sf)  }
0x4a7: {  	[tilespmem:s19+$0x170] =	vst v5;
	v6 =	vld [tilespmem:s11+$0x10];
	s11 =	spop (v2sf)  }
0x4a8: {  	(v2sf) =	vpush v1, $0x2;
	v8 =	vld [tilespmem:s18+$0x0];
	[dreg:$0x16] =	wrdreg s11  }
0x4a9: {  	(v2sf) =	vpush v2, $0xD;
	s1 =	spop (v2sf);
	[tilespmem:s19+$0xFFFFFF70] =	vst v3  }
0x4aa: {  	s20 =	spop (v2sf);
	[tilespmem:s31+$0xFFFFFE10] =	vst v4;
	v4 =	vld [tilespmem:s17+$0x0]  }
0x4ab: {  	v5 =	vld [tilespmem:s7+$0x0];
	[dreg:$0x12] =	wrdreg s20  }
0x4ac: {  	(v2sf) =	vpush v0, $0x8;
	s3 =	spop (v2sf);
	v3 =	vld [tilespmem:s9+$0x0];
	[tilespmem:s22+$0xD0] =	vst v7  }
0x4ad: {  	[tilespmem:s22+$0xFFFFFED0] =	vst v6;
	v7 =	vld [tilespmem:s3+$0x0]  }
0x4ae: {  	[tilespmem:s31+$0x20] =	vst v8;
	v6 =	vld [tilespmem:s13+$0x0]  }
0x4af: {  	v8 =	vld [tilespmem:s18+$0x10];
	[tilespmem:s19+$0x180] =	vst v4  }
0x4b0: {  	v4 =	vld [tilespmem:s17+$0x10];
	[tilespmem:s31+$0xFFFFFE20] =	vst v5  }
0x4b1: {  	v5 =	vld [tilespmem:s7+$0x10];
	[tilespmem:s19+$0xFFFFFF80] =	vst v3  }
0x4b2: {  	v3 =	vld [tilespmem:s9+$0x10];
	[tilespmem:s22+$0xE0] =	vst v7  }
0x4b3: {  	[tilespmem:s22+$0xFFFFFEE0] =	vst v6  }
0x4b4: {  	(v2sf) =	vpush v1, $0x3;
	[tilespmem:s31+$0x30] =	vst v8  }
0x4b5: {  	(v2sf) =	vpush v2, $0xE;
	s11 =	spop (v2sf);
	[tilespmem:s19+$0x190] =	vst v4  }
0x4b6: {  	s7 =	spop (v2sf);
	v7 =	vld [tilespmem:s3+$0x10];
	[tilespmem:s31+$0xFFFFFE30] =	vst v5  }
0x4b7: {  	v6 =	vld [tilespmem:s13+$0x10];
	s13 =	spop (v2sf);
	[tilespmem:s19+$0xFFFFFF90] =	vst v3  }
0x4b8: {  	v8 =	vld [tilespmem:s13+$0x0];
	s17 =	spop (v2sf);
	s18 =	sld [smem:$0x7F4]  }
0x4b9: {  	v4 =	vld [tilespmem:s17+$0x0]  }
0x4ba: {  	v5 =	vld [tilespmem:s2+$0x0]  }
0x4bb: {  	s20 =	spop (v2sf);
	[tilespmem:s22+$0xF0] =	vst v7;
	v3 =	vld [tilespmem:s18+$0x0]  }
0x4bc: {  	[tilespmem:s22+$0xFFFFFEF0] =	vst v6;
	v7 =	vld [tilespmem:s20+$0x0]  }
0x4bd: {  	[tilespmem:s31+$0x40] =	vst v8;
	v6 =	vld [tilespmem:s16+$0x0]  }
0x4be: {  	v8 =	vld [tilespmem:s13+$0x10];
	[tilespmem:s19+$0x1A0] =	vst v4  }
0x4bf: {  	v63 =	vld [tilespmem:s17+$0x10];
	[tilespmem:s31+$0xFFFFFE40] =	vst v5  }
0x4c0: {  	v10 =	vld [tilespmem:s2+$0x10];
	[tilespmem:s19+$0xFFFFFFA0] =	vst v3  }
0x4c1: {  	[tilespmem:s22+$0x100] =	vst v7;
	v11 =	vld [tilespmem:s18+$0x10]  }
0x4c2: {  	(v2sf) =	vpush v0, $0x9;
	[tilespmem:s22+$0xFFFFFF00] =	vst v6;
	v4 =	vld [tilespmem:s20+$0x10]  }
0x4c3: {  	s17 =	spop (v2sf);
	[tilespmem:s31+$0x50] =	vst v8;
	v3 =	vld [tilespmem:s16+$0x10]  }
0x4c4: {  	(v2sf) =	vpush v1, $0x4;
	s13 =	spop (v2sf);
	v5 =	vld [tilespmem:s17+$0x0];
	[tilespmem:s19+$0x1B0] =	vst v63  }
0x4c5: {  	(v2sf) =	vpush v2, $0xF;
	[tilespmem:s31+$0xFFFFFE50] =	vst v10;
	v2 =	vld [tilespmem:s13+$0x0]  }
0x4c6: {  	s9 =	simm.s32 $0x6;
	(v2sf) =	vpush v0, $0xA;
	s2 =	simm.s32 $0x8090;
	v6 =	vld [tilespmem:s15+$0x0];
	[tilespmem:s19+$0xFFFFFFB0] =	vst v11  }
.LBB2_6:
0x4c7: {  	_ =	sdelay $0x6  }
0x4c8: {  	v7 =	vld [tilespmem:s2+$0x0];
	[tilespmem:s31+$0x60] =	vst v5  }
0x4c9: {  	v5 =	vld [tilespmem:s17+$0x10];
	[tilespmem:s31+$0xFFFFFE60] =	vst v6  }
0x4ca: {  	v8 =	vld [tilespmem:s2+$0xFFFFFFF0];
	[tilespmem:s22+$0xFFFFFF10] =	vst v3  }
0x4cb: {  	[tilespmem:s22+$0x110] =	vst v4;
	v3 =	vld [tilespmem:s15+$0x10];
	s16 =	spop (v2sf)  }
0x4cc: {  	v4 =	vld [tilespmem:s16+$0x0]  }
0x4cd: {  	[tilespmem:s19+$0x1C0] =	vst v2  }
0x4ce: {  	v6 =	vld [tilespmem:s13+$0x10]  }
0x4cf: {  	(v2sf) =	vpush v1, $0x5;
	s15 =	spop (v2sf);
	[tilespmem:s31+$0x70] =	vst v5;
	v5 =	vld [tilespmem:s29+$0x0]  }
0x4d0: {  	[tilespmem:s31+$0xFFFFFE70] =	vst v3;
	v9 =	vld [tilespmem:s15+$0x0]  }
0x4d1: {  	v3 =	vld [tilespmem:s26+$0x0];
	[tilespmem:s22+$0x120] =	vst v4  }
0x4d2: {  	v4 =	vld [tilespmem:s16+$0x10]  }
0x4d3: {  	v2 =	vshll.u32 v7, $0x5;
	s17 =	spop (v2sf);
	[tilespmem:s19+$0x1D0] =	vst v6;
	v6 =	vshll.u32 v8, $0x5;
	v8 =	vld [tilespmem:s12+$0x0]  }
0x4d4: {  	(v2sf) =	vpush v2, $0x0;
	[tilespmem:s22+$0xFFFFFF20] =	vst v5;
	v7 =	vld [tilespmem:s17+$0x0]  }
0x4d5: {  	(v2sf) =	vpush v6, $0x0;
	[tilespmem:s31+$0x80] =	vst v9  }
0x4d6: {  	v5 =	vld [tilespmem:s29+$0x10];
	[tilespmem:s19+$0xFFFFFFC0] =	vst v3;
	(v2sf) =	vpush v0, $0xB  }
0x4d7: {  	s18 =	spop (v2sf);
	v9 =	vld [tilespmem:s15+$0x10];
	(v2sf) =	vpush v6, $0x1;
	[tilespmem:s22+$0x130] =	vst v4  }
0x4d8: {  	(v2sf) =	vpush v6, $0x2;
	[tilespmem:s31+$0xFFFFFE80] =	vst v8;
	v4 =	vld [tilespmem:s18+$0x0]  }
0x4d9: {  	(v2sf) =	vpush v6, $0x3;
	[tilespmem:s19+$0x1E0] =	vst v7;
	v7 =	vld [tilespmem:s26+$0x10]  }
0x4da: {  	(v2sf) =	vpush v6, $0x4;
	v3 =	vld [tilespmem:s17+$0x10]  }
0x4db: {  	v8 =	vld [tilespmem:s12+$0x10];
	[tilespmem:s22+$0xFFFFFF30] =	vst v5;
	(v2sf) =	vpush v1, $0x6  }
0x4dc: {  	s20 =	rddreg [dreg:$0xe];
	[tilespmem:s31+$0x90] =	vst v9;
	(v2sf) =	vpush v6, $0x5  }
0x4dd: {  	v5 =	vld [tilespmem:s20+$0x0];
	(v2sf) =	vpush v6, $0x6;
	[tilespmem:s22+$0x140] =	vst v4  }
0x4de: {  	s0 =	smov.u32 s24;
	s24 =	spop (v2sf);
	(v2sf) =	vpush v6, $0x7;
	v4 =	vld [tilespmem:s25+$0x10];
	[tilespmem:s19+$0xFFFFFFD0] =	vst v7  }
0x4df: {  	s25 =	rddreg [dreg:$0x6];
	(v2sf) =	vpush v6, $0x8;
	v9 =	vld [tilespmem:s24+$0x0];
	[tilespmem:s19+$0x1F0] =	vst v3  }
0x4e0: {  	[tilespmem:s31+$0xFFFFFE90] =	vst v8;
	s26 =	smov.u32 s25;
	(v2sf) =	vpush v2, $0x1;
	v3 =	vld [tilespmem:s18+$0x10]  }
0x4e1: {  	(v2sf) =	vpush v6, $0x9;
	v7 =	vld [tilespmem:s26+$0x0]  }
0x4e2: {  	v8 =	vld [tilespmem:s8+$0x0];
	[tilespmem:s22+$0xFFFFFF40] =	vst v5;
	(v2sf) =	vpush v0, $0xC  }
0x4e3: {  	s16 =	spop (v2sf);
	v5 =	vld [tilespmem:s20+$0x10];
	(v2sf) =	vpush v6, $0xA;
	[tilespmem:s21+$0xFFFFFFF0] =	vst v4  }
0x4e4: {  	s25 =	smov.u32 s19;
	s19 =	smov.u32 s22;
	v4 =	vld [tilespmem:s16+$0x0];
	s17 =	spop (v2sf);
	(v2sf) =	vpush v6, $0xB;
	[tilespmem:s31+$0xA0] =	vst v9  }
0x4e5: {  	s15 =	smov.u32 s23;
	(v2sf) =	vpush v6, $0xC;
	s23 =	spop (v2sf);
	v9 =	vld [tilespmem:s24+$0x10];
	[tilespmem:s19+$0x150] =	vst v3  }
0x4e6: {  	s20 =	spop (v2sf);
	(v2sf) =	vpush v6, $0xD;
	[tilespmem:s25+$0xFFFFFFE0] =	vst v7;
	v3 =	vld [tilespmem:s23+$0x0]  }
0x4e7: {  	[dreg:$0x6] =	wrdreg s15;
	s22 =	smov.u32 s31;
	v7 =	vld [tilespmem:s17+$0x0];
	s13 =	spop (v2sf);
	[tilespmem:s31+$0xFFFFFEA0] =	vst v8;
	(v2sf) =	vpush v1, $0x7  }
0x4e8: {  	s18 =	rddreg [dreg:$0xa];
	s31 =	sadd.s32 $0x400, s31;
	s15 =	spop (v2sf);
	(v2sf) =	vpush v6, $0xE;
	v8 =	vld [tilespmem:s8+$0x10];
	[tilespmem:s19+$0xFFFFFF50] =	vst v5  }
0x4e9: {  	[tilespmem:s31+$0x0] =	vst v4;
	s12 =	spop (v2sf);
	(v2sf) =	vpush v6, $0xF;
	v4 =	vld [tilespmem:s18+$0x0]  }
0x4ea: {  	v5 =	vld [tilespmem:s16+$0x10];
	s24 =	spop (v2sf);
	[tilespmem:s22+$0xB0] =	vst v9  }
0x4eb: {  	[dreg:$0x1a] =	wrdreg s0;
	s8 =	spop (v2sf);
	v6 =	vld [tilespmem:s24+$0x0];
	[tilespmem:s19+$0x160] =	vst v3  }
0x4ec: {  	s0 =	smov.u32 s1;
	s1 =	smov.u32 s11;
	[tilespmem:s31+$0xFFFFFE00] =	vst v7;
	s11 =	spop (v2sf);
	(v2sf) =	vpush v2, $0x2;
	v3 =	vld [tilespmem:s23+$0x10]  }
0x4ed: {  	v7 =	vld [tilespmem:s17+$0x10];
	s17 =	spop (v2sf);
	[tilespmem:s22+$0xFFFFFEB0] =	vst v8  }
0x4ee: {  	s16 =	spop (v2sf);
	v8 =	vld [tilespmem:s6+$0x0];
	[tilespmem:s19+$0xFFFFFF60] =	vst v4;
	(v2sf) =	vpush v0, $0xD  }
0x4ef: {  	[tilespmem:s31+$0x10] =	vst v5;
	s23 =	spop (v2sf);
	v4 =	vld [tilespmem:s18+$0x10]  }
0x4f0: {  	s3 =	smov.u32 s14;
	v5 =	vld [tilespmem:s23+$0x0];
	s14 =	spop (v2sf);
	[tilespmem:s22+$0xC0] =	vst v6  }
0x4f1: {  	s21 =	smov.u32 s10;
	s10 =	rddreg [dreg:$0x16];
	v6 =	vld [tilespmem:s24+$0x10];
	[tilespmem:s19+$0x170] =	vst v3;
	s24 =	spop (v2sf)  }
0x4f2: {  	s18 =	smov.u32 s10;
	[tilespmem:s31+$0xFFFFFE10] =	vst v7;
	s10 =	spop (v2sf);
	v3 =	vld [tilespmem:s24+$0x0]  }
0x4f3: {  	[dreg:$0xe] =	wrdreg s21;
	v7 =	vld [tilespmem:s20+$0x0];
	[tilespmem:s22+$0xFFFFFEC0] =	vst v8;
	s21 =	spop (v2sf);
	(v2sf) =	vpush v1, $0x8  }
0x4f4: {  	v8 =	vld [tilespmem:s6+$0x10];
	[tilespmem:s19+$0xFFFFFF70] =	vst v4;
	[dreg:$0x16] =	wrdreg s21;
	s21 =	spop (v2sf)  }
0x4f5: {  	[dreg:$0xa] =	wrdreg s18;
	[tilespmem:s31+$0x20] =	vst v5;
	v4 =	vld [tilespmem:s30+$0x0];
	s18 =	spop (v2sf)  }
0x4f6: {  	v5 =	vld [tilespmem:s23+$0x10];
	[tilespmem:s22+$0xD0] =	vst v6;
	s23 =	spop (v2sf)  }
0x4f7: {  	s6 =	smov.u32 s11;
	s11 =	spop (v2sf);
	v6 =	vld [tilespmem:s23+$0x0];
	[tilespmem:s19+$0x180] =	vst v3  }
0x4f8: {  	s29 =	smov.u32 s7;
	[tilespmem:s31+$0xFFFFFE20] =	vst v7;
	s7 =	spop (v2sf);
	(v2sf) =	vpush v2, $0x3;
	v3 =	vld [tilespmem:s24+$0x10]  }
0x4f9: {  	v7 =	vld [tilespmem:s20+$0x10];
	[tilespmem:s22+$0xFFFFFED0] =	vst v8  }
0x4fa: {  	v8 =	vld [tilespmem:s5+$0x0];
	[tilespmem:s19+$0xFFFFFF80] =	vst v4;
	(v2sf) =	vpush v0, $0xE  }
0x4fb: {  	[tilespmem:s31+$0x30] =	vst v5;
	s20 =	spop (v2sf);
	v4 =	vld [tilespmem:s30+$0x10]  }
0x4fc: {  	v5 =	vld [tilespmem:s20+$0x0];
	[tilespmem:s22+$0xE0] =	vst v6  }
0x4fd: {  	s30 =	smov.u32 s0;
	s0 =	spop (v2sf);
	v6 =	vld [tilespmem:s23+$0x10];
	[tilespmem:s19+$0x190] =	vst v3  }
0x4fe: {  	[tilespmem:s31+$0xFFFFFE30] =	vst v7;
	v3 =	vld [tilespmem:s0+$0x0]  }
0x4ff: {  	v7 =	vld [tilespmem:s13+$0x0];
	[tilespmem:s22+$0xFFFFFEE0] =	vst v8  }
0x500: {  	v8 =	vld [tilespmem:s5+$0x10];
	[tilespmem:s19+$0xFFFFFF90] =	vst v4  }
0x501: {  	[tilespmem:s31+$0x40] =	vst v5;
	v4 =	vld [tilespmem:s28+$0x0]  }
0x502: {  	v5 =	vld [tilespmem:s20+$0x10];
	[tilespmem:s22+$0xF0] =	vst v6;
	s20 =	spop (v2sf)  }
0x503: {  	v6 =	vld [tilespmem:s20+$0x0];
	[tilespmem:s19+$0x1A0] =	vst v3  }
0x504: {  	[tilespmem:s31+$0xFFFFFE40] =	vst v7;
	v3 =	vld [tilespmem:s0+$0x10]  }
0x505: {  	s9 =	sadd.s32 $0x2, s9;
	v7 =	vld [tilespmem:s13+$0x10];
	[tilespmem:s22+$0xFFFFFEF0] =	vst v8  }
0x506: {  	p0 =	slt.u32 s9, $0x3E;
	s23 =	smov.u32 s29;
	v8 =	vld [tilespmem:s4+$0x0];
	[tilespmem:s19+$0xFFFFFFA0] =	vst v4  }
0x507: {  	s29 =	smov.u32 s3;
	s5 =	smov.u32 s17;
	[tilespmem:s31+$0x50] =	vst v5;
	v63 =	vld [tilespmem:s28+$0x10];
	s17 =	spop (v2sf)  }
.Ltmp2:
0x508: {  	(v2sf) =	vpush v1, $0x9;
	s3 =	rddreg [dreg:$0x12];
	s13 =	smov.u32 s18;
	v5 =	vld [tilespmem:s17+$0x0];
	[tilespmem:s22+$0x100] =	vst v6;
	(pc) =	sbr.rel @p0 .LBB2_6-.Ltmp2, $4  }
0x509: {  	(v2sf) =	vpush v2, $0x4;
	[dreg:$0x12] =	wrdreg s13;
	s13 =	spop (v2sf);
	v4 =	vld [tilespmem:s20+$0x10];
	[tilespmem:s19+$0x1B0] =	vst v3  }
0x50a: {  	s2 =	sadd.s32 $0x20, s2;
	s24 =	smov.u32 s1;
	(v2sf) =	vpush v0, $0xF;
	v0 =	vmov v1;
	v1 =	vmov v2;
	[tilespmem:s31+$0xFFFFFE50] =	vst v7;
	v2 =	vld [tilespmem:s13+$0x0]  }
0x50b: {  	s1 =	smov.u32 s21;
	s21 =	smov.u32 s25;
	s25 =	smov.u32 s26;
	v6 =	vld [tilespmem:s15+$0x0];
	[tilespmem:s22+$0xFFFFFF00] =	vst v8  }
0x50c: {  	s26 =	rddreg [dreg:$0x1a];
	s28 =	smov.u32 s3;
	(v2sf) =	vpush v0, $0xA;
	v3 =	vld [tilespmem:s4+$0x10];
	[tilespmem:s19+$0xFFFFFFB0] =	vst v63;
	s4 =	smov.u32 s16  }
0x50d: {  	_ =	sdelay $0x4  }
0x50e: {  	[tilespmem:s31+$0x60] =	vst v5  }
0x50f: {  	v5 =	vld [tilespmem:s17+$0x10]  }
0x510: {  	[tilespmem:s31+$0xFFFFFE60] =	vst v6  }
0x511: {  	(v2sf) =	vpush v1, $0x5;
	v6 =	vld [tilespmem:s15+$0x10];
	_ =	sdelay $0x1  }
0x512: {  	s0 =	spop (v2sf)  }
0x513: {  	[tilespmem:s31+$0x70] =	vst v5;
	s2 =	spop (v2sf)  }
0x514: {  	v5 =	vld [tilespmem:s2+$0x0]  }
0x515: {  	[tilespmem:s31+$0xFFFFFE70] =	vst v6  }
0x516: {  	v6 =	vld [tilespmem:s12+$0x0];
	_ =	sdelay $0x2  }
0x517: {  	[tilespmem:s31+$0x80] =	vst v5  }
0x518: {  	v5 =	vld [tilespmem:s2+$0x10]  }
0x519: {  	(v2sf) =	vpush v0, $0xB;
	[tilespmem:s31+$0xFFFFFE80] =	vst v6  }
0x51a: {  	(v2sf) =	vpush v1, $0x6;
	v6 =	vld [tilespmem:s12+$0x10]  }
0x51b: {  	s2 =	spop (v2sf)  }
0x51c: {  	s12 =	spop (v2sf)  }
0x51d: {  	s9 =	spop (v2sf);
	[tilespmem:s31+$0x90] =	vst v5  }
0x51e: {  	v5 =	vld [tilespmem:s9+$0x0]  }
0x51f: {  	[tilespmem:s31+$0xFFFFFE90] =	vst v6  }
0x520: {  	v6 =	vld [tilespmem:s8+$0x0];
	_ =	sdelay $0x2  }
0x521: {  	[tilespmem:s31+$0xA0] =	vst v5  }
0x522: {  	v5 =	vld [tilespmem:s9+$0x10]  }
0x523: {  	(v2sf) =	vpush v0, $0xC;
	[tilespmem:s31+$0xFFFFFEA0] =	vst v6  }
0x524: {  	(v2sf) =	vpush v1, $0x7;
	v6 =	vld [tilespmem:s8+$0x10];
	_ =	sdelay $0x1  }
0x525: {  	s9 =	spop (v2sf)  }
0x526: {  	s3 =	spop (v2sf);
	[tilespmem:s31+$0xB0] =	vst v5  }
0x527: {  	v5 =	vld [tilespmem:s3+$0x0]  }
0x528: {  	[tilespmem:s31+$0xFFFFFEB0] =	vst v6  }
0x529: {  	v6 =	vld [tilespmem:s6+$0x0];
	_ =	sdelay $0x2  }
0x52a: {  	[tilespmem:s31+$0xC0] =	vst v5  }
0x52b: {  	v5 =	vld [tilespmem:s3+$0x10]  }
0x52c: {  	(v2sf) =	vpush v0, $0xD;
	[tilespmem:s31+$0xFFFFFEC0] =	vst v6  }
0x52d: {  	(v2sf) =	vpush v1, $0x8;
	v6 =	vld [tilespmem:s6+$0x10];
	_ =	sdelay $0x1  }
0x52e: {  	s8 =	spop (v2sf)  }
0x52f: {  	s16 =	spop (v2sf);
	[tilespmem:s31+$0xD0] =	vst v5  }
0x530: {  	v5 =	vld [tilespmem:s16+$0x0]  }
0x531: {  	[tilespmem:s31+$0xFFFFFED0] =	vst v6  }
0x532: {  	v6 =	vld [tilespmem:s5+$0x0];
	_ =	sdelay $0x2  }
0x533: {  	[tilespmem:s31+$0xE0] =	vst v5  }
0x534: {  	v5 =	vld [tilespmem:s16+$0x10]  }
0x535: {  	(v2sf) =	vpush v0, $0xE;
	[tilespmem:s31+$0xFFFFFEE0] =	vst v6  }
0x536: {  	(v2sf) =	vpush v1, $0x9;
	v6 =	vld [tilespmem:s5+$0x10];
	_ =	sdelay $0x1  }
0x537: {  	s6 =	spop (v2sf)  }
0x538: {  	s17 =	spop (v2sf);
	[tilespmem:s31+$0xF0] =	vst v5  }
0x539: {  	v5 =	vld [tilespmem:s17+$0x0]  }
0x53a: {  	[tilespmem:s31+$0xFFFFFEF0] =	vst v6  }
0x53b: {  	v6 =	vld [tilespmem:s4+$0x0];
	_ =	sdelay $0x2  }
0x53c: {  	[tilespmem:s31+$0x100] =	vst v5  }
0x53d: {  	v5 =	vld [tilespmem:s17+$0x10]  }
0x53e: {  	(v2sf) =	vpush v0, $0xF;
	[tilespmem:s31+$0xFFFFFF00] =	vst v6  }
0x53f: {  	(v2sf) =	vpush v1, $0xA;
	v0 =	vld [tilespmem:s4+$0x10]  }
0x540: {  	[tilespmem:s22+$0x110] =	vst v4  }
0x541: {  	[tilespmem:s22+$0xFFFFFF10] =	vst v3;
	v4 =	vld [tilespmem:s0+$0x0];
	s5 =	spop (v2sf)  }
0x542: {  	s18 =	spop (v2sf);
	[tilespmem:s31+$0x110] =	vst v5;
	v5 =	vld [tilespmem:s29+$0x0]  }
0x543: {  	v3 =	vld [tilespmem:s18+$0x0]  }
0x544: {  	[tilespmem:s31+$0xFFFFFF10] =	vst v0  }
0x545: {  	v0 =	vld [tilespmem:s14+$0x0]  }
0x546: {  	[tilespmem:s22+$0x120] =	vst v4  }
0x547: {  	v4 =	vld [tilespmem:s0+$0x10];
	[tilespmem:s22+$0xFFFFFF20] =	vst v5  }
0x548: {  	[tilespmem:s31+$0x120] =	vst v3;
	v5 =	vld [tilespmem:s29+$0x10]  }
0x549: {  	v3 =	vld [tilespmem:s18+$0x10]  }
0x54a: {  	[tilespmem:s31+$0xFFFFFF20] =	vst v0  }
0x54b: {  	v0 =	vld [tilespmem:s14+$0x10]  }
0x54c: {  	(v2sf) =	vpush v1, $0xB;
	[tilespmem:s22+$0x130] =	vst v4  }
0x54d: {  	s4 =	spop (v2sf);
	[tilespmem:s22+$0xFFFFFF30] =	vst v5  }
0x54e: {  	v4 =	vld [tilespmem:s12+$0x0];
	s20 =	spop (v2sf);
	[tilespmem:s31+$0x130] =	vst v3  }
0x54f: {  	v3 =	vld [tilespmem:s20+$0x0];
	s0 =	rddreg [dreg:$0xe]  }
0x550: {  	[tilespmem:s31+$0xFFFFFF30] =	vst v0;
	v5 =	vld [tilespmem:s0+$0x0]  }
0x551: {  	v0 =	vld [tilespmem:s10+$0x0];
	_ =	sdelay $0x1  }
0x552: {  	[tilespmem:s22+$0x140] =	vst v4  }
0x553: {  	v4 =	vld [tilespmem:s12+$0x10];
	[tilespmem:s31+$0x140] =	vst v3  }
0x554: {  	v3 =	vld [tilespmem:s20+$0x10];
	[tilespmem:s22+$0xFFFFFF40] =	vst v5  }
0x555: {  	[tilespmem:s31+$0xFFFFFF40] =	vst v0;
	v5 =	vld [tilespmem:s0+$0x10]  }
0x556: {  	v0 =	vld [tilespmem:s10+$0x10]  }
0x557: {  	(v2sf) =	vpush v1, $0xC  }
0x558: {  	[tilespmem:s22+$0x150] =	vst v4  }
0x559: {  	[tilespmem:s31+$0x150] =	vst v3  }
0x55a: {  	v4 =	vld [tilespmem:s9+$0x0];
	s0 =	spop (v2sf);
	[tilespmem:s22+$0xFFFFFF50] =	vst v5  }
0x55b: {  	v3 =	vld [tilespmem:s0+$0x0];
	s12 =	rddreg [dreg:$0xa];
	[tilespmem:s31+$0xFFFFFF50] =	vst v0  }
0x55c: {  	v5 =	vld [tilespmem:s12+$0x0];
	s3 =	rddreg [dreg:$0x16]  }
0x55d: {  	v0 =	vld [tilespmem:s3+$0x0];
	_ =	sdelay $0x1  }
0x55e: {  	[tilespmem:s22+$0x160] =	vst v4  }
0x55f: {  	v4 =	vld [tilespmem:s9+$0x10];
	[tilespmem:s31+$0x160] =	vst v3  }
0x560: {  	v3 =	vld [tilespmem:s0+$0x10];
	[tilespmem:s22+$0xFFFFFF60] =	vst v5  }
0x561: {  	v5 =	vld [tilespmem:s12+$0x10];
	[tilespmem:s31+$0xFFFFFF60] =	vst v0  }
0x562: {  	v0 =	vld [tilespmem:s3+$0x10]  }
0x563: {  	(v2sf) =	vpush v1, $0xD  }
0x564: {  	[tilespmem:s22+$0x170] =	vst v4  }
0x565: {  	s14 =	spop (v2sf);
	v4 =	vld [tilespmem:s8+$0x0];
	[tilespmem:s31+$0x170] =	vst v3  }
0x566: {  	v3 =	vld [tilespmem:s14+$0x0];
	[tilespmem:s22+$0xFFFFFF70] =	vst v5  }
0x567: {  	v5 =	vld [tilespmem:s30+$0x0];
	[tilespmem:s31+$0xFFFFFF70] =	vst v0  }
0x568: {  	v0 =	vld [tilespmem:s1+$0x0];
	_ =	sdelay $0x1  }
0x569: {  	[tilespmem:s22+$0x180] =	vst v4  }
0x56a: {  	v4 =	vld [tilespmem:s8+$0x10];
	[tilespmem:s31+$0x180] =	vst v3  }
0x56b: {  	v3 =	vld [tilespmem:s14+$0x10];
	[tilespmem:s22+$0xFFFFFF80] =	vst v5  }
0x56c: {  	v5 =	vld [tilespmem:s30+$0x10];
	[tilespmem:s31+$0xFFFFFF80] =	vst v0  }
0x56d: {  	v0 =	vld [tilespmem:s1+$0x10]  }
0x56e: {  	(v2sf) =	vpush v1, $0xE  }
0x56f: {  	[tilespmem:s22+$0x190] =	vst v4  }
0x570: {  	v4 =	vld [tilespmem:s6+$0x0];
	[tilespmem:s31+$0x190] =	vst v3  }
0x571: {  	s15 =	spop (v2sf);
	[tilespmem:s22+$0xFFFFFF90] =	vst v5  }
0x572: {  	v3 =	vld [tilespmem:s15+$0x0];
	[tilespmem:s31+$0xFFFFFF90] =	vst v0  }
0x573: {  	v5 =	vld [tilespmem:s28+$0x0];
	s16 =	rddreg [dreg:$0x12]  }
0x574: {  	v0 =	vld [tilespmem:s16+$0x0]  }
0x575: {  	[tilespmem:s22+$0x1A0] =	vst v4  }
0x576: {  	[tilespmem:s19+$0x1C0] =	vst v2;
	v4 =	vld [tilespmem:s6+$0x10]  }
0x577: {  	(v2sf) =	vpush v1, $0xF;
	v1 =	vld [tilespmem:s13+$0x10];
	[tilespmem:s31+$0x1A0] =	vst v3  }
0x578: {  	v3 =	vld [tilespmem:s15+$0x10];
	[tilespmem:s22+$0xFFFFFFA0] =	vst v5  }
0x579: {  	v5 =	vld [tilespmem:s28+$0x10];
	[tilespmem:s31+$0xFFFFFFA0] =	vst v0  }
0x57a: {  	v0 =	vld [tilespmem:s16+$0x10]  }
0x57b: {  	[tilespmem:s22+$0x1B0] =	vst v4;
	v4 =	vld [tilespmem:s26+$0x0]  }
0x57c: {  	[tilespmem:s19+$0x1D0] =	vst v1;
	v2 =	vld [tilespmem:s5+$0x0]  }
0x57d: {  	s17 =	spop (v2sf);
	v1 =	vld [tilespmem:s2+$0x0];
	[tilespmem:s31+$0x1B0] =	vst v3  }
0x57e: {  	v3 =	vld [tilespmem:s17+$0x0];
	[tilespmem:s22+$0xFFFFFFB0] =	vst v5  }
0x57f: {  	v5 =	vld [tilespmem:s24+$0x0];
	[tilespmem:s31+$0xFFFFFFB0] =	vst v0  }
0x580: {  	[tilespmem:s19+$0xFFFFFFC0] =	vst v4;
	v0 =	vld [tilespmem:s11+$0x0]  }
0x581: {  	[tilespmem:s22+$0x1C0] =	vst v2;
	v4 =	vld [tilespmem:s26+$0x10]  }
0x582: {  	[tilespmem:s19+$0x1E0] =	vst v1;
	v2 =	vld [tilespmem:s5+$0x10]  }
0x583: {  	[tilespmem:s31+$0x1C0] =	vst v3  }
0x584: {  	v3 =	vld [tilespmem:s17+$0x10];
	[tilespmem:s22+$0xFFFFFFC0] =	vst v5  }
0x585: {  	v5 =	vld [tilespmem:s24+$0x10];
	[tilespmem:s31+$0xFFFFFFC0] =	vst v0  }
0x586: {  	[tilespmem:s19+$0xFFFFFFD0] =	vst v4;
	v0 =	vld [tilespmem:s11+$0x10]  }
0x587: {  	v1 =	vld [tilespmem:s2+$0x10];
	[tilespmem:s22+$0x1D0] =	vst v2  }
0x588: {  	v2 =	vld [tilespmem:s4+$0x0];
	s18 =	rddreg [dreg:$0x6]  }
0x589: {  	s20 =	spop (v2sf);
	v4 =	vld [tilespmem:s18+$0x0];
	[tilespmem:s31+$0x1D0] =	vst v3  }
0x58a: {  	v3 =	vld [tilespmem:s20+$0x0];
	[tilespmem:s22+$0xFFFFFFD0] =	vst v5  }
0x58b: {  	v5 =	vld [tilespmem:s23+$0x0];
	[tilespmem:s31+$0xFFFFFFD0] =	vst v0  }
0x58c: {  	[tilespmem:s19+$0x1F0] =	vst v1;
	v0 =	vld [tilespmem:s7+$0x0]  }
0x58d: {  	v1 =	vld [tilespmem:s25+$0x10];
	[tilespmem:s22+$0x1E0] =	vst v2  }
0x58e: {  	[tilespmem:s19+$0xFFFFFFE0] =	vst v4;
	v2 =	vld [tilespmem:s4+$0x10]  }
0x58f: {  	v4 =	vld [tilespmem:s18+$0x10];
	[tilespmem:s31+$0x1E0] =	vst v3  }
0x590: {  	v3 =	vld [tilespmem:s20+$0x10];
	[tilespmem:s22+$0xFFFFFFE0] =	vst v5  }
0x591: {  	v5 =	vld [tilespmem:s23+$0x10];
	[tilespmem:s31+$0xFFFFFFE0] =	vst v0  }
0x592: {  	[tilespmem:s21+$0xFFFFFFF0] =	vst v1;
	v0 =	vld [tilespmem:s7+$0x10]  }
0x593: {  	[tilespmem:s22+$0x1F0] =	vst v2  }
0x594: {  	[tilespmem:s19+$0xFFFFFFF0] =	vst v4  }
0x595: {  	[tilespmem:s31+$0x1F0] =	vst v3  }
0x596: {  	[tilespmem:s22+$0xFFFFFFF0] =	vst v5  }
0x597: {  	[tilespmem:s31+$0xFFFFFFF0] =	vst v0  }
0x598: {  	s24 =	sld [smem:$0x7FA];
	_ =	sdelay $0x1  }
0x599: {  	s26 =	simm.s32 $0x1;
	s25 =	simm.s32 $0x8400;
	s23 =	simm.s32 $0x0  }
0x59a: {  	[hbm4b:s24+s23] =	stream.linear.scatter [tilespmem:s25], [sflag:$0x1], $0x8000, $0x38;
	[tilespmem:$0x10400] =	vst v63  }
0x59b: {  	_ =	swait.ge [sflag:s26], $0x8000  }
0x59c: {  	s4 =	sld [smem:$0x7FB]  }
0x59d: {  	[sflag:s26] =	ssyncset.done $0x0  }
0x59e: {  	s5 =	simm.s32 $0x8000;
	[sflag:s26] =	ssyncadd.s32 $0xFFFF8000  }
0x59f: {  	[tilespmem:s5], [sflag:$0x1] =	stream.linear.gather [hbm4b:s4+s23], $0x400, $0x38;
	[tilespmem:$0x10400] =	vst v63  }
0x5a0: {  	_ =	swait.ge [sflag:s26], $0x400  }
0x5a1: {  	[sflag:s26] =	ssyncset.done $0x0  }
0x5a2: {  	s6 =	simm.s32 $0x8010;
	[sflag:s26] =	ssyncadd.s32 $0xFFFFFC00  }
0x5a3: {  	v0 =	vld [tilespmem:s6+$0x0];
	_ =	sdelay $0x2  }
0x5a4: {  	v2 =	vld [tilespmem:s6+$0xFFFFFFF0];
	_ =	sdelay $0x1  }
0x5a5: {  	v1 =	vshll.u32 v0, $0x5  }
0x5a6: {  	(v2sf) =	vpush v1, $0x0;
	_ =	sdelay $0x1  }
0x5a7: {  	v0 =	vshll.u32 v2, $0x5  }
0x5a8: {  	(v2sf) =	vpush v0, $0x0  }
0x5a9: {  	(v2sf) =	vpush v0, $0x1  }
0x5aa: {  	(v2sf) =	vpush v0, $0x2  }
0x5ab: {  	(v2sf) =	vpush v0, $0x3  }
0x5ac: {  	(v2sf) =	vpush v0, $0x4  }
0x5ad: {  	(v2sf) =	vpush v0, $0x5  }
0x5ae: {  	(v2sf) =	vpush v0, $0x6  }
0x5af: {  	(v2sf) =	vpush v0, $0x7  }
0x5b0: {  	(v2sf) =	vpush v0, $0x8  }
0x5b1: {  	(v2sf) =	vpush v1, $0x1;
	_ =	sdelay $0x2  }
0x5b2: {  	s7 =	spop (v2sf)  }
0x5b3: {  	v2 =	vld [tilespmem:s7+$0x0]  }
0x5b4: {  	(v2sf) =	vpush v0, $0x9  }
0x5b5: {  	(v2sf) =	vpush v0, $0xA;
	s8 =	spop (v2sf)  }
0x5b6: {  	(v2sf) =	vpush v0, $0xB;
	s9 =	spop (v2sf)  }
0x5b7: {  	s21 =	simm.s32 $0x8600;
	(v2sf) =	vpush v0, $0xC;
	s10 =	spop (v2sf)  }
0x5b8: {  	(v2sf) =	vpush v0, $0xD;
	s12 =	spop (v2sf);
	[tilespmem:s21+$0x0] =	vst v2  }
0x5b9: {  	(v2sf) =	vpush v0, $0xE;
	s15 =	spop (v2sf);
	v2 =	vld [tilespmem:s7+$0x10]  }
0x5ba: {  	(v2sf) =	vpush v0, $0xF;
	s0 =	spop (v2sf)  }
0x5bb: {  	(v2sf) =	vpush v1, $0x2;
	s22 =	spop (v2sf)  }
0x5bc: {  	v3 =	vld [tilespmem:s8+$0x0];
	s14 =	spop (v2sf)  }
0x5bd: {  	s13 =	spop (v2sf)  }
0x5be: {  	s16 =	spop (v2sf);
	[tilespmem:s21+$0x10] =	vst v2  }
0x5bf: {  	v2 =	vld [tilespmem:s16+$0x0];
	_ =	sdelay $0x1  }
0x5c0: {  	[tilespmem:s21+$0xFFFFFE00] =	vst v3  }
0x5c1: {  	v0 =	vld [tilespmem:s8+$0x10]  }
0x5c2: {  	s11 =	spop (v2sf)  }
0x5c3: {  	s24 =	spop (v2sf);
	[tilespmem:s21+$0x20] =	vst v2  }
0x5c4: {  	s2 =	spop (v2sf);
	v2 =	vld [tilespmem:s16+$0x10]  }
0x5c5: {  	s4 =	spop (v2sf)  }
0x5c6: {  	[tilespmem:s21+$0xFFFFFE10] =	vst v0;
	(v2sf) =	vpush v1, $0x3;
	s3 =	spop (v2sf)  }
0x5c7: {  	v0 =	vld [tilespmem:s9+$0x0];
	s7 =	spop (v2sf)  }
0x5c8: {  	s25 =	spop (v2sf)  }
0x5c9: {  	s17 =	spop (v2sf);
	[tilespmem:s21+$0x30] =	vst v2  }
0x5ca: {  	v2 =	vld [tilespmem:s17+$0x0];
	_ =	sdelay $0x1  }
0x5cb: {  	[tilespmem:s21+$0xFFFFFE20] =	vst v0  }
0x5cc: {  	v0 =	vld [tilespmem:s9+$0x10];
	_ =	sdelay $0x1  }
0x5cd: {  	[tilespmem:s21+$0x40] =	vst v2  }
0x5ce: {  	v2 =	vld [tilespmem:s17+$0x10];
	_ =	sdelay $0x1  }
0x5cf: {  	(v2sf) =	vpush v1, $0x4;
	[tilespmem:s21+$0xFFFFFE30] =	vst v0  }
0x5d0: {  	v0 =	vld [tilespmem:s10+$0x0];
	_ =	sdelay $0x1  }
0x5d1: {  	s18 =	spop (v2sf);
	[tilespmem:s21+$0x50] =	vst v2  }
0x5d2: {  	v2 =	vld [tilespmem:s18+$0x0];
	_ =	sdelay $0x1  }
0x5d3: {  	[tilespmem:s21+$0xFFFFFE40] =	vst v0  }
0x5d4: {  	v0 =	vld [tilespmem:s10+$0x10]  }
0x5d5: {  	s19 =	simm.s32 $0x8030  }
0x5d6: {  	v3 =	vld [tilespmem:s19+$0x0];
	[tilespmem:s21+$0x60] =	vst v2  }
0x5d7: {  	v4 =	vld [tilespmem:s18+$0x10]  }
0x5d8: {  	v5 =	vld [tilespmem:s19+$0xFFFFFFF0]  }
0x5d9: {  	(v2sf) =	vpush v1, $0x5;
	[tilespmem:s21+$0xFFFFFE50] =	vst v0  }
0x5da: {  	v0 =	vld [tilespmem:s12+$0x0];
	_ =	sdelay $0x1  }
0x5db: {  	v2 =	vshll.u32 v3, $0x5;
	s20 =	spop (v2sf);
	[tilespmem:s21+$0x70] =	vst v4  }
0x5dc: {  	(v2sf) =	vpush v2, $0x0;
	v3 =	vshll.u32 v5, $0x5;
	v4 =	vld [tilespmem:s20+$0x0]  }
0x5dd: {  	(v2sf) =	vpush v3, $0x0  }
0x5de: {  	[tilespmem:s21+$0xFFFFFE60] =	vst v0  }
0x5df: {  	(v2sf) =	vpush v3, $0x1;
	v0 =	vld [tilespmem:s12+$0x10]  }
0x5e0: {  	(v2sf) =	vpush v3, $0x2  }
0x5e1: {  	(v2sf) =	vpush v3, $0x3;
	[tilespmem:s21+$0x80] =	vst v4  }
0x5e2: {  	(v2sf) =	vpush v3, $0x4;
	v4 =	vld [tilespmem:s20+$0x10]  }
0x5e3: {  	(v2sf) =	vpush v1, $0x6  }
0x5e4: {  	(v2sf) =	vpush v3, $0x5;
	[tilespmem:s21+$0xFFFFFE70] =	vst v0  }
0x5e5: {  	(v2sf) =	vpush v3, $0x6;
	v0 =	vld [tilespmem:s15+$0x0]  }
0x5e6: {  	(v2sf) =	vpush v3, $0x7  }
0x5e7: {  	(v2sf) =	vpush v3, $0x8;
	s23 =	spop (v2sf);
	[tilespmem:s21+$0x90] =	vst v4  }
0x5e8: {  	(v2sf) =	vpush v2, $0x1;
	v4 =	vld [tilespmem:s23+$0x0];
	_ =	sdelay $0x1  }
0x5e9: {  	(v2sf) =	vpush v3, $0x9;
	[tilespmem:s21+$0xFFFFFE80] =	vst v0  }
0x5ea: {  	s6 =	spop (v2sf);
	(v2sf) =	vpush v3, $0xA;
	v0 =	vld [tilespmem:s15+$0x10]  }
0x5eb: {  	v5 =	vld [tilespmem:s6+$0x0];
	(v2sf) =	vpush v3, $0xB;
	s26 =	spop (v2sf)  }
0x5ec: {  	(v2sf) =	vpush v3, $0xC;
	[tilespmem:s21+$0xA0] =	vst v4;
	v4 =	vld [tilespmem:s26+$0x0]  }
0x5ed: {  	(v2sf) =	vpush v3, $0xD;
	s18 =	spop (v2sf);
	v6 =	vld [tilespmem:s23+$0x10]  }
0x5ee: {  	s17 =	spop (v2sf)  }
0x5ef: {  	s19 =	simm.s32 $0x8A00;
	s9 =	spop (v2sf);
	[tilespmem:s21+$0xFFFFFE90] =	vst v0  }
0x5f0: {  	[tilespmem:s19+$0x0] =	vst v5;
	(v2sf) =	vpush v1, $0x7;
	s23 =	spop (v2sf);
	v0 =	vld [tilespmem:s0+$0x0]  }
0x5f1: {  	v5 =	vld [tilespmem:s6+$0x10];
	(v2sf) =	vpush v3, $0xE;
	s5 =	spop (v2sf);
	[tilespmem:s19+$0xFFFFFE00] =	vst v4  }
0x5f2: {  	(v2sf) =	vpush v3, $0xF;
	s16 =	spop (v2sf);
	[tilespmem:s21+$0xB0] =	vst v6;
	v3 =	vld [tilespmem:s26+$0x10]  }
0x5f3: {  	s15 =	spop (v2sf);
	v4 =	vld [tilespmem:s5+$0x0]  }
0x5f4: {  	(v2sf) =	vpush v2, $0x2;
	s12 =	spop (v2sf)  }
0x5f5: {  	s10 =	spop (v2sf);
	[tilespmem:s21+$0xFFFFFEA0] =	vst v0  }
0x5f6: {  	[tilespmem:s19+$0x10] =	vst v5;
	s20 =	spop (v2sf);
	v0 =	vld [tilespmem:s0+$0x10]  }
0x5f7: {  	v5 =	vld [tilespmem:s20+$0x0];
	[tilespmem:s19+$0xFFFFFE10] =	vst v3  }
0x5f8: {  	s6 =	spop (v2sf);
	[tilespmem:s21+$0xC0] =	vst v4;
	v3 =	vld [tilespmem:s18+$0x0]  }
0x5f9: {  	v4 =	vld [tilespmem:s5+$0x10];
	s5 =	spop (v2sf)  }
0x5fa: {  	s1 =	spop (v2sf)  }
0x5fb: {  	[tilespmem:s21+$0xFFFFFEB0] =	vst v0;
	s8 =	spop (v2sf)  }
0x5fc: {  	[tilespmem:s19+$0x20] =	vst v5;
	s26 =	spop (v2sf)  }
0x5fd: {  	v5 =	vld [tilespmem:s20+$0x10];
	[smem:$0x7F3] =	sst s26  }
0x5fe: {  	(v2sf) =	vpush v1, $0x8;
	[tilespmem:s19+$0xFFFFFE20] =	vst v3  }
0x5ff: {  	s0 =	spop (v2sf);
	v3 =	vld [tilespmem:s18+$0x10]  }
0x600: {  	(v2sf) =	vpush v2, $0x3;
	s26 =	spop (v2sf)  }
0x601: {  	v0 =	vld [tilespmem:s22+$0x0];
	[tilespmem:s21+$0xD0] =	vst v4;
	s20 =	spop (v2sf)  }
0x602: {  	v4 =	vld [tilespmem:s0+$0x0];
	[dreg:$0x7] =	wrdreg s20  }
0x603: {  	s20 =	spop (v2sf);
	[tilespmem:s19+$0x30] =	vst v5  }
0x604: {  	v5 =	vld [tilespmem:s20+$0x0];
	[tilespmem:s19+$0xFFFFFE30] =	vst v3  }
0x605: {  	v3 =	vld [tilespmem:s17+$0x0]  }
0x606: {  	[tilespmem:s21+$0xFFFFFEC0] =	vst v0  }
0x607: {  	v0 =	vld [tilespmem:s22+$0x10];
	[tilespmem:s21+$0xE0] =	vst v4  }
0x608: {  	v4 =	vld [tilespmem:s0+$0x10]  }
0x609: {  	[tilespmem:s19+$0x40] =	vst v5  }
0x60a: {  	(v2sf) =	vpush v1, $0x9;
	v5 =	vld [tilespmem:s20+$0x10];
	[tilespmem:s19+$0xFFFFFE40] =	vst v3  }
0x60b: {  	v3 =	vld [tilespmem:s17+$0x10]  }
0x60c: {  	(v2sf) =	vpush v2, $0x4;
	[tilespmem:s21+$0xFFFFFED0] =	vst v0  }
0x60d: {  	s18 =	spop (v2sf);
	v0 =	vld [tilespmem:s14+$0x0];
	[tilespmem:s21+$0xF0] =	vst v4  }
0x60e: {  	v4 =	vld [tilespmem:s18+$0x0]  }
0x60f: {  	s20 =	spop (v2sf);
	[tilespmem:s19+$0x50] =	vst v5  }
0x610: {  	v5 =	vld [tilespmem:s20+$0x0];
	[tilespmem:s19+$0xFFFFFE50] =	vst v3  }
0x611: {  	s22 =	simm.s32 $0x8050;
	v3 =	vld [tilespmem:s9+$0x0]  }
0x612: {  	v6 =	vld [tilespmem:s22+$0x0];
	[tilespmem:s21+$0xFFFFFEE0] =	vst v0  }
0x613: {  	v0 =	vld [tilespmem:s14+$0x10];
	[tilespmem:s21+$0x100] =	vst v4  }
0x614: {  	v4 =	vld [tilespmem:s18+$0x10]  }
0x615: {  	v7 =	vld [tilespmem:s22+$0xFFFFFFF0];
	[tilespmem:s19+$0x60] =	vst v5  }
0x616: {  	(v2sf) =	vpush v1, $0xA;
	v5 =	vld [tilespmem:s20+$0x10];
	[tilespmem:s19+$0xFFFFFE60] =	vst v3  }
0x617: {  	v3 =	vld [tilespmem:s9+$0x10]  }
0x618: {  	(v2sf) =	vpush v2, $0x5;
	[tilespmem:s21+$0xFFFFFEF0] =	vst v0  }
0x619: {  	v0 =	vshll.u32 v6, $0x5;
	v8 =	vld [tilespmem:s13+$0x0];
	[tilespmem:s21+$0x110] =	vst v4;
	s9 =	spop (v2sf)  }
0x61a: {  	(v2sf) =	vpush v0, $0x0;
	v4 =	vld [tilespmem:s9+$0x0]  }
0x61b: {  	s14 =	spop (v2sf);
	[tilespmem:s19+$0x70] =	vst v5;
	v5 =	vshll.u32 v7, $0x5  }
0x61c: {  	v6 =	vld [tilespmem:s14+$0x0];
	(v2sf) =	vpush v5, $0x0;
	[tilespmem:s19+$0xFFFFFE70] =	vst v3  }
0x61d: {  	(v2sf) =	vpush v1, $0xB;
	v3 =	vld [tilespmem:s23+$0x0]  }
0x61e: {  	[tilespmem:s21+$0xFFFFFF00] =	vst v8;
	(v2sf) =	vpush v5, $0x1  }
0x61f: {  	v7 =	vld [tilespmem:s13+$0x10];
	(v2sf) =	vpush v5, $0x2;
	[tilespmem:s21+$0x120] =	vst v4  }
0x620: {  	(v2sf) =	vpush v5, $0x3;
	v4 =	vld [tilespmem:s9+$0x10]  }
0x621: {  	[tilespmem:s19+$0x80] =	vst v6;
	(v2sf) =	vpush v5, $0x4  }
0x622: {  	v6 =	vld [tilespmem:s14+$0x10];
	(v2sf) =	vpush v2, $0x6;
	[tilespmem:s19+$0xFFFFFE80] =	vst v3  }
0x623: {  	(v2sf) =	vpush v5, $0x5;
	v3 =	vld [tilespmem:s23+$0x10]  }
0x624: {  	[tilespmem:s21+$0xFFFFFF10] =	vst v7;
	(v2sf) =	vpush v5, $0x6  }
0x625: {  	s17 =	spop (v2sf);
	v7 =	vld [tilespmem:s11+$0x0];
	(v2sf) =	vpush v5, $0x7;
	[tilespmem:s21+$0x130] =	vst v4  }
0x626: {  	(v2sf) =	vpush v5, $0x8;
	v4 =	vld [tilespmem:s17+$0x0]  }
0x627: {  	s22 =	spop (v2sf);
	[tilespmem:s19+$0x90] =	vst v6;
	(v2sf) =	vpush v0, $0x1  }
0x628: {  	v6 =	vld [tilespmem:s22+$0x0];
	[tilespmem:s19+$0xFFFFFE90] =	vst v3  }
0x629: {  	s23 =	spop (v2sf);
	(v2sf) =	vpush v5, $0x9;
	v3 =	vld [tilespmem:s16+$0x0]  }
0x62a: {  	[tilespmem:s21+$0xFFFFFF20] =	vst v7;
	(v2sf) =	vpush v1, $0xC;
	v7 =	vld [tilespmem:s23+$0x0]  }
0x62b: {  	v8 =	vld [tilespmem:s11+$0x10];
	(v2sf) =	vpush v5, $0xA;
	s18 =	spop (v2sf);
	[tilespmem:s21+$0x140] =	vst v4  }
0x62c: {  	s20 =	spop (v2sf);
	v4 =	vld [tilespmem:s17+$0x10]  }
0x62d: {  	(v2sf) =	vpush v5, $0xB;
	v9 =	vld [tilespmem:s18+$0x0];
	[tilespmem:s19+$0xA0] =	vst v6;
	s17 =	spop (v2sf)  }
0x62e: {  	v6 =	vld [tilespmem:s22+$0x10];
	s9 =	spop (v2sf);
	s22 =	simm.s32 $0x8E00;
	[tilespmem:s19+$0xFFFFFEA0] =	vst v3  }
0x62f: {  	(v2sf) =	vpush v5, $0xC;
	s0 =	spop (v2sf);
	[tilespmem:s22+$0x0] =	vst v7;
	v3 =	vld [tilespmem:s16+$0x10]  }
0x630: {  	(v2sf) =	vpush v5, $0xD;
	[tilespmem:s21+$0xFFFFFF30] =	vst v8;
	s31 =	spop (v2sf);
	v7 =	vld [tilespmem:s23+$0x10]  }
0x631: {  	(v2sf) =	vpush v2, $0x7;
	v8 =	vld [tilespmem:s24+$0x0];
	s23 =	spop (v2sf);
	[tilespmem:s21+$0x150] =	vst v4  }
0x632: {  	(v2sf) =	vpush v5, $0xE;
	[tilespmem:s22+$0xFFFFFE00] =	vst v9;
	s14 =	spop (v2sf);
	v4 =	vld [tilespmem:s20+$0x0]  }
0x633: {  	(v2sf) =	vpush v5, $0xF;
	[tilespmem:s19+$0xB0] =	vst v6;
	s11 =	spop (v2sf);
	v6 =	vld [tilespmem:s18+$0x10]  }
0x634: {  	(v2sf) =	vpush v0, $0x2;
	v5 =	vld [tilespmem:s23+$0x0];
	s13 =	spop (v2sf);
	[tilespmem:s19+$0xFFFFFEB0] =	vst v3  }
0x635: {  	s16 =	spop (v2sf);
	[tilespmem:s22+$0x10] =	vst v7;
	v3 =	vld [tilespmem:s15+$0x0]  }
0x636: {  	[tilespmem:s21+$0xFFFFFF40] =	vst v8;
	s18 =	spop (v2sf)  }
0x637: {  	v7 =	vld [tilespmem:s18+$0x0];
	[tilespmem:s21+$0x160] =	vst v4  }
0x638: {  	v8 =	vld [tilespmem:s24+$0x10];
	s29 =	spop (v2sf);
	[tilespmem:s22+$0xFFFFFE10] =	vst v6  }
0x639: {  	v4 =	vld [tilespmem:s20+$0x10];
	s20 =	spop (v2sf);
	[tilespmem:s19+$0xC0] =	vst v5  }
0x63a: {  	v6 =	vld [tilespmem:s17+$0x0];
	s24 =	spop (v2sf);
	[tilespmem:s19+$0xFFFFFEC0] =	vst v3  }
0x63b: {  	v5 =	vld [tilespmem:s23+$0x10];
	[dreg:$0xf] =	wrdreg s24  }
0x63c: {  	s24 =	spop (v2sf);
	[tilespmem:s22+$0x20] =	vst v7  }
0x63d: {  	v3 =	vld [tilespmem:s15+$0x10];
	[dreg:$0xb] =	wrdreg s24  }
0x63e: {  	s30 =	spop (v2sf);
	v7 =	vld [tilespmem:s18+$0x10];
	[tilespmem:s21+$0xFFFFFF50] =	vst v8  }
0x63f: {  	(v2sf) =	vpush v1, $0xD;
	s28 =	spop (v2sf);
	[tilespmem:s21+$0x170] =	vst v4;
	v8 =	vld [tilespmem:s2+$0x0]  }
0x640: {  	(v2sf) =	vpush v2, $0x8;
	[tilespmem:s19+$0xD0] =	vst v5;
	s15 =	spop (v2sf);
	v4 =	vld [tilespmem:s20+$0x0]  }
0x641: {  	[tilespmem:s22+$0xFFFFFE20] =	vst v6;
	v5 =	vld [tilespmem:s15+$0x0];
	s24 =	spop (v2sf)  }
0x642: {  	(v2sf) =	vpush v0, $0x3;
	v6 =	vld [tilespmem:s17+$0x10];
	s23 =	spop (v2sf);
	[tilespmem:s19+$0xFFFFFED0] =	vst v3  }
0x643: {  	s18 =	spop (v2sf);
	v3 =	vld [tilespmem:s12+$0x0];
	[tilespmem:s22+$0x30] =	vst v7  }
0x644: {  	[tilespmem:s21+$0xFFFFFF60] =	vst v8;
	v7 =	vld [tilespmem:s18+$0x0]  }
0x645: {  	[tilespmem:s21+$0x180] =	vst v4;
	v8 =	vld [tilespmem:s2+$0x10]  }
0x646: {  	(v2sf) =	vpush v1, $0xE;
	[tilespmem:s19+$0xE0] =	vst v5;
	v4 =	vld [tilespmem:s20+$0x10]  }
0x647: {  	(v2sf) =	vpush v2, $0x9;
	[tilespmem:s22+$0xFFFFFE30] =	vst v6;
	v5 =	vld [tilespmem:s15+$0x10]  }
0x648: {  	(v2sf) =	vpush v0, $0x4;
	v6 =	vld [tilespmem:s9+$0x0];
	s15 =	simm.s32 $0x8070  }
0x649: {  	(v2sf) =	vpush v1, $0xF;
	v1 =	vld [tilespmem:s15+$0x0]  }
0x64a: {  	v60 =	vld [tilespmem:s15+$0xFFFFFFF0];
	[tilespmem:s19+$0xFFFFFEE0] =	vst v3  }
0x64b: {  	v3 =	vld [tilespmem:s12+$0x10];
	[tilespmem:s22+$0x40] =	vst v7  }
0x64c: {  	v7 =	vld [tilespmem:s18+$0x10];
	[tilespmem:s21+$0xFFFFFF70] =	vst v8  }
0x64d: {  	[tilespmem:s22+$0xFFFFFE40] =	vst v6;
	v8 =	vld [tilespmem:s4+$0x0]  }
0x64e: {  	s17 =	spop (v2sf);
	[tilespmem:s21+$0x190] =	vst v4;
	v6 =	vld [tilespmem:s9+$0x10]  }
0x64f: {  	[tilespmem:s19+$0xF0] =	vst v5;
	s18 =	spop (v2sf);
	v4 =	vld [tilespmem:s17+$0x0]  }
0x650: {  	v5 =	vld [tilespmem:s18+$0x0];
	[tilespmem:s19+$0xFFFFFEF0] =	vst v3  }
0x651: {  	s20 =	spop (v2sf);
	v3 =	vld [tilespmem:s10+$0x0];
	[tilespmem:s22+$0x50] =	vst v7  }
0x652: {  	[tilespmem:s21+$0xFFFFFF80] =	vst v8;
	v7 =	vld [tilespmem:s20+$0x0]  }
0x653: {  	[tilespmem:s22+$0xFFFFFE50] =	vst v6;
	v8 =	vld [tilespmem:s4+$0x10]  }
0x654: {  	[tilespmem:s21+$0x1A0] =	vst v4;
	v6 =	vld [tilespmem:s0+$0x0]  }
0x655: {  	[tilespmem:s19+$0x100] =	vst v5;
	v4 =	vld [tilespmem:s17+$0x10]  }
0x656: {  	v5 =	vld [tilespmem:s18+$0x10];
	[tilespmem:s19+$0xFFFFFF00] =	vst v3  }
0x657: {  	(v2sf) =	vpush v2, $0xA;
	v3 =	vld [tilespmem:s10+$0x10];
	[tilespmem:s22+$0x60] =	vst v7  }
0x658: {  	(v2sf) =	vpush v0, $0x5;
	v1 =	vshll.u32 v1, $0x5;
	v7 =	vld [tilespmem:s20+$0x10];
	[tilespmem:s21+$0xFFFFFF90] =	vst v8  }
0x659: {  	(v2sf) =	vpush v1, $0x0;
	[tilespmem:s22+$0xFFFFFE60] =	vst v6;
	v8 =	vld [tilespmem:s3+$0x0]  }
0x65a: {  	s17 =	spop (v2sf);
	[tilespmem:s21+$0x1B0] =	vst v4;
	v4 =	vld [tilespmem:s0+$0x10]  }
0x65b: {  	s18 =	spop (v2sf);
	[tilespmem:s19+$0x110] =	vst v5;
	v6 =	vld [tilespmem:s17+$0x0]  }
0x65c: {  	v5 =	vld [tilespmem:s18+$0x0];
	[tilespmem:s19+$0xFFFFFF10] =	vst v3  }
0x65d: {  	s20 =	spop (v2sf);
	v3 =	vld [tilespmem:s6+$0x0];
	[tilespmem:s22+$0x70] =	vst v7  }
0x65e: {  	[tilespmem:s21+$0xFFFFFFA0] =	vst v8;
	v7 =	vld [tilespmem:s20+$0x0]  }
0x65f: {  	[tilespmem:s22+$0xFFFFFE70] =	vst v4;
	v8 =	vld [tilespmem:s3+$0x10]  }
0x660: {  	[tilespmem:s21+$0x1C0] =	vst v6;
	v4 =	vshll.u32 v60, $0x5;
	v6 =	vld [tilespmem:s31+$0x0]  }
0x661: {  	[tilespmem:s19+$0x120] =	vst v5;
	v61 =	vld [tilespmem:s17+$0x10];
	(v2sf) =	vpush v4, $0x0  }
0x662: {  	v5 =	vld [tilespmem:s18+$0x10];
	(v2sf) =	vpush v2, $0xB;
	[tilespmem:s19+$0xFFFFFF20] =	vst v3  }
0x663: {  	(v2sf) =	vpush v4, $0x1;
	v3 =	vld [tilespmem:s6+$0x10];
	[tilespmem:s22+$0x80] =	vst v7  }
0x664: {  	(v2sf) =	vpush v4, $0x2;
	[tilespmem:s21+$0xFFFFFFB0] =	vst v8;
	v7 =	vld [tilespmem:s20+$0x10]  }
0x665: {  	s4 =	spop (v2sf);
	(v2sf) =	vpush v4, $0x3;
	[tilespmem:s22+$0xFFFFFE80] =	vst v6;
	v8 =	vld [tilespmem:s7+$0x0]  }
0x666: {  	s6 =	spop (v2sf);
	[tilespmem:s21+$0x1D0] =	vst v61;
	(v2sf) =	vpush v4, $0x4;
	v6 =	vld [tilespmem:s31+$0x10]  }
0x667: {  	s9 =	spop (v2sf);
	[tilespmem:s19+$0x130] =	vst v5;
	v9 =	vld [tilespmem:s4+$0x0];
	(v2sf) =	vpush v0, $0x6  }
0x668: {  	s10 =	spop (v2sf);
	v5 =	vld [tilespmem:s6+$0x0];
	(v2sf) =	vpush v4, $0x5;
	[tilespmem:s19+$0xFFFFFF30] =	vst v3  }
0x669: {  	v62 =	vld [tilespmem:s10+$0x0];
	(v2sf) =	vpush v4, $0x6;
	[tilespmem:s22+$0x90] =	vst v7  }
0x66a: {  	v3 =	vld [tilespmem:s5+$0x0];
	(v2sf) =	vpush v4, $0x7;
	[tilespmem:s21+$0xFFFFFFC0] =	vst v8  }
0x66b: {  	(v2sf) =	vpush v4, $0x8;
	v7 =	vld [tilespmem:s9+$0x0];
	[tilespmem:s22+$0xFFFFFE90] =	vst v6  }
0x66c: {  	[tilespmem:s21+$0x1E0] =	vst v9;
	(v2sf) =	vpush v1, $0x1;
	v8 =	vld [tilespmem:s7+$0x10]  }
0x66d: {  	s31 =	simm.s32 $0x9200;
	[tilespmem:s19+$0x140] =	vst v5;
	v6 =	vld [tilespmem:s14+$0x0];
	(v2sf) =	vpush v4, $0x9  }
0x66e: {  	[tilespmem:s31+$0x0] =	vst v62;
	v5 =	vld [tilespmem:s6+$0x10];
	(v2sf) =	vpush v2, $0xC  }
0x66f: {  	v9 =	vld [tilespmem:s4+$0x10];
	[tilespmem:s19+$0xFFFFFF40] =	vst v3;
	(v2sf) =	vpush v4, $0xA  }
0x670: {  	v3 =	vld [tilespmem:s5+$0x10];
	s17 =	spop (v2sf);
	(v2sf) =	vpush v4, $0xB;
	[tilespmem:s22+$0xA0] =	vst v7  }
0x671: {  	s18 =	spop (v2sf);
	[tilespmem:s21+$0xFFFFFFD0] =	vst v8;
	v7 =	vld [tilespmem:s9+$0x10]  }
0x672: {  	(v2sf) =	vpush v4, $0xC;
	[tilespmem:s22+$0xFFFFFEA0] =	vst v6;
	s7 =	spop (v2sf);
	v8 =	vld [tilespmem:s25+$0x0]  }
0x673: {  	(v2sf) =	vpush v4, $0xD;
	[tilespmem:s19+$0x150] =	vst v5;
	v6 =	vld [tilespmem:s14+$0x10];
	s2 =	spop (v2sf)  }
0x674: {  	[tilespmem:s21+$0x1F0] =	vst v9;
	v5 =	vld [tilespmem:s18+$0x0];
	s15 =	spop (v2sf)  }
0x675: {  	v9 =	vld [tilespmem:s10+$0x10];
	(v2sf) =	vpush v0, $0x7;
	[tilespmem:s19+$0xFFFFFF50] =	vst v3;
	s12 =	spop (v2sf)  }
0x676: {  	v3 =	vld [tilespmem:s1+$0x0];
	s20 =	spop (v2sf);
	[tilespmem:s22+$0xB0] =	vst v7  }
0x677: {  	s9 =	spop (v2sf);
	[tilespmem:s21+$0xFFFFFFE0] =	vst v8;
	v8 =	vld [tilespmem:s17+$0x0]  }
0x678: {  	v7 =	vld [tilespmem:s20+$0x0];
	[tilespmem:s22+$0xFFFFFEB0] =	vst v6;
	s6 =	spop (v2sf)  }
0x679: {  	[tilespmem:s19+$0x160] =	vst v5;
	v6 =	vld [tilespmem:s11+$0x0];
	s5 =	spop (v2sf)  }
0x67a: {  	[tilespmem:s31+$0x10] =	vst v9;
	v5 =	vld [tilespmem:s18+$0x10];
	s4 =	spop (v2sf)  }
0x67b: {  	[tilespmem:s19+$0xFFFFFF60] =	vst v3;
	s18 =	spop (v2sf)  }
0x67c: {  	(v2sf) =	vpush v4, $0xE;
	v3 =	vld [tilespmem:s1+$0x10];
	s14 =	spop (v2sf);
	[tilespmem:s31+$0xFFFFFE00] =	vst v8  }
0x67d: {  	(v2sf) =	vpush v4, $0xF;
	[tilespmem:s22+$0xC0] =	vst v7;
	v4 =	vld [tilespmem:s17+$0x10];
	s17 =	spop (v2sf)  }
0x67e: {  	v7 =	vld [tilespmem:s20+$0x10];
	[tilespmem:s22+$0xFFFFFEC0] =	vst v6;
	s10 =	spop (v2sf)  }
0x67f: {  	[tilespmem:s19+$0x170] =	vst v5;
	v6 =	vld [tilespmem:s11+$0x10];
	s11 =	spop (v2sf)  }
0x680: {  	(v2sf) =	vpush v1, $0x2;
	v8 =	vld [tilespmem:s18+$0x0];
	[dreg:$0x17] =	wrdreg s11  }
0x681: {  	(v2sf) =	vpush v2, $0xD;
	s1 =	spop (v2sf);
	[tilespmem:s19+$0xFFFFFF70] =	vst v3  }
0x682: {  	s20 =	spop (v2sf);
	[tilespmem:s31+$0xFFFFFE10] =	vst v4;
	v4 =	vld [tilespmem:s17+$0x0]  }
0x683: {  	v5 =	vld [tilespmem:s7+$0x0];
	[dreg:$0x13] =	wrdreg s20  }
0x684: {  	s3 =	spop (v2sf);
	v3 =	vld [tilespmem:s8+$0x0];
	[tilespmem:s22+$0xD0] =	vst v7  }
0x685: {  	(v2sf) =	vpush v0, $0x8;
	[tilespmem:s22+$0xFFFFFED0] =	vst v6;
	v7 =	vld [tilespmem:s3+$0x0]  }
0x686: {  	[tilespmem:s31+$0x20] =	vst v8;
	v6 =	vld [tilespmem:s13+$0x0]  }
0x687: {  	v8 =	vld [tilespmem:s18+$0x10];
	[tilespmem:s19+$0x180] =	vst v4  }
0x688: {  	v4 =	vld [tilespmem:s17+$0x10];
	[tilespmem:s31+$0xFFFFFE20] =	vst v5  }
0x689: {  	v5 =	vld [tilespmem:s7+$0x10];
	[tilespmem:s19+$0xFFFFFF80] =	vst v3  }
0x68a: {  	v3 =	vld [tilespmem:s8+$0x10];
	[tilespmem:s22+$0xE0] =	vst v7  }
0x68b: {  	[tilespmem:s22+$0xFFFFFEE0] =	vst v6  }
0x68c: {  	(v2sf) =	vpush v1, $0x3;
	[tilespmem:s31+$0x30] =	vst v8  }
0x68d: {  	(v2sf) =	vpush v2, $0xE;
	s11 =	spop (v2sf);
	[tilespmem:s19+$0x190] =	vst v4  }
0x68e: {  	s7 =	spop (v2sf);
	v6 =	vld [tilespmem:s13+$0x10];
	[tilespmem:s31+$0xFFFFFE30] =	vst v5  }
0x68f: {  	v7 =	vld [tilespmem:s3+$0x10];
	s13 =	spop (v2sf);
	[tilespmem:s19+$0xFFFFFF90] =	vst v3  }
0x690: {  	v8 =	vld [tilespmem:s13+$0x0];
	s17 =	spop (v2sf);
	s18 =	sld [smem:$0x7F3]  }
0x691: {  	v4 =	vld [tilespmem:s17+$0x0]  }
0x692: {  	v5 =	vld [tilespmem:s2+$0x0]  }
0x693: {  	[tilespmem:s22+$0xFFFFFEF0] =	vst v6;
	v3 =	vld [tilespmem:s18+$0x0]  }
0x694: {  	s20 =	spop (v2sf);
	[tilespmem:s22+$0xF0] =	vst v7;
	v6 =	vld [tilespmem:s16+$0x0]  }
0x695: {  	v7 =	vld [tilespmem:s20+$0x0];
	[tilespmem:s31+$0x40] =	vst v8  }
0x696: {  	v8 =	vld [tilespmem:s13+$0x10];
	[tilespmem:s19+$0x1A0] =	vst v4  }
0x697: {  	v63 =	vld [tilespmem:s17+$0x10];
	[tilespmem:s31+$0xFFFFFE40] =	vst v5  }
0x698: {  	v10 =	vld [tilespmem:s2+$0x10];
	[tilespmem:s19+$0xFFFFFFA0] =	vst v3  }
0x699: {  	[tilespmem:s22+$0xFFFFFF00] =	vst v6;
	v11 =	vld [tilespmem:s18+$0x10]  }
0x69a: {  	(v2sf) =	vpush v0, $0x9;
	[tilespmem:s22+$0x100] =	vst v7;
	v4 =	vld [tilespmem:s16+$0x10]  }
0x69b: {  	s17 =	spop (v2sf);
	[tilespmem:s31+$0x50] =	vst v8;
	v3 =	vld [tilespmem:s20+$0x10]  }
0x69c: {  	(v2sf) =	vpush v1, $0x4;
	s13 =	spop (v2sf);
	v5 =	vld [tilespmem:s17+$0x0];
	[tilespmem:s19+$0x1B0] =	vst v63  }
0x69d: {  	(v2sf) =	vpush v2, $0xF;
	[tilespmem:s31+$0xFFFFFE50] =	vst v10;
	v2 =	vld [tilespmem:s13+$0x0]  }
0x69e: {  	s8 =	simm.s32 $0x6;
	(v2sf) =	vpush v0, $0xA;
	s2 =	simm.s32 $0x8090;
	v6 =	vld [tilespmem:s15+$0x0];
	[tilespmem:s19+$0xFFFFFFB0] =	vst v11  }
.LBB2_8:
0x69f: {  	_ =	sdelay $0x6  }
0x6a0: {  	v7 =	vld [tilespmem:s2+$0x0];
	[tilespmem:s31+$0x60] =	vst v5  }
0x6a1: {  	v5 =	vld [tilespmem:s17+$0x10];
	[tilespmem:s31+$0xFFFFFE60] =	vst v6  }
0x6a2: {  	v8 =	vld [tilespmem:s2+$0xFFFFFFF0];
	[tilespmem:s22+$0xFFFFFF10] =	vst v4  }
0x6a3: {  	[tilespmem:s22+$0x110] =	vst v3;
	v4 =	vld [tilespmem:s15+$0x10];
	s16 =	spop (v2sf)  }
0x6a4: {  	v3 =	vld [tilespmem:s16+$0x0]  }
0x6a5: {  	[tilespmem:s19+$0x1C0] =	vst v2  }
0x6a6: {  	v6 =	vld [tilespmem:s13+$0x10]  }
0x6a7: {  	(v2sf) =	vpush v1, $0x5;
	s15 =	spop (v2sf);
	[tilespmem:s31+$0x70] =	vst v5;
	v5 =	vld [tilespmem:s29+$0x0]  }
0x6a8: {  	[tilespmem:s31+$0xFFFFFE70] =	vst v4;
	v9 =	vld [tilespmem:s15+$0x0]  }
0x6a9: {  	v4 =	vld [tilespmem:s26+$0x0];
	[tilespmem:s22+$0x120] =	vst v3  }
0x6aa: {  	v3 =	vld [tilespmem:s16+$0x10]  }
0x6ab: {  	v2 =	vshll.u32 v7, $0x5;
	s17 =	spop (v2sf);
	[tilespmem:s19+$0x1D0] =	vst v6;
	v6 =	vshll.u32 v8, $0x5;
	v8 =	vld [tilespmem:s12+$0x0]  }
0x6ac: {  	(v2sf) =	vpush v2, $0x0;
	[tilespmem:s22+$0xFFFFFF20] =	vst v5;
	v7 =	vld [tilespmem:s17+$0x0]  }
0x6ad: {  	(v2sf) =	vpush v6, $0x0;
	[tilespmem:s31+$0x80] =	vst v9  }
0x6ae: {  	v5 =	vld [tilespmem:s29+$0x10];
	[tilespmem:s19+$0xFFFFFFC0] =	vst v4;
	(v2sf) =	vpush v0, $0xB  }
0x6af: {  	s18 =	spop (v2sf);
	v9 =	vld [tilespmem:s15+$0x10];
	(v2sf) =	vpush v6, $0x1;
	[tilespmem:s22+$0x130] =	vst v3  }
0x6b0: {  	(v2sf) =	vpush v6, $0x2;
	[tilespmem:s31+$0xFFFFFE80] =	vst v8;
	v3 =	vld [tilespmem:s18+$0x0]  }
0x6b1: {  	(v2sf) =	vpush v6, $0x3;
	[tilespmem:s19+$0x1E0] =	vst v7;
	v7 =	vld [tilespmem:s26+$0x10]  }
0x6b2: {  	(v2sf) =	vpush v6, $0x4;
	v4 =	vld [tilespmem:s17+$0x10]  }
0x6b3: {  	v8 =	vld [tilespmem:s12+$0x10];
	[tilespmem:s22+$0xFFFFFF30] =	vst v5;
	(v2sf) =	vpush v1, $0x6  }
0x6b4: {  	s20 =	rddreg [dreg:$0xf];
	[tilespmem:s31+$0x90] =	vst v9;
	(v2sf) =	vpush v6, $0x5  }
0x6b5: {  	v5 =	vld [tilespmem:s20+$0x0];
	(v2sf) =	vpush v6, $0x6;
	[tilespmem:s22+$0x140] =	vst v3  }
0x6b6: {  	s0 =	smov.u32 s24;
	s24 =	spop (v2sf);
	(v2sf) =	vpush v6, $0x7;
	v3 =	vld [tilespmem:s25+$0x10];
	[tilespmem:s19+$0xFFFFFFD0] =	vst v7  }
0x6b7: {  	s25 =	rddreg [dreg:$0x7];
	(v2sf) =	vpush v6, $0x8;
	v9 =	vld [tilespmem:s24+$0x0];
	[tilespmem:s19+$0x1F0] =	vst v4  }
0x6b8: {  	[tilespmem:s31+$0xFFFFFE90] =	vst v8;
	s26 =	smov.u32 s25;
	(v2sf) =	vpush v2, $0x1;
	v4 =	vld [tilespmem:s18+$0x10]  }
0x6b9: {  	(v2sf) =	vpush v6, $0x9;
	v7 =	vld [tilespmem:s26+$0x0]  }
0x6ba: {  	v8 =	vld [tilespmem:s9+$0x0];
	[tilespmem:s22+$0xFFFFFF40] =	vst v5;
	(v2sf) =	vpush v0, $0xC  }
0x6bb: {  	s16 =	spop (v2sf);
	v5 =	vld [tilespmem:s20+$0x10];
	(v2sf) =	vpush v6, $0xA;
	[tilespmem:s21+$0xFFFFFFF0] =	vst v3  }
0x6bc: {  	s25 =	smov.u32 s19;
	s19 =	smov.u32 s22;
	v3 =	vld [tilespmem:s16+$0x0];
	s17 =	spop (v2sf);
	(v2sf) =	vpush v6, $0xB;
	[tilespmem:s31+$0xA0] =	vst v9  }
0x6bd: {  	s15 =	smov.u32 s23;
	(v2sf) =	vpush v6, $0xC;
	s23 =	spop (v2sf);
	v9 =	vld [tilespmem:s24+$0x10];
	[tilespmem:s19+$0x150] =	vst v4  }
0x6be: {  	s20 =	spop (v2sf);
	(v2sf) =	vpush v6, $0xD;
	[tilespmem:s25+$0xFFFFFFE0] =	vst v7;
	v4 =	vld [tilespmem:s23+$0x0]  }
0x6bf: {  	[dreg:$0x7] =	wrdreg s15;
	s22 =	smov.u32 s31;
	v7 =	vld [tilespmem:s17+$0x0];
	s13 =	spop (v2sf);
	[tilespmem:s31+$0xFFFFFEA0] =	vst v8;
	(v2sf) =	vpush v1, $0x7  }
0x6c0: {  	s18 =	rddreg [dreg:$0xb];
	s31 =	sadd.s32 $0x400, s31;
	s15 =	spop (v2sf);
	(v2sf) =	vpush v6, $0xE;
	v8 =	vld [tilespmem:s9+$0x10];
	[tilespmem:s19+$0xFFFFFF50] =	vst v5  }
0x6c1: {  	[tilespmem:s31+$0x0] =	vst v3;
	s12 =	spop (v2sf);
	(v2sf) =	vpush v6, $0xF;
	v3 =	vld [tilespmem:s18+$0x0]  }
0x6c2: {  	v5 =	vld [tilespmem:s16+$0x10];
	s24 =	spop (v2sf);
	[tilespmem:s22+$0xB0] =	vst v9  }
0x6c3: {  	[dreg:$0x1b] =	wrdreg s0;
	s9 =	spop (v2sf);
	v6 =	vld [tilespmem:s24+$0x0];
	[tilespmem:s19+$0x160] =	vst v4  }
0x6c4: {  	s0 =	smov.u32 s1;
	s1 =	smov.u32 s11;
	[tilespmem:s31+$0xFFFFFE00] =	vst v7;
	s11 =	spop (v2sf);
	(v2sf) =	vpush v2, $0x2;
	v4 =	vld [tilespmem:s23+$0x10]  }
0x6c5: {  	v7 =	vld [tilespmem:s17+$0x10];
	s17 =	spop (v2sf);
	[tilespmem:s22+$0xFFFFFEB0] =	vst v8  }
0x6c6: {  	s16 =	spop (v2sf);
	v8 =	vld [tilespmem:s6+$0x0];
	[tilespmem:s19+$0xFFFFFF60] =	vst v3;
	(v2sf) =	vpush v0, $0xD  }
0x6c7: {  	[tilespmem:s31+$0x10] =	vst v5;
	s23 =	spop (v2sf);
	v3 =	vld [tilespmem:s18+$0x10]  }
0x6c8: {  	s3 =	smov.u32 s14;
	v5 =	vld [tilespmem:s23+$0x0];
	s14 =	spop (v2sf);
	[tilespmem:s22+$0xC0] =	vst v6  }
0x6c9: {  	s21 =	smov.u32 s10;
	s10 =	rddreg [dreg:$0x17];
	v6 =	vld [tilespmem:s24+$0x10];
	[tilespmem:s19+$0x170] =	vst v4;
	s24 =	spop (v2sf)  }
0x6ca: {  	s18 =	smov.u32 s10;
	[tilespmem:s31+$0xFFFFFE10] =	vst v7;
	s10 =	spop (v2sf);
	v4 =	vld [tilespmem:s24+$0x0]  }
0x6cb: {  	[dreg:$0xf] =	wrdreg s21;
	v7 =	vld [tilespmem:s20+$0x0];
	[tilespmem:s22+$0xFFFFFEC0] =	vst v8;
	s21 =	spop (v2sf);
	(v2sf) =	vpush v1, $0x8  }
0x6cc: {  	v8 =	vld [tilespmem:s6+$0x10];
	[tilespmem:s19+$0xFFFFFF70] =	vst v3;
	[dreg:$0x17] =	wrdreg s21;
	s21 =	spop (v2sf)  }
0x6cd: {  	[dreg:$0xb] =	wrdreg s18;
	[tilespmem:s31+$0x20] =	vst v5;
	v3 =	vld [tilespmem:s30+$0x0];
	s18 =	spop (v2sf)  }
0x6ce: {  	v5 =	vld [tilespmem:s23+$0x10];
	[tilespmem:s22+$0xD0] =	vst v6;
	s23 =	spop (v2sf)  }
0x6cf: {  	s6 =	smov.u32 s11;
	s11 =	spop (v2sf);
	v6 =	vld [tilespmem:s23+$0x0];
	[tilespmem:s19+$0x180] =	vst v4  }
0x6d0: {  	s29 =	smov.u32 s7;
	[tilespmem:s31+$0xFFFFFE20] =	vst v7;
	s7 =	spop (v2sf);
	(v2sf) =	vpush v2, $0x3;
	v4 =	vld [tilespmem:s24+$0x10]  }
0x6d1: {  	v7 =	vld [tilespmem:s20+$0x10];
	[tilespmem:s22+$0xFFFFFED0] =	vst v8  }
0x6d2: {  	v8 =	vld [tilespmem:s5+$0x0];
	[tilespmem:s19+$0xFFFFFF80] =	vst v3;
	(v2sf) =	vpush v0, $0xE  }
0x6d3: {  	[tilespmem:s31+$0x30] =	vst v5;
	s20 =	spop (v2sf);
	v3 =	vld [tilespmem:s30+$0x10]  }
0x6d4: {  	v5 =	vld [tilespmem:s20+$0x0];
	[tilespmem:s22+$0xE0] =	vst v6  }
0x6d5: {  	s30 =	smov.u32 s0;
	s0 =	spop (v2sf);
	v6 =	vld [tilespmem:s23+$0x10];
	[tilespmem:s19+$0x190] =	vst v4  }
0x6d6: {  	[tilespmem:s31+$0xFFFFFE30] =	vst v7;
	v4 =	vld [tilespmem:s0+$0x0]  }
0x6d7: {  	v7 =	vld [tilespmem:s13+$0x0];
	[tilespmem:s22+$0xFFFFFEE0] =	vst v8  }
0x6d8: {  	v8 =	vld [tilespmem:s5+$0x10];
	[tilespmem:s19+$0xFFFFFF90] =	vst v3  }
0x6d9: {  	[tilespmem:s31+$0x40] =	vst v5;
	v3 =	vld [tilespmem:s28+$0x0]  }
0x6da: {  	v5 =	vld [tilespmem:s20+$0x10];
	[tilespmem:s22+$0xF0] =	vst v6;
	s20 =	spop (v2sf)  }
0x6db: {  	v6 =	vld [tilespmem:s20+$0x0];
	[tilespmem:s19+$0x1A0] =	vst v4  }
0x6dc: {  	[tilespmem:s31+$0xFFFFFE40] =	vst v7;
	v4 =	vld [tilespmem:s0+$0x10]  }
0x6dd: {  	s8 =	sadd.s32 $0x2, s8;
	v7 =	vld [tilespmem:s13+$0x10];
	[tilespmem:s22+$0xFFFFFEF0] =	vst v8  }
0x6de: {  	p0 =	slt.u32 s8, $0x3E;
	s23 =	smov.u32 s29;
	v8 =	vld [tilespmem:s4+$0x0];
	[tilespmem:s19+$0xFFFFFFA0] =	vst v3  }
0x6df: {  	s29 =	smov.u32 s3;
	s5 =	smov.u32 s17;
	[tilespmem:s31+$0x50] =	vst v5;
	v63 =	vld [tilespmem:s28+$0x10];
	s17 =	spop (v2sf)  }
.Ltmp3:
0x6e0: {  	(v2sf) =	vpush v1, $0x9;
	s3 =	rddreg [dreg:$0x13];
	s13 =	smov.u32 s18;
	v5 =	vld [tilespmem:s17+$0x0];
	[tilespmem:s22+$0x100] =	vst v6;
	(pc) =	sbr.rel @p0 .LBB2_8-.Ltmp3, $4  }
0x6e1: {  	(v2sf) =	vpush v2, $0x4;
	[dreg:$0x13] =	wrdreg s13;
	s13 =	spop (v2sf);
	v3 =	vld [tilespmem:s20+$0x10];
	[tilespmem:s19+$0x1B0] =	vst v4  }
0x6e2: {  	s2 =	sadd.s32 $0x20, s2;
	s24 =	smov.u32 s1;
	(v2sf) =	vpush v0, $0xF;
	v0 =	vmov v1;
	v1 =	vmov v2;
	[tilespmem:s31+$0xFFFFFE50] =	vst v7;
	v2 =	vld [tilespmem:s13+$0x0]  }
0x6e3: {  	s1 =	smov.u32 s21;
	s21 =	smov.u32 s25;
	s25 =	smov.u32 s26;
	v6 =	vld [tilespmem:s15+$0x0];
	[tilespmem:s22+$0xFFFFFF00] =	vst v8  }
0x6e4: {  	s26 =	rddreg [dreg:$0x1b];
	s28 =	smov.u32 s3;
	(v2sf) =	vpush v0, $0xA;
	v4 =	vld [tilespmem:s4+$0x10];
	[tilespmem:s19+$0xFFFFFFB0] =	vst v63;
	s4 =	smov.u32 s16  }
0x6e5: {  	_ =	sdelay $0x3  }
0x6e6: {  	[tilespmem:s31+$0xFFFFFE60] =	vst v6  }
0x6e7: {  	[tilespmem:s31+$0x60] =	vst v5;
	v6 =	vld [tilespmem:s15+$0x10]  }
0x6e8: {  	v5 =	vld [tilespmem:s17+$0x10];
	_ =	sdelay $0x1  }
0x6e9: {  	(v2sf) =	vpush v1, $0x5;
	_ =	sdelay $0x1  }
0x6ea: {  	[tilespmem:s31+$0xFFFFFE70] =	vst v6;
	s3 =	spop (v2sf)  }
0x6eb: {  	[tilespmem:s31+$0x70] =	vst v5;
	v6 =	vld [tilespmem:s12+$0x0];
	s2 =	spop (v2sf)  }
0x6ec: {  	v5 =	vld [tilespmem:s2+$0x0];
	_ =	sdelay $0x3  }
0x6ed: {  	[tilespmem:s31+$0xFFFFFE80] =	vst v6  }
0x6ee: {  	v6 =	vld [tilespmem:s12+$0x10];
	[tilespmem:s31+$0x80] =	vst v5  }
0x6ef: {  	v5 =	vld [tilespmem:s2+$0x10]  }
0x6f0: {  	(v2sf) =	vpush v0, $0xB  }
0x6f1: {  	(v2sf) =	vpush v1, $0x6  }
0x6f2: {  	s2 =	spop (v2sf)  }
0x6f3: {  	s12 =	spop (v2sf);
	[tilespmem:s31+$0xFFFFFE90] =	vst v6  }
0x6f4: {  	s8 =	spop (v2sf);
	v6 =	vld [tilespmem:s9+$0x0];
	[tilespmem:s31+$0x90] =	vst v5  }
0x6f5: {  	v5 =	vld [tilespmem:s8+$0x0];
	_ =	sdelay $0x3  }
0x6f6: {  	[tilespmem:s31+$0xFFFFFEA0] =	vst v6  }
0x6f7: {  	v6 =	vld [tilespmem:s9+$0x10];
	[tilespmem:s31+$0xA0] =	vst v5  }
0x6f8: {  	v5 =	vld [tilespmem:s8+$0x10]  }
0x6f9: {  	(v2sf) =	vpush v0, $0xC  }
0x6fa: {  	(v2sf) =	vpush v1, $0x7;
	_ =	sdelay $0x1  }
0x6fb: {  	s9 =	spop (v2sf);
	[tilespmem:s31+$0xFFFFFEB0] =	vst v6  }
0x6fc: {  	s16 =	spop (v2sf);
	v6 =	vld [tilespmem:s6+$0x0];
	[tilespmem:s31+$0xB0] =	vst v5  }
0x6fd: {  	v5 =	vld [tilespmem:s16+$0x0];
	_ =	sdelay $0x3  }
0x6fe: {  	[tilespmem:s31+$0xFFFFFEC0] =	vst v6  }
0x6ff: {  	v6 =	vld [tilespmem:s6+$0x10];
	[tilespmem:s31+$0xC0] =	vst v5  }
0x700: {  	v5 =	vld [tilespmem:s16+$0x10]  }
0x701: {  	(v2sf) =	vpush v0, $0xD  }
0x702: {  	(v2sf) =	vpush v1, $0x8;
	_ =	sdelay $0x1  }
0x703: {  	s8 =	spop (v2sf);
	[tilespmem:s31+$0xFFFFFED0] =	vst v6  }
0x704: {  	s17 =	spop (v2sf);
	v6 =	vld [tilespmem:s5+$0x0];
	[tilespmem:s31+$0xD0] =	vst v5  }
0x705: {  	v5 =	vld [tilespmem:s17+$0x0];
	_ =	sdelay $0x3  }
0x706: {  	[tilespmem:s31+$0xFFFFFEE0] =	vst v6  }
0x707: {  	v6 =	vld [tilespmem:s5+$0x10];
	[tilespmem:s31+$0xE0] =	vst v5  }
0x708: {  	v5 =	vld [tilespmem:s17+$0x10]  }
0x709: {  	(v2sf) =	vpush v0, $0xE  }
0x70a: {  	(v2sf) =	vpush v1, $0x9;
	_ =	sdelay $0x1  }
0x70b: {  	s6 =	spop (v2sf);
	[tilespmem:s31+$0xFFFFFEF0] =	vst v6  }
0x70c: {  	s18 =	spop (v2sf);
	v6 =	vld [tilespmem:s4+$0x0];
	[tilespmem:s31+$0xF0] =	vst v5  }
0x70d: {  	v5 =	vld [tilespmem:s18+$0x0];
	_ =	sdelay $0x3  }
0x70e: {  	[tilespmem:s31+$0xFFFFFF00] =	vst v6  }
0x70f: {  	v6 =	vld [tilespmem:s4+$0x10];
	[tilespmem:s31+$0x100] =	vst v5  }
0x710: {  	v5 =	vld [tilespmem:s18+$0x10]  }
0x711: {  	[tilespmem:s22+$0xFFFFFF10] =	vst v4;
	(v2sf) =	vpush v0, $0xF  }
0x712: {  	[tilespmem:s22+$0x110] =	vst v3;
	v54 =	vld [tilespmem:s29+$0x0];
	(v2sf) =	vpush v1, $0xA  }
0x713: {  	v53 =	vld [tilespmem:s3+$0x0]  }
0x714: {  	s5 =	spop (v2sf);
	[tilespmem:s31+$0xFFFFFF10] =	vst v6  }
0x715: {  	s20 =	spop (v2sf);
	v56 =	vld [tilespmem:s14+$0x0];
	[tilespmem:s31+$0x110] =	vst v5  }
0x716: {  	v55 =	vld [tilespmem:s20+$0x0]  }
0x717: {  	[tilespmem:s22+$0xFFFFFF20] =	vst v54  }
0x718: {  	v3 =	vld [tilespmem:s29+$0x10];
	[tilespmem:s22+$0x120] =	vst v53  }
0x719: {  	v0 =	vld [tilespmem:s3+$0x10]  }
0x71a: {  	[tilespmem:s31+$0xFFFFFF20] =	vst v56  }
0x71b: {  	v5 =	vld [tilespmem:s14+$0x10];
	[tilespmem:s31+$0x120] =	vst v55  }
0x71c: {  	v4 =	vld [tilespmem:s20+$0x10]  }
0x71d: {  	[tilespmem:s22+$0xFFFFFF30] =	vst v3  }
0x71e: {  	[tilespmem:s22+$0x130] =	vst v0;
	(v2sf) =	vpush v1, $0xB  }
0x71f: {  	v0 =	vld [tilespmem:s12+$0x0];
	s0 =	rddreg [dreg:$0xf]  }
0x720: {  	s29 =	spop (v2sf);
	v3 =	vld [tilespmem:s0+$0x0];
	[tilespmem:s31+$0xFFFFFF30] =	vst v5  }
0x721: {  	s3 =	spop (v2sf);
	v5 =	vld [tilespmem:s10+$0x0];
	[tilespmem:s31+$0x130] =	vst v4  }
0x722: {  	v4 =	vld [tilespmem:s3+$0x0];
	_ =	sdelay $0x1  }
0x723: {  	[tilespmem:s22+$0x140] =	vst v0  }
0x724: {  	v0 =	vld [tilespmem:s12+$0x10];
	[tilespmem:s22+$0xFFFFFF40] =	vst v3  }
0x725: {  	v3 =	vld [tilespmem:s0+$0x10];
	[tilespmem:s31+$0xFFFFFF40] =	vst v5  }
0x726: {  	v5 =	vld [tilespmem:s10+$0x10];
	[tilespmem:s31+$0x140] =	vst v4  }
0x727: {  	v4 =	vld [tilespmem:s3+$0x10];
	_ =	sdelay $0x1  }
0x728: {  	(v2sf) =	vpush v1, $0xC;
	[tilespmem:s22+$0x150] =	vst v0  }
0x729: {  	[tilespmem:s22+$0xFFFFFF50] =	vst v3  }
0x72a: {  	v0 =	vld [tilespmem:s9+$0x0];
	s14 =	rddreg [dreg:$0xb];
	[tilespmem:s31+$0xFFFFFF50] =	vst v5  }
0x72b: {  	s15 =	spop (v2sf);
	v3 =	vld [tilespmem:s14+$0x0];
	[tilespmem:s31+$0x150] =	vst v4  }
0x72c: {  	v4 =	vld [tilespmem:s15+$0x0];
	s3 =	rddreg [dreg:$0x17]  }
0x72d: {  	v5 =	vld [tilespmem:s3+$0x0];
	_ =	sdelay $0x1  }
0x72e: {  	[tilespmem:s22+$0x160] =	vst v0  }
0x72f: {  	v0 =	vld [tilespmem:s9+$0x10];
	[tilespmem:s22+$0xFFFFFF60] =	vst v3  }
0x730: {  	v3 =	vld [tilespmem:s14+$0x10];
	[tilespmem:s31+$0x160] =	vst v4  }
0x731: {  	v4 =	vld [tilespmem:s15+$0x10];
	[tilespmem:s31+$0xFFFFFF60] =	vst v5  }
0x732: {  	v5 =	vld [tilespmem:s3+$0x10];
	_ =	sdelay $0x1  }
0x733: {  	(v2sf) =	vpush v1, $0xD;
	[tilespmem:s22+$0x170] =	vst v0  }
0x734: {  	v0 =	vld [tilespmem:s8+$0x0];
	[tilespmem:s22+$0xFFFFFF70] =	vst v3  }
0x735: {  	s16 =	spop (v2sf);
	v3 =	vld [tilespmem:s30+$0x0];
	[tilespmem:s31+$0x170] =	vst v4  }
0x736: {  	v4 =	vld [tilespmem:s16+$0x0];
	[tilespmem:s31+$0xFFFFFF70] =	vst v5  }
0x737: {  	v5 =	vld [tilespmem:s1+$0x0];
	_ =	sdelay $0x1  }
0x738: {  	[tilespmem:s22+$0x180] =	vst v0  }
0x739: {  	v0 =	vld [tilespmem:s8+$0x10];
	[tilespmem:s22+$0xFFFFFF80] =	vst v3  }
0x73a: {  	v3 =	vld [tilespmem:s30+$0x10];
	[tilespmem:s31+$0x180] =	vst v4  }
0x73b: {  	v4 =	vld [tilespmem:s16+$0x10];
	[tilespmem:s31+$0xFFFFFF80] =	vst v5  }
0x73c: {  	v5 =	vld [tilespmem:s1+$0x10];
	_ =	sdelay $0x1  }
0x73d: {  	(v2sf) =	vpush v1, $0xE;
	[tilespmem:s22+$0x190] =	vst v0  }
0x73e: {  	[tilespmem:s22+$0xFFFFFF90] =	vst v3  }
0x73f: {  	v0 =	vld [tilespmem:s6+$0x0];
	[tilespmem:s31+$0x190] =	vst v4  }
0x740: {  	s17 =	spop (v2sf);
	v3 =	vld [tilespmem:s28+$0x0];
	[tilespmem:s31+$0xFFFFFF90] =	vst v5  }
0x741: {  	v4 =	vld [tilespmem:s17+$0x0];
	s18 =	rddreg [dreg:$0x13]  }
0x742: {  	v5 =	vld [tilespmem:s18+$0x0];
	_ =	sdelay $0x1  }
0x743: {  	v57 =	vld [tilespmem:s26+$0x0];
	[tilespmem:s22+$0x1A0] =	vst v0  }
0x744: {  	[tilespmem:s22+$0xFFFFFFA0] =	vst v3;
	v0 =	vld [tilespmem:s6+$0x10]  }
0x745: {  	v3 =	vld [tilespmem:s28+$0x10];
	[tilespmem:s31+$0x1A0] =	vst v4  }
0x746: {  	v4 =	vld [tilespmem:s17+$0x10];
	[tilespmem:s31+$0xFFFFFFA0] =	vst v5  }
0x747: {  	[tilespmem:s19+$0x1C0] =	vst v2;
	v5 =	vld [tilespmem:s18+$0x10]  }
0x748: {  	v61 =	vld [tilespmem:s25+$0x10];
	(v2sf) =	vpush v1, $0xF;
	[tilespmem:s19+$0xFFFFFFC0] =	vst v57  }
0x749: {  	v58 =	vld [tilespmem:s13+$0x10];
	[tilespmem:s22+$0x1B0] =	vst v0  }
0x74a: {  	[tilespmem:s22+$0xFFFFFFB0] =	vst v3;
	v0 =	vld [tilespmem:s5+$0x0]  }
0x74b: {  	s20 =	spop (v2sf);
	v3 =	vld [tilespmem:s24+$0x0];
	[tilespmem:s31+$0x1B0] =	vst v4  }
0x74c: {  	v4 =	vld [tilespmem:s20+$0x0];
	[tilespmem:s31+$0xFFFFFFB0] =	vst v5  }
0x74d: {  	[tilespmem:s21+$0xFFFFFFF0] =	vst v61;
	v59 =	vld [tilespmem:s11+$0x0]  }
0x74e: {  	v60 =	vld [tilespmem:s26+$0x10];
	[tilespmem:s19+$0x1D0] =	vst v58  }
0x74f: {  	[tilespmem:s22+$0x1C0] =	vst v0  }
0x750: {  	[tilespmem:s22+$0xFFFFFFC0] =	vst v3;
	v0 =	vld [tilespmem:s5+$0x10]  }
0x751: {  	v3 =	vld [tilespmem:s24+$0x10];
	[tilespmem:s31+$0x1C0] =	vst v4  }
0x752: {  	v4 =	vld [tilespmem:s20+$0x10];
	[tilespmem:s31+$0xFFFFFFC0] =	vst v59  }
0x753: {  	[tilespmem:s19+$0xFFFFFFD0] =	vst v60;
	v2 =	vld [tilespmem:s11+$0x10]  }
0x754: {  	v62 =	vld [tilespmem:s2+$0x0];
	s25 =	rddreg [dreg:$0x7]  }
0x755: {  	[tilespmem:s22+$0x1D0] =	vst v0;
	v63 =	vld [tilespmem:s25+$0x0]  }
0x756: {  	[tilespmem:s22+$0xFFFFFFD0] =	vst v3;
	v0 =	vld [tilespmem:s29+$0x0]  }
0x757: {  	s26 =	spop (v2sf);
	v3 =	vld [tilespmem:s23+$0x0];
	[tilespmem:s31+$0x1D0] =	vst v4  }
0x758: {  	v4 =	vld [tilespmem:s26+$0x0];
	[tilespmem:s31+$0xFFFFFFD0] =	vst v2  }
0x759: {  	[tilespmem:s19+$0x1E0] =	vst v62;
	v2 =	vld [tilespmem:s7+$0x0]  }
0x75a: {  	v5 =	vld [tilespmem:s2+$0x10];
	[tilespmem:s19+$0xFFFFFFE0] =	vst v63  }
0x75b: {  	[tilespmem:s22+$0x1E0] =	vst v0;
	v1 =	vld [tilespmem:s25+$0x10]  }
0x75c: {  	[tilespmem:s22+$0xFFFFFFE0] =	vst v3;
	v0 =	vld [tilespmem:s29+$0x10]  }
0x75d: {  	v3 =	vld [tilespmem:s23+$0x10];
	[tilespmem:s31+$0x1E0] =	vst v4  }
0x75e: {  	v4 =	vld [tilespmem:s26+$0x10];
	[tilespmem:s31+$0xFFFFFFE0] =	vst v2  }
0x75f: {  	[tilespmem:s19+$0x1F0] =	vst v5;
	v2 =	vld [tilespmem:s7+$0x10]  }
0x760: {  	[tilespmem:s19+$0xFFFFFFF0] =	vst v1  }
0x761: {  	[tilespmem:s22+$0x1F0] =	vst v0  }
0x762: {  	[tilespmem:s22+$0xFFFFFFF0] =	vst v3  }
0x763: {  	[tilespmem:s31+$0x1F0] =	vst v4  }
0x764: {  	[tilespmem:s31+$0xFFFFFFF0] =	vst v2  }
0x765: {  	s28 =	sld [smem:$0x7FC];
	_ =	sdelay $0x1  }
0x766: {  	s1 =	simm.s32 $0x1;
	s29 =	simm.s32 $0x8400;
	s7 =	simm.s32 $0x0  }
0x767: {  	[hbm4b:s28+s7] =	stream.linear.scatter [tilespmem:s29], [sflag:$0x1], $0x8000, $0x38;
	[tilespmem:$0x10400] =	vst v63  }
0x768: {  	_ =	swait.ge [sflag:s1], $0x8000  }
0x769: {  	s30 =	sld [smem:$0x7F6]  }
0x76a: {  	s31 =	sld [smem:$0x7FD];
	_ =	sdelay $0x1  }
0x76b: {  	s2 =	sadd.s32 $0x1, s30  }
0x76c: {  	p0 =	sne.s32 s2, s31  }
.Ltmp4:
0x76d: {  	_ = 	snop;
	(pc) =	sbr.rel @p0 .LBB2_1-.Ltmp4, $3  }
0x76e: {  	_ =	sdelay $0x1  }
0x76f: {  	[sflag:s1] =	ssyncset.done $0x0  }
0x770: {  	[sflag:s1] =	ssyncadd.s32 $0xFFFF8000  }
0x771: {  	_ =	sfence.sel $0x180000  }
0x772: {  	[bflag:$0x0] =	sbarrier.arrive $0xFFFF  }
0x773: {  	_ =	strace $0x90000047  }
0x774: {  	s0 =	stileid.u32;
	[bflag:$0x2] =	sbarrier.arrive $0xFFFF  }
0x775: {  	p0 =	sne.s32 s0, $0x0;
	s0 =	rddreg [dreg:$0x3]  }
0x776: {  	s0 =	sadd.s32 @!p0 $0x100000, s0  }
0x777: {  	[sflag:s0] =	ssyncadd.tile.s32 @!p0 $0x1;
	_ =	shalt  }
.Lfunc_end2:
_tile_overlayer_lowered:
.L_overlay_start_2:
0x778: {  	(tag) =	ssettag $0x2  }
0x779: {  	s0 =	rddreg [dreg:$0x0];
	s2 =	stileid.u32  }
0x77a: {  	s1 =	rddreg [dreg:$0x1];
	p0 =	sne.s32 s2, $0x0  }
0x77b: {  	s3 =	rddreg [dreg:$0x2];
	[bflag:$0x3] =	sbarrier.arrive $0xFFFF;
	s2 =	simm.s32 @!p0 $0x1C01  }
0x77c: {  	[timem:s3], [sflag:s2] =	dma.local @!p0 [hbm:s0], s1  }
0x77d: {  	s0 =	simm.s32 @!p0 $0x1  }
0x77e: {  	_ =	swait.ge @!p0 [sflag:s0], s1  }
0x77f: {  	s1 =	ssub.s32 @!p0 $0x0, s1;
	[sflag:s0] =	ssyncset.done @!p0 $0x0  }
0x780: {  	[sflag:s0] =	ssyncadd.s32 @!p0 s1  }
0x781: {  	[bflag:$0x3] =	sbarrier.arrive $0xFFFF  }
0x782: {  	_ =	shalt  }

</sc_bundles>
